<compile_context>
chip_gen: v7x
topology: tpu7x:2x2x1
jax: 0.10.2.dev20260603
libtpu: 0.0.44.dev20260713+nightly
codegen_flags: <defaults>
</compile_context>

<pallas_src>
import functools

import jax
import jax.numpy as jnp
from jax import lax
from jax.experimental import pallas as pl
from jax.experimental.pallas import tpu as pltpu
from jax.experimental.pallas import tpu_sc as plsc

_B = 16
_N = 20000
_C = 25
_NCLS = 21
_CH = 1664
_MAIN = 9984
_NCHUNK = _MAIN // _CH
_TAIL = _N - 2 * _MAIN
_GROUPS = _CH // 16


def _process(lbuf, dbuf, bbuf, sbuf, cbuf, j):
    sl = pl.ds(j * 16, 16)
    l0 = lbuf[0, 0, sl]
    l1 = lbuf[1, 0, sl]
    l2 = lbuf[2, 0, sl]
    l3 = lbuf[3, 0, sl]
    vals = [lbuf[4 + c, 0, sl] for c in range(_NCLS)]
    idxs = [jnp.full((16,), c, jnp.int32) for c in range(_NCLS)]
    while len(vals) > 1:
        nv, ni = [], []
        for k in range(0, len(vals) - 1, 2):
            ge = vals[k] >= vals[k + 1]
            nv.append(jnp.maximum(vals[k], vals[k + 1]))
            ni.append(jnp.where(ge, idxs[k], idxs[k + 1]))
        if len(vals) % 2:
            nv.append(vals[-1])
            ni.append(idxs[-1])
        vals, idxs = nv, ni
    m, cls = vals[0], idxs[0]

    x0 = dbuf[0, sl]
    y0 = dbuf[1, sl]
    x1 = dbuf[2, sl]
    y1 = dbuf[3, sl]
    cx = (x1 + x0) * 0.5
    cy = (y1 + y0) * 0.5
    w = x1 - x0
    h = y1 - y0
    p0 = l0 * w + cx
    p1 = l1 * h + cy
    bw = jnp.exp(l2) * w
    bh = jnp.exp(l3) * h
    mask = cls != 0
    fm = mask.astype(jnp.float32)
    bbuf[0, 0, sl] = jnp.clip(p0 - bw * 0.5, 0.0, 1.0) * fm
    bbuf[0, 1, sl] = jnp.clip(p1 - bh * 0.5, 0.0, 1.0) * fm
    bbuf[0, 2, sl] = jnp.clip(p0 + bw * 0.5, 0.0, 1.0) * fm
    bbuf[0, 3, sl] = jnp.clip(p1 + bh * 0.5, 0.0, 1.0) * fm
    sbuf[0, sl] = m * fm
    cbuf[0, sl] = cls
    return mask.astype(jnp.int32)


def _decode_body(lt, dbt, bx, sc, cl, cnts,
                 lbuf0, lbuf1, dbuf0, dbuf1, bbuf0, bbuf1,
                 sbuf0, sbuf1, cbuf0, cbuf1,
                 tlbuf, tdbuf, tbbuf, tsbuf, tcbuf, cntbuf,
                 sin0, sin1, sout0, sout1):
    b = lax.axis_index("s")
    half = lax.axis_index("c")
    wid = b * 2 + half

    lbufs = (lbuf0, lbuf1)
    dbufs = (dbuf0, dbuf1)
    bbufs = (bbuf0, bbuf1)
    sbufs = (sbuf0, sbuf1)
    cbufs = (cbuf0, cbuf1)
    sins = (sin0, sin1)
    souts = (sout0, sout1)

    def nsl(chunk):
        return pl.ds(half * _MAIN + chunk * _CH, _CH)

    def start_in(chunk, slot):
        c1 = pltpu.make_async_copy(
            lt.at[pl.ds(0, _C), pl.ds(b, 1), nsl(chunk)], lbufs[slot],
            sins[slot])
        c1.start()
        c2 = pltpu.make_async_copy(
            dbt.at[pl.ds(0, 4), nsl(chunk)], dbufs[slot], sins[slot])
        c2.start()
        return (c1, c2)

    def start_out(chunk, slot):
        c1 = pltpu.make_async_copy(
            bbufs[slot], bx.at[pl.ds(b, 1), pl.ds(0, 4), nsl(chunk)],
            souts[slot])
        c1.start()
        c2 = pltpu.make_async_copy(
            sbufs[slot], sc.at[pl.ds(b, 1), nsl(chunk)], souts[slot])
        c2.start()
        c3 = pltpu.make_async_copy(
            cbufs[slot], cl.at[pl.ds(b, 1), nsl(chunk)], souts[slot])
        c3.start()
        return (c1, c2, c3)

    def wait_in(slot):
        pltpu.make_async_copy(
            lt.at[pl.ds(0, _C), pl.ds(b, 1), nsl(0)], lbufs[slot],
            sins[slot]).wait()
        pltpu.make_async_copy(
            dbt.at[pl.ds(0, 4), nsl(0)], dbufs[slot], sins[slot]).wait()

    def wait_out(slot):
        pltpu.make_async_copy(
            bbufs[slot], bx.at[pl.ds(b, 1), pl.ds(0, 4), nsl(0)],
            souts[slot]).wait()
        pltpu.make_async_copy(
            sbufs[slot], sc.at[pl.ds(b, 1), nsl(0)], souts[slot]).wait()
        pltpu.make_async_copy(
            cbufs[slot], cl.at[pl.ds(b, 1), nsl(0)], souts[slot]).wait()

    def compute(slot, cnt):
        def group(j, cnt):
            return cnt + _process(lbufs[slot], dbufs[slot], bbufs[slot],
                                  sbufs[slot], cbufs[slot], j)
        return lax.fori_loop(0, _GROUPS, group, cnt)

    assert _NCHUNK % 2 == 0 and _NCHUNK >= 4
    cnt = jnp.zeros((16,), jnp.int32)
    start_in(0, 0)
    start_in(1, 1)
    start_out(1, 1)
    wait_in(0)
    cnt = compute(0, cnt)
    start_out(0, 0)

    def pair(k, cnt):
        a = 2 * k + 1
        bb = 2 * k + 2
        start_in(bb, 0)
        wait_in(1)
        wait_out(1)
        cnt = compute(1, cnt)
        start_out(a, 1)
        start_in(a + 2, 1)
        wait_in(0)
        wait_out(0)
        cnt = compute(0, cnt)
        start_out(bb, 0)
        return cnt

    cnt = lax.fori_loop(0, (_NCHUNK - 2) // 2, pair, cnt)
    wait_in(1)
    wait_out(1)
    cnt = compute(1, cnt)
    start_out(_NCHUNK - 1, 1)
    wait_out(0)
    wait_out(1)

    tn = pl.ds(2 * _MAIN, _TAIL)
    pltpu.sync_copy(lt.at[pl.ds(0, _C), pl.ds(b, 1), tn], tlbuf)
    pltpu.sync_copy(dbt.at[pl.ds(0, 4), tn], tdbuf)
    tinc = jnp.zeros((16,), jnp.int32)
    for j in range(_TAIL // 16):
        tinc = tinc + _process(tlbuf, tdbuf, tbbuf, tsbuf, tcbuf, j)
    cnt = cnt + jnp.where(half == 1, tinc, 0)
    pltpu.sync_copy(tbbuf, bx.at[pl.ds(b, 1), pl.ds(0, 4), tn])
    pltpu.sync_copy(tsbuf, sc.at[pl.ds(b, 1), tn])
    pltpu.sync_copy(tcbuf, cl.at[pl.ds(b, 1), tn])

    cntbuf[...] = cnt
    pltpu.sync_copy(cntbuf, cnts.at[wid])


@jax.jit
def _run(lt, dbt):
    mesh = plsc.VectorSubcoreMesh(core_axis_name="c", subcore_axis_name="s")
    kern = functools.partial(
        pl.kernel,
        mesh=mesh,
        out_type=[
            jax.ShapeDtypeStruct((_B, 4, _N), jnp.float32),
            jax.ShapeDtypeStruct((_B, _N), jnp.float32),
            jax.ShapeDtypeStruct((_B, _N), jnp.int32),
            jax.ShapeDtypeStruct((32, 16), jnp.int32),
        ],
        scratch_types=[
            pltpu.VMEM((_C, 1, _CH), jnp.float32),
            pltpu.VMEM((_C, 1, _CH), jnp.float32),
            pltpu.VMEM((4, _CH), jnp.float32),
            pltpu.VMEM((4, _CH), jnp.float32),
            pltpu.VMEM((1, 4, _CH), jnp.float32),
            pltpu.VMEM((1, 4, _CH), jnp.float32),
            pltpu.VMEM((1, _CH), jnp.float32),
            pltpu.VMEM((1, _CH), jnp.float32),
            pltpu.VMEM((1, _CH), jnp.int32),
            pltpu.VMEM((1, _CH), jnp.int32),
            pltpu.VMEM((_C, 1, _TAIL), jnp.float32),
            pltpu.VMEM((4, _TAIL), jnp.float32),
            pltpu.VMEM((1, 4, _TAIL), jnp.float32),
            pltpu.VMEM((1, _TAIL), jnp.float32),
            pltpu.VMEM((1, _TAIL), jnp.int32),
            pltpu.VMEM((16,), jnp.int32),
            pltpu.SemaphoreType.DMA,
            pltpu.SemaphoreType.DMA,
            pltpu.SemaphoreType.DMA,
            pltpu.SemaphoreType.DMA,
        ],
        compiler_params=pltpu.CompilerParams(
            needs_layout_passes=False, use_tc_tiling_on_sc=True),
    )(_decode_body)
    return kern(lt, dbt)


def kernel(logits, default_boxes):
    lt = jnp.transpose(logits, (2, 0, 1))
    dbt = jnp.transpose(default_boxes, (1, 0))
    boxes, scores, classes, counts = _run(lt, dbt)
    detection_boxes = jnp.transpose(boxes, (0, 2, 1))
    detection_num = counts.reshape(_B, 32).sum(axis=-1).astype(jnp.int32)
    return detection_boxes, scores, classes, detection_num

# --- scband reference (transcript-rebuilt; emitter-appended) ---
"""Pipeline reference for scband-decode-layer-28690381537764 (READ-ONLY COPY).

The authoritative reference and input builder live on the scoring server;
editing this copy changes nothing except your own understanding.
"""

import jax, jax.numpy as jnp
import numpy as np

B = 16
N = 20000
NUM_CLASSES = 20
NUM_CLASS = NUM_CLASSES + 1  # 21


def setup_inputs(seed: int = 0) -> dict:
    key = jax.random.key(seed)
    k1, k2, k3 = jax.random.split(key, 3)
    logits = jax.random.normal(k1, (B, N, 4 + NUM_CLASS), dtype=jnp.float32)
    # default anchor boxes in corner format [x0, y0, x1, y1], values in [0, 1]
    centers = jax.random.uniform(k2, (N, 2), minval=0.1, maxval=0.9, dtype=jnp.float32)
    wh = jax.random.uniform(k3, (N, 2), minval=0.02, maxval=0.3, dtype=jnp.float32)
    default_boxes = jnp.clip(
        jnp.concatenate([centers - wh / 2.0, centers + wh / 2.0], axis=-1), 0.0, 1.0
    )
    return {"logits": logits, "default_boxes": default_boxes}


def get_offset(predict_loc, box_pred):
    # box_pred: [N, 4] corners -> center form [cx, cy, w, h]
    cb = jnp.stack(
        [
            (box_pred[..., 2] + box_pred[..., 0]) / 2.0,
            (box_pred[..., 3] + box_pred[..., 1]) / 2.0,
            box_pred[..., 2] - box_pred[..., 0],
            box_pred[..., 3] - box_pred[..., 1],
        ],
        axis=1,
    )
    pl = predict_loc * jnp.concatenate([cb[..., 2:4], jnp.ones_like(cb[..., 2:4])], axis=-1)
    pl = pl + jnp.concatenate([cb[..., 0:2], jnp.zeros_like(cb[..., 2:4])], axis=-1)
    boxes = jnp.concatenate([pl[..., 0:2], jnp.exp(pl[..., 2:4]) * cb[..., 2:4]], axis=-1)
    boxes = jnp.concatenate(
        [boxes[..., 0:2] - boxes[..., 2:4] / 2.0, boxes[..., 0:2] + boxes[..., 2:4] / 2.0],
        axis=-1,
    )
    return jnp.clip(boxes, 0.0, 1.0)


def reference(logits, default_boxes):
    predict_cls = logits[..., 4:]
    predict_loc = logits[..., :4]
    # original call() loops per image; get_offset uses axis=1 stack on [N,4] -> vmap over batch
    boxes = jax.vmap(lambda pl: get_offset(pl, default_boxes))(predict_loc)  # [B, N, 4]
    scores = jnp.max(predict_cls, axis=-1)  # [B, N]
    classes = jnp.argmax(predict_cls, axis=-1)  # [B, N]
    mask = classes != 0  # class 0 is background
    # static-shape equivalent of tf.boolean_mask: zero out background entries,
    # mask indicates which rows are valid detections
    detection_boxes = boxes * mask[..., None].astype(boxes.dtype)
    detection_scores = scores * mask.astype(scores.dtype)
    detection_classes = jnp.where(mask, classes, 0).astype(jnp.int32)
    detection_num = jnp.sum(mask, axis=-1).astype(jnp.int32)
    return detection_boxes, detection_scores, detection_classes, detection_num

if __name__ == "__main__":
    import jax
    _d = setup_inputs()
    print(jax.jit(kernel)(*tuple(_d.values())))

</pallas_src>

<mosaic_0001>
#map = affine_map<(d0, d1) -> (0, 0, 0)>
#map1 = affine_map<(d0, d1) -> (0, 0)>
module attributes {stable_mosaic.version = 14 : i64} {
  func.func @_decode_body(%arg0: i32, %arg1: i32, %arg2: memref<25x16x20000xf32, #tpu.memory_space<hbm>>, %arg3: memref<4x20000xf32, #tpu.memory_space<hbm>>, %arg4: memref<16x4x20000xf32, #tpu.memory_space<hbm>>, %arg5: memref<16x20000xf32, #tpu.memory_space<hbm>>, %arg6: memref<16x20000xi32, #tpu.memory_space<hbm>>, %arg7: memref<32x16xi32, #tpu.memory_space<hbm>>, %arg8: memref<25x1x1664xf32, #tpu.memory_space<vmem>>, %arg9: memref<25x1x1664xf32, #tpu.memory_space<vmem>>, %arg10: memref<4x1664xf32, #tpu.memory_space<vmem>>, %arg11: memref<4x1664xf32, #tpu.memory_space<vmem>>, %arg12: memref<1x4x1664xf32, #tpu.memory_space<vmem>>, %arg13: memref<1x4x1664xf32, #tpu.memory_space<vmem>>, %arg14: memref<1x1664xf32, #tpu.memory_space<vmem>>, %arg15: memref<1x1664xf32, #tpu.memory_space<vmem>>, %arg16: memref<1x1664xi32, #tpu.memory_space<vmem>>, %arg17: memref<1x1664xi32, #tpu.memory_space<vmem>>, %arg18: memref<25x1x32xf32, #tpu.memory_space<vmem>>, %arg19: memref<4x32xf32, #tpu.memory_space<vmem>>, %arg20: memref<1x4x32xf32, #tpu.memory_space<vmem>>, %arg21: memref<1x32xf32, #tpu.memory_space<vmem>>, %arg22: memref<1x32xi32, #tpu.memory_space<vmem>>, %arg23: memref<16xi32, #tpu.memory_space<vmem>>, %arg24: memref<!tpu.dma_semaphore, #tpu.memory_space<semaphore_mem>>, %arg25: memref<!tpu.dma_semaphore, #tpu.memory_space<semaphore_mem>>, %arg26: memref<!tpu.dma_semaphore, #tpu.memory_space<semaphore_mem>>, %arg27: memref<!tpu.dma_semaphore, #tpu.memory_space<semaphore_mem>>) attributes {dimension_semantics = [#tpu.dimension_semantics<core_parallel>, #tpu.dimension_semantics<subcore_parallel>], iteration_bounds = array<i64: 2, 16>, scalar_prefetch = 0 : i64, scratch_operands = 20 : i64, tpu.core_type = #tpu.core_type<sc_vector_subcore>, window_params = [{transform_indices = #map}, {transform_indices = #map1}, {transform_indices = #map}, {transform_indices = #map1}, {transform_indices = #map1}, {transform_indices = #map1}]} {
    %mul3A = arith.constant 2 : i32
    %mul3A_0 = arith.muli %arg1, %mul3A : i32
    %add3A = arith.addi %mul3A_0, %arg0 : i32
    %broadcast_in_dim3A = arith.constant 0 : i32
    %broadcast_in_dim3A_1 = vector.broadcast %broadcast_in_dim3A : i32 to vector<16xi32>
    %mul3A_2 = arith.constant 9984 : i32
    %mul3A_3 = arith.muli %arg0, %mul3A_2 : i32
    %add3A_4 = arith.constant 0 : i32
    %add3A_5 = arith.addi %mul3A_3, %add3A_4 : i32
    %dma_start3A = arith.constant 0 : i32
    %dma_start3A_6 = tpu.memref_slice %arg2[%dma_start3A, %arg1, %add3A_5] : memref<25x16x20000xf32, #tpu.memory_space<hbm>> -> memref<25x1x1664xf32, #tpu.memory_space<hbm>>
    %dma_start3A_7 = arith.constant 0 : i32
    %dma_start3A_8 = tpu.memref_slice %arg2[%dma_start3A_7, %arg1, %add3A_5] : memref<25x16x20000xf32, #tpu.memory_space<hbm>> -> memref<25x1x1664xf32, #tpu.memory_space<hbm>>
    tpu.enqueue_dma source(%dma_start3A_8 : memref<25x1x1664xf32, #tpu.memory_space<hbm>>) target(%arg8 : memref<25x1x1664xf32, #tpu.memory_space<vmem>>) target_semaphore(%arg24 : memref<!tpu.dma_semaphore, #tpu.memory_space<semaphore_mem>>)
    %mul3A_9 = arith.constant 9984 : i32
    %mul3A_10 = arith.muli %arg0, %mul3A_9 : i32
    %add3A_11 = arith.constant 0 : i32
    %add3A_12 = arith.addi %mul3A_10, %add3A_11 : i32
    %dma_start3A_13 = arith.constant 0 : i32
    %dma_start3A_14 = tpu.memref_slice %arg3[%dma_start3A_13, %add3A_12] : memref<4x20000xf32, #tpu.memory_space<hbm>> -> memref<4x1664xf32, #tpu.memory_space<hbm>>
    %dma_start3A_15 = arith.constant 0 : i32
    %dma_start3A_16 = tpu.memref_slice %arg3[%dma_start3A_15, %add3A_12] : memref<4x20000xf32, #tpu.memory_space<hbm>> -> memref<4x1664xf32, #tpu.memory_space<hbm>>
    tpu.enqueue_dma source(%dma_start3A_16 : memref<4x1664xf32, #tpu.memory_space<hbm>>) target(%arg10 : memref<4x1664xf32, #tpu.memory_space<vmem>>) target_semaphore(%arg24 : memref<!tpu.dma_semaphore, #tpu.memory_space<semaphore_mem>>)
    %mul3A_17 = arith.constant 9984 : i32
    %mul3A_18 = arith.muli %arg0, %mul3A_17 : i32
    %add3A_19 = arith.constant 1664 : i32
    %add3A_20 = arith.addi %mul3A_18, %add3A_19 : i32
    %dma_start3A_21 = arith.constant 0 : i32
    %dma_start3A_22 = tpu.memref_slice %arg2[%dma_start3A_21, %arg1, %add3A_20] : memref<25x16x20000xf32, #tpu.memory_space<hbm>> -> memref<25x1x1664xf32, #tpu.memory_space<hbm>>
    %dma_start3A_23 = arith.constant 0 : i32
    %dma_start3A_24 = tpu.memref_slice %arg2[%dma_start3A_23, %arg1, %add3A_20] : memref<25x16x20000xf32, #tpu.memory_space<hbm>> -> memref<25x1x1664xf32, #tpu.memory_space<hbm>>
    tpu.enqueue_dma source(%dma_start3A_24 : memref<25x1x1664xf32, #tpu.memory_space<hbm>>) target(%arg9 : memref<25x1x1664xf32, #tpu.memory_space<vmem>>) target_semaphore(%arg25 : memref<!tpu.dma_semaphore, #tpu.memory_space<semaphore_mem>>)
    %mul3A_25 = arith.constant 9984 : i32
    %mul3A_26 = arith.muli %arg0, %mul3A_25 : i32
    %add3A_27 = arith.constant 1664 : i32
    %add3A_28 = arith.addi %mul3A_26, %add3A_27 : i32
    %dma_start3A_29 = arith.constant 0 : i32
    %dma_start3A_30 = tpu.memref_slice %arg3[%dma_start3A_29, %add3A_28] : memref<4x20000xf32, #tpu.memory_space<hbm>> -> memref<4x1664xf32, #tpu.memory_space<hbm>>
    %dma_start3A_31 = arith.constant 0 : i32
    %dma_start3A_32 = tpu.memref_slice %arg3[%dma_start3A_31, %add3A_28] : memref<4x20000xf32, #tpu.memory_space<hbm>> -> memref<4x1664xf32, #tpu.memory_space<hbm>>
    tpu.enqueue_dma source(%dma_start3A_32 : memref<4x1664xf32, #tpu.memory_space<hbm>>) target(%arg11 : memref<4x1664xf32, #tpu.memory_space<vmem>>) target_semaphore(%arg25 : memref<!tpu.dma_semaphore, #tpu.memory_space<semaphore_mem>>)
    %mul3A_33 = arith.constant 9984 : i32
    %mul3A_34 = arith.muli %arg0, %mul3A_33 : i32
    %add3A_35 = arith.constant 1664 : i32
    %add3A_36 = arith.addi %mul3A_34, %add3A_35 : i32
    %dma_start3A_37 = arith.constant 0 : i32
    %dma_start3A_38 = tpu.memref_slice %arg4[%arg1, %dma_start3A_37, %add3A_36] : memref<16x4x20000xf32, #tpu.memory_space<hbm>> -> memref<1x4x1664xf32, #tpu.memory_space<hbm>>
    %dma_start3A_39 = arith.constant 0 : i32
    %dma_start3A_40 = tpu.memref_slice %arg4[%arg1, %dma_start3A_39, %add3A_36] : memref<16x4x20000xf32, #tpu.memory_space<hbm>> -> memref<1x4x1664xf32, #tpu.memory_space<hbm>>
    tpu.enqueue_dma source(%arg13 : memref<1x4x1664xf32, #tpu.memory_space<vmem>>) target(%dma_start3A_40 : memref<1x4x1664xf32, #tpu.memory_space<hbm>>) target_semaphore(%arg27 : memref<!tpu.dma_semaphore, #tpu.memory_space<semaphore_mem>>)
    %mul3A_41 = arith.constant 9984 : i32
    %mul3A_42 = arith.muli %arg0, %mul3A_41 : i32
    %add3A_43 = arith.constant 1664 : i32
    %add3A_44 = arith.addi %mul3A_42, %add3A_43 : i32
    %dma_start3A_45 = tpu.memref_slice %arg5[%arg1, %add3A_44] : memref<16x20000xf32, #tpu.memory_space<hbm>> -> memref<1x1664xf32, #tpu.memory_space<hbm>>
    %dma_start3A_46 = tpu.memref_slice %arg5[%arg1, %add3A_44] : memref<16x20000xf32, #tpu.memory_space<hbm>> -> memref<1x1664xf32, #tpu.memory_space<hbm>>
    tpu.enqueue_dma source(%arg15 : memref<1x1664xf32, #tpu.memory_space<vmem>>) target(%dma_start3A_46 : memref<1x1664xf32, #tpu.memory_space<hbm>>) target_semaphore(%arg27 : memref<!tpu.dma_semaphore, #tpu.memory_space<semaphore_mem>>)
    %mul3A_47 = arith.constant 9984 : i32
    %mul3A_48 = arith.muli %arg0, %mul3A_47 : i32
    %add3A_49 = arith.constant 1664 : i32
    %add3A_50 = arith.addi %mul3A_48, %add3A_49 : i32
    %dma_start3A_51 = tpu.memref_slice %arg6[%arg1, %add3A_50] : memref<16x20000xi32, #tpu.memory_space<hbm>> -> memref<1x1664xi32, #tpu.memory_space<hbm>>
    %dma_start3A_52 = tpu.memref_slice %arg6[%arg1, %add3A_50] : memref<16x20000xi32, #tpu.memory_space<hbm>> -> memref<1x1664xi32, #tpu.memory_space<hbm>>
    tpu.enqueue_dma source(%arg17 : memref<1x1664xi32, #tpu.memory_space<vmem>>) target(%dma_start3A_52 : memref<1x1664xi32, #tpu.memory_space<hbm>>) target_semaphore(%arg27 : memref<!tpu.dma_semaphore, #tpu.memory_space<semaphore_mem>>)
    %mul3A_53 = arith.constant 9984 : i32
    %mul3A_54 = arith.muli %arg0, %mul3A_53 : i32
    %add3A_55 = arith.constant 0 : i32
    %add3A_56 = arith.addi %mul3A_54, %add3A_55 : i32
    %dma_wait3A = arith.constant 0 : i32
    %dma_wait3A_57 = tpu.memref_slice %arg2[%dma_wait3A, %arg1, %add3A_56] : memref<25x16x20000xf32, #tpu.memory_space<hbm>> -> memref<25x1x1664xf32, #tpu.memory_space<hbm>>
    %dma_wait3A_58 = arith.constant 0 : i32
    %dma_wait3A_59 = tpu.memref_slice %arg2[%dma_wait3A_58, %arg1, %add3A_56] : memref<25x16x20000xf32, #tpu.memory_space<hbm>> -> memref<25x1x1664xf32, #tpu.memory_space<hbm>>
    tpu.wait_dma2 semaphore(%arg24 : memref<!tpu.dma_semaphore, #tpu.memory_space<semaphore_mem>>) src(%dma_wait3A_59 : memref<25x1x1664xf32, #tpu.memory_space<hbm>>) dst(%arg8 : memref<25x1x1664xf32, #tpu.memory_space<vmem>>)
    %mul3A_60 = arith.constant 9984 : i32
    %mul3A_61 = arith.muli %arg0, %mul3A_60 : i32
    %add3A_62 = arith.constant 0 : i32
    %add3A_63 = arith.addi %mul3A_61, %add3A_62 : i32
    %dma_wait3A_64 = arith.constant 0 : i32
    %dma_wait3A_65 = tpu.memref_slice %arg3[%dma_wait3A_64, %add3A_63] : memref<4x20000xf32, #tpu.memory_space<hbm>> -> memref<4x1664xf32, #tpu.memory_space<hbm>>
    %dma_wait3A_66 = arith.constant 0 : i32
    %dma_wait3A_67 = tpu.memref_slice %arg3[%dma_wait3A_66, %add3A_63] : memref<4x20000xf32, #tpu.memory_space<hbm>> -> memref<4x1664xf32, #tpu.memory_space<hbm>>
    tpu.wait_dma2 semaphore(%arg24 : memref<!tpu.dma_semaphore, #tpu.memory_space<semaphore_mem>>) src(%dma_wait3A_67 : memref<4x1664xf32, #tpu.memory_space<hbm>>) dst(%arg10 : memref<4x1664xf32, #tpu.memory_space<vmem>>)
    %scan3A = arith.constant 0 : i32
    %scan3A_68 = arith.constant 104 : i32
    %scan3A_69 = arith.addi %scan3A, %scan3A_68 : i32
    %scan3A_70 = arith.constant 1 : i32
    %scan3A_71 = scf.for %scan3A_939 = %scan3A to %scan3A_69 step %scan3A_70 iter_args(%scan3A_940 = %broadcast_in_dim3A_1) -> (vector<16xi32>)  : i32 {
      %mul3A_941 = arith.constant 16 : i32
      %mul3A_942 = arith.muli %scan3A_939, %mul3A_941 : i32
      %get3A_943 = arith.constant 0 : i32
      %get3A_944 = arith.constant 0 : i32
      %get3A_945 = arith.index_cast %get3A_943 : i32 to index
      %get3A_946 = arith.index_cast %get3A_944 : i32 to index
      %get3A_947 = arith.index_cast %mul3A_942 : i32 to index
      %get3A_948 = tpu.vector_load %arg8[%get3A_945, %get3A_946, %get3A_947] {strides = array<i32>} : memref<25x1x1664xf32, #tpu.memory_space<vmem>>, vector<16xf32>,
      %get3A_949 = arith.constant 1 : i32
      %get3A_950 = arith.constant 0 : i32
      %get3A_951 = arith.index_cast %get3A_949 : i32 to index
      %get3A_952 = arith.index_cast %get3A_950 : i32 to index
      %get3A_953 = arith.index_cast %mul3A_942 : i32 to index
      %get3A_954 = tpu.vector_load %arg8[%get3A_951, %get3A_952, %get3A_953] {strides = array<i32>} : memref<25x1x1664xf32, #tpu.memory_space<vmem>>, vector<16xf32>,
      %get3A_955 = arith.constant 2 : i32
      %get3A_956 = arith.constant 0 : i32
      %get3A_957 = arith.index_cast %get3A_955 : i32 to index
      %get3A_958 = arith.index_cast %get3A_956 : i32 to index
      %get3A_959 = arith.index_cast %mul3A_942 : i32 to index
      %get3A_960 = tpu.vector_load %arg8[%get3A_957, %get3A_958, %get3A_959] {strides = array<i32>} : memref<25x1x1664xf32, #tpu.memory_space<vmem>>, vector<16xf32>,
      %get3A_961 = arith.constant 3 : i32
      %get3A_962 = arith.constant 0 : i32
      %get3A_963 = arith.index_cast %get3A_961 : i32 to index
      %get3A_964 = arith.index_cast %get3A_962 : i32 to index
      %get3A_965 = arith.index_cast %mul3A_942 : i32 to index
      %get3A_966 = tpu.vector_load %arg8[%get3A_963, %get3A_964, %get3A_965] {strides = array<i32>} : memref<25x1x1664xf32, #tpu.memory_space<vmem>>, vector<16xf32>,
      %get3A_967 = arith.constant 4 : i32
      %get3A_968 = arith.constant 0 : i32
      %get3A_969 = arith.index_cast %get3A_967 : i32 to index
      %get3A_970 = arith.index_cast %get3A_968 : i32 to index
      %get3A_971 = arith.index_cast %mul3A_942 : i32 to index
      %get3A_972 = tpu.vector_load %arg8[%get3A_969, %get3A_970, %get3A_971] {strides = array<i32>} : memref<25x1x1664xf32, #tpu.memory_space<vmem>>, vector<16xf32>,
      %get3A_973 = arith.constant 5 : i32
      %get3A_974 = arith.constant 0 : i32
      %get3A_975 = arith.index_cast %get3A_973 : i32 to index
      %get3A_976 = arith.index_cast %get3A_974 : i32 to index
      %get3A_977 = arith.index_cast %mul3A_942 : i32 to index
      %get3A_978 = tpu.vector_load %arg8[%get3A_975, %get3A_976, %get3A_977] {strides = array<i32>} : memref<25x1x1664xf32, #tpu.memory_space<vmem>>, vector<16xf32>,
      %get3A_979 = arith.constant 6 : i32
      %get3A_980 = arith.constant 0 : i32
      %get3A_981 = arith.index_cast %get3A_979 : i32 to index
      %get3A_982 = arith.index_cast %get3A_980 : i32 to index
      %get3A_983 = arith.index_cast %mul3A_942 : i32 to index
      %get3A_984 = tpu.vector_load %arg8[%get3A_981, %get3A_982, %get3A_983] {strides = array<i32>} : memref<25x1x1664xf32, #tpu.memory_space<vmem>>, vector<16xf32>,
      %get3A_985 = arith.constant 7 : i32
      %get3A_986 = arith.constant 0 : i32
      %get3A_987 = arith.index_cast %get3A_985 : i32 to index
      %get3A_988 = arith.index_cast %get3A_986 : i32 to index
      %get3A_989 = arith.index_cast %mul3A_942 : i32 to index
      %get3A_990 = tpu.vector_load %arg8[%get3A_987, %get3A_988, %get3A_989] {strides = array<i32>} : memref<25x1x1664xf32, #tpu.memory_space<vmem>>, vector<16xf32>,
      %get3A_991 = arith.constant 8 : i32
      %get3A_992 = arith.constant 0 : i32
      %get3A_993 = arith.index_cast %get3A_991 : i32 to index
      %get3A_994 = arith.index_cast %get3A_992 : i32 to index
      %get3A_995 = arith.index_cast %mul3A_942 : i32 to index
      %get3A_996 = tpu.vector_load %arg8[%get3A_993, %get3A_994, %get3A_995] {strides = array<i32>} : memref<25x1x1664xf32, #tpu.memory_space<vmem>>, vector<16xf32>,
      %get3A_997 = arith.constant 9 : i32
      %get3A_998 = arith.constant 0 : i32
      %get3A_999 = arith.index_cast %get3A_997 : i32 to index
      %get3A_1000 = arith.index_cast %get3A_998 : i32 to index
      %get3A_1001 = arith.index_cast %mul3A_942 : i32 to index
      %get3A_1002 = tpu.vector_load %arg8[%get3A_999, %get3A_1000, %get3A_1001] {strides = array<i32>} : memref<25x1x1664xf32, #tpu.memory_space<vmem>>, vector<16xf32>,
      %get3A_1003 = arith.constant 10 : i32
      %get3A_1004 = arith.constant 0 : i32
      %get3A_1005 = arith.index_cast %get3A_1003 : i32 to index
      %get3A_1006 = arith.index_cast %get3A_1004 : i32 to index
      %get3A_1007 = arith.index_cast %mul3A_942 : i32 to index
      %get3A_1008 = tpu.vector_load %arg8[%get3A_1005, %get3A_1006, %get3A_1007] {strides = array<i32>} : memref<25x1x1664xf32, #tpu.memory_space<vmem>>, vector<16xf32>,
      %get3A_1009 = arith.constant 11 : i32
      %get3A_1010 = arith.constant 0 : i32
      %get3A_1011 = arith.index_cast %get3A_1009 : i32 to index
      %get3A_1012 = arith.index_cast %get3A_1010 : i32 to index
      %get3A_1013 = arith.index_cast %mul3A_942 : i32 to index
      %get3A_1014 = tpu.vector_load %arg8[%get3A_1011, %get3A_1012, %get3A_1013] {strides = array<i32>} : memref<25x1x1664xf32, #tpu.memory_space<vmem>>, vector<16xf32>,
      %get3A_1015 = arith.constant 12 : i32
      %get3A_1016 = arith.constant 0 : i32
      %get3A_1017 = arith.index_cast %get3A_1015 : i32 to index
      %get3A_1018 = arith.index_cast %get3A_1016 : i32 to index
      %get3A_1019 = arith.index_cast %mul3A_942 : i32 to index
      %get3A_1020 = tpu.vector_load %arg8[%get3A_1017, %get3A_1018, %get3A_1019] {strides = array<i32>} : memref<25x1x1664xf32, #tpu.memory_space<vmem>>, vector<16xf32>,
      %get3A_1021 = arith.constant 13 : i32
      %get3A_1022 = arith.constant 0 : i32
      %get3A_1023 = arith.index_cast %get3A_1021 : i32 to index
      %get3A_1024 = arith.index_cast %get3A_1022 : i32 to index
      %get3A_1025 = arith.index_cast %mul3A_942 : i32 to index
      %get3A_1026 = tpu.vector_load %arg8[%get3A_1023, %get3A_1024, %get3A_1025] {strides = array<i32>} : memref<25x1x1664xf32, #tpu.memory_space<vmem>>, vector<16xf32>,
      %get3A_1027 = arith.constant 14 : i32
      %get3A_1028 = arith.constant 0 : i32
      %get3A_1029 = arith.index_cast %get3A_1027 : i32 to index
      %get3A_1030 = arith.index_cast %get3A_1028 : i32 to index
      %get3A_1031 = arith.index_cast %mul3A_942 : i32 to index
      %get3A_1032 = tpu.vector_load %arg8[%get3A_1029, %get3A_1030, %get3A_1031] {strides = array<i32>} : memref<25x1x1664xf32, #tpu.memory_space<vmem>>, vector<16xf32>,
      %get3A_1033 = arith.constant 15 : i32
      %get3A_1034 = arith.constant 0 : i32
      %get3A_1035 = arith.index_cast %get3A_1033 : i32 to index
      %get3A_1036 = arith.index_cast %get3A_1034 : i32 to index
      %get3A_1037 = arith.index_cast %mul3A_942 : i32 to index
      %get3A_1038 = tpu.vector_load %arg8[%get3A_1035, %get3A_1036, %get3A_1037] {strides = array<i32>} : memref<25x1x1664xf32, #tpu.memory_space<vmem>>, vector<16xf32>,
      %get3A_1039 = arith.constant 16 : i32
      %get3A_1040 = arith.constant 0 : i32
      %get3A_1041 = arith.index_cast %get3A_1039 : i32 to index
      %get3A_1042 = arith.index_cast %get3A_1040 : i32 to index
      %get3A_1043 = arith.index_cast %mul3A_942 : i32 to index
      %get3A_1044 = tpu.vector_load %arg8[%get3A_1041, %get3A_1042, %get3A_1043] {strides = array<i32>} : memref<25x1x1664xf32, #tpu.memory_space<vmem>>, vector<16xf32>,
      %get3A_1045 = arith.constant 17 : i32
      %get3A_1046 = arith.constant 0 : i32
      %get3A_1047 = arith.index_cast %get3A_1045 : i32 to index
      %get3A_1048 = arith.index_cast %get3A_1046 : i32 to index
      %get3A_1049 = arith.index_cast %mul3A_942 : i32 to index
      %get3A_1050 = tpu.vector_load %arg8[%get3A_1047, %get3A_1048, %get3A_1049] {strides = array<i32>} : memref<25x1x1664xf32, #tpu.memory_space<vmem>>, vector<16xf32>,
      %get3A_1051 = arith.constant 18 : i32
      %get3A_1052 = arith.constant 0 : i32
      %get3A_1053 = arith.index_cast %get3A_1051 : i32 to index
      %get3A_1054 = arith.index_cast %get3A_1052 : i32 to index
      %get3A_1055 = arith.index_cast %mul3A_942 : i32 to index
      %get3A_1056 = tpu.vector_load %arg8[%get3A_1053, %get3A_1054, %get3A_1055] {strides = array<i32>} : memref<25x1x1664xf32, #tpu.memory_space<vmem>>, vector<16xf32>,
      %get3A_1057 = arith.constant 19 : i32
      %get3A_1058 = arith.constant 0 : i32
      %get3A_1059 = arith.index_cast %get3A_1057 : i32 to index
      %get3A_1060 = arith.index_cast %get3A_1058 : i32 to index
      %get3A_1061 = arith.index_cast %mul3A_942 : i32 to index
      %get3A_1062 = tpu.vector_load %arg8[%get3A_1059, %get3A_1060, %get3A_1061] {strides = array<i32>} : memref<25x1x1664xf32, #tpu.memory_space<vmem>>, vector<16xf32>,
      %get3A_1063 = arith.constant 20 : i32
      %get3A_1064 = arith.constant 0 : i32
      %get3A_1065 = arith.index_cast %get3A_1063 : i32 to index
      %get3A_1066 = arith.index_cast %get3A_1064 : i32 to index
      %get3A_1067 = arith.index_cast %mul3A_942 : i32 to index
      %get3A_1068 = tpu.vector_load %arg8[%get3A_1065, %get3A_1066, %get3A_1067] {strides = array<i32>} : memref<25x1x1664xf32, #tpu.memory_space<vmem>>, vector<16xf32>,
      %get3A_1069 = arith.constant 21 : i32
      %get3A_1070 = arith.constant 0 : i32
      %get3A_1071 = arith.index_cast %get3A_1069 : i32 to index
      %get3A_1072 = arith.index_cast %get3A_1070 : i32 to index
      %get3A_1073 = arith.index_cast %mul3A_942 : i32 to index
      %get3A_1074 = tpu.vector_load %arg8[%get3A_1071, %get3A_1072, %get3A_1073] {strides = array<i32>} : memref<25x1x1664xf32, #tpu.memory_space<vmem>>, vector<16xf32>,
      %get3A_1075 = arith.constant 22 : i32
      %get3A_1076 = arith.constant 0 : i32
      %get3A_1077 = arith.index_cast %get3A_1075 : i32 to index
      %get3A_1078 = arith.index_cast %get3A_1076 : i32 to index
      %get3A_1079 = arith.index_cast %mul3A_942 : i32 to index
      %get3A_1080 = tpu.vector_load %arg8[%get3A_1077, %get3A_1078, %get3A_1079] {strides = array<i32>} : memref<25x1x1664xf32, #tpu.memory_space<vmem>>, vector<16xf32>,
      %get3A_1081 = arith.constant 23 : i32
      %get3A_1082 = arith.constant 0 : i32
      %get3A_1083 = arith.index_cast %get3A_1081 : i32 to index
      %get3A_1084 = arith.index_cast %get3A_1082 : i32 to index
      %get3A_1085 = arith.index_cast %mul3A_942 : i32 to index
      %get3A_1086 = tpu.vector_load %arg8[%get3A_1083, %get3A_1084, %get3A_1085] {strides = array<i32>} : memref<25x1x1664xf32, #tpu.memory_space<vmem>>, vector<16xf32>,
      %get3A_1087 = arith.constant 24 : i32
      %get3A_1088 = arith.constant 0 : i32
      %get3A_1089 = arith.index_cast %get3A_1087 : i32 to index
      %get3A_1090 = arith.index_cast %get3A_1088 : i32 to index
      %get3A_1091 = arith.index_cast %mul3A_942 : i32 to index
      %get3A_1092 = tpu.vector_load %arg8[%get3A_1089, %get3A_1090, %get3A_1091] {strides = array<i32>} : memref<25x1x1664xf32, #tpu.memory_space<vmem>>, vector<16xf32>,
      %broadcast_in_dim3A_1093 = arith.constant 0 : i32
      %broadcast_in_dim3A_1094 = vector.broadcast %broadcast_in_dim3A_1093 : i32 to vector<16xi32>
      %broadcast_in_dim3A_1095 = arith.constant 1 : i32
      %broadcast_in_dim3A_1096 = vector.broadcast %broadcast_in_dim3A_1095 : i32 to vector<16xi32>
      %broadcast_in_dim3A_1097 = arith.constant 2 : i32
      %broadcast_in_dim3A_1098 = vector.broadcast %broadcast_in_dim3A_1097 : i32 to vector<16xi32>
      %broadcast_in_dim3A_1099 = arith.constant 3 : i32
      %broadcast_in_dim3A_1100 = vector.broadcast %broadcast_in_dim3A_1099 : i32 to vector<16xi32>
      %broadcast_in_dim3A_1101 = arith.constant 4 : i32
      %broadcast_in_dim3A_1102 = vector.broadcast %broadcast_in_dim3A_1101 : i32 to vector<16xi32>
      %broadcast_in_dim3A_1103 = arith.constant 5 : i32
      %broadcast_in_dim3A_1104 = vector.broadcast %broadcast_in_dim3A_1103 : i32 to vector<16xi32>
      %broadcast_in_dim3A_1105 = arith.constant 6 : i32
      %broadcast_in_dim3A_1106 = vector.broadcast %broadcast_in_dim3A_1105 : i32 to vector<16xi32>
      %broadcast_in_dim3A_1107 = arith.constant 7 : i32
      %broadcast_in_dim3A_1108 = vector.broadcast %broadcast_in_dim3A_1107 : i32 to vector<16xi32>
      %broadcast_in_dim3A_1109 = arith.constant 8 : i32
      %broadcast_in_dim3A_1110 = vector.broadcast %broadcast_in_dim3A_1109 : i32 to vector<16xi32>
      %broadcast_in_dim3A_1111 = arith.constant 9 : i32
      %broadcast_in_dim3A_1112 = vector.broadcast %broadcast_in_dim3A_1111 : i32 to vector<16xi32>
      %broadcast_in_dim3A_1113 = arith.constant 10 : i32
      %broadcast_in_dim3A_1114 = vector.broadcast %broadcast_in_dim3A_1113 : i32 to vector<16xi32>
      %broadcast_in_dim3A_1115 = arith.constant 11 : i32
      %broadcast_in_dim3A_1116 = vector.broadcast %broadcast_in_dim3A_1115 : i32 to vector<16xi32>
      %broadcast_in_dim3A_1117 = arith.constant 12 : i32
      %broadcast_in_dim3A_1118 = vector.broadcast %broadcast_in_dim3A_1117 : i32 to vector<16xi32>
      %broadcast_in_dim3A_1119 = arith.constant 13 : i32
      %broadcast_in_dim3A_1120 = vector.broadcast %broadcast_in_dim3A_1119 : i32 to vector<16xi32>
      %broadcast_in_dim3A_1121 = arith.constant 14 : i32
      %broadcast_in_dim3A_1122 = vector.broadcast %broadcast_in_dim3A_1121 : i32 to vector<16xi32>
      %broadcast_in_dim3A_1123 = arith.constant 15 : i32
      %broadcast_in_dim3A_1124 = vector.broadcast %broadcast_in_dim3A_1123 : i32 to vector<16xi32>
      %broadcast_in_dim3A_1125 = arith.constant 16 : i32
      %broadcast_in_dim3A_1126 = vector.broadcast %broadcast_in_dim3A_1125 : i32 to vector<16xi32>
      %broadcast_in_dim3A_1127 = arith.constant 17 : i32
      %broadcast_in_dim3A_1128 = vector.broadcast %broadcast_in_dim3A_1127 : i32 to vector<16xi32>
      %broadcast_in_dim3A_1129 = arith.constant 18 : i32
      %broadcast_in_dim3A_1130 = vector.broadcast %broadcast_in_dim3A_1129 : i32 to vector<16xi32>
      %broadcast_in_dim3A_1131 = arith.constant 19 : i32
      %broadcast_in_dim3A_1132 = vector.broadcast %broadcast_in_dim3A_1131 : i32 to vector<16xi32>
      %broadcast_in_dim3A_1133 = arith.constant 20 : i32
      %broadcast_in_dim3A_1134 = vector.broadcast %broadcast_in_dim3A_1133 : i32 to vector<16xi32>
      %ge3A_1135 = arith.cmpf oge, %get3A_972, %get3A_978 : vector<16xf32>
      %max3A_1136 = arith.maximumf %get3A_972, %get3A_978 : vector<16xf32>
      %select_n3A_1137 = arith.select %ge3A_1135, %broadcast_in_dim3A_1094, %broadcast_in_dim3A_1096 : vector<16xi1>, vector<16xi32>
      %ge3A_1138 = arith.cmpf oge, %get3A_984, %get3A_990 : vector<16xf32>
      %max3A_1139 = arith.maximumf %get3A_984, %get3A_990 : vector<16xf32>
      %select_n3A_1140 = arith.select %ge3A_1138, %broadcast_in_dim3A_1098, %broadcast_in_dim3A_1100 : vector<16xi1>, vector<16xi32>
      %ge3A_1141 = arith.cmpf oge, %get3A_996, %get3A_1002 : vector<16xf32>
      %max3A_1142 = arith.maximumf %get3A_996, %get3A_1002 : vector<16xf32>
      %select_n3A_1143 = arith.select %ge3A_1141, %broadcast_in_dim3A_1102, %broadcast_in_dim3A_1104 : vector<16xi1>, vector<16xi32>
      %ge3A_1144 = arith.cmpf oge, %get3A_1008, %get3A_1014 : vector<16xf32>
      %max3A_1145 = arith.maximumf %get3A_1008, %get3A_1014 : vector<16xf32>
      %select_n3A_1146 = arith.select %ge3A_1144, %broadcast_in_dim3A_1106, %broadcast_in_dim3A_1108 : vector<16xi1>, vector<16xi32>
      %ge3A_1147 = arith.cmpf oge, %get3A_1020, %get3A_1026 : vector<16xf32>
      %max3A_1148 = arith.maximumf %get3A_1020, %get3A_1026 : vector<16xf32>
      %select_n3A_1149 = arith.select %ge3A_1147, %broadcast_in_dim3A_1110, %broadcast_in_dim3A_1112 : vector<16xi1>, vector<16xi32>
      %ge3A_1150 = arith.cmpf oge, %get3A_1032, %get3A_1038 : vector<16xf32>
      %max3A_1151 = arith.maximumf %get3A_1032, %get3A_1038 : vector<16xf32>
      %select_n3A_1152 = arith.select %ge3A_1150, %broadcast_in_dim3A_1114, %broadcast_in_dim3A_1116 : vector<16xi1>, vector<16xi32>
      %ge3A_1153 = arith.cmpf oge, %get3A_1044, %get3A_1050 : vector<16xf32>
      %max3A_1154 = arith.maximumf %get3A_1044, %get3A_1050 : vector<16xf32>
      %select_n3A_1155 = arith.select %ge3A_1153, %broadcast_in_dim3A_1118, %broadcast_in_dim3A_1120 : vector<16xi1>, vector<16xi32>
      %ge3A_1156 = arith.cmpf oge, %get3A_1056, %get3A_1062 : vector<16xf32>
      %max3A_1157 = arith.maximumf %get3A_1056, %get3A_1062 : vector<16xf32>
      %select_n3A_1158 = arith.select %ge3A_1156, %broadcast_in_dim3A_1122, %broadcast_in_dim3A_1124 : vector<16xi1>, vector<16xi32>
      %ge3A_1159 = arith.cmpf oge, %get3A_1068, %get3A_1074 : vector<16xf32>
      %max3A_1160 = arith.maximumf %get3A_1068, %get3A_1074 : vector<16xf32>
      %select_n3A_1161 = arith.select %ge3A_1159, %broadcast_in_dim3A_1126, %broadcast_in_dim3A_1128 : vector<16xi1>, vector<16xi32>
      %ge3A_1162 = arith.cmpf oge, %get3A_1080, %get3A_1086 : vector<16xf32>
      %max3A_1163 = arith.maximumf %get3A_1080, %get3A_1086 : vector<16xf32>
      %select_n3A_1164 = arith.select %ge3A_1162, %broadcast_in_dim3A_1130, %broadcast_in_dim3A_1132 : vector<16xi1>, vector<16xi32>
      %ge3A_1165 = arith.cmpf oge, %max3A_1136, %max3A_1139 : vector<16xf32>
      %max3A_1166 = arith.maximumf %max3A_1136, %max3A_1139 : vector<16xf32>
      %select_n3A_1167 = arith.select %ge3A_1165, %select_n3A_1137, %select_n3A_1140 : vector<16xi1>, vector<16xi32>
      %ge3A_1168 = arith.cmpf oge, %max3A_1142, %max3A_1145 : vector<16xf32>
      %max3A_1169 = arith.maximumf %max3A_1142, %max3A_1145 : vector<16xf32>
      %select_n3A_1170 = arith.select %ge3A_1168, %select_n3A_1143, %select_n3A_1146 : vector<16xi1>, vector<16xi32>
      %ge3A_1171 = arith.cmpf oge, %max3A_1148, %max3A_1151 : vector<16xf32>
      %max3A_1172 = arith.maximumf %max3A_1148, %max3A_1151 : vector<16xf32>
      %select_n3A_1173 = arith.select %ge3A_1171, %select_n3A_1149, %select_n3A_1152 : vector<16xi1>, vector<16xi32>
      %ge3A_1174 = arith.cmpf oge, %max3A_1154, %max3A_1157 : vector<16xf32>
      %max3A_1175 = arith.maximumf %max3A_1154, %max3A_1157 : vector<16xf32>
      %select_n3A_1176 = arith.select %ge3A_1174, %select_n3A_1155, %select_n3A_1158 : vector<16xi1>, vector<16xi32>
      %ge3A_1177 = arith.cmpf oge, %max3A_1160, %max3A_1163 : vector<16xf32>
      %max3A_1178 = arith.maximumf %max3A_1160, %max3A_1163 : vector<16xf32>
      %select_n3A_1179 = arith.select %ge3A_1177, %select_n3A_1161, %select_n3A_1164 : vector<16xi1>, vector<16xi32>
      %ge3A_1180 = arith.cmpf oge, %max3A_1166, %max3A_1169 : vector<16xf32>
      %max3A_1181 = arith.maximumf %max3A_1166, %max3A_1169 : vector<16xf32>
      %select_n3A_1182 = arith.select %ge3A_1180, %select_n3A_1167, %select_n3A_1170 : vector<16xi1>, vector<16xi32>
      %ge3A_1183 = arith.cmpf oge, %max3A_1172, %max3A_1175 : vector<16xf32>
      %max3A_1184 = arith.maximumf %max3A_1172, %max3A_1175 : vector<16xf32>
      %select_n3A_1185 = arith.select %ge3A_1183, %select_n3A_1173, %select_n3A_1176 : vector<16xi1>, vector<16xi32>
      %ge3A_1186 = arith.cmpf oge, %max3A_1178, %get3A_1092 : vector<16xf32>
      %max3A_1187 = arith.maximumf %max3A_1178, %get3A_1092 : vector<16xf32>
      %select_n3A_1188 = arith.select %ge3A_1186, %select_n3A_1179, %broadcast_in_dim3A_1134 : vector<16xi1>, vector<16xi32>
      %ge3A_1189 = arith.cmpf oge, %max3A_1181, %max3A_1184 : vector<16xf32>
      %max3A_1190 = arith.maximumf %max3A_1181, %max3A_1184 : vector<16xf32>
      %select_n3A_1191 = arith.select %ge3A_1189, %select_n3A_1182, %select_n3A_1185 : vector<16xi1>, vector<16xi32>
      %ge3A_1192 = arith.cmpf oge, %max3A_1190, %max3A_1187 : vector<16xf32>
      %max3A_1193 = arith.maximumf %max3A_1190, %max3A_1187 : vector<16xf32>
      %select_n3A_1194 = arith.select %ge3A_1192, %select_n3A_1191, %select_n3A_1188 : vector<16xi1>, vector<16xi32>
      %get3A_1195 = arith.constant 0 : i32
      %get3A_1196 = arith.index_cast %get3A_1195 : i32 to index
      %get3A_1197 = arith.index_cast %mul3A_942 : i32 to index
      %get3A_1198 = tpu.vector_load %arg10[%get3A_1196, %get3A_1197] {strides = array<i32>} : memref<4x1664xf32, #tpu.memory_space<vmem>>, vector<16xf32>,
      %get3A_1199 = arith.constant 1 : i32
      %get3A_1200 = arith.index_cast %get3A_1199 : i32 to index
      %get3A_1201 = arith.index_cast %mul3A_942 : i32 to index
      %get3A_1202 = tpu.vector_load %arg10[%get3A_1200, %get3A_1201] {strides = array<i32>} : memref<4x1664xf32, #tpu.memory_space<vmem>>, vector<16xf32>,
      %get3A_1203 = arith.constant 2 : i32
      %get3A_1204 = arith.index_cast %get3A_1203 : i32 to index
      %get3A_1205 = arith.index_cast %mul3A_942 : i32 to index
      %get3A_1206 = tpu.vector_load %arg10[%get3A_1204, %get3A_1205] {strides = array<i32>} : memref<4x1664xf32, #tpu.memory_space<vmem>>, vector<16xf32>,
      %get3A_1207 = arith.constant 3 : i32
      %get3A_1208 = arith.index_cast %get3A_1207 : i32 to index
      %get3A_1209 = arith.index_cast %mul3A_942 : i32 to index
      %get3A_1210 = tpu.vector_load %arg10[%get3A_1208, %get3A_1209] {strides = array<i32>} : memref<4x1664xf32, #tpu.memory_space<vmem>>, vector<16xf32>,
      %add3A_1211 = arith.addf %get3A_1206, %get3A_1198 : vector<16xf32>
      %mul3A_1212 = arith.constant 5.000000e-01 : f32
      %mul3A_1213 = vector.broadcast %mul3A_1212 : f32 to vector<16xf32>
      %mul3A_1214 = arith.mulf %add3A_1211, %mul3A_1213 : vector<16xf32>
      %add3A_1215 = arith.addf %get3A_1210, %get3A_1202 : vector<16xf32>
      %mul3A_1216 = arith.constant 5.000000e-01 : f32
      %mul3A_1217 = vector.broadcast %mul3A_1216 : f32 to vector<16xf32>
      %mul3A_1218 = arith.mulf %add3A_1215, %mul3A_1217 : vector<16xf32>
      %sub3A_1219 = arith.subf %get3A_1206, %get3A_1198 : vector<16xf32>
      %sub3A_1220 = arith.subf %get3A_1210, %get3A_1202 : vector<16xf32>
      %mul3A_1221 = arith.mulf %get3A_948, %sub3A_1219 : vector<16xf32>
      %add3A_1222 = arith.addf %mul3A_1221, %mul3A_1214 : vector<16xf32>
      %mul3A_1223 = arith.mulf %get3A_954, %sub3A_1220 : vector<16xf32>
      %add3A_1224 = arith.addf %mul3A_1223, %mul3A_1218 : vector<16xf32>
      %exp3A_1225 = math.exp %get3A_960 : vector<16xf32>
      %mul3A_1226 = arith.mulf %exp3A_1225, %sub3A_1219 : vector<16xf32>
      %exp3A_1227 = math.exp %get3A_966 : vector<16xf32>
      %mul3A_1228 = arith.mulf %exp3A_1227, %sub3A_1220 : vector<16xf32>
      %ne3A_1229 = arith.constant 0 : i32
      %ne3A_1230 = vector.broadcast %ne3A_1229 : i32 to vector<16xi32>
      %ne3A_1231 = arith.cmpi ne, %select_n3A_1194, %ne3A_1230 : vector<16xi32>
      %convert_element_type3A_1232 = arith.extui %ne3A_1231 : vector<16xi1> to vector<16xi32>
      %convert_element_type3A_1233 = arith.sitofp %convert_element_type3A_1232 : vector<16xi32> to vector<16xf32>
      %mul3A_1234 = arith.constant 5.000000e-01 : f32
      %mul3A_1235 = vector.broadcast %mul3A_1234 : f32 to vector<16xf32>
      %mul3A_1236 = arith.mulf %mul3A_1226, %mul3A_1235 : vector<16xf32>
      %sub3A_1237 = arith.subf %add3A_1222, %mul3A_1236 : vector<16xf32>
      %jit3A_1238 = arith.constant 0.000000e+00 : f32
      %jit3A_1239 = arith.constant 1.000000e+00 : f32
      %max3A_1240 = vector.broadcast %jit3A_1238 : f32 to vector<16xf32>
      %max3A_1241 = arith.maximumf %max3A_1240, %sub3A_1237 : vector<16xf32>
      %min3A_1242 = vector.broadcast %jit3A_1239 : f32 to vector<16xf32>
      %min3A_1243 = arith.minimumf %min3A_1242, %max3A_1241 : vector<16xf32>
      %mul3A_1244 = arith.mulf %min3A_1243, %convert_element_type3A_1233 : vector<16xf32>
      %swap3A_1245 = arith.constant 0 : i32
      %swap3A_1246 = arith.constant 0 : i32
      %swap3A_1247 = arith.index_cast %swap3A_1245 : i32 to index
      %swap3A_1248 = arith.index_cast %swap3A_1246 : i32 to index
      %swap3A_1249 = arith.index_cast %mul3A_942 : i32 to index
      %swap3A_1250 = tpu.vector_load %arg12[%swap3A_1247, %swap3A_1248, %swap3A_1249] {strides = array<i32>} : memref<1x4x1664xf32, #tpu.memory_space<vmem>>, vector<16xf32>,
      tpu.vector_store %arg12[%swap3A_1247, %swap3A_1248, %swap3A_1249], %mul3A_1244 {strides = array<i32>} : memref<1x4x1664xf32, #tpu.memory_space<vmem>>, vector<16xf32>,
      %mul3A_1251 = arith.constant 5.000000e-01 : f32
      %mul3A_1252 = vector.broadcast %mul3A_1251 : f32 to vector<16xf32>
      %mul3A_1253 = arith.mulf %mul3A_1228, %mul3A_1252 : vector<16xf32>
      %sub3A_1254 = arith.subf %add3A_1224, %mul3A_1253 : vector<16xf32>
      %jit3A_1255 = arith.constant 0.000000e+00 : f32
      %jit3A_1256 = arith.constant 1.000000e+00 : f32
      %max3A_1257 = vector.broadcast %jit3A_1255 : f32 to vector<16xf32>
      %max3A_1258 = arith.maximumf %max3A_1257, %sub3A_1254 : vector<16xf32>
      %min3A_1259 = vector.broadcast %jit3A_1256 : f32 to vector<16xf32>
      %min3A_1260 = arith.minimumf %min3A_1259, %max3A_1258 : vector<16xf32>
      %mul3A_1261 = arith.mulf %min3A_1260, %convert_element_type3A_1233 : vector<16xf32>
      %swap3A_1262 = arith.constant 0 : i32
      %swap3A_1263 = arith.constant 1 : i32
      %swap3A_1264 = arith.index_cast %swap3A_1262 : i32 to index
      %swap3A_1265 = arith.index_cast %swap3A_1263 : i32 to index
      %swap3A_1266 = arith.index_cast %mul3A_942 : i32 to index
      %swap3A_1267 = tpu.vector_load %arg12[%swap3A_1264, %swap3A_1265, %swap3A_1266] {strides = array<i32>} : memref<1x4x1664xf32, #tpu.memory_space<vmem>>, vector<16xf32>,
      tpu.vector_store %arg12[%swap3A_1264, %swap3A_1265, %swap3A_1266], %mul3A_1261 {strides = array<i32>} : memref<1x4x1664xf32, #tpu.memory_space<vmem>>, vector<16xf32>,
      %mul3A_1268 = arith.constant 5.000000e-01 : f32
      %mul3A_1269 = vector.broadcast %mul3A_1268 : f32 to vector<16xf32>
      %mul3A_1270 = arith.mulf %mul3A_1226, %mul3A_1269 : vector<16xf32>
      %add3A_1271 = arith.addf %add3A_1222, %mul3A_1270 : vector<16xf32>
      %jit3A_1272 = arith.constant 0.000000e+00 : f32
      %jit3A_1273 = arith.constant 1.000000e+00 : f32
      %max3A_1274 = vector.broadcast %jit3A_1272 : f32 to vector<16xf32>
      %max3A_1275 = arith.maximumf %max3A_1274, %add3A_1271 : vector<16xf32>
      %min3A_1276 = vector.broadcast %jit3A_1273 : f32 to vector<16xf32>
      %min3A_1277 = arith.minimumf %min3A_1276, %max3A_1275 : vector<16xf32>
      %mul3A_1278 = arith.mulf %min3A_1277, %convert_element_type3A_1233 : vector<16xf32>
      %swap3A_1279 = arith.constant 0 : i32
      %swap3A_1280 = arith.constant 2 : i32
      %swap3A_1281 = arith.index_cast %swap3A_1279 : i32 to index
      %swap3A_1282 = arith.index_cast %swap3A_1280 : i32 to index
      %swap3A_1283 = arith.index_cast %mul3A_942 : i32 to index
      %swap3A_1284 = tpu.vector_load %arg12[%swap3A_1281, %swap3A_1282, %swap3A_1283] {strides = array<i32>} : memref<1x4x1664xf32, #tpu.memory_space<vmem>>, vector<16xf32>,
      tpu.vector_store %arg12[%swap3A_1281, %swap3A_1282, %swap3A_1283], %mul3A_1278 {strides = array<i32>} : memref<1x4x1664xf32, #tpu.memory_space<vmem>>, vector<16xf32>,
      %mul3A_1285 = arith.constant 5.000000e-01 : f32
      %mul3A_1286 = vector.broadcast %mul3A_1285 : f32 to vector<16xf32>
      %mul3A_1287 = arith.mulf %mul3A_1228, %mul3A_1286 : vector<16xf32>
      %add3A_1288 = arith.addf %add3A_1224, %mul3A_1287 : vector<16xf32>
      %jit3A_1289 = arith.constant 0.000000e+00 : f32
      %jit3A_1290 = arith.constant 1.000000e+00 : f32
      %max3A_1291 = vector.broadcast %jit3A_1289 : f32 to vector<16xf32>
      %max3A_1292 = arith.maximumf %max3A_1291, %add3A_1288 : vector<16xf32>
      %min3A_1293 = vector.broadcast %jit3A_1290 : f32 to vector<16xf32>
      %min3A_1294 = arith.minimumf %min3A_1293, %max3A_1292 : vector<16xf32>
      %mul3A_1295 = arith.mulf %min3A_1294, %convert_element_type3A_1233 : vector<16xf32>
      %swap3A_1296 = arith.constant 0 : i32
      %swap3A_1297 = arith.constant 3 : i32
      %swap3A_1298 = arith.index_cast %swap3A_1296 : i32 to index
      %swap3A_1299 = arith.index_cast %swap3A_1297 : i32 to index
      %swap3A_1300 = arith.index_cast %mul3A_942 : i32 to index
      %swap3A_1301 = tpu.vector_load %arg12[%swap3A_1298, %swap3A_1299, %swap3A_1300] {strides = array<i32>} : memref<1x4x1664xf32, #tpu.memory_space<vmem>>, vector<16xf32>,
      tpu.vector_store %arg12[%swap3A_1298, %swap3A_1299, %swap3A_1300], %mul3A_1295 {strides = array<i32>} : memref<1x4x1664xf32, #tpu.memory_space<vmem>>, vector<16xf32>,
      %mul3A_1302 = arith.mulf %max3A_1193, %convert_element_type3A_1233 : vector<16xf32>
      %swap3A_1303 = arith.constant 0 : i32
      %swap3A_1304 = arith.index_cast %swap3A_1303 : i32 to index
      %swap3A_1305 = arith.index_cast %mul3A_942 : i32 to index
      %swap3A_1306 = tpu.vector_load %arg14[%swap3A_1304, %swap3A_1305] {strides = array<i32>} : memref<1x1664xf32, #tpu.memory_space<vmem>>, vector<16xf32>,
      tpu.vector_store %arg14[%swap3A_1304, %swap3A_1305], %mul3A_1302 {strides = array<i32>} : memref<1x1664xf32, #tpu.memory_space<vmem>>, vector<16xf32>,
      %swap3A_1307 = arith.constant 0 : i32
      %swap3A_1308 = arith.index_cast %swap3A_1307 : i32 to index
      %swap3A_1309 = arith.index_cast %mul3A_942 : i32 to index
      %swap3A_1310 = tpu.vector_load %arg16[%swap3A_1308, %swap3A_1309] {strides = array<i32>} : memref<1x1664xi32, #tpu.memory_space<vmem>>, vector<16xi32>,
      tpu.vector_store %arg16[%swap3A_1308, %swap3A_1309], %select_n3A_1194 {strides = array<i32>} : memref<1x1664xi32, #tpu.memory_space<vmem>>, vector<16xi32>,
      %convert_element_type3A_1311 = arith.extui %ne3A_1231 : vector<16xi1> to vector<16xi32>
      %add3A_1312 = arith.addi %scan3A_940, %convert_element_type3A_1311 : vector<16xi32>
      scf.yield %add3A_1312 : vector<16xi32>
    }
    %scan3A_72 = arith.constant 104 : i32
    %mul3A_73 = arith.constant 9984 : i32
    %mul3A_74 = arith.muli %arg0, %mul3A_73 : i32
    %add3A_75 = arith.constant 0 : i32
    %add3A_76 = arith.addi %mul3A_74, %add3A_75 : i32
    %dma_start3A_77 = arith.constant 0 : i32
    %dma_start3A_78 = tpu.memref_slice %arg4[%arg1, %dma_start3A_77, %add3A_76] : memref<16x4x20000xf32, #tpu.memory_space<hbm>> -> memref<1x4x1664xf32, #tpu.memory_space<hbm>>
    %dma_start3A_79 = arith.constant 0 : i32
    %dma_start3A_80 = tpu.memref_slice %arg4[%arg1, %dma_start3A_79, %add3A_76] : memref<16x4x20000xf32, #tpu.memory_space<hbm>> -> memref<1x4x1664xf32, #tpu.memory_space<hbm>>
    tpu.enqueue_dma source(%arg12 : memref<1x4x1664xf32, #tpu.memory_space<vmem>>) target(%dma_start3A_80 : memref<1x4x1664xf32, #tpu.memory_space<hbm>>) target_semaphore(%arg26 : memref<!tpu.dma_semaphore, #tpu.memory_space<semaphore_mem>>)
    %mul3A_81 = arith.constant 9984 : i32
    %mul3A_82 = arith.muli %arg0, %mul3A_81 : i32
    %add3A_83 = arith.constant 0 : i32
    %add3A_84 = arith.addi %mul3A_82, %add3A_83 : i32
    %dma_start3A_85 = tpu.memref_slice %arg5[%arg1, %add3A_84] : memref<16x20000xf32, #tpu.memory_space<hbm>> -> memref<1x1664xf32, #tpu.memory_space<hbm>>
    %dma_start3A_86 = tpu.memref_slice %arg5[%arg1, %add3A_84] : memref<16x20000xf32, #tpu.memory_space<hbm>> -> memref<1x1664xf32, #tpu.memory_space<hbm>>
    tpu.enqueue_dma source(%arg14 : memref<1x1664xf32, #tpu.memory_space<vmem>>) target(%dma_start3A_86 : memref<1x1664xf32, #tpu.memory_space<hbm>>) target_semaphore(%arg26 : memref<!tpu.dma_semaphore, #tpu.memory_space<semaphore_mem>>)
    %mul3A_87 = arith.constant 9984 : i32
    %mul3A_88 = arith.muli %arg0, %mul3A_87 : i32
    %add3A_89 = arith.constant 0 : i32
    %add3A_90 = arith.addi %mul3A_88, %add3A_89 : i32
    %dma_start3A_91 = tpu.memref_slice %arg6[%arg1, %add3A_90] : memref<16x20000xi32, #tpu.memory_space<hbm>> -> memref<1x1664xi32, #tpu.memory_space<hbm>>
    %dma_start3A_92 = tpu.memref_slice %arg6[%arg1, %add3A_90] : memref<16x20000xi32, #tpu.memory_space<hbm>> -> memref<1x1664xi32, #tpu.memory_space<hbm>>
    tpu.enqueue_dma source(%arg16 : memref<1x1664xi32, #tpu.memory_space<vmem>>) target(%dma_start3A_92 : memref<1x1664xi32, #tpu.memory_space<hbm>>) target_semaphore(%arg26 : memref<!tpu.dma_semaphore, #tpu.memory_space<semaphore_mem>>)
    %scan3A_93 = arith.constant 0 : i32
    %scan3A_94 = arith.constant 2 : i32
    %scan3A_95 = arith.addi %scan3A_93, %scan3A_94 : i32
    %scan3A_96 = arith.constant 1 : i32
    %scan3A_97 = scf.for %scan3A_939 = %scan3A_93 to %scan3A_95 step %scan3A_96 iter_args(%scan3A_940 = %scan3A_71) -> (vector<16xi32>)  : i32 {
      %mul3A_941 = arith.constant 2 : i32
      %mul3A_942 = arith.muli %mul3A_941, %scan3A_939 : i32
      %add3A_943 = arith.constant 1 : i32
      %add3A_944 = arith.addi %mul3A_942, %add3A_943 : i32
      %mul3A_945 = arith.constant 2 : i32
      %mul3A_946 = arith.muli %mul3A_945, %scan3A_939 : i32
      %add3A_947 = arith.constant 2 : i32
      %add3A_948 = arith.addi %mul3A_946, %add3A_947 : i32
      %mul3A_949 = arith.constant 9984 : i32
      %mul3A_950 = arith.muli %arg0, %mul3A_949 : i32
      %mul3A_951 = arith.constant 1664 : i32
      %mul3A_952 = arith.muli %add3A_948, %mul3A_951 : i32
      %add3A_953 = arith.addi %mul3A_950, %mul3A_952 : i32
      %dma_start3A_954 = arith.constant 0 : i32
      %dma_start3A_955 = tpu.memref_slice %arg2[%dma_start3A_954, %arg1, %add3A_953] : memref<25x16x20000xf32, #tpu.memory_space<hbm>> -> memref<25x1x1664xf32, #tpu.memory_space<hbm>>
      %dma_start3A_956 = arith.constant 0 : i32
      %dma_start3A_957 = tpu.memref_slice %arg2[%dma_start3A_956, %arg1, %add3A_953] : memref<25x16x20000xf32, #tpu.memory_space<hbm>> -> memref<25x1x1664xf32, #tpu.memory_space<hbm>>
      tpu.enqueue_dma source(%dma_start3A_957 : memref<25x1x1664xf32, #tpu.memory_space<hbm>>) target(%arg8 : memref<25x1x1664xf32, #tpu.memory_space<vmem>>) target_semaphore(%arg24 : memref<!tpu.dma_semaphore, #tpu.memory_space<semaphore_mem>>)
      %mul3A_958 = arith.constant 9984 : i32
      %mul3A_959 = arith.muli %arg0, %mul3A_958 : i32
      %mul3A_960 = arith.constant 1664 : i32
      %mul3A_961 = arith.muli %add3A_948, %mul3A_960 : i32
      %add3A_962 = arith.addi %mul3A_959, %mul3A_961 : i32
      %dma_start3A_963 = arith.constant 0 : i32
      %dma_start3A_964 = tpu.memref_slice %arg3[%dma_start3A_963, %add3A_962] : memref<4x20000xf32, #tpu.memory_space<hbm>> -> memref<4x1664xf32, #tpu.memory_space<hbm>>
      %dma_start3A_965 = arith.constant 0 : i32
      %dma_start3A_966 = tpu.memref_slice %arg3[%dma_start3A_965, %add3A_962] : memref<4x20000xf32, #tpu.memory_space<hbm>> -> memref<4x1664xf32, #tpu.memory_space<hbm>>
      tpu.enqueue_dma source(%dma_start3A_966 : memref<4x1664xf32, #tpu.memory_space<hbm>>) target(%arg10 : memref<4x1664xf32, #tpu.memory_space<vmem>>) target_semaphore(%arg24 : memref<!tpu.dma_semaphore, #tpu.memory_space<semaphore_mem>>)
      %mul3A_967 = arith.constant 9984 : i32
      %mul3A_968 = arith.muli %arg0, %mul3A_967 : i32
      %add3A_969 = arith.constant 0 : i32
      %add3A_970 = arith.addi %mul3A_968, %add3A_969 : i32
      %dma_wait3A_971 = arith.constant 0 : i32
      %dma_wait3A_972 = tpu.memref_slice %arg2[%dma_wait3A_971, %arg1, %add3A_970] : memref<25x16x20000xf32, #tpu.memory_space<hbm>> -> memref<25x1x1664xf32, #tpu.memory_space<hbm>>
      %dma_wait3A_973 = arith.constant 0 : i32
      %dma_wait3A_974 = tpu.memref_slice %arg2[%dma_wait3A_973, %arg1, %add3A_970] : memref<25x16x20000xf32, #tpu.memory_space<hbm>> -> memref<25x1x1664xf32, #tpu.memory_space<hbm>>
      tpu.wait_dma2 semaphore(%arg25 : memref<!tpu.dma_semaphore, #tpu.memory_space<semaphore_mem>>) src(%dma_wait3A_974 : memref<25x1x1664xf32, #tpu.memory_space<hbm>>) dst(%arg9 : memref<25x1x1664xf32, #tpu.memory_space<vmem>>)
      %mul3A_975 = arith.constant 9984 : i32
      %mul3A_976 = arith.muli %arg0, %mul3A_975 : i32
      %add3A_977 = arith.constant 0 : i32
      %add3A_978 = arith.addi %mul3A_976, %add3A_977 : i32
      %dma_wait3A_979 = arith.constant 0 : i32
      %dma_wait3A_980 = tpu.memref_slice %arg3[%dma_wait3A_979, %add3A_978] : memref<4x20000xf32, #tpu.memory_space<hbm>> -> memref<4x1664xf32, #tpu.memory_space<hbm>>
      %dma_wait3A_981 = arith.constant 0 : i32
      %dma_wait3A_982 = tpu.memref_slice %arg3[%dma_wait3A_981, %add3A_978] : memref<4x20000xf32, #tpu.memory_space<hbm>> -> memref<4x1664xf32, #tpu.memory_space<hbm>>
      tpu.wait_dma2 semaphore(%arg25 : memref<!tpu.dma_semaphore, #tpu.memory_space<semaphore_mem>>) src(%dma_wait3A_982 : memref<4x1664xf32, #tpu.memory_space<hbm>>) dst(%arg11 : memref<4x1664xf32, #tpu.memory_space<vmem>>)
      %mul3A_983 = arith.constant 9984 : i32
      %mul3A_984 = arith.muli %arg0, %mul3A_983 : i32
      %add3A_985 = arith.constant 0 : i32
      %add3A_986 = arith.addi %mul3A_984, %add3A_985 : i32
      %dma_wait3A_987 = arith.constant 0 : i32
      %dma_wait3A_988 = tpu.memref_slice %arg4[%arg1, %dma_wait3A_987, %add3A_986] : memref<16x4x20000xf32, #tpu.memory_space<hbm>> -> memref<1x4x1664xf32, #tpu.memory_space<hbm>>
      %dma_wait3A_989 = arith.constant 0 : i32
      %dma_wait3A_990 = tpu.memref_slice %arg4[%arg1, %dma_wait3A_989, %add3A_986] : memref<16x4x20000xf32, #tpu.memory_space<hbm>> -> memref<1x4x1664xf32, #tpu.memory_space<hbm>>
      tpu.wait_dma2 semaphore(%arg27 : memref<!tpu.dma_semaphore, #tpu.memory_space<semaphore_mem>>) src(%arg13 : memref<1x4x1664xf32, #tpu.memory_space<vmem>>) dst(%dma_wait3A_990 : memref<1x4x1664xf32, #tpu.memory_space<hbm>>)
      %mul3A_991 = arith.constant 9984 : i32
      %mul3A_992 = arith.muli %arg0, %mul3A_991 : i32
      %add3A_993 = arith.constant 0 : i32
      %add3A_994 = arith.addi %mul3A_992, %add3A_993 : i32
      %dma_wait3A_995 = tpu.memref_slice %arg5[%arg1, %add3A_994] : memref<16x20000xf32, #tpu.memory_space<hbm>> -> memref<1x1664xf32, #tpu.memory_space<hbm>>
      %dma_wait3A_996 = tpu.memref_slice %arg5[%arg1, %add3A_994] : memref<16x20000xf32, #tpu.memory_space<hbm>> -> memref<1x1664xf32, #tpu.memory_space<hbm>>
      tpu.wait_dma2 semaphore(%arg27 : memref<!tpu.dma_semaphore, #tpu.memory_space<semaphore_mem>>) src(%arg15 : memref<1x1664xf32, #tpu.memory_space<vmem>>) dst(%dma_wait3A_996 : memref<1x1664xf32, #tpu.memory_space<hbm>>)
      %mul3A_997 = arith.constant 9984 : i32
      %mul3A_998 = arith.muli %arg0, %mul3A_997 : i32
      %add3A_999 = arith.constant 0 : i32
      %add3A_1000 = arith.addi %mul3A_998, %add3A_999 : i32
      %dma_wait3A_1001 = tpu.memref_slice %arg6[%arg1, %add3A_1000] : memref<16x20000xi32, #tpu.memory_space<hbm>> -> memref<1x1664xi32, #tpu.memory_space<hbm>>
      %dma_wait3A_1002 = tpu.memref_slice %arg6[%arg1, %add3A_1000] : memref<16x20000xi32, #tpu.memory_space<hbm>> -> memref<1x1664xi32, #tpu.memory_space<hbm>>
      tpu.wait_dma2 semaphore(%arg27 : memref<!tpu.dma_semaphore, #tpu.memory_space<semaphore_mem>>) src(%arg17 : memref<1x1664xi32, #tpu.memory_space<vmem>>) dst(%dma_wait3A_1002 : memref<1x1664xi32, #tpu.memory_space<hbm>>)
      %scan3A_1003 = arith.constant 0 : i32
      %scan3A_1004 = arith.constant 104 : i32
      %scan3A_1005 = arith.addi %scan3A_1003, %scan3A_1004 : i32
      %scan3A_1006 = arith.constant 1 : i32
      %scan3A_1007 = scf.for %scan3A_1117 = %scan3A_1003 to %scan3A_1005 step %scan3A_1006 iter_args(%scan3A_1118 = %scan3A_940) -> (vector<16xi32>)  : i32 {
        %mul3A_1119 = arith.constant 16 : i32
        %mul3A_1120 = arith.muli %scan3A_1117, %mul3A_1119 : i32
        %get3A_1121 = arith.constant 0 : i32
        %get3A_1122 = arith.constant 0 : i32
        %get3A_1123 = arith.index_cast %get3A_1121 : i32 to index
        %get3A_1124 = arith.index_cast %get3A_1122 : i32 to index
        %get3A_1125 = arith.index_cast %mul3A_1120 : i32 to index
        %get3A_1126 = tpu.vector_load %arg9[%get3A_1123, %get3A_1124, %get3A_1125] {strides = array<i32>} : memref<25x1x1664xf32, #tpu.memory_space<vmem>>, vector<16xf32>,
        %get3A_1127 = arith.constant 1 : i32
        %get3A_1128 = arith.constant 0 : i32
        %get3A_1129 = arith.index_cast %get3A_1127 : i32 to index
        %get3A_1130 = arith.index_cast %get3A_1128 : i32 to index
        %get3A_1131 = arith.index_cast %mul3A_1120 : i32 to index
        %get3A_1132 = tpu.vector_load %arg9[%get3A_1129, %get3A_1130, %get3A_1131] {strides = array<i32>} : memref<25x1x1664xf32, #tpu.memory_space<vmem>>, vector<16xf32>,
        %get3A_1133 = arith.constant 2 : i32
        %get3A_1134 = arith.constant 0 : i32
        %get3A_1135 = arith.index_cast %get3A_1133 : i32 to index
        %get3A_1136 = arith.index_cast %get3A_1134 : i32 to index
        %get3A_1137 = arith.index_cast %mul3A_1120 : i32 to index
        %get3A_1138 = tpu.vector_load %arg9[%get3A_1135, %get3A_1136, %get3A_1137] {strides = array<i32>} : memref<25x1x1664xf32, #tpu.memory_space<vmem>>, vector<16xf32>,
        %get3A_1139 = arith.constant 3 : i32
        %get3A_1140 = arith.constant 0 : i32
        %get3A_1141 = arith.index_cast %get3A_1139 : i32 to index
        %get3A_1142 = arith.index_cast %get3A_1140 : i32 to index
        %get3A_1143 = arith.index_cast %mul3A_1120 : i32 to index
        %get3A_1144 = tpu.vector_load %arg9[%get3A_1141, %get3A_1142, %get3A_1143] {strides = array<i32>} : memref<25x1x1664xf32, #tpu.memory_space<vmem>>, vector<16xf32>,
        %get3A_1145 = arith.constant 4 : i32
        %get3A_1146 = arith.constant 0 : i32
        %get3A_1147 = arith.index_cast %get3A_1145 : i32 to index
        %get3A_1148 = arith.index_cast %get3A_1146 : i32 to index
        %get3A_1149 = arith.index_cast %mul3A_1120 : i32 to index
        %get3A_1150 = tpu.vector_load %arg9[%get3A_1147, %get3A_1148, %get3A_1149] {strides = array<i32>} : memref<25x1x1664xf32, #tpu.memory_space<vmem>>, vector<16xf32>,
        %get3A_1151 = arith.constant 5 : i32
        %get3A_1152 = arith.constant 0 : i32
        %get3A_1153 = arith.index_cast %get3A_1151 : i32 to index
        %get3A_1154 = arith.index_cast %get3A_1152 : i32 to index
        %get3A_1155 = arith.index_cast %mul3A_1120 : i32 to index
        %get3A_1156 = tpu.vector_load %arg9[%get3A_1153, %get3A_1154, %get3A_1155] {strides = array<i32>} : memref<25x1x1664xf32, #tpu.memory_space<vmem>>, vector<16xf32>,
        %get3A_1157 = arith.constant 6 : i32
        %get3A_1158 = arith.constant 0 : i32
        %get3A_1159 = arith.index_cast %get3A_1157 : i32 to index
        %get3A_1160 = arith.index_cast %get3A_1158 : i32 to index
        %get3A_1161 = arith.index_cast %mul3A_1120 : i32 to index
        %get3A_1162 = tpu.vector_load %arg9[%get3A_1159, %get3A_1160, %get3A_1161] {strides = array<i32>} : memref<25x1x1664xf32, #tpu.memory_space<vmem>>, vector<16xf32>,
        %get3A_1163 = arith.constant 7 : i32
        %get3A_1164 = arith.constant 0 : i32
        %get3A_1165 = arith.index_cast %get3A_1163 : i32 to index
        %get3A_1166 = arith.index_cast %get3A_1164 : i32 to index
        %get3A_1167 = arith.index_cast %mul3A_1120 : i32 to index
        %get3A_1168 = tpu.vector_load %arg9[%get3A_1165, %get3A_1166, %get3A_1167] {strides = array<i32>} : memref<25x1x1664xf32, #tpu.memory_space<vmem>>, vector<16xf32>,
        %get3A_1169 = arith.constant 8 : i32
        %get3A_1170 = arith.constant 0 : i32
        %get3A_1171 = arith.index_cast %get3A_1169 : i32 to index
        %get3A_1172 = arith.index_cast %get3A_1170 : i32 to index
        %get3A_1173 = arith.index_cast %mul3A_1120 : i32 to index
        %get3A_1174 = tpu.vector_load %arg9[%get3A_1171, %get3A_1172, %get3A_1173] {strides = array<i32>} : memref<25x1x1664xf32, #tpu.memory_space<vmem>>, vector<16xf32>,
        %get3A_1175 = arith.constant 9 : i32
        %get3A_1176 = arith.constant 0 : i32
        %get3A_1177 = arith.index_cast %get3A_1175 : i32 to index
        %get3A_1178 = arith.index_cast %get3A_1176 : i32 to index
        %get3A_1179 = arith.index_cast %mul3A_1120 : i32 to index
        %get3A_1180 = tpu.vector_load %arg9[%get3A_1177, %get3A_1178, %get3A_1179] {strides = array<i32>} : memref<25x1x1664xf32, #tpu.memory_space<vmem>>, vector<16xf32>,
        %get3A_1181 = arith.constant 10 : i32
        %get3A_1182 = arith.constant 0 : i32
        %get3A_1183 = arith.index_cast %get3A_1181 : i32 to index
        %get3A_1184 = arith.index_cast %get3A_1182 : i32 to index
        %get3A_1185 = arith.index_cast %mul3A_1120 : i32 to index
        %get3A_1186 = tpu.vector_load %arg9[%get3A_1183, %get3A_1184, %get3A_1185] {strides = array<i32>} : memref<25x1x1664xf32, #tpu.memory_space<vmem>>, vector<16xf32>,
        %get3A_1187 = arith.constant 11 : i32
        %get3A_1188 = arith.constant 0 : i32
        %get3A_1189 = arith.index_cast %get3A_1187 : i32 to index
        %get3A_1190 = arith.index_cast %get3A_1188 : i32 to index
        %get3A_1191 = arith.index_cast %mul3A_1120 : i32 to index
        %get3A_1192 = tpu.vector_load %arg9[%get3A_1189, %get3A_1190, %get3A_1191] {strides = array<i32>} : memref<25x1x1664xf32, #tpu.memory_space<vmem>>, vector<16xf32>,
        %get3A_1193 = arith.constant 12 : i32
        %get3A_1194 = arith.constant 0 : i32
        %get3A_1195 = arith.index_cast %get3A_1193 : i32 to index
        %get3A_1196 = arith.index_cast %get3A_1194 : i32 to index
        %get3A_1197 = arith.index_cast %mul3A_1120 : i32 to index
        %get3A_1198 = tpu.vector_load %arg9[%get3A_1195, %get3A_1196, %get3A_1197] {strides = array<i32>} : memref<25x1x1664xf32, #tpu.memory_space<vmem>>, vector<16xf32>,
        %get3A_1199 = arith.constant 13 : i32
        %get3A_1200 = arith.constant 0 : i32
        %get3A_1201 = arith.index_cast %get3A_1199 : i32 to index
        %get3A_1202 = arith.index_cast %get3A_1200 : i32 to index
        %get3A_1203 = arith.index_cast %mul3A_1120 : i32 to index
        %get3A_1204 = tpu.vector_load %arg9[%get3A_1201, %get3A_1202, %get3A_1203] {strides = array<i32>} : memref<25x1x1664xf32, #tpu.memory_space<vmem>>, vector<16xf32>,
        %get3A_1205 = arith.constant 14 : i32
        %get3A_1206 = arith.constant 0 : i32
        %get3A_1207 = arith.index_cast %get3A_1205 : i32 to index
        %get3A_1208 = arith.index_cast %get3A_1206 : i32 to index
        %get3A_1209 = arith.index_cast %mul3A_1120 : i32 to index
        %get3A_1210 = tpu.vector_load %arg9[%get3A_1207, %get3A_1208, %get3A_1209] {strides = array<i32>} : memref<25x1x1664xf32, #tpu.memory_space<vmem>>, vector<16xf32>,
        %get3A_1211 = arith.constant 15 : i32
        %get3A_1212 = arith.constant 0 : i32
        %get3A_1213 = arith.index_cast %get3A_1211 : i32 to index
        %get3A_1214 = arith.index_cast %get3A_1212 : i32 to index
        %get3A_1215 = arith.index_cast %mul3A_1120 : i32 to index
        %get3A_1216 = tpu.vector_load %arg9[%get3A_1213, %get3A_1214, %get3A_1215] {strides = array<i32>} : memref<25x1x1664xf32, #tpu.memory_space<vmem>>, vector<16xf32>,
        %get3A_1217 = arith.constant 16 : i32
        %get3A_1218 = arith.constant 0 : i32
        %get3A_1219 = arith.index_cast %get3A_1217 : i32 to index
        %get3A_1220 = arith.index_cast %get3A_1218 : i32 to index
        %get3A_1221 = arith.index_cast %mul3A_1120 : i32 to index
        %get3A_1222 = tpu.vector_load %arg9[%get3A_1219, %get3A_1220, %get3A_1221] {strides = array<i32>} : memref<25x1x1664xf32, #tpu.memory_space<vmem>>, vector<16xf32>,
        %get3A_1223 = arith.constant 17 : i32
        %get3A_1224 = arith.constant 0 : i32
        %get3A_1225 = arith.index_cast %get3A_1223 : i32 to index
        %get3A_1226 = arith.index_cast %get3A_1224 : i32 to index
        %get3A_1227 = arith.index_cast %mul3A_1120 : i32 to index
        %get3A_1228 = tpu.vector_load %arg9[%get3A_1225, %get3A_1226, %get3A_1227] {strides = array<i32>} : memref<25x1x1664xf32, #tpu.memory_space<vmem>>, vector<16xf32>,
        %get3A_1229 = arith.constant 18 : i32
        %get3A_1230 = arith.constant 0 : i32
        %get3A_1231 = arith.index_cast %get3A_1229 : i32 to index
        %get3A_1232 = arith.index_cast %get3A_1230 : i32 to index
        %get3A_1233 = arith.index_cast %mul3A_1120 : i32 to index
        %get3A_1234 = tpu.vector_load %arg9[%get3A_1231, %get3A_1232, %get3A_1233] {strides = array<i32>} : memref<25x1x1664xf32, #tpu.memory_space<vmem>>, vector<16xf32>,
        %get3A_1235 = arith.constant 19 : i32
        %get3A_1236 = arith.constant 0 : i32
        %get3A_1237 = arith.index_cast %get3A_1235 : i32 to index
        %get3A_1238 = arith.index_cast %get3A_1236 : i32 to index
        %get3A_1239 = arith.index_cast %mul3A_1120 : i32 to index
        %get3A_1240 = tpu.vector_load %arg9[%get3A_1237, %get3A_1238, %get3A_1239] {strides = array<i32>} : memref<25x1x1664xf32, #tpu.memory_space<vmem>>, vector<16xf32>,
        %get3A_1241 = arith.constant 20 : i32
        %get3A_1242 = arith.constant 0 : i32
        %get3A_1243 = arith.index_cast %get3A_1241 : i32 to index
        %get3A_1244 = arith.index_cast %get3A_1242 : i32 to index
        %get3A_1245 = arith.index_cast %mul3A_1120 : i32 to index
        %get3A_1246 = tpu.vector_load %arg9[%get3A_1243, %get3A_1244, %get3A_1245] {strides = array<i32>} : memref<25x1x1664xf32, #tpu.memory_space<vmem>>, vector<16xf32>,
        %get3A_1247 = arith.constant 21 : i32
        %get3A_1248 = arith.constant 0 : i32
        %get3A_1249 = arith.index_cast %get3A_1247 : i32 to index
        %get3A_1250 = arith.index_cast %get3A_1248 : i32 to index
        %get3A_1251 = arith.index_cast %mul3A_1120 : i32 to index
        %get3A_1252 = tpu.vector_load %arg9[%get3A_1249, %get3A_1250, %get3A_1251] {strides = array<i32>} : memref<25x1x1664xf32, #tpu.memory_space<vmem>>, vector<16xf32>,
        %get3A_1253 = arith.constant 22 : i32
        %get3A_1254 = arith.constant 0 : i32
        %get3A_1255 = arith.index_cast %get3A_1253 : i32 to index
        %get3A_1256 = arith.index_cast %get3A_1254 : i32 to index
        %get3A_1257 = arith.index_cast %mul3A_1120 : i32 to index
        %get3A_1258 = tpu.vector_load %arg9[%get3A_1255, %get3A_1256, %get3A_1257] {strides = array<i32>} : memref<25x1x1664xf32, #tpu.memory_space<vmem>>, vector<16xf32>,
        %get3A_1259 = arith.constant 23 : i32
        %get3A_1260 = arith.constant 0 : i32
        %get3A_1261 = arith.index_cast %get3A_1259 : i32 to index
        %get3A_1262 = arith.index_cast %get3A_1260 : i32 to index
        %get3A_1263 = arith.index_cast %mul3A_1120 : i32 to index
        %get3A_1264 = tpu.vector_load %arg9[%get3A_1261, %get3A_1262, %get3A_1263] {strides = array<i32>} : memref<25x1x1664xf32, #tpu.memory_space<vmem>>, vector<16xf32>,
        %get3A_1265 = arith.constant 24 : i32
        %get3A_1266 = arith.constant 0 : i32
        %get3A_1267 = arith.index_cast %get3A_1265 : i32 to index
        %get3A_1268 = arith.index_cast %get3A_1266 : i32 to index
        %get3A_1269 = arith.index_cast %mul3A_1120 : i32 to index
        %get3A_1270 = tpu.vector_load %arg9[%get3A_1267, %get3A_1268, %get3A_1269] {strides = array<i32>} : memref<25x1x1664xf32, #tpu.memory_space<vmem>>, vector<16xf32>,
        %broadcast_in_dim3A_1271 = arith.constant 0 : i32
        %broadcast_in_dim3A_1272 = vector.broadcast %broadcast_in_dim3A_1271 : i32 to vector<16xi32>
        %broadcast_in_dim3A_1273 = arith.constant 1 : i32
        %broadcast_in_dim3A_1274 = vector.broadcast %broadcast_in_dim3A_1273 : i32 to vector<16xi32>
        %broadcast_in_dim3A_1275 = arith.constant 2 : i32
        %broadcast_in_dim3A_1276 = vector.broadcast %broadcast_in_dim3A_1275 : i32 to vector<16xi32>
        %broadcast_in_dim3A_1277 = arith.constant 3 : i32
        %broadcast_in_dim3A_1278 = vector.broadcast %broadcast_in_dim3A_1277 : i32 to vector<16xi32>
        %broadcast_in_dim3A_1279 = arith.constant 4 : i32
        %broadcast_in_dim3A_1280 = vector.broadcast %broadcast_in_dim3A_1279 : i32 to vector<16xi32>
        %broadcast_in_dim3A_1281 = arith.constant 5 : i32
        %broadcast_in_dim3A_1282 = vector.broadcast %broadcast_in_dim3A_1281 : i32 to vector<16xi32>
        %broadcast_in_dim3A_1283 = arith.constant 6 : i32
        %broadcast_in_dim3A_1284 = vector.broadcast %broadcast_in_dim3A_1283 : i32 to vector<16xi32>
        %broadcast_in_dim3A_1285 = arith.constant 7 : i32
        %broadcast_in_dim3A_1286 = vector.broadcast %broadcast_in_dim3A_1285 : i32 to vector<16xi32>
        %broadcast_in_dim3A_1287 = arith.constant 8 : i32
        %broadcast_in_dim3A_1288 = vector.broadcast %broadcast_in_dim3A_1287 : i32 to vector<16xi32>
        %broadcast_in_dim3A_1289 = arith.constant 9 : i32
        %broadcast_in_dim3A_1290 = vector.broadcast %broadcast_in_dim3A_1289 : i32 to vector<16xi32>
        %broadcast_in_dim3A_1291 = arith.constant 10 : i32
        %broadcast_in_dim3A_1292 = vector.broadcast %broadcast_in_dim3A_1291 : i32 to vector<16xi32>
        %broadcast_in_dim3A_1293 = arith.constant 11 : i32
        %broadcast_in_dim3A_1294 = vector.broadcast %broadcast_in_dim3A_1293 : i32 to vector<16xi32>
        %broadcast_in_dim3A_1295 = arith.constant 12 : i32
        %broadcast_in_dim3A_1296 = vector.broadcast %broadcast_in_dim3A_1295 : i32 to vector<16xi32>
        %broadcast_in_dim3A_1297 = arith.constant 13 : i32
        %broadcast_in_dim3A_1298 = vector.broadcast %broadcast_in_dim3A_1297 : i32 to vector<16xi32>
        %broadcast_in_dim3A_1299 = arith.constant 14 : i32
        %broadcast_in_dim3A_1300 = vector.broadcast %broadcast_in_dim3A_1299 : i32 to vector<16xi32>
        %broadcast_in_dim3A_1301 = arith.constant 15 : i32
        %broadcast_in_dim3A_1302 = vector.broadcast %broadcast_in_dim3A_1301 : i32 to vector<16xi32>
        %broadcast_in_dim3A_1303 = arith.constant 16 : i32
        %broadcast_in_dim3A_1304 = vector.broadcast %broadcast_in_dim3A_1303 : i32 to vector<16xi32>
        %broadcast_in_dim3A_1305 = arith.constant 17 : i32
        %broadcast_in_dim3A_1306 = vector.broadcast %broadcast_in_dim3A_1305 : i32 to vector<16xi32>
        %broadcast_in_dim3A_1307 = arith.constant 18 : i32
        %broadcast_in_dim3A_1308 = vector.broadcast %broadcast_in_dim3A_1307 : i32 to vector<16xi32>
        %broadcast_in_dim3A_1309 = arith.constant 19 : i32
        %broadcast_in_dim3A_1310 = vector.broadcast %broadcast_in_dim3A_1309 : i32 to vector<16xi32>
        %broadcast_in_dim3A_1311 = arith.constant 20 : i32
        %broadcast_in_dim3A_1312 = vector.broadcast %broadcast_in_dim3A_1311 : i32 to vector<16xi32>
        %ge3A_1313 = arith.cmpf oge, %get3A_1150, %get3A_1156 : vector<16xf32>
        %max3A_1314 = arith.maximumf %get3A_1150, %get3A_1156 : vector<16xf32>
        %select_n3A_1315 = arith.select %ge3A_1313, %broadcast_in_dim3A_1272, %broadcast_in_dim3A_1274 : vector<16xi1>, vector<16xi32>
        %ge3A_1316 = arith.cmpf oge, %get3A_1162, %get3A_1168 : vector<16xf32>
        %max3A_1317 = arith.maximumf %get3A_1162, %get3A_1168 : vector<16xf32>
        %select_n3A_1318 = arith.select %ge3A_1316, %broadcast_in_dim3A_1276, %broadcast_in_dim3A_1278 : vector<16xi1>, vector<16xi32>
        %ge3A_1319 = arith.cmpf oge, %get3A_1174, %get3A_1180 : vector<16xf32>
        %max3A_1320 = arith.maximumf %get3A_1174, %get3A_1180 : vector<16xf32>
        %select_n3A_1321 = arith.select %ge3A_1319, %broadcast_in_dim3A_1280, %broadcast_in_dim3A_1282 : vector<16xi1>, vector<16xi32>
        %ge3A_1322 = arith.cmpf oge, %get3A_1186, %get3A_1192 : vector<16xf32>
        %max3A_1323 = arith.maximumf %get3A_1186, %get3A_1192 : vector<16xf32>
        %select_n3A_1324 = arith.select %ge3A_1322, %broadcast_in_dim3A_1284, %broadcast_in_dim3A_1286 : vector<16xi1>, vector<16xi32>
        %ge3A_1325 = arith.cmpf oge, %get3A_1198, %get3A_1204 : vector<16xf32>
        %max3A_1326 = arith.maximumf %get3A_1198, %get3A_1204 : vector<16xf32>
        %select_n3A_1327 = arith.select %ge3A_1325, %broadcast_in_dim3A_1288, %broadcast_in_dim3A_1290 : vector<16xi1>, vector<16xi32>
        %ge3A_1328 = arith.cmpf oge, %get3A_1210, %get3A_1216 : vector<16xf32>
        %max3A_1329 = arith.maximumf %get3A_1210, %get3A_1216 : vector<16xf32>
        %select_n3A_1330 = arith.select %ge3A_1328, %broadcast_in_dim3A_1292, %broadcast_in_dim3A_1294 : vector<16xi1>, vector<16xi32>
        %ge3A_1331 = arith.cmpf oge, %get3A_1222, %get3A_1228 : vector<16xf32>
        %max3A_1332 = arith.maximumf %get3A_1222, %get3A_1228 : vector<16xf32>
        %select_n3A_1333 = arith.select %ge3A_1331, %broadcast_in_dim3A_1296, %broadcast_in_dim3A_1298 : vector<16xi1>, vector<16xi32>
        %ge3A_1334 = arith.cmpf oge, %get3A_1234, %get3A_1240 : vector<16xf32>
        %max3A_1335 = arith.maximumf %get3A_1234, %get3A_1240 : vector<16xf32>
        %select_n3A_1336 = arith.select %ge3A_1334, %broadcast_in_dim3A_1300, %broadcast_in_dim3A_1302 : vector<16xi1>, vector<16xi32>
        %ge3A_1337 = arith.cmpf oge, %get3A_1246, %get3A_1252 : vector<16xf32>
        %max3A_1338 = arith.maximumf %get3A_1246, %get3A_1252 : vector<16xf32>
        %select_n3A_1339 = arith.select %ge3A_1337, %broadcast_in_dim3A_1304, %broadcast_in_dim3A_1306 : vector<16xi1>, vector<16xi32>
        %ge3A_1340 = arith.cmpf oge, %get3A_1258, %get3A_1264 : vector<16xf32>
        %max3A_1341 = arith.maximumf %get3A_1258, %get3A_1264 : vector<16xf32>
        %select_n3A_1342 = arith.select %ge3A_1340, %broadcast_in_dim3A_1308, %broadcast_in_dim3A_1310 : vector<16xi1>, vector<16xi32>
        %ge3A_1343 = arith.cmpf oge, %max3A_1314, %max3A_1317 : vector<16xf32>
        %max3A_1344 = arith.maximumf %max3A_1314, %max3A_1317 : vector<16xf32>
        %select_n3A_1345 = arith.select %ge3A_1343, %select_n3A_1315, %select_n3A_1318 : vector<16xi1>, vector<16xi32>
        %ge3A_1346 = arith.cmpf oge, %max3A_1320, %max3A_1323 : vector<16xf32>
        %max3A_1347 = arith.maximumf %max3A_1320, %max3A_1323 : vector<16xf32>
        %select_n3A_1348 = arith.select %ge3A_1346, %select_n3A_1321, %select_n3A_1324 : vector<16xi1>, vector<16xi32>
        %ge3A_1349 = arith.cmpf oge, %max3A_1326, %max3A_1329 : vector<16xf32>
        %max3A_1350 = arith.maximumf %max3A_1326, %max3A_1329 : vector<16xf32>
        %select_n3A_1351 = arith.select %ge3A_1349, %select_n3A_1327, %select_n3A_1330 : vector<16xi1>, vector<16xi32>
        %ge3A_1352 = arith.cmpf oge, %max3A_1332, %max3A_1335 : vector<16xf32>
        %max3A_1353 = arith.maximumf %max3A_1332, %max3A_1335 : vector<16xf32>
        %select_n3A_1354 = arith.select %ge3A_1352, %select_n3A_1333, %select_n3A_1336 : vector<16xi1>, vector<16xi32>
        %ge3A_1355 = arith.cmpf oge, %max3A_1338, %max3A_1341 : vector<16xf32>
        %max3A_1356 = arith.maximumf %max3A_1338, %max3A_1341 : vector<16xf32>
        %select_n3A_1357 = arith.select %ge3A_1355, %select_n3A_1339, %select_n3A_1342 : vector<16xi1>, vector<16xi32>
        %ge3A_1358 = arith.cmpf oge, %max3A_1344, %max3A_1347 : vector<16xf32>
        %max3A_1359 = arith.maximumf %max3A_1344, %max3A_1347 : vector<16xf32>
        %select_n3A_1360 = arith.select %ge3A_1358, %select_n3A_1345, %select_n3A_1348 : vector<16xi1>, vector<16xi32>
        %ge3A_1361 = arith.cmpf oge, %max3A_1350, %max3A_1353 : vector<16xf32>
        %max3A_1362 = arith.maximumf %max3A_1350, %max3A_1353 : vector<16xf32>
        %select_n3A_1363 = arith.select %ge3A_1361, %select_n3A_1351, %select_n3A_1354 : vector<16xi1>, vector<16xi32>
        %ge3A_1364 = arith.cmpf oge, %max3A_1356, %get3A_1270 : vector<16xf32>
        %max3A_1365 = arith.maximumf %max3A_1356, %get3A_1270 : vector<16xf32>
        %select_n3A_1366 = arith.select %ge3A_1364, %select_n3A_1357, %broadcast_in_dim3A_1312 : vector<16xi1>, vector<16xi32>
        %ge3A_1367 = arith.cmpf oge, %max3A_1359, %max3A_1362 : vector<16xf32>
        %max3A_1368 = arith.maximumf %max3A_1359, %max3A_1362 : vector<16xf32>
        %select_n3A_1369 = arith.select %ge3A_1367, %select_n3A_1360, %select_n3A_1363 : vector<16xi1>, vector<16xi32>
        %ge3A_1370 = arith.cmpf oge, %max3A_1368, %max3A_1365 : vector<16xf32>
        %max3A_1371 = arith.maximumf %max3A_1368, %max3A_1365 : vector<16xf32>
        %select_n3A_1372 = arith.select %ge3A_1370, %select_n3A_1369, %select_n3A_1366 : vector<16xi1>, vector<16xi32>
        %get3A_1373 = arith.constant 0 : i32
        %get3A_1374 = arith.index_cast %get3A_1373 : i32 to index
        %get3A_1375 = arith.index_cast %mul3A_1120 : i32 to index
        %get3A_1376 = tpu.vector_load %arg11[%get3A_1374, %get3A_1375] {strides = array<i32>} : memref<4x1664xf32, #tpu.memory_space<vmem>>, vector<16xf32>,
        %get3A_1377 = arith.constant 1 : i32
        %get3A_1378 = arith.index_cast %get3A_1377 : i32 to index
        %get3A_1379 = arith.index_cast %mul3A_1120 : i32 to index
        %get3A_1380 = tpu.vector_load %arg11[%get3A_1378, %get3A_1379] {strides = array<i32>} : memref<4x1664xf32, #tpu.memory_space<vmem>>, vector<16xf32>,
        %get3A_1381 = arith.constant 2 : i32
        %get3A_1382 = arith.index_cast %get3A_1381 : i32 to index
        %get3A_1383 = arith.index_cast %mul3A_1120 : i32 to index
        %get3A_1384 = tpu.vector_load %arg11[%get3A_1382, %get3A_1383] {strides = array<i32>} : memref<4x1664xf32, #tpu.memory_space<vmem>>, vector<16xf32>,
        %get3A_1385 = arith.constant 3 : i32
        %get3A_1386 = arith.index_cast %get3A_1385 : i32 to index
        %get3A_1387 = arith.index_cast %mul3A_1120 : i32 to index
        %get3A_1388 = tpu.vector_load %arg11[%get3A_1386, %get3A_1387] {strides = array<i32>} : memref<4x1664xf32, #tpu.memory_space<vmem>>, vector<16xf32>,
        %add3A_1389 = arith.addf %get3A_1384, %get3A_1376 : vector<16xf32>
        %mul3A_1390 = arith.constant 5.000000e-01 : f32
        %mul3A_1391 = vector.broadcast %mul3A_1390 : f32 to vector<16xf32>
        %mul3A_1392 = arith.mulf %add3A_1389, %mul3A_1391 : vector<16xf32>
        %add3A_1393 = arith.addf %get3A_1388, %get3A_1380 : vector<16xf32>
        %mul3A_1394 = arith.constant 5.000000e-01 : f32
        %mul3A_1395 = vector.broadcast %mul3A_1394 : f32 to vector<16xf32>
        %mul3A_1396 = arith.mulf %add3A_1393, %mul3A_1395 : vector<16xf32>
        %sub3A_1397 = arith.subf %get3A_1384, %get3A_1376 : vector<16xf32>
        %sub3A_1398 = arith.subf %get3A_1388, %get3A_1380 : vector<16xf32>
        %mul3A_1399 = arith.mulf %get3A_1126, %sub3A_1397 : vector<16xf32>
        %add3A_1400 = arith.addf %mul3A_1399, %mul3A_1392 : vector<16xf32>
        %mul3A_1401 = arith.mulf %get3A_1132, %sub3A_1398 : vector<16xf32>
        %add3A_1402 = arith.addf %mul3A_1401, %mul3A_1396 : vector<16xf32>
        %exp3A_1403 = math.exp %get3A_1138 : vector<16xf32>
        %mul3A_1404 = arith.mulf %exp3A_1403, %sub3A_1397 : vector<16xf32>
        %exp3A_1405 = math.exp %get3A_1144 : vector<16xf32>
        %mul3A_1406 = arith.mulf %exp3A_1405, %sub3A_1398 : vector<16xf32>
        %ne3A_1407 = arith.constant 0 : i32
        %ne3A_1408 = vector.broadcast %ne3A_1407 : i32 to vector<16xi32>
        %ne3A_1409 = arith.cmpi ne, %select_n3A_1372, %ne3A_1408 : vector<16xi32>
        %convert_element_type3A_1410 = arith.extui %ne3A_1409 : vector<16xi1> to vector<16xi32>
        %convert_element_type3A_1411 = arith.sitofp %convert_element_type3A_1410 : vector<16xi32> to vector<16xf32>
        %mul3A_1412 = arith.constant 5.000000e-01 : f32
        %mul3A_1413 = vector.broadcast %mul3A_1412 : f32 to vector<16xf32>
        %mul3A_1414 = arith.mulf %mul3A_1404, %mul3A_1413 : vector<16xf32>
        %sub3A_1415 = arith.subf %add3A_1400, %mul3A_1414 : vector<16xf32>
        %jit3A_1416 = arith.constant 0.000000e+00 : f32
        %jit3A_1417 = arith.constant 1.000000e+00 : f32
        %max3A_1418 = vector.broadcast %jit3A_1416 : f32 to vector<16xf32>
        %max3A_1419 = arith.maximumf %max3A_1418, %sub3A_1415 : vector<16xf32>
        %min3A_1420 = vector.broadcast %jit3A_1417 : f32 to vector<16xf32>
        %min3A_1421 = arith.minimumf %min3A_1420, %max3A_1419 : vector<16xf32>
        %mul3A_1422 = arith.mulf %min3A_1421, %convert_element_type3A_1411 : vector<16xf32>
        %swap3A_1423 = arith.constant 0 : i32
        %swap3A_1424 = arith.constant 0 : i32
        %swap3A_1425 = arith.index_cast %swap3A_1423 : i32 to index
        %swap3A_1426 = arith.index_cast %swap3A_1424 : i32 to index
        %swap3A_1427 = arith.index_cast %mul3A_1120 : i32 to index
        %swap3A_1428 = tpu.vector_load %arg13[%swap3A_1425, %swap3A_1426, %swap3A_1427] {strides = array<i32>} : memref<1x4x1664xf32, #tpu.memory_space<vmem>>, vector<16xf32>,
        tpu.vector_store %arg13[%swap3A_1425, %swap3A_1426, %swap3A_1427], %mul3A_1422 {strides = array<i32>} : memref<1x4x1664xf32, #tpu.memory_space<vmem>>, vector<16xf32>,
        %mul3A_1429 = arith.constant 5.000000e-01 : f32
        %mul3A_1430 = vector.broadcast %mul3A_1429 : f32 to vector<16xf32>
        %mul3A_1431 = arith.mulf %mul3A_1406, %mul3A_1430 : vector<16xf32>
        %sub3A_1432 = arith.subf %add3A_1402, %mul3A_1431 : vector<16xf32>
        %jit3A_1433 = arith.constant 0.000000e+00 : f32
        %jit3A_1434 = arith.constant 1.000000e+00 : f32
        %max3A_1435 = vector.broadcast %jit3A_1433 : f32 to vector<16xf32>
        %max3A_1436 = arith.maximumf %max3A_1435, %sub3A_1432 : vector<16xf32>
        %min3A_1437 = vector.broadcast %jit3A_1434 : f32 to vector<16xf32>
        %min3A_1438 = arith.minimumf %min3A_1437, %max3A_1436 : vector<16xf32>
        %mul3A_1439 = arith.mulf %min3A_1438, %convert_element_type3A_1411 : vector<16xf32>
        %swap3A_1440 = arith.constant 0 : i32
        %swap3A_1441 = arith.constant 1 : i32
        %swap3A_1442 = arith.index_cast %swap3A_1440 : i32 to index
        %swap3A_1443 = arith.index_cast %swap3A_1441 : i32 to index
        %swap3A_1444 = arith.index_cast %mul3A_1120 : i32 to index
        %swap3A_1445 = tpu.vector_load %arg13[%swap3A_1442, %swap3A_1443, %swap3A_1444] {strides = array<i32>} : memref<1x4x1664xf32, #tpu.memory_space<vmem>>, vector<16xf32>,
        tpu.vector_store %arg13[%swap3A_1442, %swap3A_1443, %swap3A_1444], %mul3A_1439 {strides = array<i32>} : memref<1x4x1664xf32, #tpu.memory_space<vmem>>, vector<16xf32>,
        %mul3A_1446 = arith.constant 5.000000e-01 : f32
        %mul3A_1447 = vector.broadcast %mul3A_1446 : f32 to vector<16xf32>
        %mul3A_1448 = arith.mulf %mul3A_1404, %mul3A_1447 : vector<16xf32>
        %add3A_1449 = arith.addf %add3A_1400, %mul3A_1448 : vector<16xf32>
        %jit3A_1450 = arith.constant 0.000000e+00 : f32
        %jit3A_1451 = arith.constant 1.000000e+00 : f32
        %max3A_1452 = vector.broadcast %jit3A_1450 : f32 to vector<16xf32>
        %max3A_1453 = arith.maximumf %max3A_1452, %add3A_1449 : vector<16xf32>
        %min3A_1454 = vector.broadcast %jit3A_1451 : f32 to vector<16xf32>
        %min3A_1455 = arith.minimumf %min3A_1454, %max3A_1453 : vector<16xf32>
        %mul3A_1456 = arith.mulf %min3A_1455, %convert_element_type3A_1411 : vector<16xf32>
        %swap3A_1457 = arith.constant 0 : i32
        %swap3A_1458 = arith.constant 2 : i32
        %swap3A_1459 = arith.index_cast %swap3A_1457 : i32 to index
        %swap3A_1460 = arith.index_cast %swap3A_1458 : i32 to index
        %swap3A_1461 = arith.index_cast %mul3A_1120 : i32 to index
        %swap3A_1462 = tpu.vector_load %arg13[%swap3A_1459, %swap3A_1460, %swap3A_1461] {strides = array<i32>} : memref<1x4x1664xf32, #tpu.memory_space<vmem>>, vector<16xf32>,
        tpu.vector_store %arg13[%swap3A_1459, %swap3A_1460, %swap3A_1461], %mul3A_1456 {strides = array<i32>} : memref<1x4x1664xf32, #tpu.memory_space<vmem>>, vector<16xf32>,
        %mul3A_1463 = arith.constant 5.000000e-01 : f32
        %mul3A_1464 = vector.broadcast %mul3A_1463 : f32 to vector<16xf32>
        %mul3A_1465 = arith.mulf %mul3A_1406, %mul3A_1464 : vector<16xf32>
        %add3A_1466 = arith.addf %add3A_1402, %mul3A_1465 : vector<16xf32>
        %jit3A_1467 = arith.constant 0.000000e+00 : f32
        %jit3A_1468 = arith.constant 1.000000e+00 : f32
        %max3A_1469 = vector.broadcast %jit3A_1467 : f32 to vector<16xf32>
        %max3A_1470 = arith.maximumf %max3A_1469, %add3A_1466 : vector<16xf32>
        %min3A_1471 = vector.broadcast %jit3A_1468 : f32 to vector<16xf32>
        %min3A_1472 = arith.minimumf %min3A_1471, %max3A_1470 : vector<16xf32>
        %mul3A_1473 = arith.mulf %min3A_1472, %convert_element_type3A_1411 : vector<16xf32>
        %swap3A_1474 = arith.constant 0 : i32
        %swap3A_1475 = arith.constant 3 : i32
        %swap3A_1476 = arith.index_cast %swap3A_1474 : i32 to index
        %swap3A_1477 = arith.index_cast %swap3A_1475 : i32 to index
        %swap3A_1478 = arith.index_cast %mul3A_1120 : i32 to index
        %swap3A_1479 = tpu.vector_load %arg13[%swap3A_1476, %swap3A_1477, %swap3A_1478] {strides = array<i32>} : memref<1x4x1664xf32, #tpu.memory_space<vmem>>, vector<16xf32>,
        tpu.vector_store %arg13[%swap3A_1476, %swap3A_1477, %swap3A_1478], %mul3A_1473 {strides = array<i32>} : memref<1x4x1664xf32, #tpu.memory_space<vmem>>, vector<16xf32>,
        %mul3A_1480 = arith.mulf %max3A_1371, %convert_element_type3A_1411 : vector<16xf32>
        %swap3A_1481 = arith.constant 0 : i32
        %swap3A_1482 = arith.index_cast %swap3A_1481 : i32 to index
        %swap3A_1483 = arith.index_cast %mul3A_1120 : i32 to index
        %swap3A_1484 = tpu.vector_load %arg15[%swap3A_1482, %swap3A_1483] {strides = array<i32>} : memref<1x1664xf32, #tpu.memory_space<vmem>>, vector<16xf32>,
        tpu.vector_store %arg15[%swap3A_1482, %swap3A_1483], %mul3A_1480 {strides = array<i32>} : memref<1x1664xf32, #tpu.memory_space<vmem>>, vector<16xf32>,
        %swap3A_1485 = arith.constant 0 : i32
        %swap3A_1486 = arith.index_cast %swap3A_1485 : i32 to index
        %swap3A_1487 = arith.index_cast %mul3A_1120 : i32 to index
        %swap3A_1488 = tpu.vector_load %arg17[%swap3A_1486, %swap3A_1487] {strides = array<i32>} : memref<1x1664xi32, #tpu.memory_space<vmem>>, vector<16xi32>,
        tpu.vector_store %arg17[%swap3A_1486, %swap3A_1487], %select_n3A_1372 {strides = array<i32>} : memref<1x1664xi32, #tpu.memory_space<vmem>>, vector<16xi32>,
        %convert_element_type3A_1489 = arith.extui %ne3A_1409 : vector<16xi1> to vector<16xi32>
        %add3A_1490 = arith.addi %scan3A_1118, %convert_element_type3A_1489 : vector<16xi32>
        scf.yield %add3A_1490 : vector<16xi32>
      }
      %scan3A_1008 = arith.constant 104 : i32
      %mul3A_1009 = arith.constant 9984 : i32
      %mul3A_1010 = arith.muli %arg0, %mul3A_1009 : i32
      %mul3A_1011 = arith.constant 1664 : i32
      %mul3A_1012 = arith.muli %add3A_944, %mul3A_1011 : i32
      %add3A_1013 = arith.addi %mul3A_1010, %mul3A_1012 : i32
      %dma_start3A_1014 = arith.constant 0 : i32
      %dma_start3A_1015 = tpu.memref_slice %arg4[%arg1, %dma_start3A_1014, %add3A_1013] : memref<16x4x20000xf32, #tpu.memory_space<hbm>> -> memref<1x4x1664xf32, #tpu.memory_space<hbm>>
      %dma_start3A_1016 = arith.constant 0 : i32
      %dma_start3A_1017 = tpu.memref_slice %arg4[%arg1, %dma_start3A_1016, %add3A_1013] : memref<16x4x20000xf32, #tpu.memory_space<hbm>> -> memref<1x4x1664xf32, #tpu.memory_space<hbm>>
      tpu.enqueue_dma source(%arg13 : memref<1x4x1664xf32, #tpu.memory_space<vmem>>) target(%dma_start3A_1017 : memref<1x4x1664xf32, #tpu.memory_space<hbm>>) target_semaphore(%arg27 : memref<!tpu.dma_semaphore, #tpu.memory_space<semaphore_mem>>)
      %mul3A_1018 = arith.constant 9984 : i32
      %mul3A_1019 = arith.muli %arg0, %mul3A_1018 : i32
      %mul3A_1020 = arith.constant 1664 : i32
      %mul3A_1021 = arith.muli %add3A_944, %mul3A_1020 : i32
      %add3A_1022 = arith.addi %mul3A_1019, %mul3A_1021 : i32
      %dma_start3A_1023 = tpu.memref_slice %arg5[%arg1, %add3A_1022] : memref<16x20000xf32, #tpu.memory_space<hbm>> -> memref<1x1664xf32, #tpu.memory_space<hbm>>
      %dma_start3A_1024 = tpu.memref_slice %arg5[%arg1, %add3A_1022] : memref<16x20000xf32, #tpu.memory_space<hbm>> -> memref<1x1664xf32, #tpu.memory_space<hbm>>
      tpu.enqueue_dma source(%arg15 : memref<1x1664xf32, #tpu.memory_space<vmem>>) target(%dma_start3A_1024 : memref<1x1664xf32, #tpu.memory_space<hbm>>) target_semaphore(%arg27 : memref<!tpu.dma_semaphore, #tpu.memory_space<semaphore_mem>>)
      %mul3A_1025 = arith.constant 9984 : i32
      %mul3A_1026 = arith.muli %arg0, %mul3A_1025 : i32
      %mul3A_1027 = arith.constant 1664 : i32
      %mul3A_1028 = arith.muli %add3A_944, %mul3A_1027 : i32
      %add3A_1029 = arith.addi %mul3A_1026, %mul3A_1028 : i32
      %dma_start3A_1030 = tpu.memref_slice %arg6[%arg1, %add3A_1029] : memref<16x20000xi32, #tpu.memory_space<hbm>> -> memref<1x1664xi32, #tpu.memory_space<hbm>>
      %dma_start3A_1031 = tpu.memref_slice %arg6[%arg1, %add3A_1029] : memref<16x20000xi32, #tpu.memory_space<hbm>> -> memref<1x1664xi32, #tpu.memory_space<hbm>>
      tpu.enqueue_dma source(%arg17 : memref<1x1664xi32, #tpu.memory_space<vmem>>) target(%dma_start3A_1031 : memref<1x1664xi32, #tpu.memory_space<hbm>>) target_semaphore(%arg27 : memref<!tpu.dma_semaphore, #tpu.memory_space<semaphore_mem>>)
      %add3A_1032 = arith.constant 2 : i32
      %add3A_1033 = arith.addi %add3A_944, %add3A_1032 : i32
      %mul3A_1034 = arith.constant 9984 : i32
      %mul3A_1035 = arith.muli %arg0, %mul3A_1034 : i32
      %mul3A_1036 = arith.constant 1664 : i32
      %mul3A_1037 = arith.muli %add3A_1033, %mul3A_1036 : i32
      %add3A_1038 = arith.addi %mul3A_1035, %mul3A_1037 : i32
      %dma_start3A_1039 = arith.constant 0 : i32
      %dma_start3A_1040 = tpu.memref_slice %arg2[%dma_start3A_1039, %arg1, %add3A_1038] : memref<25x16x20000xf32, #tpu.memory_space<hbm>> -> memref<25x1x1664xf32, #tpu.memory_space<hbm>>
      %dma_start3A_1041 = arith.constant 0 : i32
      %dma_start3A_1042 = tpu.memref_slice %arg2[%dma_start3A_1041, %arg1, %add3A_1038] : memref<25x16x20000xf32, #tpu.memory_space<hbm>> -> memref<25x1x1664xf32, #tpu.memory_space<hbm>>
      tpu.enqueue_dma source(%dma_start3A_1042 : memref<25x1x1664xf32, #tpu.memory_space<hbm>>) target(%arg9 : memref<25x1x1664xf32, #tpu.memory_space<vmem>>) target_semaphore(%arg25 : memref<!tpu.dma_semaphore, #tpu.memory_space<semaphore_mem>>)
      %mul3A_1043 = arith.constant 9984 : i32
      %mul3A_1044 = arith.muli %arg0, %mul3A_1043 : i32
      %mul3A_1045 = arith.constant 1664 : i32
      %mul3A_1046 = arith.muli %add3A_1033, %mul3A_1045 : i32
      %add3A_1047 = arith.addi %mul3A_1044, %mul3A_1046 : i32
      %dma_start3A_1048 = arith.constant 0 : i32
      %dma_start3A_1049 = tpu.memref_slice %arg3[%dma_start3A_1048, %add3A_1047] : memref<4x20000xf32, #tpu.memory_space<hbm>> -> memref<4x1664xf32, #tpu.memory_space<hbm>>
      %dma_start3A_1050 = arith.constant 0 : i32
      %dma_start3A_1051 = tpu.memref_slice %arg3[%dma_start3A_1050, %add3A_1047] : memref<4x20000xf32, #tpu.memory_space<hbm>> -> memref<4x1664xf32, #tpu.memory_space<hbm>>
      tpu.enqueue_dma source(%dma_start3A_1051 : memref<4x1664xf32, #tpu.memory_space<hbm>>) target(%arg11 : memref<4x1664xf32, #tpu.memory_space<vmem>>) target_semaphore(%arg25 : memref<!tpu.dma_semaphore, #tpu.memory_space<semaphore_mem>>)
      %mul3A_1052 = arith.constant 9984 : i32
      %mul3A_1053 = arith.muli %arg0, %mul3A_1052 : i32
      %add3A_1054 = arith.constant 0 : i32
      %add3A_1055 = arith.addi %mul3A_1053, %add3A_1054 : i32
      %dma_wait3A_1056 = arith.constant 0 : i32
      %dma_wait3A_1057 = tpu.memref_slice %arg2[%dma_wait3A_1056, %arg1, %add3A_1055] : memref<25x16x20000xf32, #tpu.memory_space<hbm>> -> memref<25x1x1664xf32, #tpu.memory_space<hbm>>
      %dma_wait3A_1058 = arith.constant 0 : i32
      %dma_wait3A_1059 = tpu.memref_slice %arg2[%dma_wait3A_1058, %arg1, %add3A_1055] : memref<25x16x20000xf32, #tpu.memory_space<hbm>> -> memref<25x1x1664xf32, #tpu.memory_space<hbm>>
      tpu.wait_dma2 semaphore(%arg24 : memref<!tpu.dma_semaphore, #tpu.memory_space<semaphore_mem>>) src(%dma_wait3A_1059 : memref<25x1x1664xf32, #tpu.memory_space<hbm>>) dst(%arg8 : memref<25x1x1664xf32, #tpu.memory_space<vmem>>)
      %mul3A_1060 = arith.constant 9984 : i32
      %mul3A_1061 = arith.muli %arg0, %mul3A_1060 : i32
      %add3A_1062 = arith.constant 0 : i32
      %add3A_1063 = arith.addi %mul3A_1061, %add3A_1062 : i32
      %dma_wait3A_1064 = arith.constant 0 : i32
      %dma_wait3A_1065 = tpu.memref_slice %arg3[%dma_wait3A_1064, %add3A_1063] : memref<4x20000xf32, #tpu.memory_space<hbm>> -> memref<4x1664xf32, #tpu.memory_space<hbm>>
      %dma_wait3A_1066 = arith.constant 0 : i32
      %dma_wait3A_1067 = tpu.memref_slice %arg3[%dma_wait3A_1066, %add3A_1063] : memref<4x20000xf32, #tpu.memory_space<hbm>> -> memref<4x1664xf32, #tpu.memory_space<hbm>>
      tpu.wait_dma2 semaphore(%arg24 : memref<!tpu.dma_semaphore, #tpu.memory_space<semaphore_mem>>) src(%dma_wait3A_1067 : memref<4x1664xf32, #tpu.memory_space<hbm>>) dst(%arg10 : memref<4x1664xf32, #tpu.memory_space<vmem>>)
      %mul3A_1068 = arith.constant 9984 : i32
      %mul3A_1069 = arith.muli %arg0, %mul3A_1068 : i32
      %add3A_1070 = arith.constant 0 : i32
      %add3A_1071 = arith.addi %mul3A_1069, %add3A_1070 : i32
      %dma_wait3A_1072 = arith.constant 0 : i32
      %dma_wait3A_1073 = tpu.memref_slice %arg4[%arg1, %dma_wait3A_1072, %add3A_1071] : memref<16x4x20000xf32, #tpu.memory_space<hbm>> -> memref<1x4x1664xf32, #tpu.memory_space<hbm>>
      %dma_wait3A_1074 = arith.constant 0 : i32
      %dma_wait3A_1075 = tpu.memref_slice %arg4[%arg1, %dma_wait3A_1074, %add3A_1071] : memref<16x4x20000xf32, #tpu.memory_space<hbm>> -> memref<1x4x1664xf32, #tpu.memory_space<hbm>>
      tpu.wait_dma2 semaphore(%arg26 : memref<!tpu.dma_semaphore, #tpu.memory_space<semaphore_mem>>) src(%arg12 : memref<1x4x1664xf32, #tpu.memory_space<vmem>>) dst(%dma_wait3A_1075 : memref<1x4x1664xf32, #tpu.memory_space<hbm>>)
      %mul3A_1076 = arith.constant 9984 : i32
      %mul3A_1077 = arith.muli %arg0, %mul3A_1076 : i32
      %add3A_1078 = arith.constant 0 : i32
      %add3A_1079 = arith.addi %mul3A_1077, %add3A_1078 : i32
      %dma_wait3A_1080 = tpu.memref_slice %arg5[%arg1, %add3A_1079] : memref<16x20000xf32, #tpu.memory_space<hbm>> -> memref<1x1664xf32, #tpu.memory_space<hbm>>
      %dma_wait3A_1081 = tpu.memref_slice %arg5[%arg1, %add3A_1079] : memref<16x20000xf32, #tpu.memory_space<hbm>> -> memref<1x1664xf32, #tpu.memory_space<hbm>>
      tpu.wait_dma2 semaphore(%arg26 : memref<!tpu.dma_semaphore, #tpu.memory_space<semaphore_mem>>) src(%arg14 : memref<1x1664xf32, #tpu.memory_space<vmem>>) dst(%dma_wait3A_1081 : memref<1x1664xf32, #tpu.memory_space<hbm>>)
      %mul3A_1082 = arith.constant 9984 : i32
      %mul3A_1083 = arith.muli %arg0, %mul3A_1082 : i32
      %add3A_1084 = arith.constant 0 : i32
      %add3A_1085 = arith.addi %mul3A_1083, %add3A_1084 : i32
      %dma_wait3A_1086 = tpu.memref_slice %arg6[%arg1, %add3A_1085] : memref<16x20000xi32, #tpu.memory_space<hbm>> -> memref<1x1664xi32, #tpu.memory_space<hbm>>
      %dma_wait3A_1087 = tpu.memref_slice %arg6[%arg1, %add3A_1085] : memref<16x20000xi32, #tpu.memory_space<hbm>> -> memref<1x1664xi32, #tpu.memory_space<hbm>>
      tpu.wait_dma2 semaphore(%arg26 : memref<!tpu.dma_semaphore, #tpu.memory_space<semaphore_mem>>) src(%arg16 : memref<1x1664xi32, #tpu.memory_space<vmem>>) dst(%dma_wait3A_1087 : memref<1x1664xi32, #tpu.memory_space<hbm>>)
      %scan3A_1088 = arith.constant 0 : i32
      %scan3A_1089 = arith.constant 104 : i32
      %scan3A_1090 = arith.addi %scan3A_1088, %scan3A_1089 : i32
      %scan3A_1091 = arith.constant 1 : i32
      %scan3A_1092 = scf.for %scan3A_1117 = %scan3A_1088 to %scan3A_1090 step %scan3A_1091 iter_args(%scan3A_1118 = %scan3A_1007) -> (vector<16xi32>)  : i32 {
        %mul3A_1119 = arith.constant 16 : i32
        %mul3A_1120 = arith.muli %scan3A_1117, %mul3A_1119 : i32
        %get3A_1121 = arith.constant 0 : i32
        %get3A_1122 = arith.constant 0 : i32
        %get3A_1123 = arith.index_cast %get3A_1121 : i32 to index
        %get3A_1124 = arith.index_cast %get3A_1122 : i32 to index
        %get3A_1125 = arith.index_cast %mul3A_1120 : i32 to index
        %get3A_1126 = tpu.vector_load %arg8[%get3A_1123, %get3A_1124, %get3A_1125] {strides = array<i32>} : memref<25x1x1664xf32, #tpu.memory_space<vmem>>, vector<16xf32>,
        %get3A_1127 = arith.constant 1 : i32
        %get3A_1128 = arith.constant 0 : i32
        %get3A_1129 = arith.index_cast %get3A_1127 : i32 to index
        %get3A_1130 = arith.index_cast %get3A_1128 : i32 to index
        %get3A_1131 = arith.index_cast %mul3A_1120 : i32 to index
        %get3A_1132 = tpu.vector_load %arg8[%get3A_1129, %get3A_1130, %get3A_1131] {strides = array<i32>} : memref<25x1x1664xf32, #tpu.memory_space<vmem>>, vector<16xf32>,
        %get3A_1133 = arith.constant 2 : i32
        %get3A_1134 = arith.constant 0 : i32
        %get3A_1135 = arith.index_cast %get3A_1133 : i32 to index
        %get3A_1136 = arith.index_cast %get3A_1134 : i32 to index
        %get3A_1137 = arith.index_cast %mul3A_1120 : i32 to index
        %get3A_1138 = tpu.vector_load %arg8[%get3A_1135, %get3A_1136, %get3A_1137] {strides = array<i32>} : memref<25x1x1664xf32, #tpu.memory_space<vmem>>, vector<16xf32>,
        %get3A_1139 = arith.constant 3 : i32
        %get3A_1140 = arith.constant 0 : i32
        %get3A_1141 = arith.index_cast %get3A_1139 : i32 to index
        %get3A_1142 = arith.index_cast %get3A_1140 : i32 to index
        %get3A_1143 = arith.index_cast %mul3A_1120 : i32 to index
        %get3A_1144 = tpu.vector_load %arg8[%get3A_1141, %get3A_1142, %get3A_1143] {strides = array<i32>} : memref<25x1x1664xf32, #tpu.memory_space<vmem>>, vector<16xf32>,
        %get3A_1145 = arith.constant 4 : i32
        %get3A_1146 = arith.constant 0 : i32
        %get3A_1147 = arith.index_cast %get3A_1145 : i32 to index
        %get3A_1148 = arith.index_cast %get3A_1146 : i32 to index
        %get3A_1149 = arith.index_cast %mul3A_1120 : i32 to index
        %get3A_1150 = tpu.vector_load %arg8[%get3A_1147, %get3A_1148, %get3A_1149] {strides = array<i32>} : memref<25x1x1664xf32, #tpu.memory_space<vmem>>, vector<16xf32>,
        %get3A_1151 = arith.constant 5 : i32
        %get3A_1152 = arith.constant 0 : i32
        %get3A_1153 = arith.index_cast %get3A_1151 : i32 to index
        %get3A_1154 = arith.index_cast %get3A_1152 : i32 to index
        %get3A_1155 = arith.index_cast %mul3A_1120 : i32 to index
        %get3A_1156 = tpu.vector_load %arg8[%get3A_1153, %get3A_1154, %get3A_1155] {strides = array<i32>} : memref<25x1x1664xf32, #tpu.memory_space<vmem>>, vector<16xf32>,
        %get3A_1157 = arith.constant 6 : i32
        %get3A_1158 = arith.constant 0 : i32
        %get3A_1159 = arith.index_cast %get3A_1157 : i32 to index
        %get3A_1160 = arith.index_cast %get3A_1158 : i32 to index
        %get3A_1161 = arith.index_cast %mul3A_1120 : i32 to index
        %get3A_1162 = tpu.vector_load %arg8[%get3A_1159, %get3A_1160, %get3A_1161] {strides = array<i32>} : memref<25x1x1664xf32, #tpu.memory_space<vmem>>, vector<16xf32>,
        %get3A_1163 = arith.constant 7 : i32
        %get3A_1164 = arith.constant 0 : i32
        %get3A_1165 = arith.index_cast %get3A_1163 : i32 to index
        %get3A_1166 = arith.index_cast %get3A_1164 : i32 to index
        %get3A_1167 = arith.index_cast %mul3A_1120 : i32 to index
        %get3A_1168 = tpu.vector_load %arg8[%get3A_1165, %get3A_1166, %get3A_1167] {strides = array<i32>} : memref<25x1x1664xf32, #tpu.memory_space<vmem>>, vector<16xf32>,
        %get3A_1169 = arith.constant 8 : i32
        %get3A_1170 = arith.constant 0 : i32
        %get3A_1171 = arith.index_cast %get3A_1169 : i32 to index
        %get3A_1172 = arith.index_cast %get3A_1170 : i32 to index
        %get3A_1173 = arith.index_cast %mul3A_1120 : i32 to index
        %get3A_1174 = tpu.vector_load %arg8[%get3A_1171, %get3A_1172, %get3A_1173] {strides = array<i32>} : memref<25x1x1664xf32, #tpu.memory_space<vmem>>, vector<16xf32>,
        %get3A_1175 = arith.constant 9 : i32
        %get3A_1176 = arith.constant 0 : i32
        %get3A_1177 = arith.index_cast %get3A_1175 : i32 to index
        %get3A_1178 = arith.index_cast %get3A_1176 : i32 to index
        %get3A_1179 = arith.index_cast %mul3A_1120 : i32 to index
        %get3A_1180 = tpu.vector_load %arg8[%get3A_1177, %get3A_1178, %get3A_1179] {strides = array<i32>} : memref<25x1x1664xf32, #tpu.memory_space<vmem>>, vector<16xf32>,
        %get3A_1181 = arith.constant 10 : i32
        %get3A_1182 = arith.constant 0 : i32
        %get3A_1183 = arith.index_cast %get3A_1181 : i32 to index
        %get3A_1184 = arith.index_cast %get3A_1182 : i32 to index
        %get3A_1185 = arith.index_cast %mul3A_1120 : i32 to index
        %get3A_1186 = tpu.vector_load %arg8[%get3A_1183, %get3A_1184, %get3A_1185] {strides = array<i32>} : memref<25x1x1664xf32, #tpu.memory_space<vmem>>, vector<16xf32>,
        %get3A_1187 = arith.constant 11 : i32
        %get3A_1188 = arith.constant 0 : i32
        %get3A_1189 = arith.index_cast %get3A_1187 : i32 to index
        %get3A_1190 = arith.index_cast %get3A_1188 : i32 to index
        %get3A_1191 = arith.index_cast %mul3A_1120 : i32 to index
        %get3A_1192 = tpu.vector_load %arg8[%get3A_1189, %get3A_1190, %get3A_1191] {strides = array<i32>} : memref<25x1x1664xf32, #tpu.memory_space<vmem>>, vector<16xf32>,
        %get3A_1193 = arith.constant 12 : i32
        %get3A_1194 = arith.constant 0 : i32
        %get3A_1195 = arith.index_cast %get3A_1193 : i32 to index
        %get3A_1196 = arith.index_cast %get3A_1194 : i32 to index
        %get3A_1197 = arith.index_cast %mul3A_1120 : i32 to index
        %get3A_1198 = tpu.vector_load %arg8[%get3A_1195, %get3A_1196, %get3A_1197] {strides = array<i32>} : memref<25x1x1664xf32, #tpu.memory_space<vmem>>, vector<16xf32>,
        %get3A_1199 = arith.constant 13 : i32
        %get3A_1200 = arith.constant 0 : i32
        %get3A_1201 = arith.index_cast %get3A_1199 : i32 to index
        %get3A_1202 = arith.index_cast %get3A_1200 : i32 to index
        %get3A_1203 = arith.index_cast %mul3A_1120 : i32 to index
        %get3A_1204 = tpu.vector_load %arg8[%get3A_1201, %get3A_1202, %get3A_1203] {strides = array<i32>} : memref<25x1x1664xf32, #tpu.memory_space<vmem>>, vector<16xf32>,
        %get3A_1205 = arith.constant 14 : i32
        %get3A_1206 = arith.constant 0 : i32
        %get3A_1207 = arith.index_cast %get3A_1205 : i32 to index
        %get3A_1208 = arith.index_cast %get3A_1206 : i32 to index
        %get3A_1209 = arith.index_cast %mul3A_1120 : i32 to index
        %get3A_1210 = tpu.vector_load %arg8[%get3A_1207, %get3A_1208, %get3A_1209] {strides = array<i32>} : memref<25x1x1664xf32, #tpu.memory_space<vmem>>, vector<16xf32>,
        %get3A_1211 = arith.constant 15 : i32
        %get3A_1212 = arith.constant 0 : i32
        %get3A_1213 = arith.index_cast %get3A_1211 : i32 to index
        %get3A_1214 = arith.index_cast %get3A_1212 : i32 to index
        %get3A_1215 = arith.index_cast %mul3A_1120 : i32 to index
        %get3A_1216 = tpu.vector_load %arg8[%get3A_1213, %get3A_1214, %get3A_1215] {strides = array<i32>} : memref<25x1x1664xf32, #tpu.memory_space<vmem>>, vector<16xf32>,
        %get3A_1217 = arith.constant 16 : i32
        %get3A_1218 = arith.constant 0 : i32
        %get3A_1219 = arith.index_cast %get3A_1217 : i32 to index
        %get3A_1220 = arith.index_cast %get3A_1218 : i32 to index
        %get3A_1221 = arith.index_cast %mul3A_1120 : i32 to index
        %get3A_1222 = tpu.vector_load %arg8[%get3A_1219, %get3A_1220, %get3A_1221] {strides = array<i32>} : memref<25x1x1664xf32, #tpu.memory_space<vmem>>, vector<16xf32>,
        %get3A_1223 = arith.constant 17 : i32
        %get3A_1224 = arith.constant 0 : i32
        %get3A_1225 = arith.index_cast %get3A_1223 : i32 to index
        %get3A_1226 = arith.index_cast %get3A_1224 : i32 to index
        %get3A_1227 = arith.index_cast %mul3A_1120 : i32 to index
        %get3A_1228 = tpu.vector_load %arg8[%get3A_1225, %get3A_1226, %get3A_1227] {strides = array<i32>} : memref<25x1x1664xf32, #tpu.memory_space<vmem>>, vector<16xf32>,
        %get3A_1229 = arith.constant 18 : i32
        %get3A_1230 = arith.constant 0 : i32
        %get3A_1231 = arith.index_cast %get3A_1229 : i32 to index
        %get3A_1232 = arith.index_cast %get3A_1230 : i32 to index
        %get3A_1233 = arith.index_cast %mul3A_1120 : i32 to index
        %get3A_1234 = tpu.vector_load %arg8[%get3A_1231, %get3A_1232, %get3A_1233] {strides = array<i32>} : memref<25x1x1664xf32, #tpu.memory_space<vmem>>, vector<16xf32>,
        %get3A_1235 = arith.constant 19 : i32
        %get3A_1236 = arith.constant 0 : i32
        %get3A_1237 = arith.index_cast %get3A_1235 : i32 to index
        %get3A_1238 = arith.index_cast %get3A_1236 : i32 to index
        %get3A_1239 = arith.index_cast %mul3A_1120 : i32 to index
        %get3A_1240 = tpu.vector_load %arg8[%get3A_1237, %get3A_1238, %get3A_1239] {strides = array<i32>} : memref<25x1x1664xf32, #tpu.memory_space<vmem>>, vector<16xf32>,
        %get3A_1241 = arith.constant 20 : i32
        %get3A_1242 = arith.constant 0 : i32
        %get3A_1243 = arith.index_cast %get3A_1241 : i32 to index
        %get3A_1244 = arith.index_cast %get3A_1242 : i32 to index
        %get3A_1245 = arith.index_cast %mul3A_1120 : i32 to index
        %get3A_1246 = tpu.vector_load %arg8[%get3A_1243, %get3A_1244, %get3A_1245] {strides = array<i32>} : memref<25x1x1664xf32, #tpu.memory_space<vmem>>, vector<16xf32>,
        %get3A_1247 = arith.constant 21 : i32
        %get3A_1248 = arith.constant 0 : i32
        %get3A_1249 = arith.index_cast %get3A_1247 : i32 to index
        %get3A_1250 = arith.index_cast %get3A_1248 : i32 to index
        %get3A_1251 = arith.index_cast %mul3A_1120 : i32 to index
        %get3A_1252 = tpu.vector_load %arg8[%get3A_1249, %get3A_1250, %get3A_1251] {strides = array<i32>} : memref<25x1x1664xf32, #tpu.memory_space<vmem>>, vector<16xf32>,
        %get3A_1253 = arith.constant 22 : i32
        %get3A_1254 = arith.constant 0 : i32
        %get3A_1255 = arith.index_cast %get3A_1253 : i32 to index
        %get3A_1256 = arith.index_cast %get3A_1254 : i32 to index
        %get3A_1257 = arith.index_cast %mul3A_1120 : i32 to index
        %get3A_1258 = tpu.vector_load %arg8[%get3A_1255, %get3A_1256, %get3A_1257] {strides = array<i32>} : memref<25x1x1664xf32, #tpu.memory_space<vmem>>, vector<16xf32>,
        %get3A_1259 = arith.constant 23 : i32
        %get3A_1260 = arith.constant 0 : i32
        %get3A_1261 = arith.index_cast %get3A_1259 : i32 to index
        %get3A_1262 = arith.index_cast %get3A_1260 : i32 to index
        %get3A_1263 = arith.index_cast %mul3A_1120 : i32 to index
        %get3A_1264 = tpu.vector_load %arg8[%get3A_1261, %get3A_1262, %get3A_1263] {strides = array<i32>} : memref<25x1x1664xf32, #tpu.memory_space<vmem>>, vector<16xf32>,
        %get3A_1265 = arith.constant 24 : i32
        %get3A_1266 = arith.constant 0 : i32
        %get3A_1267 = arith.index_cast %get3A_1265 : i32 to index
        %get3A_1268 = arith.index_cast %get3A_1266 : i32 to index
        %get3A_1269 = arith.index_cast %mul3A_1120 : i32 to index
        %get3A_1270 = tpu.vector_load %arg8[%get3A_1267, %get3A_1268, %get3A_1269] {strides = array<i32>} : memref<25x1x1664xf32, #tpu.memory_space<vmem>>, vector<16xf32>,
        %broadcast_in_dim3A_1271 = arith.constant 0 : i32
        %broadcast_in_dim3A_1272 = vector.broadcast %broadcast_in_dim3A_1271 : i32 to vector<16xi32>
        %broadcast_in_dim3A_1273 = arith.constant 1 : i32
        %broadcast_in_dim3A_1274 = vector.broadcast %broadcast_in_dim3A_1273 : i32 to vector<16xi32>
        %broadcast_in_dim3A_1275 = arith.constant 2 : i32
        %broadcast_in_dim3A_1276 = vector.broadcast %broadcast_in_dim3A_1275 : i32 to vector<16xi32>
        %broadcast_in_dim3A_1277 = arith.constant 3 : i32
        %broadcast_in_dim3A_1278 = vector.broadcast %broadcast_in_dim3A_1277 : i32 to vector<16xi32>
        %broadcast_in_dim3A_1279 = arith.constant 4 : i32
        %broadcast_in_dim3A_1280 = vector.broadcast %broadcast_in_dim3A_1279 : i32 to vector<16xi32>
        %broadcast_in_dim3A_1281 = arith.constant 5 : i32
        %broadcast_in_dim3A_1282 = vector.broadcast %broadcast_in_dim3A_1281 : i32 to vector<16xi32>
        %broadcast_in_dim3A_1283 = arith.constant 6 : i32
        %broadcast_in_dim3A_1284 = vector.broadcast %broadcast_in_dim3A_1283 : i32 to vector<16xi32>
        %broadcast_in_dim3A_1285 = arith.constant 7 : i32
        %broadcast_in_dim3A_1286 = vector.broadcast %broadcast_in_dim3A_1285 : i32 to vector<16xi32>
        %broadcast_in_dim3A_1287 = arith.constant 8 : i32
        %broadcast_in_dim3A_1288 = vector.broadcast %broadcast_in_dim3A_1287 : i32 to vector<16xi32>
        %broadcast_in_dim3A_1289 = arith.constant 9 : i32
        %broadcast_in_dim3A_1290 = vector.broadcast %broadcast_in_dim3A_1289 : i32 to vector<16xi32>
        %broadcast_in_dim3A_1291 = arith.constant 10 : i32
        %broadcast_in_dim3A_1292 = vector.broadcast %broadcast_in_dim3A_1291 : i32 to vector<16xi32>
        %broadcast_in_dim3A_1293 = arith.constant 11 : i32
        %broadcast_in_dim3A_1294 = vector.broadcast %broadcast_in_dim3A_1293 : i32 to vector<16xi32>
        %broadcast_in_dim3A_1295 = arith.constant 12 : i32
        %broadcast_in_dim3A_1296 = vector.broadcast %broadcast_in_dim3A_1295 : i32 to vector<16xi32>
        %broadcast_in_dim3A_1297 = arith.constant 13 : i32
        %broadcast_in_dim3A_1298 = vector.broadcast %broadcast_in_dim3A_1297 : i32 to vector<16xi32>
        %broadcast_in_dim3A_1299 = arith.constant 14 : i32
        %broadcast_in_dim3A_1300 = vector.broadcast %broadcast_in_dim3A_1299 : i32 to vector<16xi32>
        %broadcast_in_dim3A_1301 = arith.constant 15 : i32
        %broadcast_in_dim3A_1302 = vector.broadcast %broadcast_in_dim3A_1301 : i32 to vector<16xi32>
        %broadcast_in_dim3A_1303 = arith.constant 16 : i32
        %broadcast_in_dim3A_1304 = vector.broadcast %broadcast_in_dim3A_1303 : i32 to vector<16xi32>
        %broadcast_in_dim3A_1305 = arith.constant 17 : i32
        %broadcast_in_dim3A_1306 = vector.broadcast %broadcast_in_dim3A_1305 : i32 to vector<16xi32>
        %broadcast_in_dim3A_1307 = arith.constant 18 : i32
        %broadcast_in_dim3A_1308 = vector.broadcast %broadcast_in_dim3A_1307 : i32 to vector<16xi32>
        %broadcast_in_dim3A_1309 = arith.constant 19 : i32
        %broadcast_in_dim3A_1310 = vector.broadcast %broadcast_in_dim3A_1309 : i32 to vector<16xi32>
        %broadcast_in_dim3A_1311 = arith.constant 20 : i32
        %broadcast_in_dim3A_1312 = vector.broadcast %broadcast_in_dim3A_1311 : i32 to vector<16xi32>
        %ge3A_1313 = arith.cmpf oge, %get3A_1150, %get3A_1156 : vector<16xf32>
        %max3A_1314 = arith.maximumf %get3A_1150, %get3A_1156 : vector<16xf32>
        %select_n3A_1315 = arith.select %ge3A_1313, %broadcast_in_dim3A_1272, %broadcast_in_dim3A_1274 : vector<16xi1>, vector<16xi32>
        %ge3A_1316 = arith.cmpf oge, %get3A_1162, %get3A_1168 : vector<16xf32>
        %max3A_1317 = arith.maximumf %get3A_1162, %get3A_1168 : vector<16xf32>
        %select_n3A_1318 = arith.select %ge3A_1316, %broadcast_in_dim3A_1276, %broadcast_in_dim3A_1278 : vector<16xi1>, vector<16xi32>
        %ge3A_1319 = arith.cmpf oge, %get3A_1174, %get3A_1180 : vector<16xf32>
        %max3A_1320 = arith.maximumf %get3A_1174, %get3A_1180 : vector<16xf32>
        %select_n3A_1321 = arith.select %ge3A_1319, %broadcast_in_dim3A_1280, %broadcast_in_dim3A_1282 : vector<16xi1>, vector<16xi32>
        %ge3A_1322 = arith.cmpf oge, %get3A_1186, %get3A_1192 : vector<16xf32>
        %max3A_1323 = arith.maximumf %get3A_1186, %get3A_1192 : vector<16xf32>
        %select_n3A_1324 = arith.select %ge3A_1322, %broadcast_in_dim3A_1284, %broadcast_in_dim3A_1286 : vector<16xi1>, vector<16xi32>
        %ge3A_1325 = arith.cmpf oge, %get3A_1198, %get3A_1204 : vector<16xf32>
        %max3A_1326 = arith.maximumf %get3A_1198, %get3A_1204 : vector<16xf32>
        %select_n3A_1327 = arith.select %ge3A_1325, %broadcast_in_dim3A_1288, %broadcast_in_dim3A_1290 : vector<16xi1>, vector<16xi32>
        %ge3A_1328 = arith.cmpf oge, %get3A_1210, %get3A_1216 : vector<16xf32>
        %max3A_1329 = arith.maximumf %get3A_1210, %get3A_1216 : vector<16xf32>
        %select_n3A_1330 = arith.select %ge3A_1328, %broadcast_in_dim3A_1292, %broadcast_in_dim3A_1294 : vector<16xi1>, vector<16xi32>
        %ge3A_1331 = arith.cmpf oge, %get3A_1222, %get3A_1228 : vector<16xf32>
        %max3A_1332 = arith.maximumf %get3A_1222, %get3A_1228 : vector<16xf32>
        %select_n3A_1333 = arith.select %ge3A_1331, %broadcast_in_dim3A_1296, %broadcast_in_dim3A_1298 : vector<16xi1>, vector<16xi32>
        %ge3A_1334 = arith.cmpf oge, %get3A_1234, %get3A_1240 : vector<16xf32>
        %max3A_1335 = arith.maximumf %get3A_1234, %get3A_1240 : vector<16xf32>
        %select_n3A_1336 = arith.select %ge3A_1334, %broadcast_in_dim3A_1300, %broadcast_in_dim3A_1302 : vector<16xi1>, vector<16xi32>
        %ge3A_1337 = arith.cmpf oge, %get3A_1246, %get3A_1252 : vector<16xf32>
        %max3A_1338 = arith.maximumf %get3A_1246, %get3A_1252 : vector<16xf32>
        %select_n3A_1339 = arith.select %ge3A_1337, %broadcast_in_dim3A_1304, %broadcast_in_dim3A_1306 : vector<16xi1>, vector<16xi32>
        %ge3A_1340 = arith.cmpf oge, %get3A_1258, %get3A_1264 : vector<16xf32>
        %max3A_1341 = arith.maximumf %get3A_1258, %get3A_1264 : vector<16xf32>
        %select_n3A_1342 = arith.select %ge3A_1340, %broadcast_in_dim3A_1308, %broadcast_in_dim3A_1310 : vector<16xi1>, vector<16xi32>
        %ge3A_1343 = arith.cmpf oge, %max3A_1314, %max3A_1317 : vector<16xf32>
        %max3A_1344 = arith.maximumf %max3A_1314, %max3A_1317 : vector<16xf32>
        %select_n3A_1345 = arith.select %ge3A_1343, %select_n3A_1315, %select_n3A_1318 : vector<16xi1>, vector<16xi32>
        %ge3A_1346 = arith.cmpf oge, %max3A_1320, %max3A_1323 : vector<16xf32>
        %max3A_1347 = arith.maximumf %max3A_1320, %max3A_1323 : vector<16xf32>
        %select_n3A_1348 = arith.select %ge3A_1346, %select_n3A_1321, %select_n3A_1324 : vector<16xi1>, vector<16xi32>
        %ge3A_1349 = arith.cmpf oge, %max3A_1326, %max3A_1329 : vector<16xf32>
        %max3A_1350 = arith.maximumf %max3A_1326, %max3A_1329 : vector<16xf32>
        %select_n3A_1351 = arith.select %ge3A_1349, %select_n3A_1327, %select_n3A_1330 : vector<16xi1>, vector<16xi32>
        %ge3A_1352 = arith.cmpf oge, %max3A_1332, %max3A_1335 : vector<16xf32>
        %max3A_1353 = arith.maximumf %max3A_1332, %max3A_1335 : vector<16xf32>
        %select_n3A_1354 = arith.select %ge3A_1352, %select_n3A_1333, %select_n3A_1336 : vector<16xi1>, vector<16xi32>
        %ge3A_1355 = arith.cmpf oge, %max3A_1338, %max3A_1341 : vector<16xf32>
        %max3A_1356 = arith.maximumf %max3A_1338, %max3A_1341 : vector<16xf32>
        %select_n3A_1357 = arith.select %ge3A_1355, %select_n3A_1339, %select_n3A_1342 : vector<16xi1>, vector<16xi32>
        %ge3A_1358 = arith.cmpf oge, %max3A_1344, %max3A_1347 : vector<16xf32>
        %max3A_1359 = arith.maximumf %max3A_1344, %max3A_1347 : vector<16xf32>
        %select_n3A_1360 = arith.select %ge3A_1358, %select_n3A_1345, %select_n3A_1348 : vector<16xi1>, vector<16xi32>
        %ge3A_1361 = arith.cmpf oge, %max3A_1350, %max3A_1353 : vector<16xf32>
        %max3A_1362 = arith.maximumf %max3A_1350, %max3A_1353 : vector<16xf32>
        %select_n3A_1363 = arith.select %ge3A_1361, %select_n3A_1351, %select_n3A_1354 : vector<16xi1>, vector<16xi32>
        %ge3A_1364 = arith.cmpf oge, %max3A_1356, %get3A_1270 : vector<16xf32>
        %max3A_1365 = arith.maximumf %max3A_1356, %get3A_1270 : vector<16xf32>
        %select_n3A_1366 = arith.select %ge3A_1364, %select_n3A_1357, %broadcast_in_dim3A_1312 : vector<16xi1>, vector<16xi32>
        %ge3A_1367 = arith.cmpf oge, %max3A_1359, %max3A_1362 : vector<16xf32>
        %max3A_1368 = arith.maximumf %max3A_1359, %max3A_1362 : vector<16xf32>
        %select_n3A_1369 = arith.select %ge3A_1367, %select_n3A_1360, %select_n3A_1363 : vector<16xi1>, vector<16xi32>
        %ge3A_1370 = arith.cmpf oge, %max3A_1368, %max3A_1365 : vector<16xf32>
        %max3A_1371 = arith.maximumf %max3A_1368, %max3A_1365 : vector<16xf32>
        %select_n3A_1372 = arith.select %ge3A_1370, %select_n3A_1369, %select_n3A_1366 : vector<16xi1>, vector<16xi32>
        %get3A_1373 = arith.constant 0 : i32
        %get3A_1374 = arith.index_cast %get3A_1373 : i32 to index
        %get3A_1375 = arith.index_cast %mul3A_1120 : i32 to index
        %get3A_1376 = tpu.vector_load %arg10[%get3A_1374, %get3A_1375] {strides = array<i32>} : memref<4x1664xf32, #tpu.memory_space<vmem>>, vector<16xf32>,
        %get3A_1377 = arith.constant 1 : i32
        %get3A_1378 = arith.index_cast %get3A_1377 : i32 to index
        %get3A_1379 = arith.index_cast %mul3A_1120 : i32 to index
        %get3A_1380 = tpu.vector_load %arg10[%get3A_1378, %get3A_1379] {strides = array<i32>} : memref<4x1664xf32, #tpu.memory_space<vmem>>, vector<16xf32>,
        %get3A_1381 = arith.constant 2 : i32
        %get3A_1382 = arith.index_cast %get3A_1381 : i32 to index
        %get3A_1383 = arith.index_cast %mul3A_1120 : i32 to index
        %get3A_1384 = tpu.vector_load %arg10[%get3A_1382, %get3A_1383] {strides = array<i32>} : memref<4x1664xf32, #tpu.memory_space<vmem>>, vector<16xf32>,
        %get3A_1385 = arith.constant 3 : i32
        %get3A_1386 = arith.index_cast %get3A_1385 : i32 to index
        %get3A_1387 = arith.index_cast %mul3A_1120 : i32 to index
        %get3A_1388 = tpu.vector_load %arg10[%get3A_1386, %get3A_1387] {strides = array<i32>} : memref<4x1664xf32, #tpu.memory_space<vmem>>, vector<16xf32>,
        %add3A_1389 = arith.addf %get3A_1384, %get3A_1376 : vector<16xf32>
        %mul3A_1390 = arith.constant 5.000000e-01 : f32
        %mul3A_1391 = vector.broadcast %mul3A_1390 : f32 to vector<16xf32>
        %mul3A_1392 = arith.mulf %add3A_1389, %mul3A_1391 : vector<16xf32>
        %add3A_1393 = arith.addf %get3A_1388, %get3A_1380 : vector<16xf32>
        %mul3A_1394 = arith.constant 5.000000e-01 : f32
        %mul3A_1395 = vector.broadcast %mul3A_1394 : f32 to vector<16xf32>
        %mul3A_1396 = arith.mulf %add3A_1393, %mul3A_1395 : vector<16xf32>
        %sub3A_1397 = arith.subf %get3A_1384, %get3A_1376 : vector<16xf32>
        %sub3A_1398 = arith.subf %get3A_1388, %get3A_1380 : vector<16xf32>
        %mul3A_1399 = arith.mulf %get3A_1126, %sub3A_1397 : vector<16xf32>
        %add3A_1400 = arith.addf %mul3A_1399, %mul3A_1392 : vector<16xf32>
        %mul3A_1401 = arith.mulf %get3A_1132, %sub3A_1398 : vector<16xf32>
        %add3A_1402 = arith.addf %mul3A_1401, %mul3A_1396 : vector<16xf32>
        %exp3A_1403 = math.exp %get3A_1138 : vector<16xf32>
        %mul3A_1404 = arith.mulf %exp3A_1403, %sub3A_1397 : vector<16xf32>
        %exp3A_1405 = math.exp %get3A_1144 : vector<16xf32>
        %mul3A_1406 = arith.mulf %exp3A_1405, %sub3A_1398 : vector<16xf32>
        %ne3A_1407 = arith.constant 0 : i32
        %ne3A_1408 = vector.broadcast %ne3A_1407 : i32 to vector<16xi32>
        %ne3A_1409 = arith.cmpi ne, %select_n3A_1372, %ne3A_1408 : vector<16xi32>
        %convert_element_type3A_1410 = arith.extui %ne3A_1409 : vector<16xi1> to vector<16xi32>
        %convert_element_type3A_1411 = arith.sitofp %convert_element_type3A_1410 : vector<16xi32> to vector<16xf32>
        %mul3A_1412 = arith.constant 5.000000e-01 : f32
        %mul3A_1413 = vector.broadcast %mul3A_1412 : f32 to vector<16xf32>
        %mul3A_1414 = arith.mulf %mul3A_1404, %mul3A_1413 : vector<16xf32>
        %sub3A_1415 = arith.subf %add3A_1400, %mul3A_1414 : vector<16xf32>
        %jit3A_1416 = arith.constant 0.000000e+00 : f32
        %jit3A_1417 = arith.constant 1.000000e+00 : f32
        %max3A_1418 = vector.broadcast %jit3A_1416 : f32 to vector<16xf32>
        %max3A_1419 = arith.maximumf %max3A_1418, %sub3A_1415 : vector<16xf32>
        %min3A_1420 = vector.broadcast %jit3A_1417 : f32 to vector<16xf32>
        %min3A_1421 = arith.minimumf %min3A_1420, %max3A_1419 : vector<16xf32>
        %mul3A_1422 = arith.mulf %min3A_1421, %convert_element_type3A_1411 : vector<16xf32>
        %swap3A_1423 = arith.constant 0 : i32
        %swap3A_1424 = arith.constant 0 : i32
        %swap3A_1425 = arith.index_cast %swap3A_1423 : i32 to index
        %swap3A_1426 = arith.index_cast %swap3A_1424 : i32 to index
        %swap3A_1427 = arith.index_cast %mul3A_1120 : i32 to index
        %swap3A_1428 = tpu.vector_load %arg12[%swap3A_1425, %swap3A_1426, %swap3A_1427] {strides = array<i32>} : memref<1x4x1664xf32, #tpu.memory_space<vmem>>, vector<16xf32>,
        tpu.vector_store %arg12[%swap3A_1425, %swap3A_1426, %swap3A_1427], %mul3A_1422 {strides = array<i32>} : memref<1x4x1664xf32, #tpu.memory_space<vmem>>, vector<16xf32>,
        %mul3A_1429 = arith.constant 5.000000e-01 : f32
        %mul3A_1430 = vector.broadcast %mul3A_1429 : f32 to vector<16xf32>
        %mul3A_1431 = arith.mulf %mul3A_1406, %mul3A_1430 : vector<16xf32>
        %sub3A_1432 = arith.subf %add3A_1402, %mul3A_1431 : vector<16xf32>
        %jit3A_1433 = arith.constant 0.000000e+00 : f32
        %jit3A_1434 = arith.constant 1.000000e+00 : f32
        %max3A_1435 = vector.broadcast %jit3A_1433 : f32 to vector<16xf32>
        %max3A_1436 = arith.maximumf %max3A_1435, %sub3A_1432 : vector<16xf32>
        %min3A_1437 = vector.broadcast %jit3A_1434 : f32 to vector<16xf32>
        %min3A_1438 = arith.minimumf %min3A_1437, %max3A_1436 : vector<16xf32>
        %mul3A_1439 = arith.mulf %min3A_1438, %convert_element_type3A_1411 : vector<16xf32>
        %swap3A_1440 = arith.constant 0 : i32
        %swap3A_1441 = arith.constant 1 : i32
        %swap3A_1442 = arith.index_cast %swap3A_1440 : i32 to index
        %swap3A_1443 = arith.index_cast %swap3A_1441 : i32 to index
        %swap3A_1444 = arith.index_cast %mul3A_1120 : i32 to index
        %swap3A_1445 = tpu.vector_load %arg12[%swap3A_1442, %swap3A_1443, %swap3A_1444] {strides = array<i32>} : memref<1x4x1664xf32, #tpu.memory_space<vmem>>, vector<16xf32>,
        tpu.vector_store %arg12[%swap3A_1442, %swap3A_1443, %swap3A_1444], %mul3A_1439 {strides = array<i32>} : memref<1x4x1664xf32, #tpu.memory_space<vmem>>, vector<16xf32>,
        %mul3A_1446 = arith.constant 5.000000e-01 : f32
        %mul3A_1447 = vector.broadcast %mul3A_1446 : f32 to vector<16xf32>
        %mul3A_1448 = arith.mulf %mul3A_1404, %mul3A_1447 : vector<16xf32>
        %add3A_1449 = arith.addf %add3A_1400, %mul3A_1448 : vector<16xf32>
        %jit3A_1450 = arith.constant 0.000000e+00 : f32
        %jit3A_1451 = arith.constant 1.000000e+00 : f32
        %max3A_1452 = vector.broadcast %jit3A_1450 : f32 to vector<16xf32>
        %max3A_1453 = arith.maximumf %max3A_1452, %add3A_1449 : vector<16xf32>
        %min3A_1454 = vector.broadcast %jit3A_1451 : f32 to vector<16xf32>
        %min3A_1455 = arith.minimumf %min3A_1454, %max3A_1453 : vector<16xf32>
        %mul3A_1456 = arith.mulf %min3A_1455, %convert_element_type3A_1411 : vector<16xf32>
        %swap3A_1457 = arith.constant 0 : i32
        %swap3A_1458 = arith.constant 2 : i32
        %swap3A_1459 = arith.index_cast %swap3A_1457 : i32 to index
        %swap3A_1460 = arith.index_cast %swap3A_1458 : i32 to index
        %swap3A_1461 = arith.index_cast %mul3A_1120 : i32 to index
        %swap3A_1462 = tpu.vector_load %arg12[%swap3A_1459, %swap3A_1460, %swap3A_1461] {strides = array<i32>} : memref<1x4x1664xf32, #tpu.memory_space<vmem>>, vector<16xf32>,
        tpu.vector_store %arg12[%swap3A_1459, %swap3A_1460, %swap3A_1461], %mul3A_1456 {strides = array<i32>} : memref<1x4x1664xf32, #tpu.memory_space<vmem>>, vector<16xf32>,
        %mul3A_1463 = arith.constant 5.000000e-01 : f32
        %mul3A_1464 = vector.broadcast %mul3A_1463 : f32 to vector<16xf32>
        %mul3A_1465 = arith.mulf %mul3A_1406, %mul3A_1464 : vector<16xf32>
        %add3A_1466 = arith.addf %add3A_1402, %mul3A_1465 : vector<16xf32>
        %jit3A_1467 = arith.constant 0.000000e+00 : f32
        %jit3A_1468 = arith.constant 1.000000e+00 : f32
        %max3A_1469 = vector.broadcast %jit3A_1467 : f32 to vector<16xf32>
        %max3A_1470 = arith.maximumf %max3A_1469, %add3A_1466 : vector<16xf32>
        %min3A_1471 = vector.broadcast %jit3A_1468 : f32 to vector<16xf32>
        %min3A_1472 = arith.minimumf %min3A_1471, %max3A_1470 : vector<16xf32>
        %mul3A_1473 = arith.mulf %min3A_1472, %convert_element_type3A_1411 : vector<16xf32>
        %swap3A_1474 = arith.constant 0 : i32
        %swap3A_1475 = arith.constant 3 : i32
        %swap3A_1476 = arith.index_cast %swap3A_1474 : i32 to index
        %swap3A_1477 = arith.index_cast %swap3A_1475 : i32 to index
        %swap3A_1478 = arith.index_cast %mul3A_1120 : i32 to index
        %swap3A_1479 = tpu.vector_load %arg12[%swap3A_1476, %swap3A_1477, %swap3A_1478] {strides = array<i32>} : memref<1x4x1664xf32, #tpu.memory_space<vmem>>, vector<16xf32>,
        tpu.vector_store %arg12[%swap3A_1476, %swap3A_1477, %swap3A_1478], %mul3A_1473 {strides = array<i32>} : memref<1x4x1664xf32, #tpu.memory_space<vmem>>, vector<16xf32>,
        %mul3A_1480 = arith.mulf %max3A_1371, %convert_element_type3A_1411 : vector<16xf32>
        %swap3A_1481 = arith.constant 0 : i32
        %swap3A_1482 = arith.index_cast %swap3A_1481 : i32 to index
        %swap3A_1483 = arith.index_cast %mul3A_1120 : i32 to index
        %swap3A_1484 = tpu.vector_load %arg14[%swap3A_1482, %swap3A_1483] {strides = array<i32>} : memref<1x1664xf32, #tpu.memory_space<vmem>>, vector<16xf32>,
        tpu.vector_store %arg14[%swap3A_1482, %swap3A_1483], %mul3A_1480 {strides = array<i32>} : memref<1x1664xf32, #tpu.memory_space<vmem>>, vector<16xf32>,
        %swap3A_1485 = arith.constant 0 : i32
        %swap3A_1486 = arith.index_cast %swap3A_1485 : i32 to index
        %swap3A_1487 = arith.index_cast %mul3A_1120 : i32 to index
        %swap3A_1488 = tpu.vector_load %arg16[%swap3A_1486, %swap3A_1487] {strides = array<i32>} : memref<1x1664xi32, #tpu.memory_space<vmem>>, vector<16xi32>,
        tpu.vector_store %arg16[%swap3A_1486, %swap3A_1487], %select_n3A_1372 {strides = array<i32>} : memref<1x1664xi32, #tpu.memory_space<vmem>>, vector<16xi32>,
        %convert_element_type3A_1489 = arith.extui %ne3A_1409 : vector<16xi1> to vector<16xi32>
        %add3A_1490 = arith.addi %scan3A_1118, %convert_element_type3A_1489 : vector<16xi32>
        scf.yield %add3A_1490 : vector<16xi32>
      }
      %scan3A_1093 = arith.constant 104 : i32
      %mul3A_1094 = arith.constant 9984 : i32
      %mul3A_1095 = arith.muli %arg0, %mul3A_1094 : i32
      %mul3A_1096 = arith.constant 1664 : i32
      %mul3A_1097 = arith.muli %add3A_948, %mul3A_1096 : i32
      %add3A_1098 = arith.addi %mul3A_1095, %mul3A_1097 : i32
      %dma_start3A_1099 = arith.constant 0 : i32
      %dma_start3A_1100 = tpu.memref_slice %arg4[%arg1, %dma_start3A_1099, %add3A_1098] : memref<16x4x20000xf32, #tpu.memory_space<hbm>> -> memref<1x4x1664xf32, #tpu.memory_space<hbm>>
      %dma_start3A_1101 = arith.constant 0 : i32
      %dma_start3A_1102 = tpu.memref_slice %arg4[%arg1, %dma_start3A_1101, %add3A_1098] : memref<16x4x20000xf32, #tpu.memory_space<hbm>> -> memref<1x4x1664xf32, #tpu.memory_space<hbm>>
      tpu.enqueue_dma source(%arg12 : memref<1x4x1664xf32, #tpu.memory_space<vmem>>) target(%dma_start3A_1102 : memref<1x4x1664xf32, #tpu.memory_space<hbm>>) target_semaphore(%arg26 : memref<!tpu.dma_semaphore, #tpu.memory_space<semaphore_mem>>)
      %mul3A_1103 = arith.constant 9984 : i32
      %mul3A_1104 = arith.muli %arg0, %mul3A_1103 : i32
      %mul3A_1105 = arith.constant 1664 : i32
      %mul3A_1106 = arith.muli %add3A_948, %mul3A_1105 : i32
      %add3A_1107 = arith.addi %mul3A_1104, %mul3A_1106 : i32
      %dma_start3A_1108 = tpu.memref_slice %arg5[%arg1, %add3A_1107] : memref<16x20000xf32, #tpu.memory_space<hbm>> -> memref<1x1664xf32, #tpu.memory_space<hbm>>
      %dma_start3A_1109 = tpu.memref_slice %arg5[%arg1, %add3A_1107] : memref<16x20000xf32, #tpu.memory_space<hbm>> -> memref<1x1664xf32, #tpu.memory_space<hbm>>
      tpu.enqueue_dma source(%arg14 : memref<1x1664xf32, #tpu.memory_space<vmem>>) target(%dma_start3A_1109 : memref<1x1664xf32, #tpu.memory_space<hbm>>) target_semaphore(%arg26 : memref<!tpu.dma_semaphore, #tpu.memory_space<semaphore_mem>>)
      %mul3A_1110 = arith.constant 9984 : i32
      %mul3A_1111 = arith.muli %arg0, %mul3A_1110 : i32
      %mul3A_1112 = arith.constant 1664 : i32
      %mul3A_1113 = arith.muli %add3A_948, %mul3A_1112 : i32
      %add3A_1114 = arith.addi %mul3A_1111, %mul3A_1113 : i32
      %dma_start3A_1115 = tpu.memref_slice %arg6[%arg1, %add3A_1114] : memref<16x20000xi32, #tpu.memory_space<hbm>> -> memref<1x1664xi32, #tpu.memory_space<hbm>>
      %dma_start3A_1116 = tpu.memref_slice %arg6[%arg1, %add3A_1114] : memref<16x20000xi32, #tpu.memory_space<hbm>> -> memref<1x1664xi32, #tpu.memory_space<hbm>>
      tpu.enqueue_dma source(%arg16 : memref<1x1664xi32, #tpu.memory_space<vmem>>) target(%dma_start3A_1116 : memref<1x1664xi32, #tpu.memory_space<hbm>>) target_semaphore(%arg26 : memref<!tpu.dma_semaphore, #tpu.memory_space<semaphore_mem>>)
      scf.yield %scan3A_1092 : vector<16xi32>
    }
    %scan3A_98 = arith.constant 2 : i32
    %mul3A_99 = arith.constant 9984 : i32
    %mul3A_100 = arith.muli %arg0, %mul3A_99 : i32
    %add3A_101 = arith.constant 0 : i32
    %add3A_102 = arith.addi %mul3A_100, %add3A_101 : i32
    %dma_wait3A_103 = arith.constant 0 : i32
    %dma_wait3A_104 = tpu.memref_slice %arg2[%dma_wait3A_103, %arg1, %add3A_102] : memref<25x16x20000xf32, #tpu.memory_space<hbm>> -> memref<25x1x1664xf32, #tpu.memory_space<hbm>>
    %dma_wait3A_105 = arith.constant 0 : i32
    %dma_wait3A_106 = tpu.memref_slice %arg2[%dma_wait3A_105, %arg1, %add3A_102] : memref<25x16x20000xf32, #tpu.memory_space<hbm>> -> memref<25x1x1664xf32, #tpu.memory_space<hbm>>
    tpu.wait_dma2 semaphore(%arg25 : memref<!tpu.dma_semaphore, #tpu.memory_space<semaphore_mem>>) src(%dma_wait3A_106 : memref<25x1x1664xf32, #tpu.memory_space<hbm>>) dst(%arg9 : memref<25x1x1664xf32, #tpu.memory_space<vmem>>)
    %mul3A_107 = arith.constant 9984 : i32
    %mul3A_108 = arith.muli %arg0, %mul3A_107 : i32
    %add3A_109 = arith.constant 0 : i32
    %add3A_110 = arith.addi %mul3A_108, %add3A_109 : i32
    %dma_wait3A_111 = arith.constant 0 : i32
    %dma_wait3A_112 = tpu.memref_slice %arg3[%dma_wait3A_111, %add3A_110] : memref<4x20000xf32, #tpu.memory_space<hbm>> -> memref<4x1664xf32, #tpu.memory_space<hbm>>
    %dma_wait3A_113 = arith.constant 0 : i32
    %dma_wait3A_114 = tpu.memref_slice %arg3[%dma_wait3A_113, %add3A_110] : memref<4x20000xf32, #tpu.memory_space<hbm>> -> memref<4x1664xf32, #tpu.memory_space<hbm>>
    tpu.wait_dma2 semaphore(%arg25 : memref<!tpu.dma_semaphore, #tpu.memory_space<semaphore_mem>>) src(%dma_wait3A_114 : memref<4x1664xf32, #tpu.memory_space<hbm>>) dst(%arg11 : memref<4x1664xf32, #tpu.memory_space<vmem>>)
    %mul3A_115 = arith.constant 9984 : i32
    %mul3A_116 = arith.muli %arg0, %mul3A_115 : i32
    %add3A_117 = arith.constant 0 : i32
    %add3A_118 = arith.addi %mul3A_116, %add3A_117 : i32
    %dma_wait3A_119 = arith.constant 0 : i32
    %dma_wait3A_120 = tpu.memref_slice %arg4[%arg1, %dma_wait3A_119, %add3A_118] : memref<16x4x20000xf32, #tpu.memory_space<hbm>> -> memref<1x4x1664xf32, #tpu.memory_space<hbm>>
    %dma_wait3A_121 = arith.constant 0 : i32
    %dma_wait3A_122 = tpu.memref_slice %arg4[%arg1, %dma_wait3A_121, %add3A_118] : memref<16x4x20000xf32, #tpu.memory_space<hbm>> -> memref<1x4x1664xf32, #tpu.memory_space<hbm>>
    tpu.wait_dma2 semaphore(%arg27 : memref<!tpu.dma_semaphore, #tpu.memory_space<semaphore_mem>>) src(%arg13 : memref<1x4x1664xf32, #tpu.memory_space<vmem>>) dst(%dma_wait3A_122 : memref<1x4x1664xf32, #tpu.memory_space<hbm>>)
    %mul3A_123 = arith.constant 9984 : i32
    %mul3A_124 = arith.muli %arg0, %mul3A_123 : i32
    %add3A_125 = arith.constant 0 : i32
    %add3A_126 = arith.addi %mul3A_124, %add3A_125 : i32
    %dma_wait3A_127 = tpu.memref_slice %arg5[%arg1, %add3A_126] : memref<16x20000xf32, #tpu.memory_space<hbm>> -> memref<1x1664xf32, #tpu.memory_space<hbm>>
    %dma_wait3A_128 = tpu.memref_slice %arg5[%arg1, %add3A_126] : memref<16x20000xf32, #tpu.memory_space<hbm>> -> memref<1x1664xf32, #tpu.memory_space<hbm>>
    tpu.wait_dma2 semaphore(%arg27 : memref<!tpu.dma_semaphore, #tpu.memory_space<semaphore_mem>>) src(%arg15 : memref<1x1664xf32, #tpu.memory_space<vmem>>) dst(%dma_wait3A_128 : memref<1x1664xf32, #tpu.memory_space<hbm>>)
    %mul3A_129 = arith.constant 9984 : i32
    %mul3A_130 = arith.muli %arg0, %mul3A_129 : i32
    %add3A_131 = arith.constant 0 : i32
    %add3A_132 = arith.addi %mul3A_130, %add3A_131 : i32
    %dma_wait3A_133 = tpu.memref_slice %arg6[%arg1, %add3A_132] : memref<16x20000xi32, #tpu.memory_space<hbm>> -> memref<1x1664xi32, #tpu.memory_space<hbm>>
    %dma_wait3A_134 = tpu.memref_slice %arg6[%arg1, %add3A_132] : memref<16x20000xi32, #tpu.memory_space<hbm>> -> memref<1x1664xi32, #tpu.memory_space<hbm>>
    tpu.wait_dma2 semaphore(%arg27 : memref<!tpu.dma_semaphore, #tpu.memory_space<semaphore_mem>>) src(%arg17 : memref<1x1664xi32, #tpu.memory_space<vmem>>) dst(%dma_wait3A_134 : memref<1x1664xi32, #tpu.memory_space<hbm>>)
    %scan3A_135 = arith.constant 0 : i32
    %scan3A_136 = arith.constant 104 : i32
    %scan3A_137 = arith.addi %scan3A_135, %scan3A_136 : i32
    %scan3A_138 = arith.constant 1 : i32
    %scan3A_139 = scf.for %scan3A_939 = %scan3A_135 to %scan3A_137 step %scan3A_138 iter_args(%scan3A_940 = %scan3A_97) -> (vector<16xi32>)  : i32 {
      %mul3A_941 = arith.constant 16 : i32
      %mul3A_942 = arith.muli %scan3A_939, %mul3A_941 : i32
      %get3A_943 = arith.constant 0 : i32
      %get3A_944 = arith.constant 0 : i32
      %get3A_945 = arith.index_cast %get3A_943 : i32 to index
      %get3A_946 = arith.index_cast %get3A_944 : i32 to index
      %get3A_947 = arith.index_cast %mul3A_942 : i32 to index
      %get3A_948 = tpu.vector_load %arg9[%get3A_945, %get3A_946, %get3A_947] {strides = array<i32>} : memref<25x1x1664xf32, #tpu.memory_space<vmem>>, vector<16xf32>,
      %get3A_949 = arith.constant 1 : i32
      %get3A_950 = arith.constant 0 : i32
      %get3A_951 = arith.index_cast %get3A_949 : i32 to index
      %get3A_952 = arith.index_cast %get3A_950 : i32 to index
      %get3A_953 = arith.index_cast %mul3A_942 : i32 to index
      %get3A_954 = tpu.vector_load %arg9[%get3A_951, %get3A_952, %get3A_953] {strides = array<i32>} : memref<25x1x1664xf32, #tpu.memory_space<vmem>>, vector<16xf32>,
      %get3A_955 = arith.constant 2 : i32
      %get3A_956 = arith.constant 0 : i32
      %get3A_957 = arith.index_cast %get3A_955 : i32 to index
      %get3A_958 = arith.index_cast %get3A_956 : i32 to index
      %get3A_959 = arith.index_cast %mul3A_942 : i32 to index
      %get3A_960 = tpu.vector_load %arg9[%get3A_957, %get3A_958, %get3A_959] {strides = array<i32>} : memref<25x1x1664xf32, #tpu.memory_space<vmem>>, vector<16xf32>,
      %get3A_961 = arith.constant 3 : i32
      %get3A_962 = arith.constant 0 : i32
      %get3A_963 = arith.index_cast %get3A_961 : i32 to index
      %get3A_964 = arith.index_cast %get3A_962 : i32 to index
      %get3A_965 = arith.index_cast %mul3A_942 : i32 to index
      %get3A_966 = tpu.vector_load %arg9[%get3A_963, %get3A_964, %get3A_965] {strides = array<i32>} : memref<25x1x1664xf32, #tpu.memory_space<vmem>>, vector<16xf32>,
      %get3A_967 = arith.constant 4 : i32
      %get3A_968 = arith.constant 0 : i32
      %get3A_969 = arith.index_cast %get3A_967 : i32 to index
      %get3A_970 = arith.index_cast %get3A_968 : i32 to index
      %get3A_971 = arith.index_cast %mul3A_942 : i32 to index
      %get3A_972 = tpu.vector_load %arg9[%get3A_969, %get3A_970, %get3A_971] {strides = array<i32>} : memref<25x1x1664xf32, #tpu.memory_space<vmem>>, vector<16xf32>,
      %get3A_973 = arith.constant 5 : i32
      %get3A_974 = arith.constant 0 : i32
      %get3A_975 = arith.index_cast %get3A_973 : i32 to index
      %get3A_976 = arith.index_cast %get3A_974 : i32 to index
      %get3A_977 = arith.index_cast %mul3A_942 : i32 to index
      %get3A_978 = tpu.vector_load %arg9[%get3A_975, %get3A_976, %get3A_977] {strides = array<i32>} : memref<25x1x1664xf32, #tpu.memory_space<vmem>>, vector<16xf32>,
      %get3A_979 = arith.constant 6 : i32
      %get3A_980 = arith.constant 0 : i32
      %get3A_981 = arith.index_cast %get3A_979 : i32 to index
      %get3A_982 = arith.index_cast %get3A_980 : i32 to index
      %get3A_983 = arith.index_cast %mul3A_942 : i32 to index
      %get3A_984 = tpu.vector_load %arg9[%get3A_981, %get3A_982, %get3A_983] {strides = array<i32>} : memref<25x1x1664xf32, #tpu.memory_space<vmem>>, vector<16xf32>,
      %get3A_985 = arith.constant 7 : i32
      %get3A_986 = arith.constant 0 : i32
      %get3A_987 = arith.index_cast %get3A_985 : i32 to index
      %get3A_988 = arith.index_cast %get3A_986 : i32 to index
      %get3A_989 = arith.index_cast %mul3A_942 : i32 to index
      %get3A_990 = tpu.vector_load %arg9[%get3A_987, %get3A_988, %get3A_989] {strides = array<i32>} : memref<25x1x1664xf32, #tpu.memory_space<vmem>>, vector<16xf32>,
      %get3A_991 = arith.constant 8 : i32
      %get3A_992 = arith.constant 0 : i32
      %get3A_993 = arith.index_cast %get3A_991 : i32 to index
      %get3A_994 = arith.index_cast %get3A_992 : i32 to index
      %get3A_995 = arith.index_cast %mul3A_942 : i32 to index
      %get3A_996 = tpu.vector_load %arg9[%get3A_993, %get3A_994, %get3A_995] {strides = array<i32>} : memref<25x1x1664xf32, #tpu.memory_space<vmem>>, vector<16xf32>,
      %get3A_997 = arith.constant 9 : i32
      %get3A_998 = arith.constant 0 : i32
      %get3A_999 = arith.index_cast %get3A_997 : i32 to index
      %get3A_1000 = arith.index_cast %get3A_998 : i32 to index
      %get3A_1001 = arith.index_cast %mul3A_942 : i32 to index
      %get3A_1002 = tpu.vector_load %arg9[%get3A_999, %get3A_1000, %get3A_1001] {strides = array<i32>} : memref<25x1x1664xf32, #tpu.memory_space<vmem>>, vector<16xf32>,
      %get3A_1003 = arith.constant 10 : i32
      %get3A_1004 = arith.constant 0 : i32
      %get3A_1005 = arith.index_cast %get3A_1003 : i32 to index
      %get3A_1006 = arith.index_cast %get3A_1004 : i32 to index
      %get3A_1007 = arith.index_cast %mul3A_942 : i32 to index
      %get3A_1008 = tpu.vector_load %arg9[%get3A_1005, %get3A_1006, %get3A_1007] {strides = array<i32>} : memref<25x1x1664xf32, #tpu.memory_space<vmem>>, vector<16xf32>,
      %get3A_1009 = arith.constant 11 : i32
      %get3A_1010 = arith.constant 0 : i32
      %get3A_1011 = arith.index_cast %get3A_1009 : i32 to index
      %get3A_1012 = arith.index_cast %get3A_1010 : i32 to index
      %get3A_1013 = arith.index_cast %mul3A_942 : i32 to index
      %get3A_1014 = tpu.vector_load %arg9[%get3A_1011, %get3A_1012, %get3A_1013] {strides = array<i32>} : memref<25x1x1664xf32, #tpu.memory_space<vmem>>, vector<16xf32>,
      %get3A_1015 = arith.constant 12 : i32
      %get3A_1016 = arith.constant 0 : i32
      %get3A_1017 = arith.index_cast %get3A_1015 : i32 to index
      %get3A_1018 = arith.index_cast %get3A_1016 : i32 to index
      %get3A_1019 = arith.index_cast %mul3A_942 : i32 to index
      %get3A_1020 = tpu.vector_load %arg9[%get3A_1017, %get3A_1018, %get3A_1019] {strides = array<i32>} : memref<25x1x1664xf32, #tpu.memory_space<vmem>>, vector<16xf32>,
      %get3A_1021 = arith.constant 13 : i32
      %get3A_1022 = arith.constant 0 : i32
      %get3A_1023 = arith.index_cast %get3A_1021 : i32 to index
      %get3A_1024 = arith.index_cast %get3A_1022 : i32 to index
      %get3A_1025 = arith.index_cast %mul3A_942 : i32 to index
      %get3A_1026 = tpu.vector_load %arg9[%get3A_1023, %get3A_1024, %get3A_1025] {strides = array<i32>} : memref<25x1x1664xf32, #tpu.memory_space<vmem>>, vector<16xf32>,
      %get3A_1027 = arith.constant 14 : i32
      %get3A_1028 = arith.constant 0 : i32
      %get3A_1029 = arith.index_cast %get3A_1027 : i32 to index
      %get3A_1030 = arith.index_cast %get3A_1028 : i32 to index
      %get3A_1031 = arith.index_cast %mul3A_942 : i32 to index
      %get3A_1032 = tpu.vector_load %arg9[%get3A_1029, %get3A_1030, %get3A_1031] {strides = array<i32>} : memref<25x1x1664xf32, #tpu.memory_space<vmem>>, vector<16xf32>,
      %get3A_1033 = arith.constant 15 : i32
      %get3A_1034 = arith.constant 0 : i32
      %get3A_1035 = arith.index_cast %get3A_1033 : i32 to index
      %get3A_1036 = arith.index_cast %get3A_1034 : i32 to index
      %get3A_1037 = arith.index_cast %mul3A_942 : i32 to index
      %get3A_1038 = tpu.vector_load %arg9[%get3A_1035, %get3A_1036, %get3A_1037] {strides = array<i32>} : memref<25x1x1664xf32, #tpu.memory_space<vmem>>, vector<16xf32>,
      %get3A_1039 = arith.constant 16 : i32
      %get3A_1040 = arith.constant 0 : i32
      %get3A_1041 = arith.index_cast %get3A_1039 : i32 to index
      %get3A_1042 = arith.index_cast %get3A_1040 : i32 to index
      %get3A_1043 = arith.index_cast %mul3A_942 : i32 to index
      %get3A_1044 = tpu.vector_load %arg9[%get3A_1041, %get3A_1042, %get3A_1043] {strides = array<i32>} : memref<25x1x1664xf32, #tpu.memory_space<vmem>>, vector<16xf32>,
      %get3A_1045 = arith.constant 17 : i32
      %get3A_1046 = arith.constant 0 : i32
      %get3A_1047 = arith.index_cast %get3A_1045 : i32 to index
      %get3A_1048 = arith.index_cast %get3A_1046 : i32 to index
      %get3A_1049 = arith.index_cast %mul3A_942 : i32 to index
      %get3A_1050 = tpu.vector_load %arg9[%get3A_1047, %get3A_1048, %get3A_1049] {strides = array<i32>} : memref<25x1x1664xf32, #tpu.memory_space<vmem>>, vector<16xf32>,
      %get3A_1051 = arith.constant 18 : i32
      %get3A_1052 = arith.constant 0 : i32
      %get3A_1053 = arith.index_cast %get3A_1051 : i32 to index
      %get3A_1054 = arith.index_cast %get3A_1052 : i32 to index
      %get3A_1055 = arith.index_cast %mul3A_942 : i32 to index
      %get3A_1056 = tpu.vector_load %arg9[%get3A_1053, %get3A_1054, %get3A_1055] {strides = array<i32>} : memref<25x1x1664xf32, #tpu.memory_space<vmem>>, vector<16xf32>,
      %get3A_1057 = arith.constant 19 : i32
      %get3A_1058 = arith.constant 0 : i32
      %get3A_1059 = arith.index_cast %get3A_1057 : i32 to index
      %get3A_1060 = arith.index_cast %get3A_1058 : i32 to index
      %get3A_1061 = arith.index_cast %mul3A_942 : i32 to index
      %get3A_1062 = tpu.vector_load %arg9[%get3A_1059, %get3A_1060, %get3A_1061] {strides = array<i32>} : memref<25x1x1664xf32, #tpu.memory_space<vmem>>, vector<16xf32>,
      %get3A_1063 = arith.constant 20 : i32
      %get3A_1064 = arith.constant 0 : i32
      %get3A_1065 = arith.index_cast %get3A_1063 : i32 to index
      %get3A_1066 = arith.index_cast %get3A_1064 : i32 to index
      %get3A_1067 = arith.index_cast %mul3A_942 : i32 to index
      %get3A_1068 = tpu.vector_load %arg9[%get3A_1065, %get3A_1066, %get3A_1067] {strides = array<i32>} : memref<25x1x1664xf32, #tpu.memory_space<vmem>>, vector<16xf32>,
      %get3A_1069 = arith.constant 21 : i32
      %get3A_1070 = arith.constant 0 : i32
      %get3A_1071 = arith.index_cast %get3A_1069 : i32 to index
      %get3A_1072 = arith.index_cast %get3A_1070 : i32 to index
      %get3A_1073 = arith.index_cast %mul3A_942 : i32 to index
      %get3A_1074 = tpu.vector_load %arg9[%get3A_1071, %get3A_1072, %get3A_1073] {strides = array<i32>} : memref<25x1x1664xf32, #tpu.memory_space<vmem>>, vector<16xf32>,
      %get3A_1075 = arith.constant 22 : i32
      %get3A_1076 = arith.constant 0 : i32
      %get3A_1077 = arith.index_cast %get3A_1075 : i32 to index
      %get3A_1078 = arith.index_cast %get3A_1076 : i32 to index
      %get3A_1079 = arith.index_cast %mul3A_942 : i32 to index
      %get3A_1080 = tpu.vector_load %arg9[%get3A_1077, %get3A_1078, %get3A_1079] {strides = array<i32>} : memref<25x1x1664xf32, #tpu.memory_space<vmem>>, vector<16xf32>,
      %get3A_1081 = arith.constant 23 : i32
      %get3A_1082 = arith.constant 0 : i32
      %get3A_1083 = arith.index_cast %get3A_1081 : i32 to index
      %get3A_1084 = arith.index_cast %get3A_1082 : i32 to index
      %get3A_1085 = arith.index_cast %mul3A_942 : i32 to index
      %get3A_1086 = tpu.vector_load %arg9[%get3A_1083, %get3A_1084, %get3A_1085] {strides = array<i32>} : memref<25x1x1664xf32, #tpu.memory_space<vmem>>, vector<16xf32>,
      %get3A_1087 = arith.constant 24 : i32
      %get3A_1088 = arith.constant 0 : i32
      %get3A_1089 = arith.index_cast %get3A_1087 : i32 to index
      %get3A_1090 = arith.index_cast %get3A_1088 : i32 to index
      %get3A_1091 = arith.index_cast %mul3A_942 : i32 to index
      %get3A_1092 = tpu.vector_load %arg9[%get3A_1089, %get3A_1090, %get3A_1091] {strides = array<i32>} : memref<25x1x1664xf32, #tpu.memory_space<vmem>>, vector<16xf32>,
      %broadcast_in_dim3A_1093 = arith.constant 0 : i32
      %broadcast_in_dim3A_1094 = vector.broadcast %broadcast_in_dim3A_1093 : i32 to vector<16xi32>
      %broadcast_in_dim3A_1095 = arith.constant 1 : i32
      %broadcast_in_dim3A_1096 = vector.broadcast %broadcast_in_dim3A_1095 : i32 to vector<16xi32>
      %broadcast_in_dim3A_1097 = arith.constant 2 : i32
      %broadcast_in_dim3A_1098 = vector.broadcast %broadcast_in_dim3A_1097 : i32 to vector<16xi32>
      %broadcast_in_dim3A_1099 = arith.constant 3 : i32
      %broadcast_in_dim3A_1100 = vector.broadcast %broadcast_in_dim3A_1099 : i32 to vector<16xi32>
      %broadcast_in_dim3A_1101 = arith.constant 4 : i32
      %broadcast_in_dim3A_1102 = vector.broadcast %broadcast_in_dim3A_1101 : i32 to vector<16xi32>
      %broadcast_in_dim3A_1103 = arith.constant 5 : i32
      %broadcast_in_dim3A_1104 = vector.broadcast %broadcast_in_dim3A_1103 : i32 to vector<16xi32>
      %broadcast_in_dim3A_1105 = arith.constant 6 : i32
      %broadcast_in_dim3A_1106 = vector.broadcast %broadcast_in_dim3A_1105 : i32 to vector<16xi32>
      %broadcast_in_dim3A_1107 = arith.constant 7 : i32
      %broadcast_in_dim3A_1108 = vector.broadcast %broadcast_in_dim3A_1107 : i32 to vector<16xi32>
      %broadcast_in_dim3A_1109 = arith.constant 8 : i32
      %broadcast_in_dim3A_1110 = vector.broadcast %broadcast_in_dim3A_1109 : i32 to vector<16xi32>
      %broadcast_in_dim3A_1111 = arith.constant 9 : i32
      %broadcast_in_dim3A_1112 = vector.broadcast %broadcast_in_dim3A_1111 : i32 to vector<16xi32>
      %broadcast_in_dim3A_1113 = arith.constant 10 : i32
      %broadcast_in_dim3A_1114 = vector.broadcast %broadcast_in_dim3A_1113 : i32 to vector<16xi32>
      %broadcast_in_dim3A_1115 = arith.constant 11 : i32
      %broadcast_in_dim3A_1116 = vector.broadcast %broadcast_in_dim3A_1115 : i32 to vector<16xi32>
      %broadcast_in_dim3A_1117 = arith.constant 12 : i32
      %broadcast_in_dim3A_1118 = vector.broadcast %broadcast_in_dim3A_1117 : i32 to vector<16xi32>
      %broadcast_in_dim3A_1119 = arith.constant 13 : i32
      %broadcast_in_dim3A_1120 = vector.broadcast %broadcast_in_dim3A_1119 : i32 to vector<16xi32>
      %broadcast_in_dim3A_1121 = arith.constant 14 : i32
      %broadcast_in_dim3A_1122 = vector.broadcast %broadcast_in_dim3A_1121 : i32 to vector<16xi32>
      %broadcast_in_dim3A_1123 = arith.constant 15 : i32
      %broadcast_in_dim3A_1124 = vector.broadcast %broadcast_in_dim3A_1123 : i32 to vector<16xi32>
      %broadcast_in_dim3A_1125 = arith.constant 16 : i32
      %broadcast_in_dim3A_1126 = vector.broadcast %broadcast_in_dim3A_1125 : i32 to vector<16xi32>
      %broadcast_in_dim3A_1127 = arith.constant 17 : i32
      %broadcast_in_dim3A_1128 = vector.broadcast %broadcast_in_dim3A_1127 : i32 to vector<16xi32>
      %broadcast_in_dim3A_1129 = arith.constant 18 : i32
      %broadcast_in_dim3A_1130 = vector.broadcast %broadcast_in_dim3A_1129 : i32 to vector<16xi32>
      %broadcast_in_dim3A_1131 = arith.constant 19 : i32
      %broadcast_in_dim3A_1132 = vector.broadcast %broadcast_in_dim3A_1131 : i32 to vector<16xi32>
      %broadcast_in_dim3A_1133 = arith.constant 20 : i32
      %broadcast_in_dim3A_1134 = vector.broadcast %broadcast_in_dim3A_1133 : i32 to vector<16xi32>
      %ge3A_1135 = arith.cmpf oge, %get3A_972, %get3A_978 : vector<16xf32>
      %max3A_1136 = arith.maximumf %get3A_972, %get3A_978 : vector<16xf32>
      %select_n3A_1137 = arith.select %ge3A_1135, %broadcast_in_dim3A_1094, %broadcast_in_dim3A_1096 : vector<16xi1>, vector<16xi32>
      %ge3A_1138 = arith.cmpf oge, %get3A_984, %get3A_990 : vector<16xf32>
      %max3A_1139 = arith.maximumf %get3A_984, %get3A_990 : vector<16xf32>
      %select_n3A_1140 = arith.select %ge3A_1138, %broadcast_in_dim3A_1098, %broadcast_in_dim3A_1100 : vector<16xi1>, vector<16xi32>
      %ge3A_1141 = arith.cmpf oge, %get3A_996, %get3A_1002 : vector<16xf32>
      %max3A_1142 = arith.maximumf %get3A_996, %get3A_1002 : vector<16xf32>
      %select_n3A_1143 = arith.select %ge3A_1141, %broadcast_in_dim3A_1102, %broadcast_in_dim3A_1104 : vector<16xi1>, vector<16xi32>
      %ge3A_1144 = arith.cmpf oge, %get3A_1008, %get3A_1014 : vector<16xf32>
      %max3A_1145 = arith.maximumf %get3A_1008, %get3A_1014 : vector<16xf32>
      %select_n3A_1146 = arith.select %ge3A_1144, %broadcast_in_dim3A_1106, %broadcast_in_dim3A_1108 : vector<16xi1>, vector<16xi32>
      %ge3A_1147 = arith.cmpf oge, %get3A_1020, %get3A_1026 : vector<16xf32>
      %max3A_1148 = arith.maximumf %get3A_1020, %get3A_1026 : vector<16xf32>
      %select_n3A_1149 = arith.select %ge3A_1147, %broadcast_in_dim3A_1110, %broadcast_in_dim3A_1112 : vector<16xi1>, vector<16xi32>
      %ge3A_1150 = arith.cmpf oge, %get3A_1032, %get3A_1038 : vector<16xf32>
      %max3A_1151 = arith.maximumf %get3A_1032, %get3A_1038 : vector<16xf32>
      %select_n3A_1152 = arith.select %ge3A_1150, %broadcast_in_dim3A_1114, %broadcast_in_dim3A_1116 : vector<16xi1>, vector<16xi32>
      %ge3A_1153 = arith.cmpf oge, %get3A_1044, %get3A_1050 : vector<16xf32>
      %max3A_1154 = arith.maximumf %get3A_1044, %get3A_1050 : vector<16xf32>
      %select_n3A_1155 = arith.select %ge3A_1153, %broadcast_in_dim3A_1118, %broadcast_in_dim3A_1120 : vector<16xi1>, vector<16xi32>
      %ge3A_1156 = arith.cmpf oge, %get3A_1056, %get3A_1062 : vector<16xf32>
      %max3A_1157 = arith.maximumf %get3A_1056, %get3A_1062 : vector<16xf32>
      %select_n3A_1158 = arith.select %ge3A_1156, %broadcast_in_dim3A_1122, %broadcast_in_dim3A_1124 : vector<16xi1>, vector<16xi32>
      %ge3A_1159 = arith.cmpf oge, %get3A_1068, %get3A_1074 : vector<16xf32>
      %max3A_1160 = arith.maximumf %get3A_1068, %get3A_1074 : vector<16xf32>
      %select_n3A_1161 = arith.select %ge3A_1159, %broadcast_in_dim3A_1126, %broadcast_in_dim3A_1128 : vector<16xi1>, vector<16xi32>
      %ge3A_1162 = arith.cmpf oge, %get3A_1080, %get3A_1086 : vector<16xf32>
      %max3A_1163 = arith.maximumf %get3A_1080, %get3A_1086 : vector<16xf32>
      %select_n3A_1164 = arith.select %ge3A_1162, %broadcast_in_dim3A_1130, %broadcast_in_dim3A_1132 : vector<16xi1>, vector<16xi32>
      %ge3A_1165 = arith.cmpf oge, %max3A_1136, %max3A_1139 : vector<16xf32>
      %max3A_1166 = arith.maximumf %max3A_1136, %max3A_1139 : vector<16xf32>
      %select_n3A_1167 = arith.select %ge3A_1165, %select_n3A_1137, %select_n3A_1140 : vector<16xi1>, vector<16xi32>
      %ge3A_1168 = arith.cmpf oge, %max3A_1142, %max3A_1145 : vector<16xf32>
      %max3A_1169 = arith.maximumf %max3A_1142, %max3A_1145 : vector<16xf32>
      %select_n3A_1170 = arith.select %ge3A_1168, %select_n3A_1143, %select_n3A_1146 : vector<16xi1>, vector<16xi32>
      %ge3A_1171 = arith.cmpf oge, %max3A_1148, %max3A_1151 : vector<16xf32>
      %max3A_1172 = arith.maximumf %max3A_1148, %max3A_1151 : vector<16xf32>
      %select_n3A_1173 = arith.select %ge3A_1171, %select_n3A_1149, %select_n3A_1152 : vector<16xi1>, vector<16xi32>
      %ge3A_1174 = arith.cmpf oge, %max3A_1154, %max3A_1157 : vector<16xf32>
      %max3A_1175 = arith.maximumf %max3A_1154, %max3A_1157 : vector<16xf32>
      %select_n3A_1176 = arith.select %ge3A_1174, %select_n3A_1155, %select_n3A_1158 : vector<16xi1>, vector<16xi32>
      %ge3A_1177 = arith.cmpf oge, %max3A_1160, %max3A_1163 : vector<16xf32>
      %max3A_1178 = arith.maximumf %max3A_1160, %max3A_1163 : vector<16xf32>
      %select_n3A_1179 = arith.select %ge3A_1177, %select_n3A_1161, %select_n3A_1164 : vector<16xi1>, vector<16xi32>
      %ge3A_1180 = arith.cmpf oge, %max3A_1166, %max3A_1169 : vector<16xf32>
      %max3A_1181 = arith.maximumf %max3A_1166, %max3A_1169 : vector<16xf32>
      %select_n3A_1182 = arith.select %ge3A_1180, %select_n3A_1167, %select_n3A_1170 : vector<16xi1>, vector<16xi32>
      %ge3A_1183 = arith.cmpf oge, %max3A_1172, %max3A_1175 : vector<16xf32>
      %max3A_1184 = arith.maximumf %max3A_1172, %max3A_1175 : vector<16xf32>
      %select_n3A_1185 = arith.select %ge3A_1183, %select_n3A_1173, %select_n3A_1176 : vector<16xi1>, vector<16xi32>
      %ge3A_1186 = arith.cmpf oge, %max3A_1178, %get3A_1092 : vector<16xf32>
      %max3A_1187 = arith.maximumf %max3A_1178, %get3A_1092 : vector<16xf32>
      %select_n3A_1188 = arith.select %ge3A_1186, %select_n3A_1179, %broadcast_in_dim3A_1134 : vector<16xi1>, vector<16xi32>
      %ge3A_1189 = arith.cmpf oge, %max3A_1181, %max3A_1184 : vector<16xf32>
      %max3A_1190 = arith.maximumf %max3A_1181, %max3A_1184 : vector<16xf32>
      %select_n3A_1191 = arith.select %ge3A_1189, %select_n3A_1182, %select_n3A_1185 : vector<16xi1>, vector<16xi32>
      %ge3A_1192 = arith.cmpf oge, %max3A_1190, %max3A_1187 : vector<16xf32>
      %max3A_1193 = arith.maximumf %max3A_1190, %max3A_1187 : vector<16xf32>
      %select_n3A_1194 = arith.select %ge3A_1192, %select_n3A_1191, %select_n3A_1188 : vector<16xi1>, vector<16xi32>
      %get3A_1195 = arith.constant 0 : i32
      %get3A_1196 = arith.index_cast %get3A_1195 : i32 to index
      %get3A_1197 = arith.index_cast %mul3A_942 : i32 to index
      %get3A_1198 = tpu.vector_load %arg11[%get3A_1196, %get3A_1197] {strides = array<i32>} : memref<4x1664xf32, #tpu.memory_space<vmem>>, vector<16xf32>,
      %get3A_1199 = arith.constant 1 : i32
      %get3A_1200 = arith.index_cast %get3A_1199 : i32 to index
      %get3A_1201 = arith.index_cast %mul3A_942 : i32 to index
      %get3A_1202 = tpu.vector_load %arg11[%get3A_1200, %get3A_1201] {strides = array<i32>} : memref<4x1664xf32, #tpu.memory_space<vmem>>, vector<16xf32>,
      %get3A_1203 = arith.constant 2 : i32
      %get3A_1204 = arith.index_cast %get3A_1203 : i32 to index
      %get3A_1205 = arith.index_cast %mul3A_942 : i32 to index
      %get3A_1206 = tpu.vector_load %arg11[%get3A_1204, %get3A_1205] {strides = array<i32>} : memref<4x1664xf32, #tpu.memory_space<vmem>>, vector<16xf32>,
      %get3A_1207 = arith.constant 3 : i32
      %get3A_1208 = arith.index_cast %get3A_1207 : i32 to index
      %get3A_1209 = arith.index_cast %mul3A_942 : i32 to index
      %get3A_1210 = tpu.vector_load %arg11[%get3A_1208, %get3A_1209] {strides = array<i32>} : memref<4x1664xf32, #tpu.memory_space<vmem>>, vector<16xf32>,
      %add3A_1211 = arith.addf %get3A_1206, %get3A_1198 : vector<16xf32>
      %mul3A_1212 = arith.constant 5.000000e-01 : f32
      %mul3A_1213 = vector.broadcast %mul3A_1212 : f32 to vector<16xf32>
      %mul3A_1214 = arith.mulf %add3A_1211, %mul3A_1213 : vector<16xf32>
      %add3A_1215 = arith.addf %get3A_1210, %get3A_1202 : vector<16xf32>
      %mul3A_1216 = arith.constant 5.000000e-01 : f32
      %mul3A_1217 = vector.broadcast %mul3A_1216 : f32 to vector<16xf32>
      %mul3A_1218 = arith.mulf %add3A_1215, %mul3A_1217 : vector<16xf32>
      %sub3A_1219 = arith.subf %get3A_1206, %get3A_1198 : vector<16xf32>
      %sub3A_1220 = arith.subf %get3A_1210, %get3A_1202 : vector<16xf32>
      %mul3A_1221 = arith.mulf %get3A_948, %sub3A_1219 : vector<16xf32>
      %add3A_1222 = arith.addf %mul3A_1221, %mul3A_1214 : vector<16xf32>
      %mul3A_1223 = arith.mulf %get3A_954, %sub3A_1220 : vector<16xf32>
      %add3A_1224 = arith.addf %mul3A_1223, %mul3A_1218 : vector<16xf32>
      %exp3A_1225 = math.exp %get3A_960 : vector<16xf32>
      %mul3A_1226 = arith.mulf %exp3A_1225, %sub3A_1219 : vector<16xf32>
      %exp3A_1227 = math.exp %get3A_966 : vector<16xf32>
      %mul3A_1228 = arith.mulf %exp3A_1227, %sub3A_1220 : vector<16xf32>
      %ne3A_1229 = arith.constant 0 : i32
      %ne3A_1230 = vector.broadcast %ne3A_1229 : i32 to vector<16xi32>
      %ne3A_1231 = arith.cmpi ne, %select_n3A_1194, %ne3A_1230 : vector<16xi32>
      %convert_element_type3A_1232 = arith.extui %ne3A_1231 : vector<16xi1> to vector<16xi32>
      %convert_element_type3A_1233 = arith.sitofp %convert_element_type3A_1232 : vector<16xi32> to vector<16xf32>
      %mul3A_1234 = arith.constant 5.000000e-01 : f32
      %mul3A_1235 = vector.broadcast %mul3A_1234 : f32 to vector<16xf32>
      %mul3A_1236 = arith.mulf %mul3A_1226, %mul3A_1235 : vector<16xf32>
      %sub3A_1237 = arith.subf %add3A_1222, %mul3A_1236 : vector<16xf32>
      %jit3A_1238 = arith.constant 0.000000e+00 : f32
      %jit3A_1239 = arith.constant 1.000000e+00 : f32
      %max3A_1240 = vector.broadcast %jit3A_1238 : f32 to vector<16xf32>
      %max3A_1241 = arith.maximumf %max3A_1240, %sub3A_1237 : vector<16xf32>
      %min3A_1242 = vector.broadcast %jit3A_1239 : f32 to vector<16xf32>
      %min3A_1243 = arith.minimumf %min3A_1242, %max3A_1241 : vector<16xf32>
      %mul3A_1244 = arith.mulf %min3A_1243, %convert_element_type3A_1233 : vector<16xf32>
      %swap3A_1245 = arith.constant 0 : i32
      %swap3A_1246 = arith.constant 0 : i32
      %swap3A_1247 = arith.index_cast %swap3A_1245 : i32 to index
      %swap3A_1248 = arith.index_cast %swap3A_1246 : i32 to index
      %swap3A_1249 = arith.index_cast %mul3A_942 : i32 to index
      %swap3A_1250 = tpu.vector_load %arg13[%swap3A_1247, %swap3A_1248, %swap3A_1249] {strides = array<i32>} : memref<1x4x1664xf32, #tpu.memory_space<vmem>>, vector<16xf32>,
      tpu.vector_store %arg13[%swap3A_1247, %swap3A_1248, %swap3A_1249], %mul3A_1244 {strides = array<i32>} : memref<1x4x1664xf32, #tpu.memory_space<vmem>>, vector<16xf32>,
      %mul3A_1251 = arith.constant 5.000000e-01 : f32
      %mul3A_1252 = vector.broadcast %mul3A_1251 : f32 to vector<16xf32>
      %mul3A_1253 = arith.mulf %mul3A_1228, %mul3A_1252 : vector<16xf32>
      %sub3A_1254 = arith.subf %add3A_1224, %mul3A_1253 : vector<16xf32>
      %jit3A_1255 = arith.constant 0.000000e+00 : f32
      %jit3A_1256 = arith.constant 1.000000e+00 : f32
      %max3A_1257 = vector.broadcast %jit3A_1255 : f32 to vector<16xf32>
      %max3A_1258 = arith.maximumf %max3A_1257, %sub3A_1254 : vector<16xf32>
      %min3A_1259 = vector.broadcast %jit3A_1256 : f32 to vector<16xf32>
      %min3A_1260 = arith.minimumf %min3A_1259, %max3A_1258 : vector<16xf32>
      %mul3A_1261 = arith.mulf %min3A_1260, %convert_element_type3A_1233 : vector<16xf32>
      %swap3A_1262 = arith.constant 0 : i32
      %swap3A_1263 = arith.constant 1 : i32
      %swap3A_1264 = arith.index_cast %swap3A_1262 : i32 to index
      %swap3A_1265 = arith.index_cast %swap3A_1263 : i32 to index
      %swap3A_1266 = arith.index_cast %mul3A_942 : i32 to index
      %swap3A_1267 = tpu.vector_load %arg13[%swap3A_1264, %swap3A_1265, %swap3A_1266] {strides = array<i32>} : memref<1x4x1664xf32, #tpu.memory_space<vmem>>, vector<16xf32>,
      tpu.vector_store %arg13[%swap3A_1264, %swap3A_1265, %swap3A_1266], %mul3A_1261 {strides = array<i32>} : memref<1x4x1664xf32, #tpu.memory_space<vmem>>, vector<16xf32>,
      %mul3A_1268 = arith.constant 5.000000e-01 : f32
      %mul3A_1269 = vector.broadcast %mul3A_1268 : f32 to vector<16xf32>
      %mul3A_1270 = arith.mulf %mul3A_1226, %mul3A_1269 : vector<16xf32>
      %add3A_1271 = arith.addf %add3A_1222, %mul3A_1270 : vector<16xf32>
      %jit3A_1272 = arith.constant 0.000000e+00 : f32
      %jit3A_1273 = arith.constant 1.000000e+00 : f32
      %max3A_1274 = vector.broadcast %jit3A_1272 : f32 to vector<16xf32>
      %max3A_1275 = arith.maximumf %max3A_1274, %add3A_1271 : vector<16xf32>
      %min3A_1276 = vector.broadcast %jit3A_1273 : f32 to vector<16xf32>
      %min3A_1277 = arith.minimumf %min3A_1276, %max3A_1275 : vector<16xf32>
      %mul3A_1278 = arith.mulf %min3A_1277, %convert_element_type3A_1233 : vector<16xf32>
      %swap3A_1279 = arith.constant 0 : i32
      %swap3A_1280 = arith.constant 2 : i32
      %swap3A_1281 = arith.index_cast %swap3A_1279 : i32 to index
      %swap3A_1282 = arith.index_cast %swap3A_1280 : i32 to index
      %swap3A_1283 = arith.index_cast %mul3A_942 : i32 to index
      %swap3A_1284 = tpu.vector_load %arg13[%swap3A_1281, %swap3A_1282, %swap3A_1283] {strides = array<i32>} : memref<1x4x1664xf32, #tpu.memory_space<vmem>>, vector<16xf32>,
      tpu.vector_store %arg13[%swap3A_1281, %swap3A_1282, %swap3A_1283], %mul3A_1278 {strides = array<i32>} : memref<1x4x1664xf32, #tpu.memory_space<vmem>>, vector<16xf32>,
      %mul3A_1285 = arith.constant 5.000000e-01 : f32
      %mul3A_1286 = vector.broadcast %mul3A_1285 : f32 to vector<16xf32>
      %mul3A_1287 = arith.mulf %mul3A_1228, %mul3A_1286 : vector<16xf32>
      %add3A_1288 = arith.addf %add3A_1224, %mul3A_1287 : vector<16xf32>
      %jit3A_1289 = arith.constant 0.000000e+00 : f32
      %jit3A_1290 = arith.constant 1.000000e+00 : f32
      %max3A_1291 = vector.broadcast %jit3A_1289 : f32 to vector<16xf32>
      %max3A_1292 = arith.maximumf %max3A_1291, %add3A_1288 : vector<16xf32>
      %min3A_1293 = vector.broadcast %jit3A_1290 : f32 to vector<16xf32>
      %min3A_1294 = arith.minimumf %min3A_1293, %max3A_1292 : vector<16xf32>
      %mul3A_1295 = arith.mulf %min3A_1294, %convert_element_type3A_1233 : vector<16xf32>
      %swap3A_1296 = arith.constant 0 : i32
      %swap3A_1297 = arith.constant 3 : i32
      %swap3A_1298 = arith.index_cast %swap3A_1296 : i32 to index
      %swap3A_1299 = arith.index_cast %swap3A_1297 : i32 to index
      %swap3A_1300 = arith.index_cast %mul3A_942 : i32 to index
      %swap3A_1301 = tpu.vector_load %arg13[%swap3A_1298, %swap3A_1299, %swap3A_1300] {strides = array<i32>} : memref<1x4x1664xf32, #tpu.memory_space<vmem>>, vector<16xf32>,
      tpu.vector_store %arg13[%swap3A_1298, %swap3A_1299, %swap3A_1300], %mul3A_1295 {strides = array<i32>} : memref<1x4x1664xf32, #tpu.memory_space<vmem>>, vector<16xf32>,
      %mul3A_1302 = arith.mulf %max3A_1193, %convert_element_type3A_1233 : vector<16xf32>
      %swap3A_1303 = arith.constant 0 : i32
      %swap3A_1304 = arith.index_cast %swap3A_1303 : i32 to index
      %swap3A_1305 = arith.index_cast %mul3A_942 : i32 to index
      %swap3A_1306 = tpu.vector_load %arg15[%swap3A_1304, %swap3A_1305] {strides = array<i32>} : memref<1x1664xf32, #tpu.memory_space<vmem>>, vector<16xf32>,
      tpu.vector_store %arg15[%swap3A_1304, %swap3A_1305], %mul3A_1302 {strides = array<i32>} : memref<1x1664xf32, #tpu.memory_space<vmem>>, vector<16xf32>,
      %swap3A_1307 = arith.constant 0 : i32
      %swap3A_1308 = arith.index_cast %swap3A_1307 : i32 to index
      %swap3A_1309 = arith.index_cast %mul3A_942 : i32 to index
      %swap3A_1310 = tpu.vector_load %arg17[%swap3A_1308, %swap3A_1309] {strides = array<i32>} : memref<1x1664xi32, #tpu.memory_space<vmem>>, vector<16xi32>,
      tpu.vector_store %arg17[%swap3A_1308, %swap3A_1309], %select_n3A_1194 {strides = array<i32>} : memref<1x1664xi32, #tpu.memory_space<vmem>>, vector<16xi32>,
      %convert_element_type3A_1311 = arith.extui %ne3A_1231 : vector<16xi1> to vector<16xi32>
      %add3A_1312 = arith.addi %scan3A_940, %convert_element_type3A_1311 : vector<16xi32>
      scf.yield %add3A_1312 : vector<16xi32>
    }
    %scan3A_140 = arith.constant 104 : i32
    %mul3A_141 = arith.constant 9984 : i32
    %mul3A_142 = arith.muli %arg0, %mul3A_141 : i32
    %add3A_143 = arith.constant 8320 : i32
    %add3A_144 = arith.addi %mul3A_142, %add3A_143 : i32
    %dma_start3A_145 = arith.constant 0 : i32
    %dma_start3A_146 = tpu.memref_slice %arg4[%arg1, %dma_start3A_145, %add3A_144] : memref<16x4x20000xf32, #tpu.memory_space<hbm>> -> memref<1x4x1664xf32, #tpu.memory_space<hbm>>
    %dma_start3A_147 = arith.constant 0 : i32
    %dma_start3A_148 = tpu.memref_slice %arg4[%arg1, %dma_start3A_147, %add3A_144] : memref<16x4x20000xf32, #tpu.memory_space<hbm>> -> memref<1x4x1664xf32, #tpu.memory_space<hbm>>
    tpu.enqueue_dma source(%arg13 : memref<1x4x1664xf32, #tpu.memory_space<vmem>>) target(%dma_start3A_148 : memref<1x4x1664xf32, #tpu.memory_space<hbm>>) target_semaphore(%arg27 : memref<!tpu.dma_semaphore, #tpu.memory_space<semaphore_mem>>)
    %mul3A_149 = arith.constant 9984 : i32
    %mul3A_150 = arith.muli %arg0, %mul3A_149 : i32
    %add3A_151 = arith.constant 8320 : i32
    %add3A_152 = arith.addi %mul3A_150, %add3A_151 : i32
    %dma_start3A_153 = tpu.memref_slice %arg5[%arg1, %add3A_152] : memref<16x20000xf32, #tpu.memory_space<hbm>> -> memref<1x1664xf32, #tpu.memory_space<hbm>>
    %dma_start3A_154 = tpu.memref_slice %arg5[%arg1, %add3A_152] : memref<16x20000xf32, #tpu.memory_space<hbm>> -> memref<1x1664xf32, #tpu.memory_space<hbm>>
    tpu.enqueue_dma source(%arg15 : memref<1x1664xf32, #tpu.memory_space<vmem>>) target(%dma_start3A_154 : memref<1x1664xf32, #tpu.memory_space<hbm>>) target_semaphore(%arg27 : memref<!tpu.dma_semaphore, #tpu.memory_space<semaphore_mem>>)
    %mul3A_155 = arith.constant 9984 : i32
    %mul3A_156 = arith.muli %arg0, %mul3A_155 : i32
    %add3A_157 = arith.constant 8320 : i32
    %add3A_158 = arith.addi %mul3A_156, %add3A_157 : i32
    %dma_start3A_159 = tpu.memref_slice %arg6[%arg1, %add3A_158] : memref<16x20000xi32, #tpu.memory_space<hbm>> -> memref<1x1664xi32, #tpu.memory_space<hbm>>
    %dma_start3A_160 = tpu.memref_slice %arg6[%arg1, %add3A_158] : memref<16x20000xi32, #tpu.memory_space<hbm>> -> memref<1x1664xi32, #tpu.memory_space<hbm>>
    tpu.enqueue_dma source(%arg17 : memref<1x1664xi32, #tpu.memory_space<vmem>>) target(%dma_start3A_160 : memref<1x1664xi32, #tpu.memory_space<hbm>>) target_semaphore(%arg27 : memref<!tpu.dma_semaphore, #tpu.memory_space<semaphore_mem>>)
    %mul3A_161 = arith.constant 9984 : i32
    %mul3A_162 = arith.muli %arg0, %mul3A_161 : i32
    %add3A_163 = arith.constant 0 : i32
    %add3A_164 = arith.addi %mul3A_162, %add3A_163 : i32
    %dma_wait3A_165 = arith.constant 0 : i32
    %dma_wait3A_166 = tpu.memref_slice %arg4[%arg1, %dma_wait3A_165, %add3A_164] : memref<16x4x20000xf32, #tpu.memory_space<hbm>> -> memref<1x4x1664xf32, #tpu.memory_space<hbm>>
    %dma_wait3A_167 = arith.constant 0 : i32
    %dma_wait3A_168 = tpu.memref_slice %arg4[%arg1, %dma_wait3A_167, %add3A_164] : memref<16x4x20000xf32, #tpu.memory_space<hbm>> -> memref<1x4x1664xf32, #tpu.memory_space<hbm>>
    tpu.wait_dma2 semaphore(%arg26 : memref<!tpu.dma_semaphore, #tpu.memory_space<semaphore_mem>>) src(%arg12 : memref<1x4x1664xf32, #tpu.memory_space<vmem>>) dst(%dma_wait3A_168 : memref<1x4x1664xf32, #tpu.memory_space<hbm>>)
    %mul3A_169 = arith.constant 9984 : i32
    %mul3A_170 = arith.muli %arg0, %mul3A_169 : i32
    %add3A_171 = arith.constant 0 : i32
    %add3A_172 = arith.addi %mul3A_170, %add3A_171 : i32
    %dma_wait3A_173 = tpu.memref_slice %arg5[%arg1, %add3A_172] : memref<16x20000xf32, #tpu.memory_space<hbm>> -> memref<1x1664xf32, #tpu.memory_space<hbm>>
    %dma_wait3A_174 = tpu.memref_slice %arg5[%arg1, %add3A_172] : memref<16x20000xf32, #tpu.memory_space<hbm>> -> memref<1x1664xf32, #tpu.memory_space<hbm>>
    tpu.wait_dma2 semaphore(%arg26 : memref<!tpu.dma_semaphore, #tpu.memory_space<semaphore_mem>>) src(%arg14 : memref<1x1664xf32, #tpu.memory_space<vmem>>) dst(%dma_wait3A_174 : memref<1x1664xf32, #tpu.memory_space<hbm>>)
    %mul3A_175 = arith.constant 9984 : i32
    %mul3A_176 = arith.muli %arg0, %mul3A_175 : i32
    %add3A_177 = arith.constant 0 : i32
    %add3A_178 = arith.addi %mul3A_176, %add3A_177 : i32
    %dma_wait3A_179 = tpu.memref_slice %arg6[%arg1, %add3A_178] : memref<16x20000xi32, #tpu.memory_space<hbm>> -> memref<1x1664xi32, #tpu.memory_space<hbm>>
    %dma_wait3A_180 = tpu.memref_slice %arg6[%arg1, %add3A_178] : memref<16x20000xi32, #tpu.memory_space<hbm>> -> memref<1x1664xi32, #tpu.memory_space<hbm>>
    tpu.wait_dma2 semaphore(%arg26 : memref<!tpu.dma_semaphore, #tpu.memory_space<semaphore_mem>>) src(%arg16 : memref<1x1664xi32, #tpu.memory_space<vmem>>) dst(%dma_wait3A_180 : memref<1x1664xi32, #tpu.memory_space<hbm>>)
    %mul3A_181 = arith.constant 9984 : i32
    %mul3A_182 = arith.muli %arg0, %mul3A_181 : i32
    %add3A_183 = arith.constant 0 : i32
    %add3A_184 = arith.addi %mul3A_182, %add3A_183 : i32
    %dma_wait3A_185 = arith.constant 0 : i32
    %dma_wait3A_186 = tpu.memref_slice %arg4[%arg1, %dma_wait3A_185, %add3A_184] : memref<16x4x20000xf32, #tpu.memory_space<hbm>> -> memref<1x4x1664xf32, #tpu.memory_space<hbm>>
    %dma_wait3A_187 = arith.constant 0 : i32
    %dma_wait3A_188 = tpu.memref_slice %arg4[%arg1, %dma_wait3A_187, %add3A_184] : memref<16x4x20000xf32, #tpu.memory_space<hbm>> -> memref<1x4x1664xf32, #tpu.memory_space<hbm>>
    tpu.wait_dma2 semaphore(%arg27 : memref<!tpu.dma_semaphore, #tpu.memory_space<semaphore_mem>>) src(%arg13 : memref<1x4x1664xf32, #tpu.memory_space<vmem>>) dst(%dma_wait3A_188 : memref<1x4x1664xf32, #tpu.memory_space<hbm>>)
    %mul3A_189 = arith.constant 9984 : i32
    %mul3A_190 = arith.muli %arg0, %mul3A_189 : i32
    %add3A_191 = arith.constant 0 : i32
    %add3A_192 = arith.addi %mul3A_190, %add3A_191 : i32
    %dma_wait3A_193 = tpu.memref_slice %arg5[%arg1, %add3A_192] : memref<16x20000xf32, #tpu.memory_space<hbm>> -> memref<1x1664xf32, #tpu.memory_space<hbm>>
    %dma_wait3A_194 = tpu.memref_slice %arg5[%arg1, %add3A_192] : memref<16x20000xf32, #tpu.memory_space<hbm>> -> memref<1x1664xf32, #tpu.memory_space<hbm>>
    tpu.wait_dma2 semaphore(%arg27 : memref<!tpu.dma_semaphore, #tpu.memory_space<semaphore_mem>>) src(%arg15 : memref<1x1664xf32, #tpu.memory_space<vmem>>) dst(%dma_wait3A_194 : memref<1x1664xf32, #tpu.memory_space<hbm>>)
    %mul3A_195 = arith.constant 9984 : i32
    %mul3A_196 = arith.muli %arg0, %mul3A_195 : i32
    %add3A_197 = arith.constant 0 : i32
    %add3A_198 = arith.addi %mul3A_196, %add3A_197 : i32
    %dma_wait3A_199 = tpu.memref_slice %arg6[%arg1, %add3A_198] : memref<16x20000xi32, #tpu.memory_space<hbm>> -> memref<1x1664xi32, #tpu.memory_space<hbm>>
    %dma_wait3A_200 = tpu.memref_slice %arg6[%arg1, %add3A_198] : memref<16x20000xi32, #tpu.memory_space<hbm>> -> memref<1x1664xi32, #tpu.memory_space<hbm>>
    tpu.wait_dma2 semaphore(%arg27 : memref<!tpu.dma_semaphore, #tpu.memory_space<semaphore_mem>>) src(%arg17 : memref<1x1664xi32, #tpu.memory_space<vmem>>) dst(%dma_wait3A_200 : memref<1x1664xi32, #tpu.memory_space<hbm>>)
    "tpu.region"() ({
      %run_scoped3A = tpu.sem_alloc : memref<!tpu.dma_semaphore, #tpu.memory_space<semaphore_mem>>
      %dma_start3A_939 = arith.constant 0 : i32
      %dma_start3A_940 = arith.constant 19968 : i32
      %dma_start3A_941 = tpu.memref_slice %arg2[%dma_start3A_939, %arg1, %dma_start3A_940] : memref<25x16x20000xf32, #tpu.memory_space<hbm>> -> memref<25x1x32xf32, #tpu.memory_space<hbm>>
      %dma_start3A_942 = arith.constant 0 : i32
      %dma_start3A_943 = arith.constant 19968 : i32
      %dma_start3A_944 = tpu.memref_slice %arg2[%dma_start3A_942, %arg1, %dma_start3A_943] : memref<25x16x20000xf32, #tpu.memory_space<hbm>> -> memref<25x1x32xf32, #tpu.memory_space<hbm>>
      tpu.enqueue_dma source(%dma_start3A_944 : memref<25x1x32xf32, #tpu.memory_space<hbm>>) target(%arg18 : memref<25x1x32xf32, #tpu.memory_space<vmem>>) target_semaphore(%run_scoped3A : memref<!tpu.dma_semaphore, #tpu.memory_space<semaphore_mem>>)
      %dma_wait3A_945 = arith.constant 0 : i32
      %dma_wait3A_946 = arith.constant 19968 : i32
      %dma_wait3A_947 = tpu.memref_slice %arg2[%dma_wait3A_945, %arg1, %dma_wait3A_946] : memref<25x16x20000xf32, #tpu.memory_space<hbm>> -> memref<25x1x32xf32, #tpu.memory_space<hbm>>
      %dma_wait3A_948 = arith.constant 0 : i32
      %dma_wait3A_949 = arith.constant 19968 : i32
      %dma_wait3A_950 = tpu.memref_slice %arg2[%dma_wait3A_948, %arg1, %dma_wait3A_949] : memref<25x16x20000xf32, #tpu.memory_space<hbm>> -> memref<25x1x32xf32, #tpu.memory_space<hbm>>
      tpu.wait_dma2 semaphore(%run_scoped3A : memref<!tpu.dma_semaphore, #tpu.memory_space<semaphore_mem>>) src(%dma_wait3A_950 : memref<25x1x32xf32, #tpu.memory_space<hbm>>) dst(%arg18 : memref<25x1x32xf32, #tpu.memory_space<vmem>>)
      tpu.yield
    }) : () -> ()
    "tpu.region"() ({
      %run_scoped3A = tpu.sem_alloc : memref<!tpu.dma_semaphore, #tpu.memory_space<semaphore_mem>>
      %dma_start3A_939 = arith.constant 0 : i32
      %dma_start3A_940 = arith.constant 19968 : i32
      %dma_start3A_941 = tpu.memref_slice %arg3[%dma_start3A_939, %dma_start3A_940] : memref<4x20000xf32, #tpu.memory_space<hbm>> -> memref<4x32xf32, #tpu.memory_space<hbm>>
      %dma_start3A_942 = arith.constant 0 : i32
      %dma_start3A_943 = arith.constant 19968 : i32
      %dma_start3A_944 = tpu.memref_slice %arg3[%dma_start3A_942, %dma_start3A_943] : memref<4x20000xf32, #tpu.memory_space<hbm>> -> memref<4x32xf32, #tpu.memory_space<hbm>>
      tpu.enqueue_dma source(%dma_start3A_944 : memref<4x32xf32, #tpu.memory_space<hbm>>) target(%arg19 : memref<4x32xf32, #tpu.memory_space<vmem>>) target_semaphore(%run_scoped3A : memref<!tpu.dma_semaphore, #tpu.memory_space<semaphore_mem>>)
      %dma_wait3A_945 = arith.constant 0 : i32
      %dma_wait3A_946 = arith.constant 19968 : i32
      %dma_wait3A_947 = tpu.memref_slice %arg3[%dma_wait3A_945, %dma_wait3A_946] : memref<4x20000xf32, #tpu.memory_space<hbm>> -> memref<4x32xf32, #tpu.memory_space<hbm>>
      %dma_wait3A_948 = arith.constant 0 : i32
      %dma_wait3A_949 = arith.constant 19968 : i32
      %dma_wait3A_950 = tpu.memref_slice %arg3[%dma_wait3A_948, %dma_wait3A_949] : memref<4x20000xf32, #tpu.memory_space<hbm>> -> memref<4x32xf32, #tpu.memory_space<hbm>>
      tpu.wait_dma2 semaphore(%run_scoped3A : memref<!tpu.dma_semaphore, #tpu.memory_space<semaphore_mem>>) src(%dma_wait3A_950 : memref<4x32xf32, #tpu.memory_space<hbm>>) dst(%arg19 : memref<4x32xf32, #tpu.memory_space<vmem>>)
      tpu.yield
    }) : () -> ()
    %broadcast_in_dim3A_201 = arith.constant 0 : i32
    %broadcast_in_dim3A_202 = vector.broadcast %broadcast_in_dim3A_201 : i32 to vector<16xi32>
    %get3A = arith.constant 0 : i32
    %get3A_203 = arith.constant 0 : i32
    %get3A_204 = arith.index_cast %get3A : i32 to index
    %get3A_205 = arith.index_cast %get3A_203 : i32 to index
    %get3A_206 = arith.constant 0 : index
    %get3A_207 = tpu.vector_load %arg18[%get3A_204, %get3A_205, %get3A_206] {strides = array<i32>} : memref<25x1x32xf32, #tpu.memory_space<vmem>>, vector<16xf32>,
    %get3A_208 = arith.constant 1 : i32
    %get3A_209 = arith.constant 0 : i32
    %get3A_210 = arith.index_cast %get3A_208 : i32 to index
    %get3A_211 = arith.index_cast %get3A_209 : i32 to index
    %get3A_212 = arith.constant 0 : index
    %get3A_213 = tpu.vector_load %arg18[%get3A_210, %get3A_211, %get3A_212] {strides = array<i32>} : memref<25x1x32xf32, #tpu.memory_space<vmem>>, vector<16xf32>,
    %get3A_214 = arith.constant 2 : i32
    %get3A_215 = arith.constant 0 : i32
    %get3A_216 = arith.index_cast %get3A_214 : i32 to index
    %get3A_217 = arith.index_cast %get3A_215 : i32 to index
    %get3A_218 = arith.constant 0 : index
    %get3A_219 = tpu.vector_load %arg18[%get3A_216, %get3A_217, %get3A_218] {strides = array<i32>} : memref<25x1x32xf32, #tpu.memory_space<vmem>>, vector<16xf32>,
    %get3A_220 = arith.constant 3 : i32
    %get3A_221 = arith.constant 0 : i32
    %get3A_222 = arith.index_cast %get3A_220 : i32 to index
    %get3A_223 = arith.index_cast %get3A_221 : i32 to index
    %get3A_224 = arith.constant 0 : index
    %get3A_225 = tpu.vector_load %arg18[%get3A_222, %get3A_223, %get3A_224] {strides = array<i32>} : memref<25x1x32xf32, #tpu.memory_space<vmem>>, vector<16xf32>,
    %get3A_226 = arith.constant 4 : i32
    %get3A_227 = arith.constant 0 : i32
    %get3A_228 = arith.index_cast %get3A_226 : i32 to index
    %get3A_229 = arith.index_cast %get3A_227 : i32 to index
    %get3A_230 = arith.constant 0 : index
    %get3A_231 = tpu.vector_load %arg18[%get3A_228, %get3A_229, %get3A_230] {strides = array<i32>} : memref<25x1x32xf32, #tpu.memory_space<vmem>>, vector<16xf32>,
    %get3A_232 = arith.constant 5 : i32
    %get3A_233 = arith.constant 0 : i32
    %get3A_234 = arith.index_cast %get3A_232 : i32 to index
    %get3A_235 = arith.index_cast %get3A_233 : i32 to index
    %get3A_236 = arith.constant 0 : index
    %get3A_237 = tpu.vector_load %arg18[%get3A_234, %get3A_235, %get3A_236] {strides = array<i32>} : memref<25x1x32xf32, #tpu.memory_space<vmem>>, vector<16xf32>,
    %get3A_238 = arith.constant 6 : i32
    %get3A_239 = arith.constant 0 : i32
    %get3A_240 = arith.index_cast %get3A_238 : i32 to index
    %get3A_241 = arith.index_cast %get3A_239 : i32 to index
    %get3A_242 = arith.constant 0 : index
    %get3A_243 = tpu.vector_load %arg18[%get3A_240, %get3A_241, %get3A_242] {strides = array<i32>} : memref<25x1x32xf32, #tpu.memory_space<vmem>>, vector<16xf32>,
    %get3A_244 = arith.constant 7 : i32
    %get3A_245 = arith.constant 0 : i32
    %get3A_246 = arith.index_cast %get3A_244 : i32 to index
    %get3A_247 = arith.index_cast %get3A_245 : i32 to index
    %get3A_248 = arith.constant 0 : index
    %get3A_249 = tpu.vector_load %arg18[%get3A_246, %get3A_247, %get3A_248] {strides = array<i32>} : memref<25x1x32xf32, #tpu.memory_space<vmem>>, vector<16xf32>,
    %get3A_250 = arith.constant 8 : i32
    %get3A_251 = arith.constant 0 : i32
    %get3A_252 = arith.index_cast %get3A_250 : i32 to index
    %get3A_253 = arith.index_cast %get3A_251 : i32 to index
    %get3A_254 = arith.constant 0 : index
    %get3A_255 = tpu.vector_load %arg18[%get3A_252, %get3A_253, %get3A_254] {strides = array<i32>} : memref<25x1x32xf32, #tpu.memory_space<vmem>>, vector<16xf32>,
    %get3A_256 = arith.constant 9 : i32
    %get3A_257 = arith.constant 0 : i32
    %get3A_258 = arith.index_cast %get3A_256 : i32 to index
    %get3A_259 = arith.index_cast %get3A_257 : i32 to index
    %get3A_260 = arith.constant 0 : index
    %get3A_261 = tpu.vector_load %arg18[%get3A_258, %get3A_259, %get3A_260] {strides = array<i32>} : memref<25x1x32xf32, #tpu.memory_space<vmem>>, vector<16xf32>,
    %get3A_262 = arith.constant 10 : i32
    %get3A_263 = arith.constant 0 : i32
    %get3A_264 = arith.index_cast %get3A_262 : i32 to index
    %get3A_265 = arith.index_cast %get3A_263 : i32 to index
    %get3A_266 = arith.constant 0 : index
    %get3A_267 = tpu.vector_load %arg18[%get3A_264, %get3A_265, %get3A_266] {strides = array<i32>} : memref<25x1x32xf32, #tpu.memory_space<vmem>>, vector<16xf32>,
    %get3A_268 = arith.constant 11 : i32
    %get3A_269 = arith.constant 0 : i32
    %get3A_270 = arith.index_cast %get3A_268 : i32 to index
    %get3A_271 = arith.index_cast %get3A_269 : i32 to index
    %get3A_272 = arith.constant 0 : index
    %get3A_273 = tpu.vector_load %arg18[%get3A_270, %get3A_271, %get3A_272] {strides = array<i32>} : memref<25x1x32xf32, #tpu.memory_space<vmem>>, vector<16xf32>,
    %get3A_274 = arith.constant 12 : i32
    %get3A_275 = arith.constant 0 : i32
    %get3A_276 = arith.index_cast %get3A_274 : i32 to index
    %get3A_277 = arith.index_cast %get3A_275 : i32 to index
    %get3A_278 = arith.constant 0 : index
    %get3A_279 = tpu.vector_load %arg18[%get3A_276, %get3A_277, %get3A_278] {strides = array<i32>} : memref<25x1x32xf32, #tpu.memory_space<vmem>>, vector<16xf32>,
    %get3A_280 = arith.constant 13 : i32
    %get3A_281 = arith.constant 0 : i32
    %get3A_282 = arith.index_cast %get3A_280 : i32 to index
    %get3A_283 = arith.index_cast %get3A_281 : i32 to index
    %get3A_284 = arith.constant 0 : index
    %get3A_285 = tpu.vector_load %arg18[%get3A_282, %get3A_283, %get3A_284] {strides = array<i32>} : memref<25x1x32xf32, #tpu.memory_space<vmem>>, vector<16xf32>,
    %get3A_286 = arith.constant 14 : i32
    %get3A_287 = arith.constant 0 : i32
    %get3A_288 = arith.index_cast %get3A_286 : i32 to index
    %get3A_289 = arith.index_cast %get3A_287 : i32 to index
    %get3A_290 = arith.constant 0 : index
    %get3A_291 = tpu.vector_load %arg18[%get3A_288, %get3A_289, %get3A_290] {strides = array<i32>} : memref<25x1x32xf32, #tpu.memory_space<vmem>>, vector<16xf32>,
    %get3A_292 = arith.constant 15 : i32
    %get3A_293 = arith.constant 0 : i32
    %get3A_294 = arith.index_cast %get3A_292 : i32 to index
    %get3A_295 = arith.index_cast %get3A_293 : i32 to index
    %get3A_296 = arith.constant 0 : index
    %get3A_297 = tpu.vector_load %arg18[%get3A_294, %get3A_295, %get3A_296] {strides = array<i32>} : memref<25x1x32xf32, #tpu.memory_space<vmem>>, vector<16xf32>,
    %get3A_298 = arith.constant 16 : i32
    %get3A_299 = arith.constant 0 : i32
    %get3A_300 = arith.index_cast %get3A_298 : i32 to index
    %get3A_301 = arith.index_cast %get3A_299 : i32 to index
    %get3A_302 = arith.constant 0 : index
    %get3A_303 = tpu.vector_load %arg18[%get3A_300, %get3A_301, %get3A_302] {strides = array<i32>} : memref<25x1x32xf32, #tpu.memory_space<vmem>>, vector<16xf32>,
    %get3A_304 = arith.constant 17 : i32
    %get3A_305 = arith.constant 0 : i32
    %get3A_306 = arith.index_cast %get3A_304 : i32 to index
    %get3A_307 = arith.index_cast %get3A_305 : i32 to index
    %get3A_308 = arith.constant 0 : index
    %get3A_309 = tpu.vector_load %arg18[%get3A_306, %get3A_307, %get3A_308] {strides = array<i32>} : memref<25x1x32xf32, #tpu.memory_space<vmem>>, vector<16xf32>,
    %get3A_310 = arith.constant 18 : i32
    %get3A_311 = arith.constant 0 : i32
    %get3A_312 = arith.index_cast %get3A_310 : i32 to index
    %get3A_313 = arith.index_cast %get3A_311 : i32 to index
    %get3A_314 = arith.constant 0 : index
    %get3A_315 = tpu.vector_load %arg18[%get3A_312, %get3A_313, %get3A_314] {strides = array<i32>} : memref<25x1x32xf32, #tpu.memory_space<vmem>>, vector<16xf32>,
    %get3A_316 = arith.constant 19 : i32
    %get3A_317 = arith.constant 0 : i32
    %get3A_318 = arith.index_cast %get3A_316 : i32 to index
    %get3A_319 = arith.index_cast %get3A_317 : i32 to index
    %get3A_320 = arith.constant 0 : index
    %get3A_321 = tpu.vector_load %arg18[%get3A_318, %get3A_319, %get3A_320] {strides = array<i32>} : memref<25x1x32xf32, #tpu.memory_space<vmem>>, vector<16xf32>,
    %get3A_322 = arith.constant 20 : i32
    %get3A_323 = arith.constant 0 : i32
    %get3A_324 = arith.index_cast %get3A_322 : i32 to index
    %get3A_325 = arith.index_cast %get3A_323 : i32 to index
    %get3A_326 = arith.constant 0 : index
    %get3A_327 = tpu.vector_load %arg18[%get3A_324, %get3A_325, %get3A_326] {strides = array<i32>} : memref<25x1x32xf32, #tpu.memory_space<vmem>>, vector<16xf32>,
    %get3A_328 = arith.constant 21 : i32
    %get3A_329 = arith.constant 0 : i32
    %get3A_330 = arith.index_cast %get3A_328 : i32 to index
    %get3A_331 = arith.index_cast %get3A_329 : i32 to index
    %get3A_332 = arith.constant 0 : index
    %get3A_333 = tpu.vector_load %arg18[%get3A_330, %get3A_331, %get3A_332] {strides = array<i32>} : memref<25x1x32xf32, #tpu.memory_space<vmem>>, vector<16xf32>,
    %get3A_334 = arith.constant 22 : i32
    %get3A_335 = arith.constant 0 : i32
    %get3A_336 = arith.index_cast %get3A_334 : i32 to index
    %get3A_337 = arith.index_cast %get3A_335 : i32 to index
    %get3A_338 = arith.constant 0 : index
    %get3A_339 = tpu.vector_load %arg18[%get3A_336, %get3A_337, %get3A_338] {strides = array<i32>} : memref<25x1x32xf32, #tpu.memory_space<vmem>>, vector<16xf32>,
    %get3A_340 = arith.constant 23 : i32
    %get3A_341 = arith.constant 0 : i32
    %get3A_342 = arith.index_cast %get3A_340 : i32 to index
    %get3A_343 = arith.index_cast %get3A_341 : i32 to index
    %get3A_344 = arith.constant 0 : index
    %get3A_345 = tpu.vector_load %arg18[%get3A_342, %get3A_343, %get3A_344] {strides = array<i32>} : memref<25x1x32xf32, #tpu.memory_space<vmem>>, vector<16xf32>,
    %get3A_346 = arith.constant 24 : i32
    %get3A_347 = arith.constant 0 : i32
    %get3A_348 = arith.index_cast %get3A_346 : i32 to index
    %get3A_349 = arith.index_cast %get3A_347 : i32 to index
    %get3A_350 = arith.constant 0 : index
    %get3A_351 = tpu.vector_load %arg18[%get3A_348, %get3A_349, %get3A_350] {strides = array<i32>} : memref<25x1x32xf32, #tpu.memory_space<vmem>>, vector<16xf32>,
    %broadcast_in_dim3A_352 = arith.constant 0 : i32
    %broadcast_in_dim3A_353 = vector.broadcast %broadcast_in_dim3A_352 : i32 to vector<16xi32>
    %broadcast_in_dim3A_354 = arith.constant 1 : i32
    %broadcast_in_dim3A_355 = vector.broadcast %broadcast_in_dim3A_354 : i32 to vector<16xi32>
    %broadcast_in_dim3A_356 = arith.constant 2 : i32
    %broadcast_in_dim3A_357 = vector.broadcast %broadcast_in_dim3A_356 : i32 to vector<16xi32>
    %broadcast_in_dim3A_358 = arith.constant 3 : i32
    %broadcast_in_dim3A_359 = vector.broadcast %broadcast_in_dim3A_358 : i32 to vector<16xi32>
    %broadcast_in_dim3A_360 = arith.constant 4 : i32
    %broadcast_in_dim3A_361 = vector.broadcast %broadcast_in_dim3A_360 : i32 to vector<16xi32>
    %broadcast_in_dim3A_362 = arith.constant 5 : i32
    %broadcast_in_dim3A_363 = vector.broadcast %broadcast_in_dim3A_362 : i32 to vector<16xi32>
    %broadcast_in_dim3A_364 = arith.constant 6 : i32
    %broadcast_in_dim3A_365 = vector.broadcast %broadcast_in_dim3A_364 : i32 to vector<16xi32>
    %broadcast_in_dim3A_366 = arith.constant 7 : i32
    %broadcast_in_dim3A_367 = vector.broadcast %broadcast_in_dim3A_366 : i32 to vector<16xi32>
    %broadcast_in_dim3A_368 = arith.constant 8 : i32
    %broadcast_in_dim3A_369 = vector.broadcast %broadcast_in_dim3A_368 : i32 to vector<16xi32>
    %broadcast_in_dim3A_370 = arith.constant 9 : i32
    %broadcast_in_dim3A_371 = vector.broadcast %broadcast_in_dim3A_370 : i32 to vector<16xi32>
    %broadcast_in_dim3A_372 = arith.constant 10 : i32
    %broadcast_in_dim3A_373 = vector.broadcast %broadcast_in_dim3A_372 : i32 to vector<16xi32>
    %broadcast_in_dim3A_374 = arith.constant 11 : i32
    %broadcast_in_dim3A_375 = vector.broadcast %broadcast_in_dim3A_374 : i32 to vector<16xi32>
    %broadcast_in_dim3A_376 = arith.constant 12 : i32
    %broadcast_in_dim3A_377 = vector.broadcast %broadcast_in_dim3A_376 : i32 to vector<16xi32>
    %broadcast_in_dim3A_378 = arith.constant 13 : i32
    %broadcast_in_dim3A_379 = vector.broadcast %broadcast_in_dim3A_378 : i32 to vector<16xi32>
    %broadcast_in_dim3A_380 = arith.constant 14 : i32
    %broadcast_in_dim3A_381 = vector.broadcast %broadcast_in_dim3A_380 : i32 to vector<16xi32>
    %broadcast_in_dim3A_382 = arith.constant 15 : i32
    %broadcast_in_dim3A_383 = vector.broadcast %broadcast_in_dim3A_382 : i32 to vector<16xi32>
    %broadcast_in_dim3A_384 = arith.constant 16 : i32
    %broadcast_in_dim3A_385 = vector.broadcast %broadcast_in_dim3A_384 : i32 to vector<16xi32>
    %broadcast_in_dim3A_386 = arith.constant 17 : i32
    %broadcast_in_dim3A_387 = vector.broadcast %broadcast_in_dim3A_386 : i32 to vector<16xi32>
    %broadcast_in_dim3A_388 = arith.constant 18 : i32
    %broadcast_in_dim3A_389 = vector.broadcast %broadcast_in_dim3A_388 : i32 to vector<16xi32>
    %broadcast_in_dim3A_390 = arith.constant 19 : i32
    %broadcast_in_dim3A_391 = vector.broadcast %broadcast_in_dim3A_390 : i32 to vector<16xi32>
    %broadcast_in_dim3A_392 = arith.constant 20 : i32
    %broadcast_in_dim3A_393 = vector.broadcast %broadcast_in_dim3A_392 : i32 to vector<16xi32>
    %ge3A = arith.cmpf oge, %get3A_231, %get3A_237 : vector<16xf32>
    %max3A = arith.maximumf %get3A_231, %get3A_237 : vector<16xf32>
    %select_n3A = arith.select %ge3A, %broadcast_in_dim3A_353, %broadcast_in_dim3A_355 : vector<16xi1>, vector<16xi32>
    %ge3A_394 = arith.cmpf oge, %get3A_243, %get3A_249 : vector<16xf32>
    %max3A_395 = arith.maximumf %get3A_243, %get3A_249 : vector<16xf32>
    %select_n3A_396 = arith.select %ge3A_394, %broadcast_in_dim3A_357, %broadcast_in_dim3A_359 : vector<16xi1>, vector<16xi32>
    %ge3A_397 = arith.cmpf oge, %get3A_255, %get3A_261 : vector<16xf32>
    %max3A_398 = arith.maximumf %get3A_255, %get3A_261 : vector<16xf32>
    %select_n3A_399 = arith.select %ge3A_397, %broadcast_in_dim3A_361, %broadcast_in_dim3A_363 : vector<16xi1>, vector<16xi32>
    %ge3A_400 = arith.cmpf oge, %get3A_267, %get3A_273 : vector<16xf32>
    %max3A_401 = arith.maximumf %get3A_267, %get3A_273 : vector<16xf32>
    %select_n3A_402 = arith.select %ge3A_400, %broadcast_in_dim3A_365, %broadcast_in_dim3A_367 : vector<16xi1>, vector<16xi32>
    %ge3A_403 = arith.cmpf oge, %get3A_279, %get3A_285 : vector<16xf32>
    %max3A_404 = arith.maximumf %get3A_279, %get3A_285 : vector<16xf32>
    %select_n3A_405 = arith.select %ge3A_403, %broadcast_in_dim3A_369, %broadcast_in_dim3A_371 : vector<16xi1>, vector<16xi32>
    %ge3A_406 = arith.cmpf oge, %get3A_291, %get3A_297 : vector<16xf32>
    %max3A_407 = arith.maximumf %get3A_291, %get3A_297 : vector<16xf32>
    %select_n3A_408 = arith.select %ge3A_406, %broadcast_in_dim3A_373, %broadcast_in_dim3A_375 : vector<16xi1>, vector<16xi32>
    %ge3A_409 = arith.cmpf oge, %get3A_303, %get3A_309 : vector<16xf32>
    %max3A_410 = arith.maximumf %get3A_303, %get3A_309 : vector<16xf32>
    %select_n3A_411 = arith.select %ge3A_409, %broadcast_in_dim3A_377, %broadcast_in_dim3A_379 : vector<16xi1>, vector<16xi32>
    %ge3A_412 = arith.cmpf oge, %get3A_315, %get3A_321 : vector<16xf32>
    %max3A_413 = arith.maximumf %get3A_315, %get3A_321 : vector<16xf32>
    %select_n3A_414 = arith.select %ge3A_412, %broadcast_in_dim3A_381, %broadcast_in_dim3A_383 : vector<16xi1>, vector<16xi32>
    %ge3A_415 = arith.cmpf oge, %get3A_327, %get3A_333 : vector<16xf32>
    %max3A_416 = arith.maximumf %get3A_327, %get3A_333 : vector<16xf32>
    %select_n3A_417 = arith.select %ge3A_415, %broadcast_in_dim3A_385, %broadcast_in_dim3A_387 : vector<16xi1>, vector<16xi32>
    %ge3A_418 = arith.cmpf oge, %get3A_339, %get3A_345 : vector<16xf32>
    %max3A_419 = arith.maximumf %get3A_339, %get3A_345 : vector<16xf32>
    %select_n3A_420 = arith.select %ge3A_418, %broadcast_in_dim3A_389, %broadcast_in_dim3A_391 : vector<16xi1>, vector<16xi32>
    %ge3A_421 = arith.cmpf oge, %max3A, %max3A_395 : vector<16xf32>
    %max3A_422 = arith.maximumf %max3A, %max3A_395 : vector<16xf32>
    %select_n3A_423 = arith.select %ge3A_421, %select_n3A, %select_n3A_396 : vector<16xi1>, vector<16xi32>
    %ge3A_424 = arith.cmpf oge, %max3A_398, %max3A_401 : vector<16xf32>
    %max3A_425 = arith.maximumf %max3A_398, %max3A_401 : vector<16xf32>
    %select_n3A_426 = arith.select %ge3A_424, %select_n3A_399, %select_n3A_402 : vector<16xi1>, vector<16xi32>
    %ge3A_427 = arith.cmpf oge, %max3A_404, %max3A_407 : vector<16xf32>
    %max3A_428 = arith.maximumf %max3A_404, %max3A_407 : vector<16xf32>
    %select_n3A_429 = arith.select %ge3A_427, %select_n3A_405, %select_n3A_408 : vector<16xi1>, vector<16xi32>
    %ge3A_430 = arith.cmpf oge, %max3A_410, %max3A_413 : vector<16xf32>
    %max3A_431 = arith.maximumf %max3A_410, %max3A_413 : vector<16xf32>
    %select_n3A_432 = arith.select %ge3A_430, %select_n3A_411, %select_n3A_414 : vector<16xi1>, vector<16xi32>
    %ge3A_433 = arith.cmpf oge, %max3A_416, %max3A_419 : vector<16xf32>
    %max3A_434 = arith.maximumf %max3A_416, %max3A_419 : vector<16xf32>
    %select_n3A_435 = arith.select %ge3A_433, %select_n3A_417, %select_n3A_420 : vector<16xi1>, vector<16xi32>
    %ge3A_436 = arith.cmpf oge, %max3A_422, %max3A_425 : vector<16xf32>
    %max3A_437 = arith.maximumf %max3A_422, %max3A_425 : vector<16xf32>
    %select_n3A_438 = arith.select %ge3A_436, %select_n3A_423, %select_n3A_426 : vector<16xi1>, vector<16xi32>
    %ge3A_439 = arith.cmpf oge, %max3A_428, %max3A_431 : vector<16xf32>
    %max3A_440 = arith.maximumf %max3A_428, %max3A_431 : vector<16xf32>
    %select_n3A_441 = arith.select %ge3A_439, %select_n3A_429, %select_n3A_432 : vector<16xi1>, vector<16xi32>
    %ge3A_442 = arith.cmpf oge, %max3A_434, %get3A_351 : vector<16xf32>
    %max3A_443 = arith.maximumf %max3A_434, %get3A_351 : vector<16xf32>
    %select_n3A_444 = arith.select %ge3A_442, %select_n3A_435, %broadcast_in_dim3A_393 : vector<16xi1>, vector<16xi32>
    %ge3A_445 = arith.cmpf oge, %max3A_437, %max3A_440 : vector<16xf32>
    %max3A_446 = arith.maximumf %max3A_437, %max3A_440 : vector<16xf32>
    %select_n3A_447 = arith.select %ge3A_445, %select_n3A_438, %select_n3A_441 : vector<16xi1>, vector<16xi32>
    %ge3A_448 = arith.cmpf oge, %max3A_446, %max3A_443 : vector<16xf32>
    %max3A_449 = arith.maximumf %max3A_446, %max3A_443 : vector<16xf32>
    %select_n3A_450 = arith.select %ge3A_448, %select_n3A_447, %select_n3A_444 : vector<16xi1>, vector<16xi32>
    %get3A_451 = arith.constant 0 : i32
    %get3A_452 = arith.index_cast %get3A_451 : i32 to index
    %get3A_453 = arith.constant 0 : index
    %get3A_454 = tpu.vector_load %arg19[%get3A_452, %get3A_453] {strides = array<i32>} : memref<4x32xf32, #tpu.memory_space<vmem>>, vector<16xf32>,
    %get3A_455 = arith.constant 1 : i32
    %get3A_456 = arith.index_cast %get3A_455 : i32 to index
    %get3A_457 = arith.constant 0 : index
    %get3A_458 = tpu.vector_load %arg19[%get3A_456, %get3A_457] {strides = array<i32>} : memref<4x32xf32, #tpu.memory_space<vmem>>, vector<16xf32>,
    %get3A_459 = arith.constant 2 : i32
    %get3A_460 = arith.index_cast %get3A_459 : i32 to index
    %get3A_461 = arith.constant 0 : index
    %get3A_462 = tpu.vector_load %arg19[%get3A_460, %get3A_461] {strides = array<i32>} : memref<4x32xf32, #tpu.memory_space<vmem>>, vector<16xf32>,
    %get3A_463 = arith.constant 3 : i32
    %get3A_464 = arith.index_cast %get3A_463 : i32 to index
    %get3A_465 = arith.constant 0 : index
    %get3A_466 = tpu.vector_load %arg19[%get3A_464, %get3A_465] {strides = array<i32>} : memref<4x32xf32, #tpu.memory_space<vmem>>, vector<16xf32>,
    %add3A_467 = arith.addf %get3A_462, %get3A_454 : vector<16xf32>
    %mul3A_468 = arith.constant 5.000000e-01 : f32
    %mul3A_469 = vector.broadcast %mul3A_468 : f32 to vector<16xf32>
    %mul3A_470 = arith.mulf %add3A_467, %mul3A_469 : vector<16xf32>
    %add3A_471 = arith.addf %get3A_466, %get3A_458 : vector<16xf32>
    %mul3A_472 = arith.constant 5.000000e-01 : f32
    %mul3A_473 = vector.broadcast %mul3A_472 : f32 to vector<16xf32>
    %mul3A_474 = arith.mulf %add3A_471, %mul3A_473 : vector<16xf32>
    %sub3A = arith.subf %get3A_462, %get3A_454 : vector<16xf32>
    %sub3A_475 = arith.subf %get3A_466, %get3A_458 : vector<16xf32>
    %mul3A_476 = arith.mulf %get3A_207, %sub3A : vector<16xf32>
    %add3A_477 = arith.addf %mul3A_476, %mul3A_470 : vector<16xf32>
    %mul3A_478 = arith.mulf %get3A_213, %sub3A_475 : vector<16xf32>
    %add3A_479 = arith.addf %mul3A_478, %mul3A_474 : vector<16xf32>
    %exp3A = math.exp %get3A_219 : vector<16xf32>
    %mul3A_480 = arith.mulf %exp3A, %sub3A : vector<16xf32>
    %exp3A_481 = math.exp %get3A_225 : vector<16xf32>
    %mul3A_482 = arith.mulf %exp3A_481, %sub3A_475 : vector<16xf32>
    %ne3A = arith.constant 0 : i32
    %ne3A_483 = vector.broadcast %ne3A : i32 to vector<16xi32>
    %ne3A_484 = arith.cmpi ne, %select_n3A_450, %ne3A_483 : vector<16xi32>
    %convert_element_type3A = arith.extui %ne3A_484 : vector<16xi1> to vector<16xi32>
    %convert_element_type3A_485 = arith.sitofp %convert_element_type3A : vector<16xi32> to vector<16xf32>
    %mul3A_486 = arith.constant 5.000000e-01 : f32
    %mul3A_487 = vector.broadcast %mul3A_486 : f32 to vector<16xf32>
    %mul3A_488 = arith.mulf %mul3A_480, %mul3A_487 : vector<16xf32>
    %sub3A_489 = arith.subf %add3A_477, %mul3A_488 : vector<16xf32>
    %jit3A = arith.constant 0.000000e+00 : f32
    %jit3A_490 = arith.constant 1.000000e+00 : f32
    %max3A_491 = vector.broadcast %jit3A : f32 to vector<16xf32>
    %max3A_492 = arith.maximumf %max3A_491, %sub3A_489 : vector<16xf32>
    %min3A = vector.broadcast %jit3A_490 : f32 to vector<16xf32>
    %min3A_493 = arith.minimumf %min3A, %max3A_492 : vector<16xf32>
    %mul3A_494 = arith.mulf %min3A_493, %convert_element_type3A_485 : vector<16xf32>
    %swap3A = arith.constant 0 : i32
    %swap3A_495 = arith.constant 0 : i32
    %swap3A_496 = arith.index_cast %swap3A : i32 to index
    %swap3A_497 = arith.index_cast %swap3A_495 : i32 to index
    %swap3A_498 = arith.constant 0 : index
    %swap3A_499 = tpu.vector_load %arg20[%swap3A_496, %swap3A_497, %swap3A_498] {strides = array<i32>} : memref<1x4x32xf32, #tpu.memory_space<vmem>>, vector<16xf32>,
    tpu.vector_store %arg20[%swap3A_496, %swap3A_497, %swap3A_498], %mul3A_494 {strides = array<i32>} : memref<1x4x32xf32, #tpu.memory_space<vmem>>, vector<16xf32>,
    %mul3A_500 = arith.constant 5.000000e-01 : f32
    %mul3A_501 = vector.broadcast %mul3A_500 : f32 to vector<16xf32>
    %mul3A_502 = arith.mulf %mul3A_482, %mul3A_501 : vector<16xf32>
    %sub3A_503 = arith.subf %add3A_479, %mul3A_502 : vector<16xf32>
    %jit3A_504 = arith.constant 0.000000e+00 : f32
    %jit3A_505 = arith.constant 1.000000e+00 : f32
    %max3A_506 = vector.broadcast %jit3A_504 : f32 to vector<16xf32>
    %max3A_507 = arith.maximumf %max3A_506, %sub3A_503 : vector<16xf32>
    %min3A_508 = vector.broadcast %jit3A_505 : f32 to vector<16xf32>
    %min3A_509 = arith.minimumf %min3A_508, %max3A_507 : vector<16xf32>
    %mul3A_510 = arith.mulf %min3A_509, %convert_element_type3A_485 : vector<16xf32>
    %swap3A_511 = arith.constant 0 : i32
    %swap3A_512 = arith.constant 1 : i32
    %swap3A_513 = arith.index_cast %swap3A_511 : i32 to index
    %swap3A_514 = arith.index_cast %swap3A_512 : i32 to index
    %swap3A_515 = arith.constant 0 : index
    %swap3A_516 = tpu.vector_load %arg20[%swap3A_513, %swap3A_514, %swap3A_515] {strides = array<i32>} : memref<1x4x32xf32, #tpu.memory_space<vmem>>, vector<16xf32>,
    tpu.vector_store %arg20[%swap3A_513, %swap3A_514, %swap3A_515], %mul3A_510 {strides = array<i32>} : memref<1x4x32xf32, #tpu.memory_space<vmem>>, vector<16xf32>,
    %mul3A_517 = arith.constant 5.000000e-01 : f32
    %mul3A_518 = vector.broadcast %mul3A_517 : f32 to vector<16xf32>
    %mul3A_519 = arith.mulf %mul3A_480, %mul3A_518 : vector<16xf32>
    %add3A_520 = arith.addf %add3A_477, %mul3A_519 : vector<16xf32>
    %jit3A_521 = arith.constant 0.000000e+00 : f32
    %jit3A_522 = arith.constant 1.000000e+00 : f32
    %max3A_523 = vector.broadcast %jit3A_521 : f32 to vector<16xf32>
    %max3A_524 = arith.maximumf %max3A_523, %add3A_520 : vector<16xf32>
    %min3A_525 = vector.broadcast %jit3A_522 : f32 to vector<16xf32>
    %min3A_526 = arith.minimumf %min3A_525, %max3A_524 : vector<16xf32>
    %mul3A_527 = arith.mulf %min3A_526, %convert_element_type3A_485 : vector<16xf32>
    %swap3A_528 = arith.constant 0 : i32
    %swap3A_529 = arith.constant 2 : i32
    %swap3A_530 = arith.index_cast %swap3A_528 : i32 to index
    %swap3A_531 = arith.index_cast %swap3A_529 : i32 to index
    %swap3A_532 = arith.constant 0 : index
    %swap3A_533 = tpu.vector_load %arg20[%swap3A_530, %swap3A_531, %swap3A_532] {strides = array<i32>} : memref<1x4x32xf32, #tpu.memory_space<vmem>>, vector<16xf32>,
    tpu.vector_store %arg20[%swap3A_530, %swap3A_531, %swap3A_532], %mul3A_527 {strides = array<i32>} : memref<1x4x32xf32, #tpu.memory_space<vmem>>, vector<16xf32>,
    %mul3A_534 = arith.constant 5.000000e-01 : f32
    %mul3A_535 = vector.broadcast %mul3A_534 : f32 to vector<16xf32>
    %mul3A_536 = arith.mulf %mul3A_482, %mul3A_535 : vector<16xf32>
    %add3A_537 = arith.addf %add3A_479, %mul3A_536 : vector<16xf32>
    %jit3A_538 = arith.constant 0.000000e+00 : f32
    %jit3A_539 = arith.constant 1.000000e+00 : f32
    %max3A_540 = vector.broadcast %jit3A_538 : f32 to vector<16xf32>
    %max3A_541 = arith.maximumf %max3A_540, %add3A_537 : vector<16xf32>
    %min3A_542 = vector.broadcast %jit3A_539 : f32 to vector<16xf32>
    %min3A_543 = arith.minimumf %min3A_542, %max3A_541 : vector<16xf32>
    %mul3A_544 = arith.mulf %min3A_543, %convert_element_type3A_485 : vector<16xf32>
    %swap3A_545 = arith.constant 0 : i32
    %swap3A_546 = arith.constant 3 : i32
    %swap3A_547 = arith.index_cast %swap3A_545 : i32 to index
    %swap3A_548 = arith.index_cast %swap3A_546 : i32 to index
    %swap3A_549 = arith.constant 0 : index
    %swap3A_550 = tpu.vector_load %arg20[%swap3A_547, %swap3A_548, %swap3A_549] {strides = array<i32>} : memref<1x4x32xf32, #tpu.memory_space<vmem>>, vector<16xf32>,
    tpu.vector_store %arg20[%swap3A_547, %swap3A_548, %swap3A_549], %mul3A_544 {strides = array<i32>} : memref<1x4x32xf32, #tpu.memory_space<vmem>>, vector<16xf32>,
    %mul3A_551 = arith.mulf %max3A_449, %convert_element_type3A_485 : vector<16xf32>
    %swap3A_552 = arith.constant 0 : i32
    %swap3A_553 = arith.index_cast %swap3A_552 : i32 to index
    %swap3A_554 = arith.constant 0 : index
    %swap3A_555 = tpu.vector_load %arg21[%swap3A_553, %swap3A_554] {strides = array<i32>} : memref<1x32xf32, #tpu.memory_space<vmem>>, vector<16xf32>,
    tpu.vector_store %arg21[%swap3A_553, %swap3A_554], %mul3A_551 {strides = array<i32>} : memref<1x32xf32, #tpu.memory_space<vmem>>, vector<16xf32>,
    %swap3A_556 = arith.constant 0 : i32
    %swap3A_557 = arith.index_cast %swap3A_556 : i32 to index
    %swap3A_558 = arith.constant 0 : index
    %swap3A_559 = tpu.vector_load %arg22[%swap3A_557, %swap3A_558] {strides = array<i32>} : memref<1x32xi32, #tpu.memory_space<vmem>>, vector<16xi32>,
    tpu.vector_store %arg22[%swap3A_557, %swap3A_558], %select_n3A_450 {strides = array<i32>} : memref<1x32xi32, #tpu.memory_space<vmem>>, vector<16xi32>,
    %convert_element_type3A_560 = arith.extui %ne3A_484 : vector<16xi1> to vector<16xi32>
    %add3A_561 = arith.addi %broadcast_in_dim3A_202, %convert_element_type3A_560 : vector<16xi32>
    %get3A_562 = arith.constant 0 : i32
    %get3A_563 = arith.constant 0 : i32
    %get3A_564 = arith.index_cast %get3A_562 : i32 to index
    %get3A_565 = arith.index_cast %get3A_563 : i32 to index
    %get3A_566 = arith.constant 16 : index
    %get3A_567 = tpu.vector_load %arg18[%get3A_564, %get3A_565, %get3A_566] {strides = array<i32>} : memref<25x1x32xf32, #tpu.memory_space<vmem>>, vector<16xf32>,
    %get3A_568 = arith.constant 1 : i32
    %get3A_569 = arith.constant 0 : i32
    %get3A_570 = arith.index_cast %get3A_568 : i32 to index
    %get3A_571 = arith.index_cast %get3A_569 : i32 to index
    %get3A_572 = arith.constant 16 : index
    %get3A_573 = tpu.vector_load %arg18[%get3A_570, %get3A_571, %get3A_572] {strides = array<i32>} : memref<25x1x32xf32, #tpu.memory_space<vmem>>, vector<16xf32>,
    %get3A_574 = arith.constant 2 : i32
    %get3A_575 = arith.constant 0 : i32
    %get3A_576 = arith.index_cast %get3A_574 : i32 to index
    %get3A_577 = arith.index_cast %get3A_575 : i32 to index
    %get3A_578 = arith.constant 16 : index
    %get3A_579 = tpu.vector_load %arg18[%get3A_576, %get3A_577, %get3A_578] {strides = array<i32>} : memref<25x1x32xf32, #tpu.memory_space<vmem>>, vector<16xf32>,
    %get3A_580 = arith.constant 3 : i32
    %get3A_581 = arith.constant 0 : i32
    %get3A_582 = arith.index_cast %get3A_580 : i32 to index
    %get3A_583 = arith.index_cast %get3A_581 : i32 to index
    %get3A_584 = arith.constant 16 : index
    %get3A_585 = tpu.vector_load %arg18[%get3A_582, %get3A_583, %get3A_584] {strides = array<i32>} : memref<25x1x32xf32, #tpu.memory_space<vmem>>, vector<16xf32>,
    %get3A_586 = arith.constant 4 : i32
    %get3A_587 = arith.constant 0 : i32
    %get3A_588 = arith.index_cast %get3A_586 : i32 to index
    %get3A_589 = arith.index_cast %get3A_587 : i32 to index
    %get3A_590 = arith.constant 16 : index
    %get3A_591 = tpu.vector_load %arg18[%get3A_588, %get3A_589, %get3A_590] {strides = array<i32>} : memref<25x1x32xf32, #tpu.memory_space<vmem>>, vector<16xf32>,
    %get3A_592 = arith.constant 5 : i32
    %get3A_593 = arith.constant 0 : i32
    %get3A_594 = arith.index_cast %get3A_592 : i32 to index
    %get3A_595 = arith.index_cast %get3A_593 : i32 to index
    %get3A_596 = arith.constant 16 : index
    %get3A_597 = tpu.vector_load %arg18[%get3A_594, %get3A_595, %get3A_596] {strides = array<i32>} : memref<25x1x32xf32, #tpu.memory_space<vmem>>, vector<16xf32>,
    %get3A_598 = arith.constant 6 : i32
    %get3A_599 = arith.constant 0 : i32
    %get3A_600 = arith.index_cast %get3A_598 : i32 to index
    %get3A_601 = arith.index_cast %get3A_599 : i32 to index
    %get3A_602 = arith.constant 16 : index
    %get3A_603 = tpu.vector_load %arg18[%get3A_600, %get3A_601, %get3A_602] {strides = array<i32>} : memref<25x1x32xf32, #tpu.memory_space<vmem>>, vector<16xf32>,
    %get3A_604 = arith.constant 7 : i32
    %get3A_605 = arith.constant 0 : i32
    %get3A_606 = arith.index_cast %get3A_604 : i32 to index
    %get3A_607 = arith.index_cast %get3A_605 : i32 to index
    %get3A_608 = arith.constant 16 : index
    %get3A_609 = tpu.vector_load %arg18[%get3A_606, %get3A_607, %get3A_608] {strides = array<i32>} : memref<25x1x32xf32, #tpu.memory_space<vmem>>, vector<16xf32>,
    %get3A_610 = arith.constant 8 : i32
    %get3A_611 = arith.constant 0 : i32
    %get3A_612 = arith.index_cast %get3A_610 : i32 to index
    %get3A_613 = arith.index_cast %get3A_611 : i32 to index
    %get3A_614 = arith.constant 16 : index
    %get3A_615 = tpu.vector_load %arg18[%get3A_612, %get3A_613, %get3A_614] {strides = array<i32>} : memref<25x1x32xf32, #tpu.memory_space<vmem>>, vector<16xf32>,
    %get3A_616 = arith.constant 9 : i32
    %get3A_617 = arith.constant 0 : i32
    %get3A_618 = arith.index_cast %get3A_616 : i32 to index
    %get3A_619 = arith.index_cast %get3A_617 : i32 to index
    %get3A_620 = arith.constant 16 : index
    %get3A_621 = tpu.vector_load %arg18[%get3A_618, %get3A_619, %get3A_620] {strides = array<i32>} : memref<25x1x32xf32, #tpu.memory_space<vmem>>, vector<16xf32>,
    %get3A_622 = arith.constant 10 : i32
    %get3A_623 = arith.constant 0 : i32
    %get3A_624 = arith.index_cast %get3A_622 : i32 to index
    %get3A_625 = arith.index_cast %get3A_623 : i32 to index
    %get3A_626 = arith.constant 16 : index
    %get3A_627 = tpu.vector_load %arg18[%get3A_624, %get3A_625, %get3A_626] {strides = array<i32>} : memref<25x1x32xf32, #tpu.memory_space<vmem>>, vector<16xf32>,
    %get3A_628 = arith.constant 11 : i32
    %get3A_629 = arith.constant 0 : i32
    %get3A_630 = arith.index_cast %get3A_628 : i32 to index
    %get3A_631 = arith.index_cast %get3A_629 : i32 to index
    %get3A_632 = arith.constant 16 : index
    %get3A_633 = tpu.vector_load %arg18[%get3A_630, %get3A_631, %get3A_632] {strides = array<i32>} : memref<25x1x32xf32, #tpu.memory_space<vmem>>, vector<16xf32>,
    %get3A_634 = arith.constant 12 : i32
    %get3A_635 = arith.constant 0 : i32
    %get3A_636 = arith.index_cast %get3A_634 : i32 to index
    %get3A_637 = arith.index_cast %get3A_635 : i32 to index
    %get3A_638 = arith.constant 16 : index
    %get3A_639 = tpu.vector_load %arg18[%get3A_636, %get3A_637, %get3A_638] {strides = array<i32>} : memref<25x1x32xf32, #tpu.memory_space<vmem>>, vector<16xf32>,
    %get3A_640 = arith.constant 13 : i32
    %get3A_641 = arith.constant 0 : i32
    %get3A_642 = arith.index_cast %get3A_640 : i32 to index
    %get3A_643 = arith.index_cast %get3A_641 : i32 to index
    %get3A_644 = arith.constant 16 : index
    %get3A_645 = tpu.vector_load %arg18[%get3A_642, %get3A_643, %get3A_644] {strides = array<i32>} : memref<25x1x32xf32, #tpu.memory_space<vmem>>, vector<16xf32>,
    %get3A_646 = arith.constant 14 : i32
    %get3A_647 = arith.constant 0 : i32
    %get3A_648 = arith.index_cast %get3A_646 : i32 to index
    %get3A_649 = arith.index_cast %get3A_647 : i32 to index
    %get3A_650 = arith.constant 16 : index
    %get3A_651 = tpu.vector_load %arg18[%get3A_648, %get3A_649, %get3A_650] {strides = array<i32>} : memref<25x1x32xf32, #tpu.memory_space<vmem>>, vector<16xf32>,
    %get3A_652 = arith.constant 15 : i32
    %get3A_653 = arith.constant 0 : i32
    %get3A_654 = arith.index_cast %get3A_652 : i32 to index
    %get3A_655 = arith.index_cast %get3A_653 : i32 to index
    %get3A_656 = arith.constant 16 : index
    %get3A_657 = tpu.vector_load %arg18[%get3A_654, %get3A_655, %get3A_656] {strides = array<i32>} : memref<25x1x32xf32, #tpu.memory_space<vmem>>, vector<16xf32>,
    %get3A_658 = arith.constant 16 : i32
    %get3A_659 = arith.constant 0 : i32
    %get3A_660 = arith.index_cast %get3A_658 : i32 to index
    %get3A_661 = arith.index_cast %get3A_659 : i32 to index
    %get3A_662 = arith.constant 16 : index
    %get3A_663 = tpu.vector_load %arg18[%get3A_660, %get3A_661, %get3A_662] {strides = array<i32>} : memref<25x1x32xf32, #tpu.memory_space<vmem>>, vector<16xf32>,
    %get3A_664 = arith.constant 17 : i32
    %get3A_665 = arith.constant 0 : i32
    %get3A_666 = arith.index_cast %get3A_664 : i32 to index
    %get3A_667 = arith.index_cast %get3A_665 : i32 to index
    %get3A_668 = arith.constant 16 : index
    %get3A_669 = tpu.vector_load %arg18[%get3A_666, %get3A_667, %get3A_668] {strides = array<i32>} : memref<25x1x32xf32, #tpu.memory_space<vmem>>, vector<16xf32>,
    %get3A_670 = arith.constant 18 : i32
    %get3A_671 = arith.constant 0 : i32
    %get3A_672 = arith.index_cast %get3A_670 : i32 to index
    %get3A_673 = arith.index_cast %get3A_671 : i32 to index
    %get3A_674 = arith.constant 16 : index
    %get3A_675 = tpu.vector_load %arg18[%get3A_672, %get3A_673, %get3A_674] {strides = array<i32>} : memref<25x1x32xf32, #tpu.memory_space<vmem>>, vector<16xf32>,
    %get3A_676 = arith.constant 19 : i32
    %get3A_677 = arith.constant 0 : i32
    %get3A_678 = arith.index_cast %get3A_676 : i32 to index
    %get3A_679 = arith.index_cast %get3A_677 : i32 to index
    %get3A_680 = arith.constant 16 : index
    %get3A_681 = tpu.vector_load %arg18[%get3A_678, %get3A_679, %get3A_680] {strides = array<i32>} : memref<25x1x32xf32, #tpu.memory_space<vmem>>, vector<16xf32>,
    %get3A_682 = arith.constant 20 : i32
    %get3A_683 = arith.constant 0 : i32
    %get3A_684 = arith.index_cast %get3A_682 : i32 to index
    %get3A_685 = arith.index_cast %get3A_683 : i32 to index
    %get3A_686 = arith.constant 16 : index
    %get3A_687 = tpu.vector_load %arg18[%get3A_684, %get3A_685, %get3A_686] {strides = array<i32>} : memref<25x1x32xf32, #tpu.memory_space<vmem>>, vector<16xf32>,
    %get3A_688 = arith.constant 21 : i32
    %get3A_689 = arith.constant 0 : i32
    %get3A_690 = arith.index_cast %get3A_688 : i32 to index
    %get3A_691 = arith.index_cast %get3A_689 : i32 to index
    %get3A_692 = arith.constant 16 : index
    %get3A_693 = tpu.vector_load %arg18[%get3A_690, %get3A_691, %get3A_692] {strides = array<i32>} : memref<25x1x32xf32, #tpu.memory_space<vmem>>, vector<16xf32>,
    %get3A_694 = arith.constant 22 : i32
    %get3A_695 = arith.constant 0 : i32
    %get3A_696 = arith.index_cast %get3A_694 : i32 to index
    %get3A_697 = arith.index_cast %get3A_695 : i32 to index
    %get3A_698 = arith.constant 16 : index
    %get3A_699 = tpu.vector_load %arg18[%get3A_696, %get3A_697, %get3A_698] {strides = array<i32>} : memref<25x1x32xf32, #tpu.memory_space<vmem>>, vector<16xf32>,
    %get3A_700 = arith.constant 23 : i32
    %get3A_701 = arith.constant 0 : i32
    %get3A_702 = arith.index_cast %get3A_700 : i32 to index
    %get3A_703 = arith.index_cast %get3A_701 : i32 to index
    %get3A_704 = arith.constant 16 : index
    %get3A_705 = tpu.vector_load %arg18[%get3A_702, %get3A_703, %get3A_704] {strides = array<i32>} : memref<25x1x32xf32, #tpu.memory_space<vmem>>, vector<16xf32>,
    %get3A_706 = arith.constant 24 : i32
    %get3A_707 = arith.constant 0 : i32
    %get3A_708 = arith.index_cast %get3A_706 : i32 to index
    %get3A_709 = arith.index_cast %get3A_707 : i32 to index
    %get3A_710 = arith.constant 16 : index
    %get3A_711 = tpu.vector_load %arg18[%get3A_708, %get3A_709, %get3A_710] {strides = array<i32>} : memref<25x1x32xf32, #tpu.memory_space<vmem>>, vector<16xf32>,
    %broadcast_in_dim3A_712 = arith.constant 0 : i32
    %broadcast_in_dim3A_713 = vector.broadcast %broadcast_in_dim3A_712 : i32 to vector<16xi32>
    %broadcast_in_dim3A_714 = arith.constant 1 : i32
    %broadcast_in_dim3A_715 = vector.broadcast %broadcast_in_dim3A_714 : i32 to vector<16xi32>
    %broadcast_in_dim3A_716 = arith.constant 2 : i32
    %broadcast_in_dim3A_717 = vector.broadcast %broadcast_in_dim3A_716 : i32 to vector<16xi32>
    %broadcast_in_dim3A_718 = arith.constant 3 : i32
    %broadcast_in_dim3A_719 = vector.broadcast %broadcast_in_dim3A_718 : i32 to vector<16xi32>
    %broadcast_in_dim3A_720 = arith.constant 4 : i32
    %broadcast_in_dim3A_721 = vector.broadcast %broadcast_in_dim3A_720 : i32 to vector<16xi32>
    %broadcast_in_dim3A_722 = arith.constant 5 : i32
    %broadcast_in_dim3A_723 = vector.broadcast %broadcast_in_dim3A_722 : i32 to vector<16xi32>
    %broadcast_in_dim3A_724 = arith.constant 6 : i32
    %broadcast_in_dim3A_725 = vector.broadcast %broadcast_in_dim3A_724 : i32 to vector<16xi32>
    %broadcast_in_dim3A_726 = arith.constant 7 : i32
    %broadcast_in_dim3A_727 = vector.broadcast %broadcast_in_dim3A_726 : i32 to vector<16xi32>
    %broadcast_in_dim3A_728 = arith.constant 8 : i32
    %broadcast_in_dim3A_729 = vector.broadcast %broadcast_in_dim3A_728 : i32 to vector<16xi32>
    %broadcast_in_dim3A_730 = arith.constant 9 : i32
    %broadcast_in_dim3A_731 = vector.broadcast %broadcast_in_dim3A_730 : i32 to vector<16xi32>
    %broadcast_in_dim3A_732 = arith.constant 10 : i32
    %broadcast_in_dim3A_733 = vector.broadcast %broadcast_in_dim3A_732 : i32 to vector<16xi32>
    %broadcast_in_dim3A_734 = arith.constant 11 : i32
    %broadcast_in_dim3A_735 = vector.broadcast %broadcast_in_dim3A_734 : i32 to vector<16xi32>
    %broadcast_in_dim3A_736 = arith.constant 12 : i32
    %broadcast_in_dim3A_737 = vector.broadcast %broadcast_in_dim3A_736 : i32 to vector<16xi32>
    %broadcast_in_dim3A_738 = arith.constant 13 : i32
    %broadcast_in_dim3A_739 = vector.broadcast %broadcast_in_dim3A_738 : i32 to vector<16xi32>
    %broadcast_in_dim3A_740 = arith.constant 14 : i32
    %broadcast_in_dim3A_741 = vector.broadcast %broadcast_in_dim3A_740 : i32 to vector<16xi32>
    %broadcast_in_dim3A_742 = arith.constant 15 : i32
    %broadcast_in_dim3A_743 = vector.broadcast %broadcast_in_dim3A_742 : i32 to vector<16xi32>
    %broadcast_in_dim3A_744 = arith.constant 16 : i32
    %broadcast_in_dim3A_745 = vector.broadcast %broadcast_in_dim3A_744 : i32 to vector<16xi32>
    %broadcast_in_dim3A_746 = arith.constant 17 : i32
    %broadcast_in_dim3A_747 = vector.broadcast %broadcast_in_dim3A_746 : i32 to vector<16xi32>
    %broadcast_in_dim3A_748 = arith.constant 18 : i32
    %broadcast_in_dim3A_749 = vector.broadcast %broadcast_in_dim3A_748 : i32 to vector<16xi32>
    %broadcast_in_dim3A_750 = arith.constant 19 : i32
    %broadcast_in_dim3A_751 = vector.broadcast %broadcast_in_dim3A_750 : i32 to vector<16xi32>
    %broadcast_in_dim3A_752 = arith.constant 20 : i32
    %broadcast_in_dim3A_753 = vector.broadcast %broadcast_in_dim3A_752 : i32 to vector<16xi32>
    %ge3A_754 = arith.cmpf oge, %get3A_591, %get3A_597 : vector<16xf32>
    %max3A_755 = arith.maximumf %get3A_591, %get3A_597 : vector<16xf32>
    %select_n3A_756 = arith.select %ge3A_754, %broadcast_in_dim3A_713, %broadcast_in_dim3A_715 : vector<16xi1>, vector<16xi32>
    %ge3A_757 = arith.cmpf oge, %get3A_603, %get3A_609 : vector<16xf32>
    %max3A_758 = arith.maximumf %get3A_603, %get3A_609 : vector<16xf32>
    %select_n3A_759 = arith.select %ge3A_757, %broadcast_in_dim3A_717, %broadcast_in_dim3A_719 : vector<16xi1>, vector<16xi32>
    %ge3A_760 = arith.cmpf oge, %get3A_615, %get3A_621 : vector<16xf32>
    %max3A_761 = arith.maximumf %get3A_615, %get3A_621 : vector<16xf32>
    %select_n3A_762 = arith.select %ge3A_760, %broadcast_in_dim3A_721, %broadcast_in_dim3A_723 : vector<16xi1>, vector<16xi32>
    %ge3A_763 = arith.cmpf oge, %get3A_627, %get3A_633 : vector<16xf32>
    %max3A_764 = arith.maximumf %get3A_627, %get3A_633 : vector<16xf32>
    %select_n3A_765 = arith.select %ge3A_763, %broadcast_in_dim3A_725, %broadcast_in_dim3A_727 : vector<16xi1>, vector<16xi32>
    %ge3A_766 = arith.cmpf oge, %get3A_639, %get3A_645 : vector<16xf32>
    %max3A_767 = arith.maximumf %get3A_639, %get3A_645 : vector<16xf32>
    %select_n3A_768 = arith.select %ge3A_766, %broadcast_in_dim3A_729, %broadcast_in_dim3A_731 : vector<16xi1>, vector<16xi32>
    %ge3A_769 = arith.cmpf oge, %get3A_651, %get3A_657 : vector<16xf32>
    %max3A_770 = arith.maximumf %get3A_651, %get3A_657 : vector<16xf32>
    %select_n3A_771 = arith.select %ge3A_769, %broadcast_in_dim3A_733, %broadcast_in_dim3A_735 : vector<16xi1>, vector<16xi32>
    %ge3A_772 = arith.cmpf oge, %get3A_663, %get3A_669 : vector<16xf32>
    %max3A_773 = arith.maximumf %get3A_663, %get3A_669 : vector<16xf32>
    %select_n3A_774 = arith.select %ge3A_772, %broadcast_in_dim3A_737, %broadcast_in_dim3A_739 : vector<16xi1>, vector<16xi32>
    %ge3A_775 = arith.cmpf oge, %get3A_675, %get3A_681 : vector<16xf32>
    %max3A_776 = arith.maximumf %get3A_675, %get3A_681 : vector<16xf32>
    %select_n3A_777 = arith.select %ge3A_775, %broadcast_in_dim3A_741, %broadcast_in_dim3A_743 : vector<16xi1>, vector<16xi32>
    %ge3A_778 = arith.cmpf oge, %get3A_687, %get3A_693 : vector<16xf32>
    %max3A_779 = arith.maximumf %get3A_687, %get3A_693 : vector<16xf32>
    %select_n3A_780 = arith.select %ge3A_778, %broadcast_in_dim3A_745, %broadcast_in_dim3A_747 : vector<16xi1>, vector<16xi32>
    %ge3A_781 = arith.cmpf oge, %get3A_699, %get3A_705 : vector<16xf32>
    %max3A_782 = arith.maximumf %get3A_699, %get3A_705 : vector<16xf32>
    %select_n3A_783 = arith.select %ge3A_781, %broadcast_in_dim3A_749, %broadcast_in_dim3A_751 : vector<16xi1>, vector<16xi32>
    %ge3A_784 = arith.cmpf oge, %max3A_755, %max3A_758 : vector<16xf32>
    %max3A_785 = arith.maximumf %max3A_755, %max3A_758 : vector<16xf32>
    %select_n3A_786 = arith.select %ge3A_784, %select_n3A_756, %select_n3A_759 : vector<16xi1>, vector<16xi32>
    %ge3A_787 = arith.cmpf oge, %max3A_761, %max3A_764 : vector<16xf32>
    %max3A_788 = arith.maximumf %max3A_761, %max3A_764 : vector<16xf32>
    %select_n3A_789 = arith.select %ge3A_787, %select_n3A_762, %select_n3A_765 : vector<16xi1>, vector<16xi32>
    %ge3A_790 = arith.cmpf oge, %max3A_767, %max3A_770 : vector<16xf32>
    %max3A_791 = arith.maximumf %max3A_767, %max3A_770 : vector<16xf32>
    %select_n3A_792 = arith.select %ge3A_790, %select_n3A_768, %select_n3A_771 : vector<16xi1>, vector<16xi32>
    %ge3A_793 = arith.cmpf oge, %max3A_773, %max3A_776 : vector<16xf32>
    %max3A_794 = arith.maximumf %max3A_773, %max3A_776 : vector<16xf32>
    %select_n3A_795 = arith.select %ge3A_793, %select_n3A_774, %select_n3A_777 : vector<16xi1>, vector<16xi32>
    %ge3A_796 = arith.cmpf oge, %max3A_779, %max3A_782 : vector<16xf32>
    %max3A_797 = arith.maximumf %max3A_779, %max3A_782 : vector<16xf32>
    %select_n3A_798 = arith.select %ge3A_796, %select_n3A_780, %select_n3A_783 : vector<16xi1>, vector<16xi32>
    %ge3A_799 = arith.cmpf oge, %max3A_785, %max3A_788 : vector<16xf32>
    %max3A_800 = arith.maximumf %max3A_785, %max3A_788 : vector<16xf32>
    %select_n3A_801 = arith.select %ge3A_799, %select_n3A_786, %select_n3A_789 : vector<16xi1>, vector<16xi32>
    %ge3A_802 = arith.cmpf oge, %max3A_791, %max3A_794 : vector<16xf32>
    %max3A_803 = arith.maximumf %max3A_791, %max3A_794 : vector<16xf32>
    %select_n3A_804 = arith.select %ge3A_802, %select_n3A_792, %select_n3A_795 : vector<16xi1>, vector<16xi32>
    %ge3A_805 = arith.cmpf oge, %max3A_797, %get3A_711 : vector<16xf32>
    %max3A_806 = arith.maximumf %max3A_797, %get3A_711 : vector<16xf32>
    %select_n3A_807 = arith.select %ge3A_805, %select_n3A_798, %broadcast_in_dim3A_753 : vector<16xi1>, vector<16xi32>
    %ge3A_808 = arith.cmpf oge, %max3A_800, %max3A_803 : vector<16xf32>
    %max3A_809 = arith.maximumf %max3A_800, %max3A_803 : vector<16xf32>
    %select_n3A_810 = arith.select %ge3A_808, %select_n3A_801, %select_n3A_804 : vector<16xi1>, vector<16xi32>
    %ge3A_811 = arith.cmpf oge, %max3A_809, %max3A_806 : vector<16xf32>
    %max3A_812 = arith.maximumf %max3A_809, %max3A_806 : vector<16xf32>
    %select_n3A_813 = arith.select %ge3A_811, %select_n3A_810, %select_n3A_807 : vector<16xi1>, vector<16xi32>
    %get3A_814 = arith.constant 0 : i32
    %get3A_815 = arith.index_cast %get3A_814 : i32 to index
    %get3A_816 = arith.constant 16 : index
    %get3A_817 = tpu.vector_load %arg19[%get3A_815, %get3A_816] {strides = array<i32>} : memref<4x32xf32, #tpu.memory_space<vmem>>, vector<16xf32>,
    %get3A_818 = arith.constant 1 : i32
    %get3A_819 = arith.index_cast %get3A_818 : i32 to index
    %get3A_820 = arith.constant 16 : index
    %get3A_821 = tpu.vector_load %arg19[%get3A_819, %get3A_820] {strides = array<i32>} : memref<4x32xf32, #tpu.memory_space<vmem>>, vector<16xf32>,
    %get3A_822 = arith.constant 2 : i32
    %get3A_823 = arith.index_cast %get3A_822 : i32 to index
    %get3A_824 = arith.constant 16 : index
    %get3A_825 = tpu.vector_load %arg19[%get3A_823, %get3A_824] {strides = array<i32>} : memref<4x32xf32, #tpu.memory_space<vmem>>, vector<16xf32>,
    %get3A_826 = arith.constant 3 : i32
    %get3A_827 = arith.index_cast %get3A_826 : i32 to index
    %get3A_828 = arith.constant 16 : index
    %get3A_829 = tpu.vector_load %arg19[%get3A_827, %get3A_828] {strides = array<i32>} : memref<4x32xf32, #tpu.memory_space<vmem>>, vector<16xf32>,
    %add3A_830 = arith.addf %get3A_825, %get3A_817 : vector<16xf32>
    %mul3A_831 = arith.constant 5.000000e-01 : f32
    %mul3A_832 = vector.broadcast %mul3A_831 : f32 to vector<16xf32>
    %mul3A_833 = arith.mulf %add3A_830, %mul3A_832 : vector<16xf32>
    %add3A_834 = arith.addf %get3A_829, %get3A_821 : vector<16xf32>
    %mul3A_835 = arith.constant 5.000000e-01 : f32
    %mul3A_836 = vector.broadcast %mul3A_835 : f32 to vector<16xf32>
    %mul3A_837 = arith.mulf %add3A_834, %mul3A_836 : vector<16xf32>
    %sub3A_838 = arith.subf %get3A_825, %get3A_817 : vector<16xf32>
    %sub3A_839 = arith.subf %get3A_829, %get3A_821 : vector<16xf32>
    %mul3A_840 = arith.mulf %get3A_567, %sub3A_838 : vector<16xf32>
    %add3A_841 = arith.addf %mul3A_840, %mul3A_833 : vector<16xf32>
    %mul3A_842 = arith.mulf %get3A_573, %sub3A_839 : vector<16xf32>
    %add3A_843 = arith.addf %mul3A_842, %mul3A_837 : vector<16xf32>
    %exp3A_844 = math.exp %get3A_579 : vector<16xf32>
    %mul3A_845 = arith.mulf %exp3A_844, %sub3A_838 : vector<16xf32>
    %exp3A_846 = math.exp %get3A_585 : vector<16xf32>
    %mul3A_847 = arith.mulf %exp3A_846, %sub3A_839 : vector<16xf32>
    %ne3A_848 = arith.constant 0 : i32
    %ne3A_849 = vector.broadcast %ne3A_848 : i32 to vector<16xi32>
    %ne3A_850 = arith.cmpi ne, %select_n3A_813, %ne3A_849 : vector<16xi32>
    %convert_element_type3A_851 = arith.extui %ne3A_850 : vector<16xi1> to vector<16xi32>
    %convert_element_type3A_852 = arith.sitofp %convert_element_type3A_851 : vector<16xi32> to vector<16xf32>
    %mul3A_853 = arith.constant 5.000000e-01 : f32
    %mul3A_854 = vector.broadcast %mul3A_853 : f32 to vector<16xf32>
    %mul3A_855 = arith.mulf %mul3A_845, %mul3A_854 : vector<16xf32>
    %sub3A_856 = arith.subf %add3A_841, %mul3A_855 : vector<16xf32>
    %jit3A_857 = arith.constant 0.000000e+00 : f32
    %jit3A_858 = arith.constant 1.000000e+00 : f32
    %max3A_859 = vector.broadcast %jit3A_857 : f32 to vector<16xf32>
    %max3A_860 = arith.maximumf %max3A_859, %sub3A_856 : vector<16xf32>
    %min3A_861 = vector.broadcast %jit3A_858 : f32 to vector<16xf32>
    %min3A_862 = arith.minimumf %min3A_861, %max3A_860 : vector<16xf32>
    %mul3A_863 = arith.mulf %min3A_862, %convert_element_type3A_852 : vector<16xf32>
    %swap3A_864 = arith.constant 0 : i32
    %swap3A_865 = arith.constant 0 : i32
    %swap3A_866 = arith.index_cast %swap3A_864 : i32 to index
    %swap3A_867 = arith.index_cast %swap3A_865 : i32 to index
    %swap3A_868 = arith.constant 16 : index
    %swap3A_869 = tpu.vector_load %arg20[%swap3A_866, %swap3A_867, %swap3A_868] {strides = array<i32>} : memref<1x4x32xf32, #tpu.memory_space<vmem>>, vector<16xf32>,
    tpu.vector_store %arg20[%swap3A_866, %swap3A_867, %swap3A_868], %mul3A_863 {strides = array<i32>} : memref<1x4x32xf32, #tpu.memory_space<vmem>>, vector<16xf32>,
    %mul3A_870 = arith.constant 5.000000e-01 : f32
    %mul3A_871 = vector.broadcast %mul3A_870 : f32 to vector<16xf32>
    %mul3A_872 = arith.mulf %mul3A_847, %mul3A_871 : vector<16xf32>
    %sub3A_873 = arith.subf %add3A_843, %mul3A_872 : vector<16xf32>
    %jit3A_874 = arith.constant 0.000000e+00 : f32
    %jit3A_875 = arith.constant 1.000000e+00 : f32
    %max3A_876 = vector.broadcast %jit3A_874 : f32 to vector<16xf32>
    %max3A_877 = arith.maximumf %max3A_876, %sub3A_873 : vector<16xf32>
    %min3A_878 = vector.broadcast %jit3A_875 : f32 to vector<16xf32>
    %min3A_879 = arith.minimumf %min3A_878, %max3A_877 : vector<16xf32>
    %mul3A_880 = arith.mulf %min3A_879, %convert_element_type3A_852 : vector<16xf32>
    %swap3A_881 = arith.constant 0 : i32
    %swap3A_882 = arith.constant 1 : i32
    %swap3A_883 = arith.index_cast %swap3A_881 : i32 to index
    %swap3A_884 = arith.index_cast %swap3A_882 : i32 to index
    %swap3A_885 = arith.constant 16 : index
    %swap3A_886 = tpu.vector_load %arg20[%swap3A_883, %swap3A_884, %swap3A_885] {strides = array<i32>} : memref<1x4x32xf32, #tpu.memory_space<vmem>>, vector<16xf32>,
    tpu.vector_store %arg20[%swap3A_883, %swap3A_884, %swap3A_885], %mul3A_880 {strides = array<i32>} : memref<1x4x32xf32, #tpu.memory_space<vmem>>, vector<16xf32>,
    %mul3A_887 = arith.constant 5.000000e-01 : f32
    %mul3A_888 = vector.broadcast %mul3A_887 : f32 to vector<16xf32>
    %mul3A_889 = arith.mulf %mul3A_845, %mul3A_888 : vector<16xf32>
    %add3A_890 = arith.addf %add3A_841, %mul3A_889 : vector<16xf32>
    %jit3A_891 = arith.constant 0.000000e+00 : f32
    %jit3A_892 = arith.constant 1.000000e+00 : f32
    %max3A_893 = vector.broadcast %jit3A_891 : f32 to vector<16xf32>
    %max3A_894 = arith.maximumf %max3A_893, %add3A_890 : vector<16xf32>
    %min3A_895 = vector.broadcast %jit3A_892 : f32 to vector<16xf32>
    %min3A_896 = arith.minimumf %min3A_895, %max3A_894 : vector<16xf32>
    %mul3A_897 = arith.mulf %min3A_896, %convert_element_type3A_852 : vector<16xf32>
    %swap3A_898 = arith.constant 0 : i32
    %swap3A_899 = arith.constant 2 : i32
    %swap3A_900 = arith.index_cast %swap3A_898 : i32 to index
    %swap3A_901 = arith.index_cast %swap3A_899 : i32 to index
    %swap3A_902 = arith.constant 16 : index
    %swap3A_903 = tpu.vector_load %arg20[%swap3A_900, %swap3A_901, %swap3A_902] {strides = array<i32>} : memref<1x4x32xf32, #tpu.memory_space<vmem>>, vector<16xf32>,
    tpu.vector_store %arg20[%swap3A_900, %swap3A_901, %swap3A_902], %mul3A_897 {strides = array<i32>} : memref<1x4x32xf32, #tpu.memory_space<vmem>>, vector<16xf32>,
    %mul3A_904 = arith.constant 5.000000e-01 : f32
    %mul3A_905 = vector.broadcast %mul3A_904 : f32 to vector<16xf32>
    %mul3A_906 = arith.mulf %mul3A_847, %mul3A_905 : vector<16xf32>
    %add3A_907 = arith.addf %add3A_843, %mul3A_906 : vector<16xf32>
    %jit3A_908 = arith.constant 0.000000e+00 : f32
    %jit3A_909 = arith.constant 1.000000e+00 : f32
    %max3A_910 = vector.broadcast %jit3A_908 : f32 to vector<16xf32>
    %max3A_911 = arith.maximumf %max3A_910, %add3A_907 : vector<16xf32>
    %min3A_912 = vector.broadcast %jit3A_909 : f32 to vector<16xf32>
    %min3A_913 = arith.minimumf %min3A_912, %max3A_911 : vector<16xf32>
    %mul3A_914 = arith.mulf %min3A_913, %convert_element_type3A_852 : vector<16xf32>
    %swap3A_915 = arith.constant 0 : i32
    %swap3A_916 = arith.constant 3 : i32
    %swap3A_917 = arith.index_cast %swap3A_915 : i32 to index
    %swap3A_918 = arith.index_cast %swap3A_916 : i32 to index
    %swap3A_919 = arith.constant 16 : index
    %swap3A_920 = tpu.vector_load %arg20[%swap3A_917, %swap3A_918, %swap3A_919] {strides = array<i32>} : memref<1x4x32xf32, #tpu.memory_space<vmem>>, vector<16xf32>,
    tpu.vector_store %arg20[%swap3A_917, %swap3A_918, %swap3A_919], %mul3A_914 {strides = array<i32>} : memref<1x4x32xf32, #tpu.memory_space<vmem>>, vector<16xf32>,
    %mul3A_921 = arith.mulf %max3A_812, %convert_element_type3A_852 : vector<16xf32>
    %swap3A_922 = arith.constant 0 : i32
    %swap3A_923 = arith.index_cast %swap3A_922 : i32 to index
    %swap3A_924 = arith.constant 16 : index
    %swap3A_925 = tpu.vector_load %arg21[%swap3A_923, %swap3A_924] {strides = array<i32>} : memref<1x32xf32, #tpu.memory_space<vmem>>, vector<16xf32>,
    tpu.vector_store %arg21[%swap3A_923, %swap3A_924], %mul3A_921 {strides = array<i32>} : memref<1x32xf32, #tpu.memory_space<vmem>>, vector<16xf32>,
    %swap3A_926 = arith.constant 0 : i32
    %swap3A_927 = arith.index_cast %swap3A_926 : i32 to index
    %swap3A_928 = arith.constant 16 : index
    %swap3A_929 = tpu.vector_load %arg22[%swap3A_927, %swap3A_928] {strides = array<i32>} : memref<1x32xi32, #tpu.memory_space<vmem>>, vector<16xi32>,
    tpu.vector_store %arg22[%swap3A_927, %swap3A_928], %select_n3A_813 {strides = array<i32>} : memref<1x32xi32, #tpu.memory_space<vmem>>, vector<16xi32>,
    %convert_element_type3A_930 = arith.extui %ne3A_850 : vector<16xi1> to vector<16xi32>
    %add3A_931 = arith.addi %add3A_561, %convert_element_type3A_930 : vector<16xi32>
    %eq3A = arith.constant 1 : i32
    %eq3A_932 = arith.cmpi eq, %arg0, %eq3A : i32
    %jit3A_933 = arith.constant 0 : i32
    %broadcast_in_dim3A_934 = vector.broadcast %jit3A_933 : i32 to vector<16xi32>
    %select_n3A_935 = arith.select %eq3A_932, %add3A_931, %broadcast_in_dim3A_934 : vector<16xi32>
    %add3A_936 = arith.addi %scan3A_139, %select_n3A_935 : vector<16xi32>
    "tpu.region"() ({
      %run_scoped3A = tpu.sem_alloc : memref<!tpu.dma_semaphore, #tpu.memory_space<semaphore_mem>>
      %dma_start3A_939 = arith.constant 0 : i32
      %dma_start3A_940 = arith.constant 19968 : i32
      %dma_start3A_941 = tpu.memref_slice %arg4[%arg1, %dma_start3A_939, %dma_start3A_940] : memref<16x4x20000xf32, #tpu.memory_space<hbm>> -> memref<1x4x32xf32, #tpu.memory_space<hbm>>
      %dma_start3A_942 = arith.constant 0 : i32
      %dma_start3A_943 = arith.constant 19968 : i32
      %dma_start3A_944 = tpu.memref_slice %arg4[%arg1, %dma_start3A_942, %dma_start3A_943] : memref<16x4x20000xf32, #tpu.memory_space<hbm>> -> memref<1x4x32xf32, #tpu.memory_space<hbm>>
      tpu.enqueue_dma source(%arg20 : memref<1x4x32xf32, #tpu.memory_space<vmem>>) target(%dma_start3A_944 : memref<1x4x32xf32, #tpu.memory_space<hbm>>) target_semaphore(%run_scoped3A : memref<!tpu.dma_semaphore, #tpu.memory_space<semaphore_mem>>)
      %dma_wait3A_945 = arith.constant 0 : i32
      %dma_wait3A_946 = arith.constant 19968 : i32
      %dma_wait3A_947 = tpu.memref_slice %arg4[%arg1, %dma_wait3A_945, %dma_wait3A_946] : memref<16x4x20000xf32, #tpu.memory_space<hbm>> -> memref<1x4x32xf32, #tpu.memory_space<hbm>>
      %dma_wait3A_948 = arith.constant 0 : i32
      %dma_wait3A_949 = arith.constant 19968 : i32
      %dma_wait3A_950 = tpu.memref_slice %arg4[%arg1, %dma_wait3A_948, %dma_wait3A_949] : memref<16x4x20000xf32, #tpu.memory_space<hbm>> -> memref<1x4x32xf32, #tpu.memory_space<hbm>>
      tpu.wait_dma2 semaphore(%run_scoped3A : memref<!tpu.dma_semaphore, #tpu.memory_space<semaphore_mem>>) src(%arg20 : memref<1x4x32xf32, #tpu.memory_space<vmem>>) dst(%dma_wait3A_950 : memref<1x4x32xf32, #tpu.memory_space<hbm>>)
      tpu.yield
    }) : () -> ()
    "tpu.region"() ({
      %run_scoped3A = tpu.sem_alloc : memref<!tpu.dma_semaphore, #tpu.memory_space<semaphore_mem>>
      %dma_start3A_939 = arith.constant 19968 : i32
      %dma_start3A_940 = tpu.memref_slice %arg5[%arg1, %dma_start3A_939] : memref<16x20000xf32, #tpu.memory_space<hbm>> -> memref<1x32xf32, #tpu.memory_space<hbm>>
      %dma_start3A_941 = arith.constant 19968 : i32
      %dma_start3A_942 = tpu.memref_slice %arg5[%arg1, %dma_start3A_941] : memref<16x20000xf32, #tpu.memory_space<hbm>> -> memref<1x32xf32, #tpu.memory_space<hbm>>
      tpu.enqueue_dma source(%arg21 : memref<1x32xf32, #tpu.memory_space<vmem>>) target(%dma_start3A_942 : memref<1x32xf32, #tpu.memory_space<hbm>>) target_semaphore(%run_scoped3A : memref<!tpu.dma_semaphore, #tpu.memory_space<semaphore_mem>>)
      %dma_wait3A_943 = arith.constant 19968 : i32
      %dma_wait3A_944 = tpu.memref_slice %arg5[%arg1, %dma_wait3A_943] : memref<16x20000xf32, #tpu.memory_space<hbm>> -> memref<1x32xf32, #tpu.memory_space<hbm>>
      %dma_wait3A_945 = arith.constant 19968 : i32
      %dma_wait3A_946 = tpu.memref_slice %arg5[%arg1, %dma_wait3A_945] : memref<16x20000xf32, #tpu.memory_space<hbm>> -> memref<1x32xf32, #tpu.memory_space<hbm>>
      tpu.wait_dma2 semaphore(%run_scoped3A : memref<!tpu.dma_semaphore, #tpu.memory_space<semaphore_mem>>) src(%arg21 : memref<1x32xf32, #tpu.memory_space<vmem>>) dst(%dma_wait3A_946 : memref<1x32xf32, #tpu.memory_space<hbm>>)
      tpu.yield
    }) : () -> ()
    "tpu.region"() ({
      %run_scoped3A = tpu.sem_alloc : memref<!tpu.dma_semaphore, #tpu.memory_space<semaphore_mem>>
      %dma_start3A_939 = arith.constant 19968 : i32
      %dma_start3A_940 = tpu.memref_slice %arg6[%arg1, %dma_start3A_939] : memref<16x20000xi32, #tpu.memory_space<hbm>> -> memref<1x32xi32, #tpu.memory_space<hbm>>
      %dma_start3A_941 = arith.constant 19968 : i32
      %dma_start3A_942 = tpu.memref_slice %arg6[%arg1, %dma_start3A_941] : memref<16x20000xi32, #tpu.memory_space<hbm>> -> memref<1x32xi32, #tpu.memory_space<hbm>>
      tpu.enqueue_dma source(%arg22 : memref<1x32xi32, #tpu.memory_space<vmem>>) target(%dma_start3A_942 : memref<1x32xi32, #tpu.memory_space<hbm>>) target_semaphore(%run_scoped3A : memref<!tpu.dma_semaphore, #tpu.memory_space<semaphore_mem>>)
      %dma_wait3A_943 = arith.constant 19968 : i32
      %dma_wait3A_944 = tpu.memref_slice %arg6[%arg1, %dma_wait3A_943] : memref<16x20000xi32, #tpu.memory_space<hbm>> -> memref<1x32xi32, #tpu.memory_space<hbm>>
      %dma_wait3A_945 = arith.constant 19968 : i32
      %dma_wait3A_946 = tpu.memref_slice %arg6[%arg1, %dma_wait3A_945] : memref<16x20000xi32, #tpu.memory_space<hbm>> -> memref<1x32xi32, #tpu.memory_space<hbm>>
      tpu.wait_dma2 semaphore(%run_scoped3A : memref<!tpu.dma_semaphore, #tpu.memory_space<semaphore_mem>>) src(%arg22 : memref<1x32xi32, #tpu.memory_space<vmem>>) dst(%dma_wait3A_946 : memref<1x32xi32, #tpu.memory_space<hbm>>)
      tpu.yield
    }) : () -> ()
    %swap3A_937 = arith.constant 0 : index
    %swap3A_938 = tpu.vector_load %arg23[%swap3A_937] {strides = array<i32>} : memref<16xi32, #tpu.memory_space<vmem>>, vector<16xi32>,
    tpu.vector_store %arg23[%swap3A_937], %add3A_936 {strides = array<i32>} : memref<16xi32, #tpu.memory_space<vmem>>, vector<16xi32>,
    "tpu.region"() ({
      %run_scoped3A = tpu.sem_alloc : memref<!tpu.dma_semaphore, #tpu.memory_space<semaphore_mem>>
      %dma_start3A_939 = arith.constant 0 : i32
      %dma_start3A_940 = tpu.memref_slice %arg7[%add3A, %dma_start3A_939] : memref<32x16xi32, #tpu.memory_space<hbm>> -> memref<1x16xi32, #tpu.memory_space<hbm>>
      %dma_start3A_941 = tpu.memref_squeeze %dma_start3A_940 : memref<1x16xi32, #tpu.memory_space<hbm>> -> memref<16xi32, #tpu.memory_space<hbm>>
      %dma_start3A_942 = arith.constant 0 : i32
      %dma_start3A_943 = tpu.memref_slice %arg7[%add3A, %dma_start3A_942] : memref<32x16xi32, #tpu.memory_space<hbm>> -> memref<1x16xi32, #tpu.memory_space<hbm>>
      %dma_start3A_944 = tpu.memref_squeeze %dma_start3A_943 : memref<1x16xi32, #tpu.memory_space<hbm>> -> memref<16xi32, #tpu.memory_space<hbm>>
      tpu.enqueue_dma source(%arg23 : memref<16xi32, #tpu.memory_space<vmem>>) target(%dma_start3A_944 : memref<16xi32, #tpu.memory_space<hbm>>) target_semaphore(%run_scoped3A : memref<!tpu.dma_semaphore, #tpu.memory_space<semaphore_mem>>)
      %dma_wait3A_945 = arith.constant 0 : i32
      %dma_wait3A_946 = tpu.memref_slice %arg7[%add3A, %dma_wait3A_945] : memref<32x16xi32, #tpu.memory_space<hbm>> -> memref<1x16xi32, #tpu.memory_space<hbm>>
      %dma_wait3A_947 = tpu.memref_squeeze %dma_wait3A_946 : memref<1x16xi32, #tpu.memory_space<hbm>> -> memref<16xi32, #tpu.memory_space<hbm>>
      %dma_wait3A_948 = arith.constant 0 : i32
      %dma_wait3A_949 = tpu.memref_slice %arg7[%add3A, %dma_wait3A_948] : memref<32x16xi32, #tpu.memory_space<hbm>> -> memref<1x16xi32, #tpu.memory_space<hbm>>
      %dma_wait3A_950 = tpu.memref_squeeze %dma_wait3A_949 : memref<1x16xi32, #tpu.memory_space<hbm>> -> memref<16xi32, #tpu.memory_space<hbm>>
      tpu.wait_dma2 semaphore(%run_scoped3A : memref<!tpu.dma_semaphore, #tpu.memory_space<semaphore_mem>>) src(%arg23 : memref<16xi32, #tpu.memory_space<vmem>>) dst(%dma_wait3A_950 : memref<16xi32, #tpu.memory_space<hbm>>)
      tpu.yield
    }) : () -> ()
    return
  }
}

</mosaic_0001>

<sc_bundles>
// kernel: _run.3.cloned.1.call-start
scs
__scs_entry_jumppad:
0x0: {  	(pc) =	sbr.rel $0x88, $3  }
0x1: {  	(tag) =	ssettag $0x0;
	lr =	simm.s32 $0x1  }
0x2: {  	[smem:$0x3F9F] =	sst lr;
	_ =	strace $0xD0000000  }
0x3: {  	_ = 	snop  }
0x4: {  	_ = 	snop  }
0x5: {  	_ = 	snop  }
0x6: {  	_ = 	snop  }
0x7: {  	_ = 	snop  }
__scs_overlays_trampoline_lowered:
0x8: {  	[smem:$0x3FAE] =	sst s0  }
0x9: {  	[smem:$0x3FAF] =	sst s1  }
0xa: {  	[smem:$0x3FB0] =	sst s2  }
0xb: {  	[smem:$0x3FB1] =	sst s3  }
0xc: {  	[smem:$0x3FB2] =	sst s4  }
0xd: {  	[smem:$0x3FB3] =	sst s5  }
0xe: {  	[smem:$0x3FB4] =	sst s6  }
0xf: {  	[smem:$0x3FB5] =	sst s7  }
0x10: {  	[smem:$0x3FB6] =	sst s8  }
0x11: {  	[smem:$0x3FB7] =	sst s9;
	s0 =	simm.s32 @!p0 $0x0  }
0x12: {  	s1 =	sld [smem:$0x3F9D];
	s0 =	simm.s32 @p0 $0x1  }
0x13: {  	[smem:$0x3FB8] =	sst s0;
	s0 =	simm.s32 @!p1 $0x0  }
0x14: {  	s2 =	sld [smem:$0x3F9C];
	s0 =	simm.s32 @p1 $0x1  }
0x15: {  	[smem:$0x3FB9] =	sst s0;
	s0 =	simm.s32 @!p2 $0x0  }
0x16: {  	s3 =	sld [smem:$0x3FDB];
	s0 =	simm.s32 @p2 $0x1  }
0x17: {  	s4 =	simm.s32 $0x1BF5;
	[smem:$0x3FBB] =	sst s0  }
0x18: {  	s0 =	sld [smem:$0x3F9E];
	_ =	swait.ge [sflag:s4], $0x0  }
0x19: {  	s7 =	sld [smem:$0x3F9F]  }
0x1a: {  	s8 =	sadd.s32 $0xFFFFE003, lr  }
0x1b: {  	s9 =	sadd.s32 $0xFFFFFEF7, lr;
	s5 =	simm.s32 $0xFFFFFFFF;
	p2 =	slt.u32 s8, $0xFFFFF086  }
0x1c: {  	p1 =	slt.u32 s9, $0xF7A;
	s5 =	simm.s32 @!p2 $0x0  }
0x1d: {  	s5 =	simm.s32 @p1 $0x1;
	p0 =	seq.s32 s7, s2  }
0x1e: {  	s7 =	smul.u32 @!p0 $0xF7A, s2;
	p2 =	seq.s32 @!p0 s5, $0x0  }
0x1f: {  	s9 =	smul.u32 $0xF7A, s1;
	s8 =	simm.s32 @!p0 $0x1BF5;
	p2 =	por !p2, p0  }
0x20: {  	[sflag:s8] =	ssyncset.s32 @!p0 $0xFFFFF086;
	s6 =	sadd.s32 @!p0 s3, s7;
	s7 =	simm.s32 @!p0 $0x108  }
0x21: {  	s3 =	sadd.s32 s3, s9;
	s6 =	sadd.s32 @!p0 $0x88, s6;
	s7 =	simm.s32 @p2 $0x1082  }
0x22: {  	[simem:s7], [sflag:s8] =	dma.local @!p0 [hbm:s6], $0xF7A  }
0x23: {  	s9 =	sor.u32 $0xD0000000, s2;
	s6 =	simm.s32 $0x108;
	_ =	swait.ge @!p0 [sflag:s8], $0x0  }
0x24: {  	s3 =	sadd.s32 $0x88, s3;
	s6 =	simm.s32 @!p1 $0x1082;
	[sflag:s4] =	ssyncset.s32 $0xFFFFF086  }
0x25: {  	[simem:s6], [sflag:s4] =	dma.local [hbm:s3], $0xF7A  }
0x26: {  	[smem:$0x3F9F] =	sst s1;
	(tag) =	ssettag s2;
	_ =	strace s9  }
0x27: {  	s1 =	sld [smem:$0x3FAF]  }
0x28: {  	s2 =	sld [smem:$0x3FB0]  }
0x29: {  	s4 =	sld [smem:$0x3FB2]  }
0x2a: {  	p0 =	seq.s32 s5, $0x0;
	s5 =	sld [smem:$0x3FB3]  }
0x2b: {  	s6 =	sld [smem:$0x3FB4]  }
0x2c: {  	s7 =	sld [smem:$0x3FB5]  }
0x2d: {  	s3 =	simm.s32 $0x108;
	s8 =	sld [smem:$0x3FB6]  }
0x2e: {  	s3 =	simm.s32 @!p0 $0x1082;
	s9 =	sld [smem:$0x3FB7]  }
0x2f: {  	lr =	sadd.s32 s0, s3;
	s0 =	sld [smem:$0x3FAE]  }
0x30: {  	s3 =	sld [smem:$0x3FB1]  }
0x31: {  	[smem:$0x3FBA] =	sst s10  }
0x32: {  	s10 =	sld [smem:$0x3FB8];
	_ =	sdelay $0x3  }
0x33: {  	p0 =	seq.s32 s10, $0x1;
	s10 =	sld [smem:$0x3FBA];
	_ =	sdelay $0x3  }
0x34: {  	[smem:$0x3FBA] =	sst s10  }
0x35: {  	s10 =	sld [smem:$0x3FB9];
	_ =	sdelay $0x3  }
0x36: {  	p1 =	seq.s32 s10, $0x1;
	s10 =	sld [smem:$0x3FBA];
	_ =	sdelay $0x3  }
0x37: {  	[smem:$0x3FBA] =	sst s10  }
0x38: {  	s10 =	sld [smem:$0x3FBB]  }
0x39: {  	_ = 	snop;
	(pc) =	sbr.ind lr, $3  }
0x3a: {  	_ = 	snop  }
0x3b: {  	_ = 	snop  }
0x3c: {  	p2 =	seq.s32 s10, $0x1;
	s10 =	sld [smem:$0x3FBA]  }
0x3d: {  	_ =	shalt  }
0x3e: {  	_ =	shalt  }
0x3f: {  	_ =	shalt  }
0x40: {  	_ =	shalt  }
0x41: {  	_ =	shalt  }
0x42: {  	_ =	shalt  }
0x43: {  	_ =	shalt  }
0x44: {  	_ =	shalt  }
0x45: {  	_ =	shalt  }
0x46: {  	_ =	shalt  }
0x47: {  	_ =	shalt  }
0x48: {  	_ =	shalt  }
0x49: {  	_ =	shalt  }
0x4a: {  	_ =	shalt  }
0x4b: {  	_ =	shalt  }
0x4c: {  	_ =	shalt  }
0x4d: {  	_ =	shalt  }
0x4e: {  	_ =	shalt  }
0x4f: {  	_ =	shalt  }
0x50: {  	_ =	shalt  }
0x51: {  	_ =	shalt  }
0x52: {  	_ =	shalt  }
0x53: {  	_ =	shalt  }
0x54: {  	_ =	shalt  }
0x55: {  	_ =	shalt  }
0x56: {  	_ =	shalt  }
0x57: {  	_ =	shalt  }
0x58: {  	_ =	shalt  }
0x59: {  	_ =	shalt  }
0x5a: {  	_ =	shalt  }
0x5b: {  	_ =	shalt  }
0x5c: {  	_ =	shalt  }
0x5d: {  	_ =	shalt  }
0x5e: {  	_ =	shalt  }
0x5f: {  	_ =	shalt  }
0x60: {  	_ =	shalt  }
0x61: {  	_ =	shalt  }
0x62: {  	_ =	shalt  }
0x63: {  	_ =	shalt  }
0x64: {  	_ =	shalt  }
0x65: {  	_ =	shalt  }
0x66: {  	_ =	shalt  }
0x67: {  	_ =	shalt  }
0x68: {  	_ =	shalt  }
0x69: {  	_ =	shalt  }
0x6a: {  	_ =	shalt  }
0x6b: {  	_ =	shalt  }
0x6c: {  	_ =	shalt  }
0x6d: {  	_ =	shalt  }
0x6e: {  	_ =	shalt  }
0x6f: {  	_ =	shalt  }
0x70: {  	_ =	shalt  }
0x71: {  	_ =	shalt  }
0x72: {  	_ =	shalt  }
0x73: {  	_ =	shalt  }
0x74: {  	_ =	shalt  }
0x75: {  	_ =	shalt  }
0x76: {  	_ =	shalt  }
0x77: {  	_ =	shalt  }
0x78: {  	_ =	shalt  }
0x79: {  	_ =	shalt  }
0x7a: {  	_ =	shalt  }
0x7b: {  	_ =	shalt  }
0x7c: {  	_ =	shalt  }
0x7d: {  	_ =	shalt  }
0x7e: {  	_ =	shalt  }
0x7f: {  	_ =	shalt  }
0x80: {  	_ =	shalt  }
0x81: {  	_ =	shalt  }
0x82: {  	_ =	shalt  }
0x83: {  	_ =	shalt  }
0x84: {  	_ =	shalt  }
0x85: {  	_ =	shalt  }
0x86: {  	_ =	shalt  }
0x87: {  	_ =	shalt  }
.Lfunc_end0:
.L_simem_size_0:
called_computation_lowered:
.L_overlay_start_0:
0x88: {  	s2 =	sld [smem:$0x3FD9]  }
0x89: {  	s3 =	sld [smem:$0x3FFE];
	_ =	sdelay $0x1  }
0x8a: {  	s1 =	srdreg.scid  }
0x8b: {  	s0 =	sand.u32 $0x1, s1  }
0x8c: {  	s14 =	sshll.u32 s0, $0xA;
	s2 =	sadd.s32 s3, s2  }
0x8d: {  	s2 =	sadd.s32 s2, s14  }
0x8e: {  	[smem:$0x3FC6] =	sst s2  }
0x8f: {  	_ = 	snop  }
0x90: {  	s2 =	sld [smem:$0x3FD0];
	_ =	sdelay $0x1  }
0x91: {  	s15 =	sld [smem:$0x3FC9]  }
0x92: {  	s5 =	simm.s32 $0xA;
	s6 =	simm.s32 $0x10;
	s4 =	sld [smem:$0x3FC8]  }
0x93: {  	[smem:s6], [sflag:s5] =	dma.local [hbm:s2], $0x1  }
0x94: {  	_ =	swait.eq [sflag:s5], $0x1  }
0x95: {  	s16 =	sld [smem:$0x10];
	[sflag:s5] =	ssyncset.done $0x0  }
0x96: {  	s17 =	sld [smem:$0x11];
	[sflag:s5] =	ssyncadd.s32 $0xFFFFFFFF  }
0x97: {  	s18 =	sld [smem:$0x12];
	(tm) =	ssettm $0x1  }
0x98: {  	s7 =	sld [smem:$0x3FFB];
	_ =	sdelay $0x3  }
0x99: {  	_ =	strace s7  }
0x9a: {  	s7 =	sld [smem:$0x3FFC];
	_ =	sdelay $0x3  }
0x9b: {  	_ =	strace s7  }
0x9c: {  	s7 =	sld [smem:$0x3FFD];
	_ =	sdelay $0x3  }
0x9d: {  	_ =	strace s7  }
0x9e: {  	_ =	strace $0x8FFFFFFF  }
0x9f: {  	s19 =	sld [smem:$0x3FDB];
	_ =	sdelay $0x1  }
0xa0: {  	s8 =	simm.s32 $_scs_section_size  }
0xa1: {  	s9 =	simm.s32 $_size__tile_overlayer_lowered;
	s10 =	simm.s32 $_tile_overlayer_lowered  }
0xa2: {  	s22 =	simm.s32 $0x1BFF;
	s21 =	sshll.u32 s10, $0x1;
	s7 =	sadd.s32 s8, s19  }
0xa3: {  	s11 =	simm.s32 $0x0;
	s20 =	sshll.u32 s9, $0x1;
	s9 =	sadd.s32 s21, s7  }
0xa4: {  	[timem:s11], [sflag:s22] =	dma.local [hbm:s9], s20  }
0xa5: {  	_ =	swait.ge [sflag:s22], s20  }
0xa6: {  	s8 =	ssub.s32 $0x0, s20;
	[sflag:s22] =	ssyncset.done $0x0  }
0xa7: {  	[sflag:s22] =	ssyncadd.s32 s8;
	_ =	sdelay $0x1  }
0xa8: {  	s23 =	simm.s32 $0x1B8B  }
0xa9: {  	_ =	swait.ge [sflag:s23], $0x1  }
0xaa: {  	[sflag:s23] =	ssyncset.done $0x0  }
0xab: {  	s25 =	simm.s32 $0x1B8E;
	s24 =	sld [smem:$0x3FFE];
	[sflag:s23] =	ssyncadd.s32 $0xFFFFFFFF  }
0xac: {  	s26 =	simm.s32 $execute0_lowered;
	[smem:$0x3FD2] =	sst s25  }
0xad: {  	s9 =	sshll.u32 s26, $0x1;
	_ =	strace $0x80000046;
	[dreg:$0x1] =	wrdreg $0xFFFFFFFF  }
0xae: {  	s28 =	simm.s32 $_size_execute0_lowered;
	s7 =	sadd.s32 s7, s9;
	[dreg:$0x0] =	wrdreg $0x0  }
0xaf: {  	s9 =	sshll.u32 s28, $0x1;
	[dreg:$0x2] =	wrdreg s7  }
0xb0: {  	[dreg:$0x3] =	wrdreg s9  }
0xb1: {  	[dreg:$0x4] =	wrdreg $0xC0  }
0xb2: {  	_ =	task [dreg:s11], $0x5FFFF  }
0xb3: {  	[dreg:$0x1] =	wrdreg $0xFFFFFFFF  }
0xb4: {  	[dreg:$0x0] =	wrdreg $0x60  }
0xb5: {  	[dreg:$0x2] =	wrdreg s15  }
0xb6: {  	[dreg:$0x3] =	wrdreg s4  }
0xb7: {  	[dreg:$0x4] =	wrdreg s16  }
0xb8: {  	[dreg:$0x5] =	wrdreg s17  }
0xb9: {  	[dreg:$0x6] =	wrdreg s18  }
0xba: {  	[dreg:$0x7] =	wrdreg s24  }
0xbb: {  	[dreg:$0x8] =	wrdreg $0x9  }
0xbc: {  	_ =	task.clear_ibuf [dreg:s11], $0x9FFFF;
	_ =	strace $0x90000046  }
0xbd: {  	s29 =	simm.s32 $0x9;
	_ =	strace $0x80000048  }
0xbe: {  	_ =	swait.ge [sflag:s29], $0x1  }
0xbf: {  	[sflag:s29] =	ssyncadd.s32 $0xFFFFFFFF  }
0xc0: {  	_ =	strace $0x90000048  }
0xc1: {  	_ =	sfence  }
0xc2: {  	s30 =	sld [smem:$0x0];
	_ =	sdelay $0x2  }
0xc3: {  	s31 =	sshll.u32 s1, $0xD;
	s1 =	sshrl.u32 s1, $0x2  }
0xc4: {  	s3 =	sand.u32 $0x4000, s31;
	s1 =	sadd.s32 s1, s30  }
0xc5: {  	s0 =	sor.u32 s3, s0;
	s1 =	sshll.u32 s1, $0x11  }
0xc6: {  	s0 =	sor.u32 s1, s0  }
0xc7: {  	s0 =	sadd.s32 $0x8F2B, s0  }
0xc8: {  	[sflag:s0] =	ssyncadd.remote.s32 $0x1  }
0xc9: {  	_ =	sfence.sel $0xFFFF  }
0xca: {  	[dreg:$0x0] =	wrdreg $0xFFFFFFFF;
	(pc) =	sbr.abs _section_cstart, $3  }
0xcb: {  	[dreg:$0x1] =	wrdreg $0xFFFFFFFF  }
0xcc: {  	_ =	task.clear_ibuf [dreg:s11], $0x2FFFF;
	_ =	strace $0x9FFFFFFF  }
0xcd: {  	(tm) =	ssettm $0x7FFFFFFF  }
tec
execute0_lowered:
.L_overlay_start_1:
0x0: {  	(tag) =	ssettag $0x1  }
0x1: {  	s22 =	rddreg [dreg:$0x0]  }
0x2: {  	s2 =	rddreg [dreg:$0x1]  }
0x3: {  	s3 =	rddreg [dreg:$0x2]  }
0x4: {  	s5 =	rddreg [dreg:$0x3]  }
0x5: {  	s6 =	rddreg [dreg:$0x4]  }
0x6: {  	s0 =	rddreg [dreg:$0x5];
	s20 =	stileid.u32;
	s7 =	simm.s32 $0x0  }
0x7: {  	s1 =	srdreg.scid;
	s28 =	simm.s32 $0x4;
	s4 =	sshrl.u32 s20, $0x3  }
0x8: {  	s29 =	simm.s32 $0x3;
	s1 =	sand.u32 $0x1, s1;
	s4 =	smul.u32 $0x27400, s4  }
0x9: {  	[smem:$0x7FF] =	sst s7;
	s21 =	sshll.u32 s20, $0x7;
	s9 =	smul.u32 $0x13800, s1  }
0xa: {  	_ =	strace $0x80000047;
	s8 =	sshll.u32 s1, $0x4;
	s11 =	smul.u32 $0x2700, s1  }
0xb: {  	s10 =	ssub.s32 $0x2, s1;
	s12 =	sand.u32 $0x380, s21;
	s14 =	smul.u32 $0x9C00, s1  }
0xc: {  	p0 =	seq.s32 s1, $0x0;
	s0 =	sadd.s32 s8, s0;
	s24 =	sshrl.u32 s10, $0x1  }
0xd: {  	s23 =	sadd.s32 s9, s4;
	s8 =	sadd.s32 $0x680, s11;
	s9 =	ssub.s32 s10, s24  }
0xe: {  	s30 =	sshrl.u32 s14, $0x3;
	s10 =	smul.u32 $0x13A00, s20;
	s21 =	sadd.s32 $0x2080, s11  }
0xf: {  	s24 =	sshll.u32 s20, $0x5;
	s20 =	sadd.s32 $0xD00, s11;
	s13 =	sor.u32 s12, s23  }
0x10: {  	s15 =	sshll.u32 s8, $0x3;
	s19 =	sshll.u32 s8, $0x2;
	s18 =	sshrl.u32 s8, $0x1  }
0x11: {  	s0 =	sadd.s32 s24, s0;
	s13 =	sshrl.u32 s13, $0x3;
	s26 =	sadd.s32 s4, s15  }
0x12: {  	s15 =	sadd.s32 s2, s30;
	s18 =	sadd.s32 s2, s18;
	s14 =	sadd.s32 s14, s10  }
0x13: {  	s0 =	sadd.s32 $0x800, s0;
	s25 =	sadd.s32 s22, s13;
	[dreg:$0x8] =	wrdreg s15  }
0x14: {  	s16 =	sor.u32 s12, s26;
	[dreg:$0xa] =	wrdreg s18;
	s14 =	sshrl.u32 s14, $0x3  }
0x15: {  	s26 =	sshll.u32 s21, $0x2;
	s18 =	sshrl.u32 s10, $0x3;
	[dreg:$0x18] =	wrdreg s0  }
0x16: {  	[dreg:$0x7] =	wrdreg s25;
	s31 =	sshrl.u32 s16, $0x3;
	s16 =	sadd.s32 s10, s19  }
0x17: {  	s19 =	sshll.u32 s21, $0x3;
	s14 =	sadd.s32 s3, s14;
	s30 =	sadd.s32 s10, s26  }
0x18: {  	s21 =	sadd.s32 $0x1380, s11;
	s17 =	sadd.s32 s22, s31;
	[dreg:$0xe] =	wrdreg s14  }
0x19: {  	s16 =	sshrl.u32 s16, $0x3;
	s25 =	sadd.s32 s5, s31;
	[dreg:$0x9] =	wrdreg s17  }
0x1a: {  	s23 =	sadd.s32 s4, s19;
	s15 =	sadd.s32 s6, s31;
	[dreg:$0xc] =	wrdreg s25  }
0x1b: {  	s4 =	sor.u32 s12, s4;
	s31 =	sadd.s32 s5, s13;
	[dreg:$0xd] =	wrdreg s15  }
0x1c: {  	s13 =	sadd.s32 s6, s13;
	s14 =	simm.s32 $0x400;
	[dreg:$0xf] =	wrdreg s31  }
0x1d: {  	s16 =	sadd.s32 s3, s16;
	s12 =	sor.u32 s12, s23;
	[dreg:$0x10] =	wrdreg s13  }
0x1e: {  	s15 =	sshrl.u32 s30, $0x3;
	s17 =	sadd.s32 $0x27000, s4;
	s30 =	smax.u32 s9, $0x1  }
0x1f: {  	s0 =	sshrl.u32 s4, $0x3;
	s31 =	sadd.s32 $0x2700, s2;
	[dreg:$0xb] =	wrdreg s16  }
0x20: {  	s13 =	simm.s32 $0x80;
	s9 =	simm.s32 $0x0;
	[dreg:$0x19] =	wrdreg s30  }
0x21: {  	s1 =	sadd.s32 s3, s15;
	s16 =	sshrl.u32 s12, $0x3;
	[dreg:$0x1a] =	wrdreg s31  }
0x22: {  	s11 =	sshrl.u32 s17, $0x3;
	[dreg:$0x11] =	wrdreg s1;
	s19 =	sadd.s32 s5, s16  }
0x23: {  	s12 =	sadd.s32 s3, s18;
	s1 =	sadd.s32 s6, s16;
	[dreg:$0x12] =	wrdreg s19  }
0x24: {  	s17 =	simm.s32 $0x19300;
	s23 =	sadd.s32 $0x2700, s12;
	[dreg:$0x13] =	wrdreg s1  }
0x25: {  	v0 =	vimm.s32 $0x0;
	s18 =	simm.s32 $0x1B380;
	s24 =	sadd.s32 s22, s11;
	[dreg:$0x14] =	wrdreg s23  }
0x26: {  	v1 =	vimm.s32 $0x3;
	v2 =	vimm.s32 $0x5;
	v3 =	vimm.s32 $0x7;
	s25 =	sadd.s32 s5, s11;
	s26 =	sadd.s32 s6, s11;
	[dreg:$0x15] =	wrdreg s24  }
0x27: {  	v4 =	vimm.s32 $0x9;
	v5 =	vimm.s32 $0xB;
	v6 =	vimm.s32 $0xD;
	s11 =	sadd.s32 s22, s0;
	s22 =	simm.s32 $0x1;
	[dreg:$0x16] =	wrdreg s25  }
0x28: {  	v7 =	vimm.s32 $0xF;
	v8 =	vimm.s32 $0x11;
	v9 =	vimm.s32 $0x13;
	[dreg:$0x17] =	wrdreg s26;
	s19 =	simm.s32 $0x1C080;
	s26 =	simm.s32 $0x2  }
.LBB2_1:
0x29: {  	[dreg:$0x1b] =	wrdreg s9  }
0x2a: {  	s9 =	rddreg [dreg:$0x7]  }
0x2b: {  	s1 =	simm.s32 $0x1A00;
	s12 =	simm.s32 $0x0;
	s4 =	sadd.s32 $0x9D00, s9  }
.LBB2_2:
0x2c: {  	[tilespmem:s12], [sflag:$0x1] =	stream.strided.gather [hbm4b:s9+s13], $0x680, s14, s13, $0x38;
	[tilespmem:$0x1D900] =	vst v63  }
0x2d: {  	s12 =	smov.u32 s1;
	s9 =	smov.u32 s4;
	p1 =	sne.s32 s1, $0x27000  }
.Ltmp0:
0x2e: {  	s1 =	sadd.s32 $0x1A00, s1;
	(pc) =	sbr.rel @p1 .LBB2_2-.Ltmp0, $2  }
0x2f: {  	_ =	sdelay $0x2  }
0x30: {  	s4 =	sadd.s32 $0x9D00, s4;
	s12 =	sshra.s32 s12, $0x2  }
0x31: {  	[tilespmem:s12], [sflag:$0x1] =	stream.strided.gather [hbm4b:s9+s13], $0x680, s14, s13, $0x38;
	[tilespmem:$0x1D900] =	vst v63  }
0x32: {  	s1 =	simm.s32 $0x0;
	s4 =	rddreg [dreg:$0x8];
	s30 =	simm.s32 $0x14500  }
0x33: {  	[tilespmem:s30], [sflag:$0x1] =	stream.linear.gather [hbm4b:s4+s1], $0x1A00, $0x38;
	[tilespmem:$0x1D900] =	vst v63  }
0x34: {  	s31 =	simm.s32 $0xA280;
	s4 =	rddreg [dreg:$0x9];
	s1 =	simm.s32 $0x1A00  }
0x35: {  	[tilespmem:s31], [sflag:$0x2] =	stream.strided.gather [hbm4b:s4+s13], $0x680, s14, s13, $0x38;
	[tilespmem:$0x1D900] =	vst v63  }
.LBB2_4:
0x36: {  	p1 =	sne.s32 s1, $0x27000  }
.Ltmp1:
0x37: {  	_ = 	snop;
	(pc) =	sbr.rel @p1 .LBB2_4-.Ltmp1, $4  }
0x38: {  	_ = 	snop  }
0x39: {  	s9 =	sshra.s32 s1, $0x2;
	s1 =	sadd.s32 $0x1A00, s1  }
0x3a: {  	s4 =	sadd.s32 $0x9D00, s4;
	s9 =	sadd.s32 $0xA280, s9  }
0x3b: {  	[tilespmem:s9], [sflag:$0x2] =	stream.strided.gather [hbm4b:s4+s13], $0x680, s14, s13, $0x38;
	[tilespmem:$0x1D900] =	vst v63  }
0x3c: {  	s9 =	simm.s32 $0x0;
	s1 =	rddreg [dreg:$0xa];
	s4 =	simm.s32 $0x15F00  }
0x3d: {  	[tilespmem:s4], [sflag:$0x2] =	stream.linear.gather [hbm4b:s1+s9], $0x1A00, $0x38;
	[tilespmem:$0x1D900] =	vst v63  }
0x3e: {  	s23 =	rddreg [dreg:$0xb]  }
0x3f: {  	[hbm4b:s23+s9] =	stream.linear.scatter [tilespmem:s17], [sflag:$0x4], $0x1A00, $0x38;
	[tilespmem:$0x1D900] =	vst v63  }
0x40: {  	s24 =	rddreg [dreg:$0xc]  }
0x41: {  	[hbm4b:s24+s13] =	stream.strided.scatter [tilespmem:s18], [sflag:$0x4], $0x680, s14, s13, $0x38;
	[tilespmem:$0x1D900] =	vst v63  }
0x42: {  	s25 =	rddreg [dreg:$0xd]  }
0x43: {  	[hbm4b:s25+s13] =	stream.strided.scatter [tilespmem:s19], [sflag:$0x4], $0x680, s14, s13, $0x38;
	[tilespmem:$0x1D900] =	vst v63  }
0x44: {  	_ =	swait.ge [sflag:s22], $0xA280  }
0x45: {  	[sflag:s22] =	ssyncset.done $0x0  }
0x46: {  	[sflag:s22] =	ssyncadd.s32 $0xFFFF5D80  }
0x47: {  	_ =	swait.ge [sflag:s22], $0x1A00  }
0x48: {  	[sflag:s22] =	ssyncset.done $0x0  }
0x49: {  	s12 =	sand.u32 $0x7F0, s9;
	[sflag:s22] =	ssyncadd.s32 $0xFFFFE600  }
0x4a: {  	v11 =	vld [tilespmem:s12+$0x7500]  }
0x4b: {  	v14 =	vld [tilespmem:s12+$0x2700]  }
0x4c: {  	v15 =	vld [tilespmem:s12+$0x7B80]  }
0x4d: {  	v16 =	vld [tilespmem:s12+$0x1A00]  }
0x4e: {  	v17 =	vld [tilespmem:s12+$0x1380]  }
0x4f: {  	v18 =	vld [tilespmem:s12+$0x2D80]  }
0x50: {  	v19 =	vld [tilespmem:s12+$0x2080]  }
0x51: {  	v12 =	vld [tilespmem:s12+$0x4E00]  }
0x52: {  	v13 =	vld [tilespmem:s12+$0x5480]  }
0x53: {  	v20 =	vld [tilespmem:s12+$0x5B00]  }
0x54: {  	v28 =	vld [tilespmem:s12+$0x6E80]  }
0x55: {  	v29 =	vld [tilespmem:s12+$0x6800]  }
0x56: {  	s30 =	sand.u32 $0x70, s9;
	s31 =	sand.u32 $0x1E00, s9;
	v24 =	vld [tilespmem:s12+$0xD00]  }
0x57: {  	s4 =	sor.u32 s30, s31;
	v22 =	vld [tilespmem:s12+$0x6180];
	vm0 =	vge.f32 v16, v19;
	v21 =	vmax.f32 v16, v19;
	v16 =	vmul.f32 $1.442695020e+00, v17  }
0x58: {  	v10 =	vimm.s32 $0x0;
	v30 =	vld [tilespmem:s4+$0x14680]  }
0x59: {  	v25 =	vld [tilespmem:s12+$0x3400];
	vm3 =	vge.f32 v14, v18;
	v31 =	vmax.f32 v11, v15;
	(erf) = vpow2.f32 v16  }
0x5a: {  	v17 =	vld [tilespmem:s4+$0x14580];
	v26 =	vmax.f32 v14, v18;
	vm2 =	vge.f32 v12, v13;
	v14 =	vmax.f32 v29, v28  }
0x5b: {  	v19 =	vld [tilespmem:s12+$0x4780];
	v27 =	vmul.f32 $1.442695020e+00, v24;
	vm1 =	vmneg vm0;
	vm0 =	vge.f32 v11, v15  }
0x5c: {  	v24 =	vld [tilespmem:s12+$0x3A80];
	v15 =	vsel vm2, $0x8, v4;
	vm2 =	vge.f32 v29, v28;
	v18 =	vmax.f32 v14, v31  }
0x5d: {  	v23 =	vsel vm1, $0x1, v0;
	vm1 =	vge.f32 v20, v22;
	v16 =	vmax.f32 v20, v22;
	v22 =	vld [tilespmem:s12+$0x4100]  }
0x5e: {  	v29 =	vsel vm3, $0x2, v1;
	vm3 =	vge.f32 v21, v26;
	v20 =	vld [tilespmem:s12+$0x680];
	v11 =	vsel vm1, $0xA, v5  }
0x5f: {  	s15 =	simm.s32 $0x10;
	s1 =	simm.s32 $0x0;
	vm1 =	vge.f32 v14, v31;
	v14 =	vld [tilespmem:s12+$0x8880];
	v28 =	vadd.f32 v30, v17;
	v17 =	vsub.f32 v30, v17  }
.LBB2_6:
0x60: {  	p1 =	sne.s32 s15, $0x670  }
0x61: {  	v21 =	vmax.f32 v21, v26;
	v23 =	vsel vm3, v23, v29;
	v26 =	vld [tilespmem:s4+$0x14600];
	s9 =	sadd.s32 $0x40, s9;
	(erf) = vpow2.f32 v27;
	s23 =	smov.u32 s15;
	s15 =	sadd.s32 $0x10, s15  }
0x62: {  	v12 =	vmax.f32 v12, v13;
	v27 =	vmul.f32 $5.000000000e-01, v28;
	vm3 =	vge.f32 v22, v19;
	v13 =	vld [tilespmem:s4+$0x14500];
	v28 =	vpop (erf)  }
0x63: {  	s16 =	sshra.s32 s1, $0x2;
	v20 =	vmul.f32 v17, v20;
	s1 =	smov.u32 s9;
	v29 =	vld [tilespmem:s12+$0x8200];
	v30 =	vsel vm3, $0x6, v3;
	vm3 =	vge.f32 v12, v16  }
0x64: {  	v19 =	vmax.f32 v22, v19;
	v31 =	vld [tilespmem:s16+$0x0];
	vm4 =	vge.f32 v25, v24;
	v24 =	vmax.f32 v25, v24  }
0x65: {  	v22 =	vsel vm4, $0x4, v2;
	vm4 =	vge.f32 v24, v19;
	v19 =	vmax.f32 v24, v19  }
0x66: {  	v12 =	vmax.f32 v12, v16;
	v22 =	vsel vm4, v22, v30;
	vm4 =	vge.f32 v21, v19  }
0x67: {  	v16 =	vld [tilespmem:s12+$0x9580];
	v22 =	vsel vm4, v23, v22;
	v23 =	vmax.f32 v12, v18;
	v24 =	vsub.f32 v26, v13  }
0x68: {  	vm5 =	vge.f32 v12, v18;
	v12 =	vadd.f32 v27, v20;
	v25 =	vld [tilespmem:s12+$0x8F00];
	vm4 =	vge.f32 v29, v14  }
0x69: {  	v30 =	vsel vm2, $0xC, v6;
	v20 =	vsel vm0, $0xE, v7;
	v27 =	vmul.f32 v24, v31  }
0x6a: {  	v17 =	vmul.f32 v17, v28;
	v11 =	vsel vm3, v15, v11;
	v15 =	vsel vm1, v30, v20;
	v18 =	vpop (erf)  }
0x6b: {  	v19 =	vmax.f32 v21, v19;
	v13 =	vadd.f32 v26, v13;
	v11 =	vsel vm5, v11, v15;
	v20 =	vld [tilespmem:s12+$0x9C00]  }
0x6c: {  	v17 =	vmul.f32 $5.000000000e-01, v17;
	v14 =	vmax.f32 v29, v14;
	v15 =	vmul.f32 v24, v18  }
0x6d: {  	vm0 =	vge.f32 v19, v23;
	v13 =	vmul.f32 $5.000000000e-01, v13;
	v18 =	vmax.f32 v25, v16  }
0x6e: {  	v11 =	vsel vm0, v22, v11;
	v15 =	vmul.f32 $5.000000000e-01, v15;
	vm1 =	vge.f32 v14, v18  }
0x6f: {  	v21 =	vsel vm4, $0x10, v8;
	v13 =	vadd.f32 v13, v27;
	v14 =	vmax.f32 v14, v18  }
0x70: {  	vm0 =	vge.f32 v25, v16;
	vm2 =	vge.f32 v14, v20;
	v14 =	vmax.f32 v14, v20  }
0x71: {  	v16 =	vsel vm0, $0x12, v9;
	v18 =	vmax.f32 v19, v23;
	v19 =	vsub.f32 v13, v15  }
0x72: {  	s24 =	sand.u32 $0x1E00, s9;
	s12 =	sand.u32 $0x70, s23;
	v16 =	vsel vm1, v21, v16;
	v13 =	vadd.f32 v15, v13;
	vm0 =	vge.f32 v18, v14  }
0x73: {  	s24 =	sor.u32 s12, s24;
	v15 =	vnsel vm2, $0x14, v16;
	v16 =	vmax.f32 v19, $0.0e+00;
	v19 =	vsub.f32 v12, v17  }
0x74: {  	v13 =	vmax.f32 v13, $0.0e+00;
	v12 =	vadd.f32 v17, v12;
	v11 =	vsel vm0, v11, v15  }
0x75: {  	v15 =	vmin.f32 v16, $1.000000000e+00;
	v13 =	vmin.f32 v13, $1.000000000e+00;
	vm0 =	vne.s32 v11, $0x0  }
0x76: {  	v14 =	vmax.f32 v18, v14;
	v12 =	vmax.f32 v12, $0.0e+00;
	v16 =	vsel vm0, $0x3F800000, v0  }
0x77: {  	v17 =	vmax.f32 v19, $0.0e+00;
	v18 =	vsel vm0, $0x1, v0;
	v15 =	vmul.f32 v16, v15  }
0x78: {  	s12 =	sand.u32 $0x7F0, s23;
	v17 =	vmin.f32 v17, $1.000000000e+00;
	v13 =	vmul.f32 v16, v13;
	v10 =	vadd.s32 v18, v10  }
0x79: {  	v12 =	vmin.f32 v12, $1.000000000e+00;
	[tilespmem:s4+$0x17900] =	vst v15;
	v15 =	vmul.f32 v16, v17  }
0x7a: {  	v12 =	vmul.f32 v16, v12;
	[tilespmem:s4+$0x17A00] =	vst v13  }
0x7b: {  	v13 =	vmul.f32 v16, v14;
	[tilespmem:s4+$0x17980] =	vst v15  }
0x7c: {  	[tilespmem:s4+$0x17A80] =	vst v12;
	s4 =	smov.u32 s24  }
0x7d: {  	[tilespmem:s16+$0x1AD00] =	vst v13  }
0x7e: {  	[tilespmem:s16+$0x1BA00] =	vst v11  }
0x7f: {  	v11 =	vld [tilespmem:s12+$0x7500]  }
0x80: {  	v14 =	vld [tilespmem:s12+$0x2700]  }
0x81: {  	v15 =	vld [tilespmem:s12+$0x7B80]  }
0x82: {  	v16 =	vld [tilespmem:s12+$0x1A00]  }
0x83: {  	v17 =	vld [tilespmem:s12+$0x1380]  }
0x84: {  	v18 =	vld [tilespmem:s12+$0x2D80]  }
0x85: {  	v19 =	vld [tilespmem:s12+$0x2080]  }
0x86: {  	v12 =	vld [tilespmem:s12+$0x4E00]  }
0x87: {  	v13 =	vld [tilespmem:s12+$0x5480]  }
0x88: {  	v20 =	vld [tilespmem:s12+$0x5B00]  }
0x89: {  	v22 =	vld [tilespmem:s12+$0x6180]  }
0x8a: {  	v28 =	vld [tilespmem:s12+$0x6E80]  }
0x8b: {  	vm0 =	vge.f32 v16, v19;
	v21 =	vmax.f32 v16, v19;
	v16 =	vmul.f32 $1.442695020e+00, v17;
	v29 =	vld [tilespmem:s12+$0x6800]  }
0x8c: {  	vm3 =	vge.f32 v14, v18;
	vm1 =	vmneg vm0;
	vm0 =	vge.f32 v11, v15;
	v17 =	vld [tilespmem:s12+$0xD00]  }
0x8d: {  	v30 =	vmax.f32 v11, v15;
	v23 =	vsel vm1, $0x1, v0;
	v31 =	vld [tilespmem:s4+$0x14580];
	(erf) = vpow2.f32 v16  }
0x8e: {  	v26 =	vmax.f32 v14, v18;
	vm1 =	vge.f32 v20, v22;
	v16 =	vmax.f32 v20, v22;
	v32 =	vld [tilespmem:s4+$0x14680]  }
0x8f: {  	vm2 =	vge.f32 v12, v13;
	v19 =	vld [tilespmem:s12+$0x4780];
	v11 =	vsel vm1, $0xA, v5  }
.Ltmp2:
0x90: {  	v20 =	vld [tilespmem:s12+$0x680];
	(pc) =	sbr.rel @p1 .LBB2_6-.Ltmp2, $4  }
0x91: {  	v14 =	vmax.f32 v29, v28;
	v22 =	vld [tilespmem:s12+$0x4100];
	v27 =	vmul.f32 $1.442695020e+00, v17  }
0x92: {  	v15 =	vsel vm2, $0x8, v4;
	vm1 =	vge.f32 v14, v30;
	v24 =	vld [tilespmem:s12+$0x3A80]  }
0x93: {  	vm2 =	vge.f32 v29, v28;
	v18 =	vmax.f32 v14, v30;
	v25 =	vld [tilespmem:s12+$0x3400];
	v28 =	vadd.f32 v32, v31  }
0x94: {  	v29 =	vsel vm3, $0x2, v1;
	vm3 =	vge.f32 v21, v26;
	v17 =	vsub.f32 v32, v31;
	v14 =	vld [tilespmem:s12+$0x8880]  }
0x95: {  	v21 =	vmax.f32 v21, v26  }
0x96: {  	v23 =	vsel vm3, v23, v29;
	(erf) = vpow2.f32 v27;
	v12 =	vmax.f32 v12, v13  }
0x97: {  	v63 =	vld [tilespmem:s4+$0x14600];
	v33 =	vmul.f32 $5.000000000e-01, v28;
	v46 =	vsel vm2, $0xC, v6;
	v48 =	vsel vm0, $0xE, v7  }
0x98: {  	v32 =	vld [tilespmem:s4+$0x14500];
	vm6 =	vge.f32 v22, v19;
	v37 =	vmax.f32 v22, v19;
	vm4 =	vge.f32 v12, v16  }
0x99: {  	v34 =	vld [tilespmem:s12+$0x8200];
	v20 =	vmul.f32 v17, v20;
	v12 =	vmax.f32 v12, v16;
	v13 =	vsel vm1, v46, v48  }
0x9a: {  	v41 =	vld [tilespmem:s12+$0x9580];
	v47 =	vpop (erf);
	v35 =	vsel vm6, $0x6, v3;
	v42 =	vmax.f32 v12, v18;
	vm5 =	vge.f32 v12, v18  }
0x9b: {  	v44 =	vld [tilespmem:s12+$0x8F00];
	v11 =	vsel vm4, v15, v11;
	v49 =	vmul.f32 v17, v47;
	vm7 =	vge.f32 v25, v24  }
0x9c: {  	v36 =	vmax.f32 v25, v24;
	v45 =	vadd.f32 v33, v20;
	v11 =	vsel vm5, v11, v13  }
0x9d: {  	v39 =	vsel vm7, $0x4, v2;
	vm8 =	vge.f32 v36, v37;
	v19 =	vmax.f32 v36, v37  }
0x9e: {  	s1 =	sshra.s32 s1, $0x2;
	v15 =	vmul.f32 $5.000000000e-01, v49;
	v40 =	vsel vm8, v39, v35;
	vm9 =	vge.f32 v21, v19  }
0x9f: {  	v38 =	vld [tilespmem:s1+$0x0];
	v43 =	vsub.f32 v63, v32;
	vm10 =	vge.f32 v34, v14;
	v50 =	vmax.f32 v21, v19  }
0xa0: {  	v52 =	vld [tilespmem:s12+$0x9C00];
	v53 =	vadd.f32 v63, v32;
	v54 =	vmax.f32 v34, v14;
	v55 =	vmax.f32 v44, v41  }
0xa1: {  	vm13 =	vge.f32 v44, v41;
	v23 =	vsel vm9, v23, v40;
	vm11 =	vge.f32 v50, v42  }
0xa2: {  	vm12 =	vge.f32 v54, v55;
	v56 =	vsel vm10, $0x10, v8;
	v14 =	vmax.f32 v54, v55  }
0xa3: {  	v16 =	vsel vm13, $0x12, v9;
	v17 =	vmax.f32 v50, v42;
	v59 =	vsub.f32 v45, v15  }
0xa4: {  	v12 =	vadd.f32 v15, v45;
	v22 =	vmul.f32 v43, v38;
	v13 =	vmul.f32 $5.000000000e-01, v53;
	v51 =	vpop (erf)  }
0xa5: {  	vm14 =	vge.f32 v14, v52;
	v14 =	vmax.f32 v14, v52;
	v18 =	vmul.f32 v43, v51  }
0xa6: {  	v11 =	vsel vm11, v23, v11;
	v16 =	vsel vm12, v56, v16;
	vm15 =	vge.f32 v17, v14  }
0xa7: {  	v16 =	vnsel vm14, $0x14, v16;
	v13 =	vadd.f32 v13, v22;
	v18 =	vmul.f32 $5.000000000e-01, v18  }
0xa8: {  	v12 =	vmax.f32 v12, $0.0e+00;
	v11 =	vsel vm15, v11, v16  }
0xa9: {  	v16 =	vmax.f32 v59, $0.0e+00;
	vm0 =	vne.s32 v11, $0x0;
	v57 =	vsub.f32 v13, v18  }
0xaa: {  	v16 =	vmin.f32 v16, $1.000000000e+00;
	v61 =	vsel vm0, $0x3F800000, v0;
	v13 =	vadd.f32 v18, v13  }
0xab: {  	v12 =	vmin.f32 v12, $1.000000000e+00;
	v62 =	vmul.f32 v61, v16;
	v58 =	vmax.f32 v57, $0.0e+00  }
0xac: {  	v12 =	vmul.f32 v61, v12;
	v13 =	vmax.f32 v13, $0.0e+00;
	v60 =	vmin.f32 v58, $1.000000000e+00  }
0xad: {  	[tilespmem:s4+$0x17980] =	vst v62;
	v13 =	vmin.f32 v13, $1.000000000e+00;
	v15 =	vmul.f32 v61, v60  }
0xae: {  	v14 =	vmax.f32 v17, v14;
	[tilespmem:s4+$0x17A80] =	vst v12;
	v13 =	vmul.f32 v61, v13  }
0xaf: {  	v63 =	vmul.f32 v61, v14;
	[tilespmem:s4+$0x17900] =	vst v15  }
0xb0: {  	[tilespmem:s4+$0x17A00] =	vst v13  }
0xb1: {  	[tilespmem:s1+$0x1AD00] =	vst v63  }
0xb2: {  	s12 =	simm.s32 $0x0;
	s16 =	rddreg [dreg:$0xe];
	s23 =	simm.s32 $0x17900;
	[tilespmem:s1+$0x1BA00] =	vst v11  }
0xb3: {  	[hbm4b:s16+s12] =	stream.linear.scatter [tilespmem:s23], [sflag:$0x3], $0x1A00, $0x38;
	[tilespmem:$0x1D900] =	vst v63  }
0xb4: {  	s24 =	rddreg [dreg:$0xf];
	s25 =	simm.s32 $0x1AD00  }
0xb5: {  	[hbm4b:s24+s13] =	stream.strided.scatter [tilespmem:s25], [sflag:$0x3], $0x680, s14, s13, $0x38;
	[tilespmem:$0x1D900] =	vst v63  }
0xb6: {  	s30 =	rddreg [dreg:$0x10];
	s31 =	simm.s32 $0x1BA00;
	p2 =	por $0x1, $0x1;
	v11 =	vsel vm0, $0x1, v0  }
0xb7: {  	v10 =	vadd.s32 v11, v10;
	[hbm4b:s30+s13] =	stream.strided.scatter [tilespmem:s31], [sflag:$0x3], $0x680, s14, s13, $0x38;
	[tilespmem:$0x1D900] =	vst v63  }
.LBB2_8:
0xb8: {  	s9 =	sadd.s32 s12, s20  }
0xb9: {  	s1 =	rddreg [dreg:$0x0];
	s4 =	sadd.s32 s9, s0  }
0xba: {  	p1 =	por p2, p2;
	s1 =	sadd.s32 s1, s4  }
0xbb: {  	s15 =	simm.s32 $0x1A00;
	s23 =	simm.s32 $0x0;
	s16 =	sadd.s32 $0x9D00, s1  }
.LBB2_9:
0xbc: {  	[tilespmem:s23], [sflag:$0x1] =	stream.strided.gather [hbm4b:s1+s13], $0x680, s14, s13, $0x38;
	[tilespmem:$0x1D900] =	vst v63  }
0xbd: {  	s23 =	smov.u32 s15;
	s1 =	smov.u32 s16;
	p2 =	sne.s32 s15, $0x27000  }
.Ltmp3:
0xbe: {  	s15 =	sadd.s32 $0x1A00, s15;
	(pc) =	sbr.rel @p2 .LBB2_9-.Ltmp3, $2  }
0xbf: {  	_ =	sdelay $0x2  }
0xc0: {  	s16 =	sadd.s32 $0x9D00, s16;
	s23 =	sshra.s32 s23, $0x2  }
0xc1: {  	[tilespmem:s23], [sflag:$0x1] =	stream.strided.gather [hbm4b:s1+s13], $0x680, s14, s13, $0x38;
	[tilespmem:$0x1D900] =	vst v63  }
0xc2: {  	s24 =	sshrl.u32 s9, $0x1  }
0xc3: {  	s30 =	simm.s32 $0x0;
	s15 =	simm.s32 $0x14500;
	s1 =	sadd.s32 s2, s24  }
0xc4: {  	[tilespmem:s15], [sflag:$0x1] =	stream.linear.gather [hbm4b:s1+s30], $0x1A00, $0x38;
	[tilespmem:$0x1D900] =	vst v63  }
0xc5: {  	_ =	swait.ge [sflag:s26], $0xA280  }
0xc6: {  	[sflag:s26] =	ssyncset.done $0x0  }
0xc7: {  	[sflag:s26] =	ssyncadd.s32 $0xFFFF5D80  }
0xc8: {  	_ =	swait.ge [sflag:s26], $0x1A00  }
0xc9: {  	[sflag:s26] =	ssyncset.done $0x0  }
0xca: {  	[sflag:s26] =	ssyncadd.s32 $0xFFFFE600  }
0xcb: {  	_ =	swait.ge [sflag:s28], $0x1A00  }
0xcc: {  	[sflag:s28] =	ssyncset.done $0x0  }
0xcd: {  	[sflag:s28] =	ssyncadd.s32 $0xFFFFE600  }
0xce: {  	_ =	swait.ge [sflag:s28], $0x680  }
0xcf: {  	[sflag:s28] =	ssyncset.done $0x0  }
0xd0: {  	[sflag:s28] =	ssyncadd.s32 $0xFFFFF980  }
0xd1: {  	_ =	swait.ge [sflag:s28], $0x680  }
0xd2: {  	[sflag:s28] =	ssyncset.done $0x0  }
0xd3: {  	s1 =	sand.u32 $0x7F0, s30;
	[sflag:s28] =	ssyncadd.s32 $0xFFFFF980  }
0xd4: {  	v11 =	vld [tilespmem:s1+$0x11780]  }
0xd5: {  	v13 =	vld [tilespmem:s1+$0xC980]  }
0xd6: {  	v15 =	vld [tilespmem:s1+$0x11E00]  }
0xd7: {  	v16 =	vld [tilespmem:s1+$0xBC80]  }
0xd8: {  	v17 =	vld [tilespmem:s1+$0xB600]  }
0xd9: {  	v18 =	vld [tilespmem:s1+$0xD000]  }
0xda: {  	v19 =	vld [tilespmem:s1+$0xC300]  }
0xdb: {  	v12 =	vld [tilespmem:s1+$0xF080]  }
0xdc: {  	v14 =	vld [tilespmem:s1+$0xF700]  }
0xdd: {  	v20 =	vld [tilespmem:s1+$0xFD80]  }
0xde: {  	v28 =	vld [tilespmem:s1+$0x11100]  }
0xdf: {  	v29 =	vld [tilespmem:s1+$0x10A80]  }
0xe0: {  	s25 =	sand.u32 $0x70, s30;
	s16 =	sand.u32 $0x1E00, s30;
	v24 =	vld [tilespmem:s1+$0xAF80]  }
0xe1: {  	s31 =	sor.u32 s25, s16;
	v22 =	vld [tilespmem:s1+$0x10400];
	vm0 =	vge.f32 v16, v19;
	v21 =	vmax.f32 v16, v19;
	v16 =	vmul.f32 $1.442695020e+00, v17  }
0xe2: {  	v30 =	vld [tilespmem:s31+$0x16080]  }
0xe3: {  	v25 =	vld [tilespmem:s1+$0xD680];
	vm3 =	vge.f32 v13, v18;
	v31 =	vmax.f32 v11, v15;
	(erf) = vpow2.f32 v16  }
0xe4: {  	v17 =	vld [tilespmem:s31+$0x15F80];
	v26 =	vmax.f32 v13, v18;
	vm2 =	vge.f32 v12, v14;
	v13 =	vmax.f32 v29, v28  }
0xe5: {  	v19 =	vld [tilespmem:s1+$0xEA00];
	v27 =	vmul.f32 $1.442695020e+00, v24;
	vm1 =	vmneg vm0;
	vm0 =	vge.f32 v11, v15  }
0xe6: {  	v24 =	vld [tilespmem:s1+$0xDD00];
	v15 =	vsel vm2, $0x8, v4;
	vm2 =	vge.f32 v29, v28;
	v18 =	vmax.f32 v13, v31  }
0xe7: {  	v23 =	vsel vm1, $0x1, v0;
	vm1 =	vge.f32 v20, v22;
	v16 =	vmax.f32 v20, v22;
	v22 =	vld [tilespmem:s1+$0xE380]  }
0xe8: {  	v29 =	vsel vm3, $0x2, v1;
	vm3 =	vge.f32 v21, v26;
	v20 =	vld [tilespmem:s1+$0xA900];
	v11 =	vsel vm1, $0xA, v5  }
0xe9: {  	s16 =	simm.s32 $0x10;
	s15 =	simm.s32 $0x0;
	vm1 =	vge.f32 v13, v31;
	v13 =	vld [tilespmem:s1+$0x12B00];
	v28 =	vadd.f32 v30, v17;
	v17 =	vsub.f32 v30, v17  }
.LBB2_11:
0xea: {  	p2 =	sne.s32 s16, $0x670  }
0xeb: {  	v21 =	vmax.f32 v21, v26;
	v23 =	vsel vm3, v23, v29;
	v26 =	vld [tilespmem:s31+$0x16000];
	s30 =	sadd.s32 $0x40, s30;
	(erf) = vpow2.f32 v27;
	s24 =	smov.u32 s16;
	s16 =	sadd.s32 $0x10, s16  }
0xec: {  	v12 =	vmax.f32 v12, v14;
	v27 =	vmul.f32 $5.000000000e-01, v28;
	vm3 =	vge.f32 v22, v19;
	v14 =	vld [tilespmem:s31+$0x15F00];
	v28 =	vpop (erf)  }
0xed: {  	s23 =	sshra.s32 s15, $0x2;
	v20 =	vmul.f32 v17, v20;
	s15 =	smov.u32 s30;
	v29 =	vld [tilespmem:s1+$0x12480];
	v30 =	vsel vm3, $0x6, v3;
	vm3 =	vge.f32 v12, v16  }
0xee: {  	v19 =	vmax.f32 v22, v19;
	v31 =	vld [tilespmem:s23+$0xA280];
	vm4 =	vge.f32 v25, v24;
	v24 =	vmax.f32 v25, v24  }
0xef: {  	v22 =	vsel vm4, $0x4, v2;
	vm4 =	vge.f32 v24, v19;
	v19 =	vmax.f32 v24, v19  }
0xf0: {  	v12 =	vmax.f32 v12, v16;
	v22 =	vsel vm4, v22, v30;
	vm4 =	vge.f32 v21, v19  }
0xf1: {  	v16 =	vld [tilespmem:s1+$0x13800];
	v22 =	vsel vm4, v23, v22;
	v23 =	vmax.f32 v12, v18;
	v24 =	vsub.f32 v26, v14  }
0xf2: {  	vm5 =	vge.f32 v12, v18;
	v12 =	vadd.f32 v27, v20;
	v25 =	vld [tilespmem:s1+$0x13180];
	vm4 =	vge.f32 v29, v13  }
0xf3: {  	v30 =	vsel vm2, $0xC, v6;
	v20 =	vsel vm0, $0xE, v7;
	v27 =	vmul.f32 v24, v31  }
0xf4: {  	v17 =	vmul.f32 v17, v28;
	v11 =	vsel vm3, v15, v11;
	v15 =	vsel vm1, v30, v20;
	v18 =	vpop (erf)  }
0xf5: {  	v19 =	vmax.f32 v21, v19;
	v14 =	vadd.f32 v26, v14;
	v11 =	vsel vm5, v11, v15;
	v20 =	vld [tilespmem:s1+$0x13E80]  }
0xf6: {  	v17 =	vmul.f32 $5.000000000e-01, v17;
	v13 =	vmax.f32 v29, v13;
	v15 =	vmul.f32 v24, v18  }
0xf7: {  	vm0 =	vge.f32 v19, v23;
	v14 =	vmul.f32 $5.000000000e-01, v14;
	v18 =	vmax.f32 v25, v16  }
0xf8: {  	v11 =	vsel vm0, v22, v11;
	v15 =	vmul.f32 $5.000000000e-01, v15;
	vm1 =	vge.f32 v13, v18  }
0xf9: {  	v21 =	vsel vm4, $0x10, v8;
	v14 =	vadd.f32 v14, v27;
	v13 =	vmax.f32 v13, v18  }
0xfa: {  	vm0 =	vge.f32 v25, v16;
	vm2 =	vge.f32 v13, v20;
	v13 =	vmax.f32 v13, v20  }
0xfb: {  	v16 =	vsel vm0, $0x12, v9;
	v18 =	vmax.f32 v19, v23;
	v19 =	vsub.f32 v14, v15  }
0xfc: {  	s25 =	sand.u32 $0x1E00, s30;
	s1 =	sand.u32 $0x70, s24;
	v16 =	vsel vm1, v21, v16;
	v14 =	vadd.f32 v15, v14;
	vm0 =	vge.f32 v18, v13  }
0xfd: {  	s25 =	sor.u32 s1, s25;
	v15 =	vnsel vm2, $0x14, v16;
	v16 =	vmax.f32 v19, $0.0e+00;
	v19 =	vsub.f32 v12, v17  }
0xfe: {  	v14 =	vmax.f32 v14, $0.0e+00;
	v12 =	vadd.f32 v17, v12;
	v11 =	vsel vm0, v11, v15  }
0xff: {  	v15 =	vmin.f32 v16, $1.000000000e+00;
	v14 =	vmin.f32 v14, $1.000000000e+00;
	vm0 =	vne.s32 v11, $0x0  }
0x100: {  	v13 =	vmax.f32 v18, v13;
	v12 =	vmax.f32 v12, $0.0e+00;
	v16 =	vsel vm0, $0x3F800000, v0  }
0x101: {  	v17 =	vmax.f32 v19, $0.0e+00;
	v18 =	vsel vm0, $0x1, v0;
	v15 =	vmul.f32 v16, v15  }
0x102: {  	s1 =	sand.u32 $0x7F0, s24;
	v17 =	vmin.f32 v17, $1.000000000e+00;
	v14 =	vmul.f32 v16, v14;
	v10 =	vadd.s32 v18, v10  }
0x103: {  	v12 =	vmin.f32 v12, $1.000000000e+00;
	[tilespmem:s31+$0x19300] =	vst v15;
	v15 =	vmul.f32 v16, v17  }
0x104: {  	v12 =	vmul.f32 v16, v12;
	[tilespmem:s31+$0x19400] =	vst v14  }
0x105: {  	v13 =	vmul.f32 v16, v13;
	[tilespmem:s31+$0x19380] =	vst v15  }
0x106: {  	[tilespmem:s31+$0x19480] =	vst v12;
	s31 =	smov.u32 s25  }
0x107: {  	[tilespmem:s23+$0x1B380] =	vst v13  }
0x108: {  	[tilespmem:s23+$0x1C080] =	vst v11  }
0x109: {  	v11 =	vld [tilespmem:s1+$0x11780]  }
0x10a: {  	v13 =	vld [tilespmem:s1+$0xC980]  }
0x10b: {  	v15 =	vld [tilespmem:s1+$0x11E00]  }
0x10c: {  	v16 =	vld [tilespmem:s1+$0xBC80]  }
0x10d: {  	v17 =	vld [tilespmem:s1+$0xB600]  }
0x10e: {  	v18 =	vld [tilespmem:s1+$0xD000]  }
0x10f: {  	v19 =	vld [tilespmem:s1+$0xC300]  }
0x110: {  	v12 =	vld [tilespmem:s1+$0xF080]  }
0x111: {  	v14 =	vld [tilespmem:s1+$0xF700]  }
0x112: {  	v20 =	vld [tilespmem:s1+$0xFD80]  }
0x113: {  	v22 =	vld [tilespmem:s1+$0x10400]  }
0x114: {  	v28 =	vld [tilespmem:s1+$0x11100]  }
0x115: {  	vm0 =	vge.f32 v16, v19;
	v21 =	vmax.f32 v16, v19;
	v16 =	vmul.f32 $1.442695020e+00, v17;
	v29 =	vld [tilespmem:s1+$0x10A80]  }
0x116: {  	vm3 =	vge.f32 v13, v18;
	vm1 =	vmneg vm0;
	vm0 =	vge.f32 v11, v15;
	v17 =	vld [tilespmem:s1+$0xAF80]  }
0x117: {  	v30 =	vmax.f32 v11, v15;
	v23 =	vsel vm1, $0x1, v0;
	v31 =	vld [tilespmem:s31+$0x15F80];
	(erf) = vpow2.f32 v16  }
0x118: {  	v26 =	vmax.f32 v13, v18;
	vm1 =	vge.f32 v20, v22;
	v16 =	vmax.f32 v20, v22;
	v32 =	vld [tilespmem:s31+$0x16080]  }
0x119: {  	vm2 =	vge.f32 v12, v14;
	v19 =	vld [tilespmem:s1+$0xEA00];
	v11 =	vsel vm1, $0xA, v5  }
.Ltmp4:
0x11a: {  	v20 =	vld [tilespmem:s1+$0xA900];
	(pc) =	sbr.rel @p2 .LBB2_11-.Ltmp4, $4  }
0x11b: {  	v13 =	vmax.f32 v29, v28;
	v22 =	vld [tilespmem:s1+$0xE380];
	v27 =	vmul.f32 $1.442695020e+00, v17  }
0x11c: {  	v15 =	vsel vm2, $0x8, v4;
	vm1 =	vge.f32 v13, v30;
	v24 =	vld [tilespmem:s1+$0xDD00]  }
0x11d: {  	vm2 =	vge.f32 v29, v28;
	v18 =	vmax.f32 v13, v30;
	v25 =	vld [tilespmem:s1+$0xD680];
	v28 =	vadd.f32 v32, v31  }
0x11e: {  	v29 =	vsel vm3, $0x2, v1;
	vm3 =	vge.f32 v21, v26;
	v17 =	vsub.f32 v32, v31;
	v13 =	vld [tilespmem:s1+$0x12B00]  }
0x11f: {  	v21 =	vmax.f32 v21, v26  }
0x120: {  	v23 =	vsel vm3, v23, v29;
	(erf) = vpow2.f32 v27;
	v12 =	vmax.f32 v12, v14  }
0x121: {  	v32 =	vld [tilespmem:s31+$0x16000];
	v34 =	vmul.f32 $5.000000000e-01, v28;
	v47 =	vsel vm2, $0xC, v6;
	v49 =	vsel vm0, $0xE, v7  }
0x122: {  	v33 =	vld [tilespmem:s31+$0x15F00];
	vm6 =	vge.f32 v22, v19;
	v38 =	vmax.f32 v22, v19;
	vm4 =	vge.f32 v12, v16  }
0x123: {  	v35 =	vld [tilespmem:s1+$0x12480];
	v20 =	vmul.f32 v17, v20;
	v12 =	vmax.f32 v12, v16;
	v14 =	vsel vm1, v47, v49  }
0x124: {  	v42 =	vld [tilespmem:s1+$0x13800];
	v48 =	vpop (erf);
	v36 =	vsel vm6, $0x6, v3;
	v43 =	vmax.f32 v12, v18;
	vm5 =	vge.f32 v12, v18  }
0x125: {  	v45 =	vld [tilespmem:s1+$0x13180];
	v11 =	vsel vm4, v15, v11;
	v50 =	vmul.f32 v17, v48;
	vm7 =	vge.f32 v25, v24  }
0x126: {  	v37 =	vmax.f32 v25, v24;
	v46 =	vadd.f32 v34, v20;
	v11 =	vsel vm5, v11, v14  }
0x127: {  	v40 =	vsel vm7, $0x4, v2;
	vm8 =	vge.f32 v37, v38;
	v19 =	vmax.f32 v37, v38  }
0x128: {  	s15 =	sshra.s32 s15, $0x2;
	v15 =	vmul.f32 $5.000000000e-01, v50;
	v41 =	vsel vm8, v40, v36;
	vm9 =	vge.f32 v21, v19  }
0x129: {  	v39 =	vld [tilespmem:s15+$0xA280];
	v44 =	vsub.f32 v32, v33;
	vm10 =	vge.f32 v35, v13;
	v51 =	vmax.f32 v21, v19  }
0x12a: {  	v53 =	vld [tilespmem:s1+$0x13E80];
	v54 =	vadd.f32 v32, v33;
	v55 =	vmax.f32 v35, v13;
	v56 =	vmax.f32 v45, v42  }
0x12b: {  	vm13 =	vge.f32 v45, v42;
	v23 =	vsel vm9, v23, v41;
	vm11 =	vge.f32 v51, v43  }
0x12c: {  	vm12 =	vge.f32 v55, v56;
	v57 =	vsel vm10, $0x10, v8;
	v13 =	vmax.f32 v55, v56  }
0x12d: {  	v16 =	vsel vm13, $0x12, v9;
	v17 =	vmax.f32 v51, v43;
	v60 =	vsub.f32 v46, v15  }
0x12e: {  	v12 =	vadd.f32 v15, v46;
	v22 =	vmul.f32 v44, v39;
	v14 =	vmul.f32 $5.000000000e-01, v54;
	v52 =	vpop (erf)  }
0x12f: {  	vm14 =	vge.f32 v13, v53;
	v13 =	vmax.f32 v13, v53;
	v18 =	vmul.f32 v44, v52  }
0x130: {  	v11 =	vsel vm11, v23, v11;
	v16 =	vsel vm12, v57, v16;
	vm15 =	vge.f32 v17, v13  }
0x131: {  	v16 =	vnsel vm14, $0x14, v16;
	v14 =	vadd.f32 v14, v22;
	v18 =	vmul.f32 $5.000000000e-01, v18  }
0x132: {  	v12 =	vmax.f32 v12, $0.0e+00;
	v11 =	vsel vm15, v11, v16  }
0x133: {  	v16 =	vmax.f32 v60, $0.0e+00;
	vm0 =	vne.s32 v11, $0x0;
	v58 =	vsub.f32 v14, v18  }
0x134: {  	v16 =	vmin.f32 v16, $1.000000000e+00;
	v62 =	vsel vm0, $0x3F800000, v0;
	v14 =	vadd.f32 v18, v14  }
0x135: {  	v12 =	vmin.f32 v12, $1.000000000e+00;
	v63 =	vmul.f32 v62, v16;
	v59 =	vmax.f32 v58, $0.0e+00  }
0x136: {  	v12 =	vmul.f32 v62, v12;
	v14 =	vmax.f32 v14, $0.0e+00;
	v61 =	vmin.f32 v59, $1.000000000e+00  }
0x137: {  	[tilespmem:s31+$0x19380] =	vst v63;
	v14 =	vmin.f32 v14, $1.000000000e+00;
	v15 =	vmul.f32 v62, v61  }
0x138: {  	s23 =	sadd.s32 s12, s8;
	v13 =	vmax.f32 v17, v13;
	[tilespmem:s31+$0x19480] =	vst v12;
	v14 =	vmul.f32 v62, v14  }
0x139: {  	s16 =	sshll.u32 s23, $0x2;
	v13 =	vmul.f32 v62, v13;
	[tilespmem:s31+$0x19300] =	vst v15  }
0x13a: {  	s16 =	sadd.s32 s10, s16;
	[tilespmem:s31+$0x19400] =	vst v14  }
0x13b: {  	s16 =	sshrl.u32 s16, $0x3;
	[tilespmem:s15+$0x1B380] =	vst v13  }
0x13c: {  	s25 =	simm.s32 $0x0;
	s1 =	sadd.s32 s23, s0;
	s24 =	sadd.s32 s3, s16;
	[tilespmem:s15+$0x1C080] =	vst v11  }
0x13d: {  	[hbm4b:s24+s25] =	stream.linear.scatter [tilespmem:s17], [sflag:$0x4], $0x1A00, $0x38;
	[tilespmem:$0x1D900] =	vst v63  }
0x13e: {  	s30 =	sadd.s32 s5, s1  }
0x13f: {  	[hbm4b:s30+s13] =	stream.strided.scatter [tilespmem:s18], [sflag:$0x4], $0x680, s14, s13, $0x38;
	[tilespmem:$0x1D900] =	vst v63  }
0x140: {  	s1 =	sadd.s32 s6, s1  }
0x141: {  	[hbm4b:s1+s13] =	stream.strided.scatter [tilespmem:s19], [sflag:$0x4], $0x680, s14, s13, $0x38;
	[tilespmem:$0x1D900] =	vst v63  }
0x142: {  	s1 =	sadd.s32 s12, s21  }
0x143: {  	s31 =	simm.s32 $0xA280;
	v11 =	vsel vm0, $0x1, v0;
	s15 =	simm.s32 $0x1A00;
	s12 =	sadd.s32 s11, s1  }
0x144: {  	v10 =	vadd.s32 v11, v10;
	[tilespmem:s31], [sflag:$0x2] =	stream.strided.gather [hbm4b:s12+s13], $0x680, s14, s13, $0x38;
	[tilespmem:$0x1D900] =	vst v63  }
.LBB2_13:
0x145: {  	p2 =	sne.s32 s15, $0x27000  }
.Ltmp5:
0x146: {  	_ = 	snop;
	(pc) =	sbr.rel @p2 .LBB2_13-.Ltmp5, $4  }
0x147: {  	_ = 	snop  }
0x148: {  	s16 =	sshra.s32 s15, $0x2;
	s15 =	sadd.s32 $0x1A00, s15  }
0x149: {  	s12 =	sadd.s32 $0x9D00, s12;
	s16 =	sadd.s32 $0xA280, s16  }
0x14a: {  	[tilespmem:s16], [sflag:$0x2] =	stream.strided.gather [hbm4b:s12+s13], $0x680, s14, s13, $0x38;
	[tilespmem:$0x1D900] =	vst v63  }
0x14b: {  	s1 =	sshrl.u32 s1, $0x1  }
0x14c: {  	s30 =	simm.s32 $0x0;
	s12 =	simm.s32 $0x15F00;
	s1 =	sadd.s32 s2, s1  }
0x14d: {  	[tilespmem:s12], [sflag:$0x2] =	stream.linear.gather [hbm4b:s1+s30], $0x1A00, $0x38;
	[tilespmem:$0x1D900] =	vst v63  }
0x14e: {  	_ =	swait.ge [sflag:s22], $0xA280  }
0x14f: {  	[sflag:s22] =	ssyncset.done $0x0  }
0x150: {  	[sflag:s22] =	ssyncadd.s32 $0xFFFF5D80  }
0x151: {  	_ =	swait.ge [sflag:s22], $0x1A00  }
0x152: {  	[sflag:s22] =	ssyncset.done $0x0  }
0x153: {  	[sflag:s22] =	ssyncadd.s32 $0xFFFFE600  }
0x154: {  	_ =	swait.ge [sflag:s29], $0x1A00  }
0x155: {  	[sflag:s29] =	ssyncset.done $0x0  }
0x156: {  	[sflag:s29] =	ssyncadd.s32 $0xFFFFE600  }
0x157: {  	_ =	swait.ge [sflag:s29], $0x680  }
0x158: {  	[sflag:s29] =	ssyncset.done $0x0  }
0x159: {  	[sflag:s29] =	ssyncadd.s32 $0xFFFFF980  }
0x15a: {  	_ =	swait.ge [sflag:s29], $0x680  }
0x15b: {  	[sflag:s29] =	ssyncset.done $0x0  }
0x15c: {  	s1 =	sand.u32 $0x7F0, s30;
	[sflag:s29] =	ssyncadd.s32 $0xFFFFF980  }
0x15d: {  	v11 =	vld [tilespmem:s1+$0x7500]  }
0x15e: {  	v13 =	vld [tilespmem:s1+$0x2700]  }
0x15f: {  	v15 =	vld [tilespmem:s1+$0x7B80]  }
0x160: {  	v16 =	vld [tilespmem:s1+$0x1A00]  }
0x161: {  	v17 =	vld [tilespmem:s1+$0x1380]  }
0x162: {  	v18 =	vld [tilespmem:s1+$0x2D80]  }
0x163: {  	v19 =	vld [tilespmem:s1+$0x2080]  }
0x164: {  	v12 =	vld [tilespmem:s1+$0x4E00]  }
0x165: {  	v14 =	vld [tilespmem:s1+$0x5480]  }
0x166: {  	v20 =	vld [tilespmem:s1+$0x5B00]  }
0x167: {  	v28 =	vld [tilespmem:s1+$0x6E80]  }
0x168: {  	v29 =	vld [tilespmem:s1+$0x6800]  }
0x169: {  	s31 =	sand.u32 $0x70, s30;
	s15 =	sand.u32 $0x1E00, s30;
	v24 =	vld [tilespmem:s1+$0xD00]  }
0x16a: {  	s12 =	sor.u32 s31, s15;
	v22 =	vld [tilespmem:s1+$0x6180];
	vm0 =	vge.f32 v16, v19;
	v21 =	vmax.f32 v16, v19;
	v16 =	vmul.f32 $1.442695020e+00, v17  }
0x16b: {  	v30 =	vld [tilespmem:s12+$0x14680]  }
0x16c: {  	v25 =	vld [tilespmem:s1+$0x3400];
	vm3 =	vge.f32 v13, v18;
	v31 =	vmax.f32 v11, v15;
	(erf) = vpow2.f32 v16  }
0x16d: {  	v17 =	vld [tilespmem:s12+$0x14580];
	v26 =	vmax.f32 v13, v18;
	vm2 =	vge.f32 v12, v14;
	v13 =	vmax.f32 v29, v28  }
0x16e: {  	v19 =	vld [tilespmem:s1+$0x4780];
	v27 =	vmul.f32 $1.442695020e+00, v24;
	vm1 =	vmneg vm0;
	vm0 =	vge.f32 v11, v15  }
0x16f: {  	v24 =	vld [tilespmem:s1+$0x3A80];
	v15 =	vsel vm2, $0x8, v4;
	vm2 =	vge.f32 v29, v28;
	v18 =	vmax.f32 v13, v31  }
0x170: {  	v23 =	vsel vm1, $0x1, v0;
	vm1 =	vge.f32 v20, v22;
	v16 =	vmax.f32 v20, v22;
	v22 =	vld [tilespmem:s1+$0x4100]  }
0x171: {  	v29 =	vsel vm3, $0x2, v1;
	vm3 =	vge.f32 v21, v26;
	v20 =	vld [tilespmem:s1+$0x680];
	v11 =	vsel vm1, $0xA, v5  }
0x172: {  	s16 =	simm.s32 $0x10;
	s15 =	simm.s32 $0x0;
	vm1 =	vge.f32 v13, v31;
	v13 =	vld [tilespmem:s1+$0x8880];
	v28 =	vadd.f32 v30, v17;
	v17 =	vsub.f32 v30, v17  }
.LBB2_15:
0x173: {  	p2 =	sne.s32 s16, $0x670  }
0x174: {  	v21 =	vmax.f32 v21, v26;
	v23 =	vsel vm3, v23, v29;
	v26 =	vld [tilespmem:s12+$0x14600];
	s30 =	sadd.s32 $0x40, s30;
	(erf) = vpow2.f32 v27;
	s24 =	smov.u32 s16;
	s16 =	sadd.s32 $0x10, s16  }
0x175: {  	v12 =	vmax.f32 v12, v14;
	v27 =	vmul.f32 $5.000000000e-01, v28;
	vm3 =	vge.f32 v22, v19;
	v14 =	vld [tilespmem:s12+$0x14500];
	v28 =	vpop (erf)  }
0x176: {  	s23 =	sshra.s32 s15, $0x2;
	v20 =	vmul.f32 v17, v20;
	s15 =	smov.u32 s30;
	v29 =	vld [tilespmem:s1+$0x8200];
	v30 =	vsel vm3, $0x6, v3;
	vm3 =	vge.f32 v12, v16  }
0x177: {  	v19 =	vmax.f32 v22, v19;
	v31 =	vld [tilespmem:s23+$0x0];
	vm4 =	vge.f32 v25, v24;
	v24 =	vmax.f32 v25, v24  }
0x178: {  	v22 =	vsel vm4, $0x4, v2;
	vm4 =	vge.f32 v24, v19;
	v19 =	vmax.f32 v24, v19  }
0x179: {  	v12 =	vmax.f32 v12, v16;
	v22 =	vsel vm4, v22, v30;
	vm4 =	vge.f32 v21, v19  }
0x17a: {  	v16 =	vld [tilespmem:s1+$0x9580];
	v22 =	vsel vm4, v23, v22;
	v23 =	vmax.f32 v12, v18;
	v24 =	vsub.f32 v26, v14  }
0x17b: {  	vm5 =	vge.f32 v12, v18;
	v12 =	vadd.f32 v27, v20;
	v25 =	vld [tilespmem:s1+$0x8F00];
	vm4 =	vge.f32 v29, v13  }
0x17c: {  	v30 =	vsel vm2, $0xC, v6;
	v20 =	vsel vm0, $0xE, v7;
	v27 =	vmul.f32 v24, v31  }
0x17d: {  	v17 =	vmul.f32 v17, v28;
	v11 =	vsel vm3, v15, v11;
	v15 =	vsel vm1, v30, v20;
	v18 =	vpop (erf)  }
0x17e: {  	v19 =	vmax.f32 v21, v19;
	v14 =	vadd.f32 v26, v14;
	v11 =	vsel vm5, v11, v15;
	v20 =	vld [tilespmem:s1+$0x9C00]  }
0x17f: {  	v17 =	vmul.f32 $5.000000000e-01, v17;
	v13 =	vmax.f32 v29, v13;
	v15 =	vmul.f32 v24, v18  }
0x180: {  	vm0 =	vge.f32 v19, v23;
	v14 =	vmul.f32 $5.000000000e-01, v14;
	v18 =	vmax.f32 v25, v16  }
0x181: {  	v11 =	vsel vm0, v22, v11;
	v15 =	vmul.f32 $5.000000000e-01, v15;
	vm1 =	vge.f32 v13, v18  }
0x182: {  	v21 =	vsel vm4, $0x10, v8;
	v14 =	vadd.f32 v14, v27;
	v13 =	vmax.f32 v13, v18  }
0x183: {  	vm0 =	vge.f32 v25, v16;
	vm2 =	vge.f32 v13, v20;
	v13 =	vmax.f32 v13, v20  }
0x184: {  	v16 =	vsel vm0, $0x12, v9;
	v18 =	vmax.f32 v19, v23;
	v19 =	vsub.f32 v14, v15  }
0x185: {  	s25 =	sand.u32 $0x1E00, s30;
	s1 =	sand.u32 $0x70, s24;
	v16 =	vsel vm1, v21, v16;
	v14 =	vadd.f32 v15, v14;
	vm0 =	vge.f32 v18, v13  }
0x186: {  	s25 =	sor.u32 s1, s25;
	v15 =	vnsel vm2, $0x14, v16;
	v16 =	vmax.f32 v19, $0.0e+00;
	v19 =	vsub.f32 v12, v17  }
0x187: {  	v14 =	vmax.f32 v14, $0.0e+00;
	v12 =	vadd.f32 v17, v12;
	v11 =	vsel vm0, v11, v15  }
0x188: {  	v15 =	vmin.f32 v16, $1.000000000e+00;
	v14 =	vmin.f32 v14, $1.000000000e+00;
	vm0 =	vne.s32 v11, $0x0  }
0x189: {  	v13 =	vmax.f32 v18, v13;
	v12 =	vmax.f32 v12, $0.0e+00;
	v16 =	vsel vm0, $0x3F800000, v0  }
0x18a: {  	v17 =	vmax.f32 v19, $0.0e+00;
	v18 =	vsel vm0, $0x1, v0;
	v15 =	vmul.f32 v16, v15  }
0x18b: {  	s1 =	sand.u32 $0x7F0, s24;
	v17 =	vmin.f32 v17, $1.000000000e+00;
	v14 =	vmul.f32 v16, v14;
	v10 =	vadd.s32 v18, v10  }
0x18c: {  	v12 =	vmin.f32 v12, $1.000000000e+00;
	[tilespmem:s12+$0x17900] =	vst v15;
	v15 =	vmul.f32 v16, v17  }
0x18d: {  	v12 =	vmul.f32 v16, v12;
	[tilespmem:s12+$0x17A00] =	vst v14  }
0x18e: {  	v13 =	vmul.f32 v16, v13;
	[tilespmem:s12+$0x17980] =	vst v15  }
0x18f: {  	[tilespmem:s12+$0x17A80] =	vst v12;
	s12 =	smov.u32 s25  }
0x190: {  	[tilespmem:s23+$0x1AD00] =	vst v13  }
0x191: {  	[tilespmem:s23+$0x1BA00] =	vst v11  }
0x192: {  	v11 =	vld [tilespmem:s1+$0x7500]  }
0x193: {  	v13 =	vld [tilespmem:s1+$0x2700]  }
0x194: {  	v15 =	vld [tilespmem:s1+$0x7B80]  }
0x195: {  	v16 =	vld [tilespmem:s1+$0x1A00]  }
0x196: {  	v17 =	vld [tilespmem:s1+$0x1380]  }
0x197: {  	v18 =	vld [tilespmem:s1+$0x2D80]  }
0x198: {  	v19 =	vld [tilespmem:s1+$0x2080]  }
0x199: {  	v12 =	vld [tilespmem:s1+$0x4E00]  }
0x19a: {  	v14 =	vld [tilespmem:s1+$0x5480]  }
0x19b: {  	v20 =	vld [tilespmem:s1+$0x5B00]  }
0x19c: {  	v22 =	vld [tilespmem:s1+$0x6180]  }
0x19d: {  	v28 =	vld [tilespmem:s1+$0x6E80]  }
0x19e: {  	vm0 =	vge.f32 v16, v19;
	v21 =	vmax.f32 v16, v19;
	v16 =	vmul.f32 $1.442695020e+00, v17;
	v29 =	vld [tilespmem:s1+$0x6800]  }
0x19f: {  	vm3 =	vge.f32 v13, v18;
	vm1 =	vmneg vm0;
	vm0 =	vge.f32 v11, v15;
	v17 =	vld [tilespmem:s1+$0xD00]  }
0x1a0: {  	v30 =	vmax.f32 v11, v15;
	v23 =	vsel vm1, $0x1, v0;
	v31 =	vld [tilespmem:s12+$0x14580];
	(erf) = vpow2.f32 v16  }
0x1a1: {  	v26 =	vmax.f32 v13, v18;
	vm1 =	vge.f32 v20, v22;
	v16 =	vmax.f32 v20, v22;
	v32 =	vld [tilespmem:s12+$0x14680]  }
0x1a2: {  	vm2 =	vge.f32 v12, v14;
	v19 =	vld [tilespmem:s1+$0x4780];
	v11 =	vsel vm1, $0xA, v5  }
.Ltmp6:
0x1a3: {  	v20 =	vld [tilespmem:s1+$0x680];
	(pc) =	sbr.rel @p2 .LBB2_15-.Ltmp6, $4  }
0x1a4: {  	v13 =	vmax.f32 v29, v28;
	v22 =	vld [tilespmem:s1+$0x4100];
	v27 =	vmul.f32 $1.442695020e+00, v17  }
0x1a5: {  	v15 =	vsel vm2, $0x8, v4;
	vm1 =	vge.f32 v13, v30;
	v24 =	vld [tilespmem:s1+$0x3A80]  }
0x1a6: {  	vm2 =	vge.f32 v29, v28;
	v18 =	vmax.f32 v13, v30;
	v25 =	vld [tilespmem:s1+$0x3400];
	v28 =	vadd.f32 v32, v31  }
0x1a7: {  	v29 =	vsel vm3, $0x2, v1;
	vm3 =	vge.f32 v21, v26;
	v17 =	vsub.f32 v32, v31;
	v13 =	vld [tilespmem:s1+$0x8880]  }
0x1a8: {  	v21 =	vmax.f32 v21, v26  }
0x1a9: {  	v23 =	vsel vm3, v23, v29;
	(erf) = vpow2.f32 v27;
	v12 =	vmax.f32 v12, v14  }
0x1aa: {  	v32 =	vld [tilespmem:s12+$0x14600];
	v34 =	vmul.f32 $5.000000000e-01, v28;
	v47 =	vsel vm2, $0xC, v6;
	v49 =	vsel vm0, $0xE, v7  }
0x1ab: {  	v33 =	vld [tilespmem:s12+$0x14500];
	vm6 =	vge.f32 v22, v19;
	v38 =	vmax.f32 v22, v19;
	vm4 =	vge.f32 v12, v16  }
0x1ac: {  	v35 =	vld [tilespmem:s1+$0x8200];
	v20 =	vmul.f32 v17, v20;
	v12 =	vmax.f32 v12, v16;
	v14 =	vsel vm1, v47, v49  }
0x1ad: {  	v42 =	vld [tilespmem:s1+$0x9580];
	v48 =	vpop (erf);
	v36 =	vsel vm6, $0x6, v3;
	v43 =	vmax.f32 v12, v18;
	vm5 =	vge.f32 v12, v18  }
0x1ae: {  	v45 =	vld [tilespmem:s1+$0x8F00];
	v11 =	vsel vm4, v15, v11;
	v50 =	vmul.f32 v17, v48;
	vm7 =	vge.f32 v25, v24  }
0x1af: {  	v37 =	vmax.f32 v25, v24;
	v46 =	vadd.f32 v34, v20;
	v11 =	vsel vm5, v11, v14  }
0x1b0: {  	v40 =	vsel vm7, $0x4, v2;
	vm8 =	vge.f32 v37, v38;
	v19 =	vmax.f32 v37, v38  }
0x1b1: {  	s15 =	sshra.s32 s15, $0x2;
	v15 =	vmul.f32 $5.000000000e-01, v50;
	v41 =	vsel vm8, v40, v36;
	vm9 =	vge.f32 v21, v19  }
0x1b2: {  	v39 =	vld [tilespmem:s15+$0x0];
	v44 =	vsub.f32 v32, v33;
	vm10 =	vge.f32 v35, v13;
	v51 =	vmax.f32 v21, v19  }
0x1b3: {  	v53 =	vld [tilespmem:s1+$0x9C00];
	v54 =	vadd.f32 v32, v33;
	v55 =	vmax.f32 v35, v13;
	v56 =	vmax.f32 v45, v42  }
0x1b4: {  	vm13 =	vge.f32 v45, v42;
	v23 =	vsel vm9, v23, v41;
	vm11 =	vge.f32 v51, v43  }
0x1b5: {  	vm12 =	vge.f32 v55, v56;
	v57 =	vsel vm10, $0x10, v8;
	v13 =	vmax.f32 v55, v56  }
0x1b6: {  	v16 =	vsel vm13, $0x12, v9;
	v17 =	vmax.f32 v51, v43;
	v60 =	vsub.f32 v46, v15  }
0x1b7: {  	v12 =	vadd.f32 v15, v46;
	v22 =	vmul.f32 v44, v39;
	v14 =	vmul.f32 $5.000000000e-01, v54;
	v52 =	vpop (erf)  }
0x1b8: {  	vm14 =	vge.f32 v13, v53;
	v13 =	vmax.f32 v13, v53;
	v18 =	vmul.f32 v44, v52  }
0x1b9: {  	v11 =	vsel vm11, v23, v11;
	v16 =	vsel vm12, v57, v16;
	vm15 =	vge.f32 v17, v13  }
0x1ba: {  	v16 =	vnsel vm14, $0x14, v16;
	v14 =	vadd.f32 v14, v22;
	v18 =	vmul.f32 $5.000000000e-01, v18  }
0x1bb: {  	v12 =	vmax.f32 v12, $0.0e+00;
	v11 =	vsel vm15, v11, v16  }
0x1bc: {  	v16 =	vmax.f32 v60, $0.0e+00;
	vm0 =	vne.s32 v11, $0x0;
	v58 =	vsub.f32 v14, v18  }
0x1bd: {  	v16 =	vmin.f32 v16, $1.000000000e+00;
	v62 =	vsel vm0, $0x3F800000, v0;
	v14 =	vadd.f32 v18, v14  }
0x1be: {  	v12 =	vmin.f32 v12, $1.000000000e+00;
	v63 =	vmul.f32 v62, v16;
	v59 =	vmax.f32 v58, $0.0e+00  }
0x1bf: {  	v12 =	vmul.f32 v62, v12;
	v14 =	vmax.f32 v14, $0.0e+00;
	v61 =	vmin.f32 v59, $1.000000000e+00  }
0x1c0: {  	[tilespmem:s12+$0x17980] =	vst v63;
	v14 =	vmin.f32 v14, $1.000000000e+00;
	v15 =	vmul.f32 v62, v61  }
0x1c1: {  	v13 =	vmax.f32 v17, v13;
	[tilespmem:s12+$0x17A80] =	vst v12;
	v14 =	vmul.f32 v62, v14  }
0x1c2: {  	s16 =	sshll.u32 s9, $0x2;
	v13 =	vmul.f32 v62, v13;
	[tilespmem:s12+$0x17900] =	vst v15  }
0x1c3: {  	s1 =	sadd.s32 s10, s16;
	[tilespmem:s12+$0x17A00] =	vst v14  }
0x1c4: {  	s1 =	sshrl.u32 s1, $0x3;
	[tilespmem:s15+$0x1AD00] =	vst v13  }
0x1c5: {  	s23 =	simm.s32 $0x17900;
	s1 =	sadd.s32 s3, s1;
	[tilespmem:s15+$0x1BA00] =	vst v11  }
0x1c6: {  	[hbm4b:s1+s7] =	stream.linear.scatter [tilespmem:s23], [sflag:$0x3], $0x1A00, $0x38;
	[tilespmem:$0x1D900] =	vst v63  }
.Ltmp7:
0x1c7: {  	_ = 	snop;
	(pc) =	sbr.rel @p1 .LBB2_8-.Ltmp7, $4  }
0x1c8: {  	s24 =	sadd.s32 s5, s4;
	s25 =	simm.s32 $0x1AD00;
	s30 =	sadd.s32 s6, s4  }
0x1c9: {  	[hbm4b:s24+s13] =	stream.strided.scatter [tilespmem:s25], [sflag:$0x3], $0x680, s14, s13, $0x38;
	[tilespmem:$0x1D900] =	vst v63  }
0x1ca: {  	s31 =	simm.s32 $0x1BA00;
	p2 =	por $0x0, $0x0;
	s12 =	simm.s32 $0xD00;
	v11 =	vsel vm0, $0x1, v0  }
0x1cb: {  	v10 =	vadd.s32 v11, v10;
	[hbm4b:s30+s13] =	stream.strided.scatter [tilespmem:s31], [sflag:$0x3], $0x680, s14, s13, $0x38;
	[tilespmem:$0x1D900] =	vst v63  }
0x1cc: {  	_ =	swait.ge [sflag:s26], $0xA280  }
0x1cd: {  	[sflag:s26] =	ssyncset.done $0x0  }
0x1ce: {  	[sflag:s26] =	ssyncadd.s32 $0xFFFF5D80  }
0x1cf: {  	_ =	swait.ge [sflag:s26], $0x1A00  }
0x1d0: {  	[sflag:s26] =	ssyncset.done $0x0  }
0x1d1: {  	[sflag:s26] =	ssyncadd.s32 $0xFFFFE600  }
0x1d2: {  	_ =	swait.ge [sflag:s28], $0x1A00  }
0x1d3: {  	[sflag:s28] =	ssyncset.done $0x0  }
0x1d4: {  	[sflag:s28] =	ssyncadd.s32 $0xFFFFE600  }
0x1d5: {  	_ =	swait.ge [sflag:s28], $0x680  }
0x1d6: {  	[sflag:s28] =	ssyncset.done $0x0  }
0x1d7: {  	[sflag:s28] =	ssyncadd.s32 $0xFFFFF980  }
0x1d8: {  	_ =	swait.ge [sflag:s28], $0x680  }
0x1d9: {  	s9 =	simm.s32 $0x0;
	[sflag:s28] =	ssyncset.done $0x0  }
0x1da: {  	s1 =	sand.u32 $0x7F0, s9;
	[sflag:s28] =	ssyncadd.s32 $0xFFFFF980  }
0x1db: {  	v11 =	vld [tilespmem:s1+$0x11780]  }
0x1dc: {  	v13 =	vld [tilespmem:s1+$0xC980]  }
0x1dd: {  	v15 =	vld [tilespmem:s1+$0x11E00]  }
0x1de: {  	v16 =	vld [tilespmem:s1+$0xBC80]  }
0x1df: {  	v17 =	vld [tilespmem:s1+$0xB600]  }
0x1e0: {  	v18 =	vld [tilespmem:s1+$0xD000]  }
0x1e1: {  	v19 =	vld [tilespmem:s1+$0xC300]  }
0x1e2: {  	v12 =	vld [tilespmem:s1+$0xF080]  }
0x1e3: {  	v14 =	vld [tilespmem:s1+$0xF700]  }
0x1e4: {  	v20 =	vld [tilespmem:s1+$0xFD80]  }
0x1e5: {  	v28 =	vld [tilespmem:s1+$0x11100]  }
0x1e6: {  	v29 =	vld [tilespmem:s1+$0x10A80]  }
0x1e7: {  	s4 =	sand.u32 $0x70, s9;
	s12 =	sand.u32 $0x1E00, s9;
	v24 =	vld [tilespmem:s1+$0xAF80]  }
0x1e8: {  	s4 =	sor.u32 s4, s12;
	v22 =	vld [tilespmem:s1+$0x10400];
	vm0 =	vge.f32 v16, v19;
	v21 =	vmax.f32 v16, v19;
	v16 =	vmul.f32 $1.442695020e+00, v17  }
0x1e9: {  	v30 =	vld [tilespmem:s4+$0x16080]  }
0x1ea: {  	v25 =	vld [tilespmem:s1+$0xD680];
	vm3 =	vge.f32 v13, v18;
	v31 =	vmax.f32 v11, v15;
	(erf) = vpow2.f32 v16  }
0x1eb: {  	v17 =	vld [tilespmem:s4+$0x15F80];
	v26 =	vmax.f32 v13, v18;
	vm2 =	vge.f32 v12, v14;
	v13 =	vmax.f32 v29, v28  }
0x1ec: {  	v19 =	vld [tilespmem:s1+$0xEA00];
	v27 =	vmul.f32 $1.442695020e+00, v24;
	vm1 =	vmneg vm0;
	vm0 =	vge.f32 v11, v15  }
0x1ed: {  	v24 =	vld [tilespmem:s1+$0xDD00];
	v15 =	vsel vm2, $0x8, v4;
	vm2 =	vge.f32 v29, v28;
	v18 =	vmax.f32 v13, v31  }
0x1ee: {  	v23 =	vsel vm1, $0x1, v0;
	vm1 =	vge.f32 v20, v22;
	v16 =	vmax.f32 v20, v22;
	v22 =	vld [tilespmem:s1+$0xE380]  }
0x1ef: {  	v29 =	vsel vm3, $0x2, v1;
	vm3 =	vge.f32 v21, v26;
	v20 =	vld [tilespmem:s1+$0xA900];
	v11 =	vsel vm1, $0xA, v5  }
0x1f0: {  	s15 =	simm.s32 $0x10;
	s12 =	simm.s32 $0x0;
	vm1 =	vge.f32 v13, v31;
	v13 =	vld [tilespmem:s1+$0x12B00];
	v28 =	vadd.f32 v30, v17;
	v17 =	vsub.f32 v30, v17  }
.LBB2_18:
0x1f1: {  	p1 =	sne.s32 s15, $0x670  }
0x1f2: {  	v21 =	vmax.f32 v21, v26;
	v23 =	vsel vm3, v23, v29;
	v26 =	vld [tilespmem:s4+$0x16000];
	s9 =	sadd.s32 $0x40, s9;
	(erf) = vpow2.f32 v27;
	s23 =	smov.u32 s15;
	s15 =	sadd.s32 $0x10, s15  }
0x1f3: {  	v12 =	vmax.f32 v12, v14;
	v27 =	vmul.f32 $5.000000000e-01, v28;
	vm3 =	vge.f32 v22, v19;
	v14 =	vld [tilespmem:s4+$0x15F00];
	v28 =	vpop (erf)  }
0x1f4: {  	s16 =	sshra.s32 s12, $0x2;
	v20 =	vmul.f32 v17, v20;
	s12 =	smov.u32 s9;
	v29 =	vld [tilespmem:s1+$0x12480];
	v30 =	vsel vm3, $0x6, v3;
	vm3 =	vge.f32 v12, v16  }
0x1f5: {  	v19 =	vmax.f32 v22, v19;
	v31 =	vld [tilespmem:s16+$0xA280];
	vm4 =	vge.f32 v25, v24;
	v24 =	vmax.f32 v25, v24  }
0x1f6: {  	v22 =	vsel vm4, $0x4, v2;
	vm4 =	vge.f32 v24, v19;
	v19 =	vmax.f32 v24, v19  }
0x1f7: {  	v12 =	vmax.f32 v12, v16;
	v22 =	vsel vm4, v22, v30;
	vm4 =	vge.f32 v21, v19  }
0x1f8: {  	v16 =	vld [tilespmem:s1+$0x13800];
	v22 =	vsel vm4, v23, v22;
	v23 =	vmax.f32 v12, v18;
	v24 =	vsub.f32 v26, v14  }
0x1f9: {  	vm5 =	vge.f32 v12, v18;
	v12 =	vadd.f32 v27, v20;
	v25 =	vld [tilespmem:s1+$0x13180];
	vm4 =	vge.f32 v29, v13  }
0x1fa: {  	v30 =	vsel vm2, $0xC, v6;
	v20 =	vsel vm0, $0xE, v7;
	v27 =	vmul.f32 v24, v31  }
0x1fb: {  	v17 =	vmul.f32 v17, v28;
	v11 =	vsel vm3, v15, v11;
	v15 =	vsel vm1, v30, v20;
	v18 =	vpop (erf)  }
0x1fc: {  	v19 =	vmax.f32 v21, v19;
	v14 =	vadd.f32 v26, v14;
	v11 =	vsel vm5, v11, v15;
	v20 =	vld [tilespmem:s1+$0x13E80]  }
0x1fd: {  	v17 =	vmul.f32 $5.000000000e-01, v17;
	v13 =	vmax.f32 v29, v13;
	v15 =	vmul.f32 v24, v18  }
0x1fe: {  	vm0 =	vge.f32 v19, v23;
	v14 =	vmul.f32 $5.000000000e-01, v14;
	v18 =	vmax.f32 v25, v16  }
0x1ff: {  	v11 =	vsel vm0, v22, v11;
	v15 =	vmul.f32 $5.000000000e-01, v15;
	vm1 =	vge.f32 v13, v18  }
0x200: {  	v21 =	vsel vm4, $0x10, v8;
	v14 =	vadd.f32 v14, v27;
	v13 =	vmax.f32 v13, v18  }
0x201: {  	vm0 =	vge.f32 v25, v16;
	vm2 =	vge.f32 v13, v20;
	v13 =	vmax.f32 v13, v20  }
0x202: {  	v16 =	vsel vm0, $0x12, v9;
	v18 =	vmax.f32 v19, v23;
	v19 =	vsub.f32 v14, v15  }
0x203: {  	s24 =	sand.u32 $0x1E00, s9;
	s1 =	sand.u32 $0x70, s23;
	v16 =	vsel vm1, v21, v16;
	v14 =	vadd.f32 v15, v14;
	vm0 =	vge.f32 v18, v13  }
0x204: {  	s24 =	sor.u32 s1, s24;
	v15 =	vnsel vm2, $0x14, v16;
	v16 =	vmax.f32 v19, $0.0e+00;
	v19 =	vsub.f32 v12, v17  }
0x205: {  	v14 =	vmax.f32 v14, $0.0e+00;
	v12 =	vadd.f32 v17, v12;
	v11 =	vsel vm0, v11, v15  }
0x206: {  	v15 =	vmin.f32 v16, $1.000000000e+00;
	v14 =	vmin.f32 v14, $1.000000000e+00;
	vm0 =	vne.s32 v11, $0x0  }
0x207: {  	v13 =	vmax.f32 v18, v13;
	v12 =	vmax.f32 v12, $0.0e+00;
	v16 =	vsel vm0, $0x3F800000, v0  }
0x208: {  	v17 =	vmax.f32 v19, $0.0e+00;
	v18 =	vsel vm0, $0x1, v0;
	v15 =	vmul.f32 v16, v15  }
0x209: {  	s1 =	sand.u32 $0x7F0, s23;
	v17 =	vmin.f32 v17, $1.000000000e+00;
	v14 =	vmul.f32 v16, v14;
	v10 =	vadd.s32 v18, v10  }
0x20a: {  	v12 =	vmin.f32 v12, $1.000000000e+00;
	[tilespmem:s4+$0x19300] =	vst v15;
	v15 =	vmul.f32 v16, v17  }
0x20b: {  	v12 =	vmul.f32 v16, v12;
	[tilespmem:s4+$0x19400] =	vst v14  }
0x20c: {  	v13 =	vmul.f32 v16, v13;
	[tilespmem:s4+$0x19380] =	vst v15  }
0x20d: {  	[tilespmem:s4+$0x19480] =	vst v12;
	s4 =	smov.u32 s24  }
0x20e: {  	[tilespmem:s16+$0x1B380] =	vst v13  }
0x20f: {  	[tilespmem:s16+$0x1C080] =	vst v11  }
0x210: {  	v11 =	vld [tilespmem:s1+$0x11780]  }
0x211: {  	v13 =	vld [tilespmem:s1+$0xC980]  }
0x212: {  	v15 =	vld [tilespmem:s1+$0x11E00]  }
0x213: {  	v16 =	vld [tilespmem:s1+$0xBC80]  }
0x214: {  	v17 =	vld [tilespmem:s1+$0xB600]  }
0x215: {  	v18 =	vld [tilespmem:s1+$0xD000]  }
0x216: {  	v19 =	vld [tilespmem:s1+$0xC300]  }
0x217: {  	v12 =	vld [tilespmem:s1+$0xF080]  }
0x218: {  	v14 =	vld [tilespmem:s1+$0xF700]  }
0x219: {  	v20 =	vld [tilespmem:s1+$0xFD80]  }
0x21a: {  	v22 =	vld [tilespmem:s1+$0x10400]  }
0x21b: {  	v28 =	vld [tilespmem:s1+$0x11100]  }
0x21c: {  	vm0 =	vge.f32 v16, v19;
	v21 =	vmax.f32 v16, v19;
	v16 =	vmul.f32 $1.442695020e+00, v17;
	v29 =	vld [tilespmem:s1+$0x10A80]  }
0x21d: {  	vm3 =	vge.f32 v13, v18;
	vm1 =	vmneg vm0;
	vm0 =	vge.f32 v11, v15;
	v17 =	vld [tilespmem:s1+$0xAF80]  }
0x21e: {  	v30 =	vmax.f32 v11, v15;
	v23 =	vsel vm1, $0x1, v0;
	v31 =	vld [tilespmem:s4+$0x15F80];
	(erf) = vpow2.f32 v16  }
0x21f: {  	v26 =	vmax.f32 v13, v18;
	vm1 =	vge.f32 v20, v22;
	v16 =	vmax.f32 v20, v22;
	v32 =	vld [tilespmem:s4+$0x16080]  }
0x220: {  	vm2 =	vge.f32 v12, v14;
	v19 =	vld [tilespmem:s1+$0xEA00];
	v11 =	vsel vm1, $0xA, v5  }
.Ltmp8:
0x221: {  	v20 =	vld [tilespmem:s1+$0xA900];
	(pc) =	sbr.rel @p1 .LBB2_18-.Ltmp8, $4  }
0x222: {  	v13 =	vmax.f32 v29, v28;
	v22 =	vld [tilespmem:s1+$0xE380];
	v27 =	vmul.f32 $1.442695020e+00, v17  }
0x223: {  	v15 =	vsel vm2, $0x8, v4;
	vm1 =	vge.f32 v13, v30;
	v24 =	vld [tilespmem:s1+$0xDD00]  }
0x224: {  	vm2 =	vge.f32 v29, v28;
	v18 =	vmax.f32 v13, v30;
	v25 =	vld [tilespmem:s1+$0xD680];
	v28 =	vadd.f32 v32, v31  }
0x225: {  	v29 =	vsel vm3, $0x2, v1;
	vm3 =	vge.f32 v21, v26;
	v17 =	vsub.f32 v32, v31;
	v13 =	vld [tilespmem:s1+$0x12B00]  }
0x226: {  	v21 =	vmax.f32 v21, v26  }
0x227: {  	v23 =	vsel vm3, v23, v29;
	(erf) = vpow2.f32 v27;
	v12 =	vmax.f32 v12, v14  }
0x228: {  	v40 =	vld [tilespmem:s4+$0x16000];
	v42 =	vmul.f32 $5.000000000e-01, v28;
	v55 =	vsel vm2, $0xC, v6;
	v57 =	vsel vm0, $0xE, v7  }
0x229: {  	v41 =	vld [tilespmem:s4+$0x15F00];
	vm11 =	vge.f32 v22, v19;
	v46 =	vmax.f32 v22, v19;
	vm4 =	vge.f32 v12, v16  }
0x22a: {  	v43 =	vld [tilespmem:s1+$0x12480];
	v20 =	vmul.f32 v17, v20;
	v12 =	vmax.f32 v12, v16;
	v14 =	vsel vm1, v55, v57  }
0x22b: {  	v50 =	vld [tilespmem:s1+$0x13800];
	v56 =	vpop (erf);
	v44 =	vsel vm11, $0x6, v3;
	v51 =	vmax.f32 v12, v18;
	vm5 =	vge.f32 v12, v18  }
0x22c: {  	v53 =	vld [tilespmem:s1+$0x13180];
	v11 =	vsel vm4, v15, v11;
	v58 =	vmul.f32 v17, v56;
	vm12 =	vge.f32 v25, v24  }
0x22d: {  	v45 =	vmax.f32 v25, v24;
	v54 =	vadd.f32 v42, v20;
	v11 =	vsel vm5, v11, v14  }
0x22e: {  	v48 =	vsel vm12, $0x4, v2;
	vm13 =	vge.f32 v45, v46;
	v19 =	vmax.f32 v45, v46  }
0x22f: {  	s9 =	sshra.s32 s12, $0x2;
	v15 =	vmul.f32 $5.000000000e-01, v58;
	v49 =	vsel vm13, v48, v44;
	vm14 =	vge.f32 v21, v19  }
0x230: {  	v47 =	vld [tilespmem:s9+$0xA280];
	v52 =	vsub.f32 v40, v41;
	vm15 =	vge.f32 v43, v13;
	v59 =	vmax.f32 v21, v19  }
0x231: {  	v60 =	vld [tilespmem:s1+$0x13E80];
	v62 =	vadd.f32 v40, v41;
	v63 =	vmax.f32 v43, v13;
	v25 =	vmax.f32 v53, v50  }
0x232: {  	vm7 =	vge.f32 v53, v50;
	v23 =	vsel vm14, v23, v49;
	vm5 =	vge.f32 v59, v51  }
0x233: {  	vm6 =	vge.f32 v63, v25;
	v26 =	vsel vm15, $0x10, v8;
	v13 =	vmax.f32 v63, v25  }
0x234: {  	v16 =	vsel vm7, $0x12, v9;
	v17 =	vmax.f32 v59, v51;
	v28 =	vsub.f32 v54, v15  }
0x235: {  	v12 =	vadd.f32 v15, v54;
	v22 =	vmul.f32 v52, v47;
	v14 =	vmul.f32 $5.000000000e-01, v62;
	v61 =	vpop (erf)  }
0x236: {  	vm8 =	vge.f32 v13, v60;
	v13 =	vmax.f32 v13, v60;
	v19 =	vmul.f32 v52, v61  }
0x237: {  	v11 =	vsel vm5, v23, v11;
	v16 =	vsel vm6, v26, v16;
	vm9 =	vge.f32 v17, v13  }
0x238: {  	v16 =	vnsel vm8, $0x14, v16;
	v14 =	vadd.f32 v14, v22;
	v19 =	vmul.f32 $5.000000000e-01, v19  }
0x239: {  	v12 =	vmax.f32 v12, $0.0e+00;
	v11 =	vsel vm9, v11, v16  }
0x23a: {  	v16 =	vmax.f32 v28, $0.0e+00;
	vm0 =	vne.s32 v11, $0x0;
	v27 =	vsub.f32 v14, v19  }
0x23b: {  	v16 =	vmin.f32 v16, $1.000000000e+00;
	v30 =	vsel vm0, $0x3F800000, v0;
	v14 =	vadd.f32 v19, v14  }
0x23c: {  	v12 =	vmin.f32 v12, $1.000000000e+00;
	v31 =	vmul.f32 v30, v16;
	v18 =	vmax.f32 v27, $0.0e+00  }
0x23d: {  	v12 =	vmul.f32 v30, v12;
	v14 =	vmax.f32 v14, $0.0e+00;
	v29 =	vmin.f32 v18, $1.000000000e+00  }
0x23e: {  	[tilespmem:s4+$0x19380] =	vst v31;
	v14 =	vmin.f32 v14, $1.000000000e+00;
	v15 =	vmul.f32 v30, v29  }
0x23f: {  	v13 =	vmax.f32 v17, v13;
	[tilespmem:s4+$0x19480] =	vst v12;
	v14 =	vmul.f32 v30, v14  }
0x240: {  	v13 =	vmul.f32 v30, v13;
	[tilespmem:s4+$0x19300] =	vst v15  }
0x241: {  	[tilespmem:s4+$0x19400] =	vst v14  }
0x242: {  	[tilespmem:s9+$0x1B380] =	vst v13  }
0x243: {  	s4 =	rddreg [dreg:$0x11];
	[tilespmem:s9+$0x1C080] =	vst v11  }
0x244: {  	[hbm4b:s4+s7] =	stream.linear.scatter [tilespmem:s17], [sflag:$0x4], $0x1A00, $0x38;
	[tilespmem:$0x1D900] =	vst v63  }
0x245: {  	s9 =	rddreg [dreg:$0x12]  }
0x246: {  	[hbm4b:s9+s13] =	stream.strided.scatter [tilespmem:s18], [sflag:$0x4], $0x680, s14, s13, $0x38;
	[tilespmem:$0x1D900] =	vst v63  }
0x247: {  	s12 =	rddreg [dreg:$0x13]  }
0x248: {  	[hbm4b:s12+s13] =	stream.strided.scatter [tilespmem:s19], [sflag:$0x4], $0x680, s14, s13, $0x38;
	[tilespmem:$0x1D900] =	vst v63  }
0x249: {  	_ =	swait.ge [sflag:s29], $0x1A00  }
0x24a: {  	[sflag:s29] =	ssyncset.done $0x0  }
0x24b: {  	[sflag:s29] =	ssyncadd.s32 $0xFFFFE600  }
0x24c: {  	_ =	swait.ge [sflag:s29], $0x680  }
0x24d: {  	[sflag:s29] =	ssyncset.done $0x0  }
0x24e: {  	[sflag:s29] =	ssyncadd.s32 $0xFFFFF980  }
0x24f: {  	_ =	swait.ge [sflag:s29], $0x680  }
0x250: {  	[sflag:s29] =	ssyncset.done $0x0  }
0x251: {  	[sflag:s29] =	ssyncadd.s32 $0xFFFFF980  }
0x252: {  	_ =	swait.ge [sflag:s28], $0x1A00  }
0x253: {  	[sflag:s28] =	ssyncset.done $0x0  }
0x254: {  	[sflag:s28] =	ssyncadd.s32 $0xFFFFE600  }
0x255: {  	_ =	swait.ge [sflag:s28], $0x680  }
0x256: {  	[sflag:s28] =	ssyncset.done $0x0  }
0x257: {  	[sflag:s28] =	ssyncadd.s32 $0xFFFFF980  }
0x258: {  	_ =	swait.ge [sflag:s28], $0x680  }
0x259: {  	s16 =	simm.s32 $0x4E800;
	s23 =	simm.s32 $0x1C700;
	[sflag:s28] =	ssyncset.done $0x0  }
0x25a: {  	s4 =	simm.s32 $0x5;
	s15 =	rddreg [dreg:$0x15];
	[sflag:s28] =	ssyncadd.s32 $0xFFFFF980  }
0x25b: {  	[tilespmem:s23], [sflag:$0x5] =	stream.strided.gather [hbm4b:s15+s13], $0xC80, s16, s13, $0x38;
	[tilespmem:$0x1D900] =	vst v63  }
0x25c: {  	_ =	swait.ge [sflag:s4], $0xC80  }
0x25d: {  	[sflag:s4] =	ssyncset.done $0x0  }
0x25e: {  	s25 =	simm.s32 $0x1D380;
	s24 =	rddreg [dreg:$0x1a];
	[sflag:s4] =	ssyncadd.s32 $0xFFFFF380  }
0x25f: {  	[tilespmem:s25], [sflag:$0x5] =	stream.linear.gather [hbm4b:s24+s7], $0x200, $0x38;
	[tilespmem:$0x1D900] =	vst v63  }
0x260: {  	_ =	swait.ge [sflag:s4], $0x200  }
0x261: {  	[sflag:s4] =	ssyncset.done $0x0  }
0x262: {  	[sflag:s4] =	ssyncadd.s32 $0xFFFFFE00  }
0x263: {  	v11 =	vld [tilespmem:$0x1C800]  }
0x264: {  	v32 =	vld [tilespmem:$0x1C900]  }
0x265: {  	v33 =	vld [tilespmem:$0x1C980]  }
0x266: {  	v34 =	vld [tilespmem:$0x1CA00]  }
0x267: {  	v35 =	vld [tilespmem:$0x1CA80]  }
0x268: {  	v36 =	vld [tilespmem:$0x1CB00]  }
0x269: {  	v37 =	vld [tilespmem:$0x1CB80]  }
0x26a: {  	v38 =	vld [tilespmem:$0x1CC00]  }
0x26b: {  	v39 =	vld [tilespmem:$0x1CC80]  }
0x26c: {  	v40 =	vld [tilespmem:$0x1CD00]  }
0x26d: {  	v41 =	vld [tilespmem:$0x1CD80]  }
0x26e: {  	v42 =	vld [tilespmem:$0x1CE00]  }
0x26f: {  	v43 =	vld [tilespmem:$0x1CE80]  }
0x270: {  	v44 =	vld [tilespmem:$0x1CF00]  }
0x271: {  	v45 =	vld [tilespmem:$0x1CF80]  }
0x272: {  	v46 =	vld [tilespmem:$0x1D000]  }
0x273: {  	v47 =	vld [tilespmem:$0x1D080]  }
0x274: {  	v48 =	vld [tilespmem:$0x1D100]  }
0x275: {  	v50 =	vld [tilespmem:$0x1D180]  }
0x276: {  	v52 =	vld [tilespmem:$0x1D200]  }
0x277: {  	v53 =	vld [tilespmem:$0x1D280];
	vm10 =	vge.f32 v32, v33  }
0x278: {  	v61 =	vld [tilespmem:$0x1D380];
	v12 =	vmax.f32 v32, v33;
	vm11 =	vge.f32 v34, v35;
	v14 =	vmax.f32 v34, v35  }
0x279: {  	v63 =	vld [tilespmem:$0x1D480];
	vm12 =	vge.f32 v36, v37;
	v16 =	vmax.f32 v36, v37;
	vm13 =	vge.f32 v38, v39  }
0x27a: {  	v18 =	vmax.f32 v38, v39;
	vm14 =	vge.f32 v40, v41;
	v20 =	vmax.f32 v40, v41  }
0x27b: {  	vm15 =	vge.f32 v42, v43;
	v22 =	vmax.f32 v42, v43;
	vm4 =	vge.f32 v44, v45  }
0x27c: {  	v24 =	vmax.f32 v44, v45;
	vm5 =	vge.f32 v46, v47;
	v26 =	vmax.f32 v46, v47  }
0x27d: {  	vm6 =	vge.f32 v48, v50;
	v13 =	vmax.f32 v48, v50;
	vm7 =	vge.f32 v52, v53  }
0x27e: {  	v11 =	vmul.f32 $1.442695020e+00, v11;
	v17 =	vmax.f32 v52, v53;
	v40 =	vadd.f32 v63, v61  }
0x27f: {  	v55 =	vld [tilespmem:$0x1C880];
	vm1 =	vmneg vm10;
	v51 =	vsel vm11, $0x2, v1;
	v30 =	vsel vm12, $0x4, v2  }
0x280: {  	v33 =	vld [tilespmem:$0x1C700];
	v31 =	vsel vm13, $0x6, v3;
	v54 =	vsel vm14, $0x8, v4;
	v32 =	vsel vm15, $0xA, v5  }
0x281: {  	v34 =	vld [tilespmem:$0x1D300];
	v56 =	vsel vm4, $0xC, v6;
	v57 =	vsel vm5, $0xE, v7;
	v58 =	vsel vm6, $0x10, v8  }
0x282: {  	v37 =	vld [tilespmem:$0x1D500];
	v59 =	vsel vm7, $0x12, v9;
	vm8 =	vge.f32 v12, v14;
	v12 =	vmax.f32 v12, v14  }
0x283: {  	v38 =	vld [tilespmem:$0x1C780];
	vm9 =	vge.f32 v16, v18;
	v16 =	vmax.f32 v16, v18;
	vm10 =	vge.f32 v20, v22  }
0x284: {  	v41 =	vld [tilespmem:$0x1C910];
	vm11 =	vge.f32 v24, v26;
	v35 =	vmax.f32 v24, v26;
	vm12 =	vge.f32 v13, v17  }
0x285: {  	v42 =	vld [tilespmem:$0x1C990];
	v13 =	vmax.f32 v13, v17;
	v18 =	vsub.f32 v63, v61;
	v49 =	vsel vm1, $0x1, v0  }
0x286: {  	v45 =	vld [tilespmem:$0x1CA10];
	(erf) = vpow2.f32 v11;
	v11 =	vmul.f32 $1.442695020e+00, v55;
	v62 =	vsel vm9, v30, v31  }
0x287: {  	v47 =	vld [tilespmem:$0x1CA90];
	v31 =	vsel vm10, v54, v32;
	v36 =	vsel vm11, v56, v57;
	v15 =	vsel vm12, v58, v59  }
0x288: {  	v52 =	vld [tilespmem:$0x1CB90];
	vm13 =	vge.f32 v12, v16;
	v12 =	vmax.f32 v12, v16;
	v19 =	vmul.f32 $5.000000000e-01, v40  }
0x289: {  	v53 =	vld [tilespmem:$0x1CC10];
	v60 =	vsel vm8, v49, v51;
	(erf) = vpow2.f32 v11;
	v11 =	vmax.f32 v20, v22  }
0x28a: {  	v32 =	vld [tilespmem:$0x1D400];
	v14 =	vsel vm13, v60, v62;
	vm14 =	vge.f32 v11, v35;
	v11 =	vmax.f32 v11, v35  }
0x28b: {  	v16 =	vld [tilespmem:$0x1C810];
	vm15 =	vge.f32 v13, v34;
	v13 =	vmax.f32 v13, v34;
	v46 =	vmul.f32 v18, v33  }
0x28c: {  	v55 =	vld [tilespmem:$0x1CC90];
	vm6 =	vge.f32 v41, v42;
	v20 =	vmax.f32 v41, v42;
	vm7 =	vge.f32 v45, v47  }
0x28d: {  	v56 =	vld [tilespmem:$0x1CD10];
	v24 =	vmax.f32 v45, v47;
	v39 =	vsel vm14, v31, v36;
	vm4 =	vge.f32 v12, v11  }
0x28e: {  	v59 =	vld [tilespmem:$0x1CD90];
	v11 =	vmax.f32 v12, v11;
	v15 =	vnsel vm15, $0x14, v15;
	vm2 =	vmneg vm6  }
0x28f: {  	v51 =	vld [tilespmem:$0x1CB10];
	v41 =	vsel vm7, $0x2, v1;
	vm11 =	vge.f32 v20, v24;
	v43 =	vadd.f32 v37, v32  }
0x290: {  	v61 =	vld [tilespmem:$0x1CE90];
	v20 =	vmax.f32 v20, v24;
	v21 =	vsub.f32 v37, v32;
	v19 =	vadd.f32 v19, v46  }
0x291: {  	v40 =	vld [tilespmem:$0x1CF90];
	v14 =	vsel vm4, v14, v39;
	vm5 =	vge.f32 v11, v13;
	v13 =	vmax.f32 v11, v13  }
0x292: {  	v60 =	vld [tilespmem:$0x1CE10];
	v63 =	vsel vm2, $0x1, v0;
	vm9 =	vge.f32 v53, v55;
	v17 =	vmax.f32 v53, v55  }
0x293: {  	v62 =	vld [tilespmem:$0x1CF10];
	vm10 =	vge.f32 v56, v59;
	v16 =	vmul.f32 $1.442695020e+00, v16;
	v11 =	vsel vm5, v14, v15  }
0x294: {  	vm8 =	vge.f32 v51, v52;
	v26 =	vmax.f32 v51, v52;
	v14 =	vmax.f32 v56, v59  }
0x295: {  	v36 =	vsel vm9, $0x6, v3;
	v33 =	vsel vm11, v63, v41;
	v48 =	vmul.f32 $5.000000000e-01, v43  }
0x296: {  	v49 =	vmul.f32 v21, v38;
	vm1 =	vne.s32 v11, $0x0;
	v35 =	vsel vm8, $0x4, v2  }
0x297: {  	v42 =	vld [tilespmem:$0x1D010];
	vm12 =	vge.f32 v26, v17;
	vm13 =	vge.f32 v60, v61;
	v31 =	vmax.f32 v60, v61  }
0x298: {  	v56 =	vld [tilespmem:$0x1D390];
	vm15 =	vge.f32 v62, v40;
	v22 =	vmax.f32 v62, v40;
	v17 =	vmax.f32 v26, v17  }
0x299: {  	v59 =	vld [tilespmem:$0x1D490];
	v30 =	vsel vm1, $0x3F800000, v0;
	v46 =	vsel vm12, v35, v36;
	v37 =	vsel vm13, $0xA, v5  }
0x29a: {  	v43 =	vld [tilespmem:$0x1D090];
	vm14 =	vge.f32 v14, v31;
	v52 =	vsel vm15, $0xC, v6;
	v14 =	vmax.f32 v14, v31  }
0x29b: {  	vm11 =	vge.f32 v20, v17;
	v17 =	vmax.f32 v20, v17;
	v44 =	vpop (erf);
	v12 =	vadd.f32 v48, v49  }
0x29c: {  	v47 =	vld [tilespmem:$0x1D210];
	v48 =	vsel vm10, $0x8, v4;
	(erf) = vpow2.f32 v16;
	v18 =	vmul.f32 v18, v44  }
0x29d: {  	v49 =	vld [tilespmem:$0x1D290];
	v39 =	vsel vm11, v33, v46;
	v13 =	vmul.f32 v30, v13;
	v36 =	vsel vm14, v48, v37;
	v50 =	vpop (erf)  }
0x29e: {  	v41 =	vadd.f32 v59, v56;
	v21 =	vmul.f32 v21, v50;
	v18 =	vmul.f32 $5.000000000e-01, v18;
	v50 =	vld [tilespmem:$0x1C890]  }
0x29f: {  	v45 =	vld [tilespmem:$0x1D190];
	v24 =	vsub.f32 v59, v56;
	vm6 =	vge.f32 v42, v43;
	v51 =	vmax.f32 v42, v43  }
0x2a0: {  	v44 =	vld [tilespmem:$0x1D110];
	v53 =	vsel vm6, $0xE, v7;
	vm7 =	vge.f32 v22, v51;
	v54 =	vsub.f32 v19, v18  }
0x2a1: {  	v22 =	vmax.f32 v22, v51;
	v43 =	vmul.f32 $5.000000000e-01, v41;
	v21 =	vmul.f32 $5.000000000e-01, v21  }
0x2a2: {  	v37 =	vld [tilespmem:$0x1C710];
	v18 =	vadd.f32 v18, v19;
	v27 =	vsel vm7, v52, v53;
	v57 =	vmax.f32 v54, $0.0e+00  }
0x2a3: {  	vm9 =	vge.f32 v47, v49;
	v15 =	vmin.f32 v57, $1.000000000e+00;
	v57 =	vmul.f32 $1.442695020e+00, v50  }
0x2a4: {  	v19 =	vmax.f32 v47, v49;
	vm12 =	vge.f32 v14, v22;
	v14 =	vmax.f32 v14, v22  }
0x2a5: {  	v55 =	vld [tilespmem:$0x1D310];
	vm8 =	vge.f32 v44, v45;
	v58 =	vsub.f32 v12, v21;
	(erf) = vpow2.f32 v57  }
0x2a6: {  	v61 =	vld [tilespmem:$0x1D510];
	v62 =	vsel vm9, $0x12, v9;
	v40 =	vsel vm12, v36, v27;
	vm14 =	vge.f32 v17, v14  }
0x2a7: {  	v25 =	vmul.f32 v24, v37;
	v14 =	vmax.f32 v17, v14;
	v23 =	vmax.f32 v58, $0.0e+00;
	v58 =	vld [tilespmem:$0x1D410]  }
0x2a8: {  	v12 =	vadd.f32 v21, v12;
	v54 =	vmax.f32 v44, v45;
	v18 =	vmax.f32 v18, $0.0e+00  }
0x2a9: {  	v60 =	vsel vm8, $0x10, v8;
	v48 =	vsel vm14, v39, v40;
	v18 =	vmin.f32 v18, $1.000000000e+00  }
0x2aa: {  	v38 =	vld [tilespmem:$0x1C790];
	vm10 =	vge.f32 v54, v19;
	v19 =	vmax.f32 v54, v19;
	v49 =	vadd.f32 v43, v25  }
0x2ab: {  	v15 =	vmul.f32 v30, v15;
	v18 =	vmul.f32 v30, v18;
	v12 =	vmax.f32 v12, $0.0e+00  }
0x2ac: {  	v63 =	vsel vm10, v60, v62;
	vm13 =	vge.f32 v19, v55;
	v42 =	vadd.f32 v61, v58  }
0x2ad: {  	v19 =	vmax.f32 v19, v55;
	v45 =	vpop (erf);
	v23 =	vmin.f32 v23, $1.000000000e+00;
	v16 =	vsub.f32 v61, v58  }
0x2ae: {  	v12 =	vmin.f32 v12, $1.000000000e+00;
	v24 =	vmul.f32 v24, v45;
	v44 =	vmul.f32 $5.000000000e-01, v42;
	v46 =	vpop (erf)  }
0x2af: {  	v21 =	vnsel vm13, $0x14, v63;
	v47 =	vmul.f32 v16, v38;
	v16 =	vmul.f32 v16, v46  }
0x2b0: {  	[tilespmem:$0x1D800] =	vst v11;
	vm15 =	vge.f32 v14, v19;
	v14 =	vmax.f32 v14, v19;
	v24 =	vmul.f32 $5.000000000e-01, v24  }
0x2b1: {  	[tilespmem:$0x1D780] =	vst v13;
	v50 =	vsel vm15, v48, v21;
	v17 =	vadd.f32 v44, v47;
	v16 =	vmul.f32 $5.000000000e-01, v16  }
0x2b2: {  	v23 =	vmul.f32 v30, v23;
	[tilespmem:$0x1D580] =	vst v15;
	vm2 =	vne.s32 v50, $0x0;
	v51 =	vsub.f32 v49, v24  }
0x2b3: {  	v12 =	vmul.f32 v30, v12;
	[tilespmem:$0x1D680] =	vst v18;
	v53 =	vsel vm2, $0x3F800000, v0;
	v52 =	vsub.f32 v17, v16  }
0x2b4: {  	[tilespmem:$0x1D810] =	vst v50;
	v22 =	vadd.f32 v24, v49;
	v61 =	vmul.f32 v53, v14;
	v20 =	vmax.f32 v51, $0.0e+00  }
0x2b5: {  	[tilespmem:$0x1D600] =	vst v23;
	v54 =	vmin.f32 v20, $1.000000000e+00;
	v16 =	vadd.f32 v16, v17;
	v55 =	vmax.f32 v52, $0.0e+00  }
0x2b6: {  	[tilespmem:$0x1D700] =	vst v12;
	v57 =	vmax.f32 v22, $0.0e+00;
	v12 =	vmul.f32 v53, v54;
	v56 =	vmin.f32 v55, $1.000000000e+00  }
0x2b7: {  	[tilespmem:$0x1D790] =	vst v61;
	v58 =	vmin.f32 v57, $1.000000000e+00;
	v16 =	vmax.f32 v16, $0.0e+00;
	v11 =	vmul.f32 v53, v56  }
0x2b8: {  	v59 =	vmul.f32 v53, v58;
	[tilespmem:$0x1D590] =	vst v12;
	v60 =	vmin.f32 v16, $1.000000000e+00  }
0x2b9: {  	[tilespmem:$0x1D610] =	vst v11;
	v11 =	vmul.f32 v53, v60  }
0x2ba: {  	[tilespmem:$0x1D690] =	vst v59  }
0x2bb: {  	s31 =	simm.s32 $0x1D580;
	s30 =	rddreg [dreg:$0x14];
	[tilespmem:$0x1D710] =	vst v11  }
0x2bc: {  	[hbm4b:s30+s7] =	stream.linear.scatter [tilespmem:s31], [sflag:$0x5], $0x200, $0x38;
	[tilespmem:$0x1D900] =	vst v63  }
0x2bd: {  	_ =	swait.ge [sflag:s4], $0x200  }
0x2be: {  	[sflag:s4] =	ssyncset.done $0x0  }
0x2bf: {  	s15 =	simm.s32 $0x1D780;
	s12 =	rddreg [dreg:$0x16];
	[sflag:s4] =	ssyncadd.s32 $0xFFFFFE00  }
0x2c0: {  	[hbm4b:s12+s7] =	stream.linear.scatter [tilespmem:s15], [sflag:$0x5], $0x80, $0x38;
	[tilespmem:$0x1D900] =	vst v63  }
0x2c1: {  	_ =	swait.ge [sflag:s4], $0x80  }
0x2c2: {  	[sflag:s4] =	ssyncset.done $0x0  }
0x2c3: {  	s23 =	simm.s32 $0x1D800;
	s16 =	rddreg [dreg:$0x17];
	[sflag:s4] =	ssyncadd.s32 $0xFFFFFF80  }
0x2c4: {  	v62 =	vsel vm2, $0x1, v0;
	v11 =	vsel vm1, $0x1, v0;
	[hbm4b:s16+s7] =	stream.linear.scatter [tilespmem:s23], [sflag:$0x5], $0x80, $0x38;
	[tilespmem:$0x1D900] =	vst v63  }
0x2c5: {  	v63 =	vsel vm0, $0x1, v0;
	v11 =	vadd.s32 v11, v62;
	_ =	swait.ge [sflag:s4], $0x80  }
0x2c6: {  	v10 =	vadd.s32 v63, v10;
	v11 =	vpsel p0, $0x0, v11;
	[sflag:s4] =	ssyncset.done $0x0  }
0x2c7: {  	v10 =	vadd.s32 v10, v11;
	[sflag:s4] =	ssyncadd.s32 $0xFFFFFF80  }
0x2c8: {  	s25 =	simm.s32 $0x1D880;
	s24 =	rddreg [dreg:$0x18];
	[tilespmem:$0x1D880] =	vst v10  }
0x2c9: {  	[hbm4b:s24+s7] =	stream.linear.scatter [tilespmem:s25], [sflag:$0x5], $0x80, $0x38;
	[tilespmem:$0x1D900] =	vst v63  }
0x2ca: {  	_ =	swait.ge [sflag:s4], $0x80  }
0x2cb: {  	s30 =	rddreg [dreg:$0x1b]  }
0x2cc: {  	s31 =	rddreg [dreg:$0x19];
	s9 =	sadd.s32 $0x1, s30  }
0x2cd: {  	p1 =	sne.s32 s9, s31  }
.Ltmp9:
0x2ce: {  	_ = 	snop;
	(pc) =	sbr.rel @p1 .LBB2_1-.Ltmp9, $3  }
0x2cf: {  	_ =	sdelay $0x1  }
0x2d0: {  	[sflag:s4] =	ssyncset.done $0x0  }
0x2d1: {  	[sflag:s4] =	ssyncadd.s32 $0xFFFFFF80  }
0x2d2: {  	_ =	sfence.sel $0x180000  }
0x2d3: {  	[bflag:$0x0] =	sbarrier.arrive $0xFFFF  }
0x2d4: {  	_ =	strace $0x90000047  }
0x2d5: {  	s0 =	stileid.u32;
	[bflag:$0x2] =	sbarrier.arrive $0xFFFF  }
0x2d6: {  	p0 =	sne.s32 s0, $0x0;
	s0 =	rddreg [dreg:$0x6]  }
0x2d7: {  	s0 =	sadd.s32 @!p0 $0x100000, s0  }
0x2d8: {  	[sflag:s0] =	ssyncadd.tile.s32 @!p0 $0x1;
	_ =	shalt  }
.Lfunc_end2:
_tile_overlayer_lowered:
.L_overlay_start_2:
0x2d9: {  	(tag) =	ssettag $0x2  }
0x2da: {  	s0 =	rddreg [dreg:$0x0];
	s2 =	stileid.u32  }
0x2db: {  	s1 =	rddreg [dreg:$0x1];
	p0 =	sne.s32 s2, $0x0  }
0x2dc: {  	s3 =	rddreg [dreg:$0x2];
	[bflag:$0x3] =	sbarrier.arrive $0xFFFF;
	s2 =	simm.s32 @!p0 $0x1C05  }
0x2dd: {  	[timem:s3], [sflag:s2] =	dma.local @!p0 [hbm:s0], s1  }
0x2de: {  	s0 =	simm.s32 @!p0 $0x5  }
0x2df: {  	_ =	swait.ge @!p0 [sflag:s0], s1  }
0x2e0: {  	s1 =	ssub.s32 @!p0 $0x0, s1;
	[sflag:s0] =	ssyncset.done @!p0 $0x0  }
0x2e1: {  	[sflag:s0] =	ssyncadd.s32 @!p0 s1  }
0x2e2: {  	[bflag:$0x3] =	sbarrier.arrive $0xFFFF  }
0x2e3: {  	_ =	shalt  }

</sc_bundles>
